<compile_context>
chip_gen: v7x
topology: tpu7x:2x2x1
jax: 0.10.2.dev20260603
libtpu: 0.0.44.dev20260713+nightly
codegen_flags: <defaults>
</compile_context>

<pallas_src>
import functools

import jax
import jax.numpy as jnp
from jax import lax
from jax.experimental import pallas as pl
from jax.experimental.pallas import tpu as pltpu
from jax.experimental.pallas import tpu_sc as plsc

M0, M1, M2, M3 = 64, 16, 8, 4096
TOTAL = M0 * M1 * M2 * M3
FACE = M2 * M3
NE = 524288
NC = 2
NS = 16
NW = NC * NS
RANGE = TOTAL // NW
NF = RANGE // FACE
HALF = RANGE // 2
QRT = RANGE // 4
CH = 4096
NCH = NE // CH
CAP = 22896
LEND = CAP + 64
ARENA = FACE

_mesh = plsc.VectorSubcoreMesh(core_axis_name="c", subcore_axis_name="s")


@functools.partial(
    pl.kernel,
    mesh=_mesh,
    out_type=jax.ShapeDtypeStruct((M0, M1, M2, M3), jnp.float32),
    compiler_params=pltpu.CompilerParams(
        needs_layout_passes=False, use_tc_tiling_on_sc=True),
    scratch_types=[
        pltpu.VMEM((M2, M3), jnp.float32),
        pltpu.VMEM((M2, M3), jnp.float32),
        pltpu.VMEM((LEND,), jnp.int32),
        pltpu.VMEM((LEND,), jnp.float32),
        pltpu.VMEM((CH,), jnp.int32),
        pltpu.VMEM((CH,), jnp.float32),
        pltpu.VMEM((CH,), jnp.int32),
        pltpu.VMEM((CH,), jnp.float32),
        pltpu.SemaphoreType.DMA,
        pltpu.SemaphoreType.DMA,
        pltpu.SemaphoreType.DMA,
        pltpu.SemaphoreType.DMA,
    ],
)
def _scatter_add(mem_hbm, idx_hbm, val_hbm, out_hbm,
                 bufA, bufB, rel_l, val_l, idx_sA, val_sA, idx_sB, val_sB,
                 semAi, semAv, semBi, semBv):
    wid = lax.axis_index("s") * NC + lax.axis_index("c")
    lo = wid * RANGE
    lane = lax.iota(jnp.int32, 16)
    ones = jnp.ones((16,), jnp.int32)
    u32 = jnp.uint32
    f32 = jnp.float32
    i32 = jnp.int32

    def bc_u(x):
        return lax.bitcast_convert_type(x, u32)

    def scan_chunk(stg_i, stg_v, wm):
        def vec_body(j, wm):
            i16 = stg_i[pl.ds(j * 16, 16)]
            v16 = stg_v[pl.ds(j * 16, 16)]
            rel = i16 - lo
            m = bc_u(rel) < u32(RANGE)
            ck = plsc.cumsum(ones, mask=m)
            pos = jnp.minimum(wm + ck, CAP + 15)
            plsc.store_scatter(rel_l, [pos], rel, mask=m)
            plsc.store_scatter(val_l, [pos], v16, mask=m)
            return wm + plsc.all_reduce_population_count(m)

        return plsc.parallel_loop(0, CH // 16, unroll=16, carry=wm)(vec_body)

    def pair_body(c2, wm):
        ca = 2 * c2
        cb = 2 * c2 + 1
        pltpu.make_async_copy(idx_hbm.at[pl.ds(ca * CH, CH)], idx_sA, semAi).wait()
        pltpu.make_async_copy(val_hbm.at[pl.ds(ca * CH, CH)], val_sA, semAv).wait()
        wm = scan_chunk(idx_sA, val_sA, wm)
        na = jnp.minimum(ca + 2, NCH - 2)
        pltpu.async_copy(idx_hbm.at[pl.ds(na * CH, CH)], idx_sA, semAi)
        pltpu.async_copy(val_hbm.at[pl.ds(na * CH, CH)], val_sA, semAv)
        pltpu.make_async_copy(idx_hbm.at[pl.ds(cb * CH, CH)], idx_sB, semBi).wait()
        pltpu.make_async_copy(val_hbm.at[pl.ds(cb * CH, CH)], val_sB, semBv).wait()
        wm = scan_chunk(idx_sB, val_sB, wm)
        nb = jnp.minimum(cb + 2, NCH - 1)
        pltpu.async_copy(idx_hbm.at[pl.ds(nb * CH, CH)], idx_sB, semBi)
        pltpu.async_copy(val_hbm.at[pl.ds(nb * CH, CH)], val_sB, semBv)
        return wm

    pltpu.async_copy(idx_hbm.at[pl.ds(0, CH)], idx_sA, semAi)
    pltpu.async_copy(val_hbm.at[pl.ds(0, CH)], val_sA, semAv)
    pltpu.async_copy(idx_hbm.at[pl.ds(CH, CH)], idx_sB, semBi)
    pltpu.async_copy(val_hbm.at[pl.ds(CH, CH)], val_sB, semBv)

    wm = lax.fori_loop(0, NCH // 2, pair_body, jnp.full((16,), -1, jnp.int32))

    pltpu.make_async_copy(idx_hbm.at[pl.ds((NCH - 2) * CH, CH)], idx_sA, semAi).wait()
    pltpu.make_async_copy(val_hbm.at[pl.ds((NCH - 2) * CH, CH)], val_sA, semAv).wait()
    pltpu.make_async_copy(idx_hbm.at[pl.ds((NCH - 1) * CH, CH)], idx_sB, semBi).wait()
    pltpu.make_async_copy(val_hbm.at[pl.ds((NCH - 1) * CH, CH)], val_sB, semBv).wait()

    w = jnp.minimum(wm[0] + 1, CAP)

    nv0 = (w + 15) // 16

    def split1(j, carry):
        wlm, ehv = carry
        valid = (j * 16 + lane) < w
        r16 = rel_l[pl.ds(j * 16, 16)]
        v16 = val_l[pl.ds(j * 16, 16)]
        mL = valid & (bc_u(r16) < u32(HALF))
        mH = valid ^ mL
        ckL = plsc.cumsum(ones, mask=mL)
        posL = wlm + ckL
        plsc.store_scatter(bufA, [posL >> 12, posL & (M3 - 1)],
                           lax.bitcast_convert_type(r16, f32), mask=mL)
        plsc.store_scatter(bufB, [posL >> 12, posL & (M3 - 1)], v16, mask=mL)
        ckH = plsc.cumsum(ones, mask=mH)
        posH = ehv - ckH
        plsc.store_scatter(bufA, [posH >> 12, posH & (M3 - 1)],
                           lax.bitcast_convert_type(r16, f32), mask=mH)
        plsc.store_scatter(bufB, [posH >> 12, posH & (M3 - 1)], v16, mask=mH)
        return (wlm + plsc.all_reduce_population_count(mL),
                ehv - plsc.all_reduce_population_count(mH))

    wlm, ehv = plsc.parallel_loop(
        0, nv0, carry=(jnp.full((16,), -1, i32), jnp.full((16,), ARENA, i32)),
        unroll=4)(split1)
    wl = wlm[0] + 1
    eh = ehv[0]

    a1 = ((wl + 15) // 16) * 16

    def make_split2(lo_s, hi_s, qsplit):
        s0 = (lo_s // 16) * 16
        nv = (hi_s - s0 + 15) // 16

        def split2(j, carry):
            am, dv = carry
            off = s0 + j * 16
            p16 = off + lane
            valid = (p16 >= lo_s) & (p16 < hi_s)
            r = off >> 12
            c = off & (M3 - 1)
            r16 = lax.bitcast_convert_type(bufA[r, pl.ds(c, 16)], i32)
            v16 = bufB[r, pl.ds(c, 16)]
            m0 = valid & (bc_u(r16) < u32(qsplit))
            m1 = valid ^ m0
            ck0 = plsc.cumsum(ones, mask=m0)
            pos0 = am + ck0
            plsc.store_scatter(rel_l, [pos0], r16, mask=m0)
            plsc.store_scatter(val_l, [pos0], v16, mask=m0)
            ck1 = plsc.cumsum(ones, mask=m1)
            pos1 = dv - ck1
            plsc.store_scatter(rel_l, [pos1], r16, mask=m1)
            plsc.store_scatter(val_l, [pos1], v16, mask=m1)
            return (am + plsc.all_reduce_population_count(m0),
                    dv - plsc.all_reduce_population_count(m1))

        return nv, split2

    nvL, splitL = make_split2(jnp.int32(0), wl, QRT)
    amL, dvL = plsc.parallel_loop(
        0, nvL, carry=(jnp.full((16,), -1, i32), jnp.full((16,), a1, i32)),
        unroll=4)(splitL)
    q0c = amL[0] + 1
    q1s = dvL[0]

    nvH, splitH = make_split2(eh, jnp.int32(ARENA), HALF + QRT)
    amH, dvH = plsc.parallel_loop(
        0, nvH, carry=(jnp.full((16,), a1 - 1, i32), jnp.full((16,), LEND, i32)),
        unroll=4)(splitH)
    q2c = amH[0] + 1 - a1
    q3s = dvH[0]

    qlo = [jnp.int32(0), q1s, a1, q3s]
    qhi = [q0c, a1, a1 + q2c, jnp.int32(LEND)]

    for q in range(4):
        lo_q, hi_q = qlo[q], qhi[q]
        s_q = (lo_q // 16) * 16
        nv_q = (hi_q - s_q + 15) // 16

        def blk_body(t, _, q=q, lo_q=lo_q, hi_q=hi_q, s_q=s_q, nv_q=nv_q):
            g = q * 4 + t
            gfA = wid * NF + 2 * g
            gfB = gfA + 1
            miA, fiA = gfA // M1, gfA % M1
            miB, fiB = gfB // M1, gfB % M1
            cpA = pltpu.async_copy(mem_hbm.at[miA, fiA], bufA, semAi)
            cpB = pltpu.async_copy(mem_hbm.at[miB, fiB], bufB, semBi)
            cpA.wait()
            cpB.wait()
            blo = g * (2 * FACE)

            def apply(j):
                off = s_q + j * 16
                p16 = off + lane
                valid = (p16 >= lo_q) & (p16 < hi_q)
                r16 = rel_l[pl.ds(off, 16)]
                v16 = val_l[pl.ds(off, 16)]
                relw = r16 - blo
                relu = bc_u(relw)
                mA = valid & (relu < u32(FACE))
                mB = (valid & (relu < u32(2 * FACE))) ^ mA
                r12 = lax.shift_right_logical(relw, 12)
                i1 = relw & (M3 - 1)
                plsc.addupdate_scatter(bufA, [r12, i1], v16, mask=mA)
                plsc.addupdate_scatter(bufB, [r12 - M2, i1], v16, mask=mB)

            plsc.parallel_loop(0, nv_q, unroll=8)(apply)
            oA = pltpu.async_copy(bufA, out_hbm.at[miA, fiA], semAv)
            oB = pltpu.async_copy(bufB, out_hbm.at[miB, fiB], semBv)
            oA.wait()
            oB.wait()
            return 0

        lax.fori_loop(0, 4, blk_body, 0)


def kernel(mem, idx, val):
    return _scatter_add(mem, idx, val)

# --- scband reference (transcript-rebuilt; emitter-appended) ---
"""Pipeline reference for scband-injector-layer-64759516889131 (READ-ONLY COPY).

The authoritative reference and input builder live on the scoring server;
editing this copy changes nothing except your own understanding.
"""

import jax, jax.numpy as jnp
import numpy as np

MEM_SHAPE = (64, 16, 8, 4096)
NUM_WRITES = 524288


def setup_inputs(seed: int = 0) -> dict:
    key = jax.random.key(seed)
    k1, k2, k3 = jax.random.split(key, 3)
    total = int(np.prod(MEM_SHAPE))
    mem = jax.random.normal(k1, MEM_SHAPE, dtype=jnp.float32)
    idx = jax.random.randint(k2, (NUM_WRITES,), 0, total, dtype=jnp.int32)
    val = jax.random.normal(k3, (NUM_WRITES,), dtype=jnp.float32)
    return {"mem": mem, "idx": idx, "val": val}


def reference(mem, idx, val):
    # Faithful translation of InjectorLayer.inject's core op:
    #   db_layer.nodes.at[tuple(all_indices.T)].add(all_values)
    # where all_indices is [B, 4] = (module, field, param, node) and all_values is [B].
    # Flat idx is unraveled into the 4 coordinate axes (bijective mapping),
    # then scatter-added into the 4D memory tensor.
    idx4 = jnp.unravel_index(idx, mem.shape)
    out = mem.at[idx4].add(val)
    return out

if __name__ == "__main__":
    import jax
    _d = setup_inputs()
    print(jax.jit(kernel)(*tuple(_d.values())))

</pallas_src>

<mosaic_0001>
#map = affine_map<(d0, d1) -> (0, 0, 0, 0)>
#map1 = affine_map<(d0, d1) -> (0)>
module attributes {stable_mosaic.version = 14 : i64} {
  func.func @_scatter_add(%arg0: i32, %arg1: i32, %arg2: memref<64x16x8x4096xf32, #tpu.memory_space<hbm>>, %arg3: memref<524288xi32, #tpu.memory_space<hbm>>, %arg4: memref<524288xf32, #tpu.memory_space<hbm>>, %arg5: memref<64x16x8x4096xf32, #tpu.memory_space<hbm>>, %arg6: memref<8x4096xf32, #tpu.memory_space<vmem>>, %arg7: memref<8x4096xf32, #tpu.memory_space<vmem>>, %arg8: memref<22960xi32, #tpu.memory_space<vmem>>, %arg9: memref<22960xf32, #tpu.memory_space<vmem>>, %arg10: memref<4096xi32, #tpu.memory_space<vmem>>, %arg11: memref<4096xf32, #tpu.memory_space<vmem>>, %arg12: memref<4096xi32, #tpu.memory_space<vmem>>, %arg13: memref<4096xf32, #tpu.memory_space<vmem>>, %arg14: memref<!tpu.dma_semaphore, #tpu.memory_space<semaphore_mem>>, %arg15: memref<!tpu.dma_semaphore, #tpu.memory_space<semaphore_mem>>, %arg16: memref<!tpu.dma_semaphore, #tpu.memory_space<semaphore_mem>>, %arg17: memref<!tpu.dma_semaphore, #tpu.memory_space<semaphore_mem>>) attributes {dimension_semantics = [#tpu.dimension_semantics<core_parallel>, #tpu.dimension_semantics<subcore_parallel>], iteration_bounds = array<i64: 2, 16>, scalar_prefetch = 0 : i64, scratch_operands = 12 : i64, tpu.core_type = #tpu.core_type<sc_vector_subcore>, window_params = [{transform_indices = #map}, {transform_indices = #map1}, {transform_indices = #map1}, {transform_indices = #map}]} {
    %mul3A = arith.constant 2 : i32
    %mul3A_0 = arith.muli %arg1, %mul3A : i32
    %add3A = arith.addi %mul3A_0, %arg0 : i32
    %mul3A_1 = arith.constant 1048576 : i32
    %mul3A_2 = arith.muli %add3A, %mul3A_1 : i32
    %iota3A = tpu.iota {dimensions = array<i32: 0>} : vector<16xi32>
    %broadcast_in_dim3A = arith.constant 1 : i32
    %broadcast_in_dim3A_3 = vector.broadcast %broadcast_in_dim3A : i32 to vector<16xi32>
    %dma_start3A = arith.constant 0 : i32
    %dma_start3A_4 = tpu.memref_slice %arg3[%dma_start3A] : memref<524288xi32, #tpu.memory_space<hbm>> -> memref<4096xi32, #tpu.memory_space<hbm>>
    %dma_start3A_5 = arith.constant 0 : i32
    %dma_start3A_6 = tpu.memref_slice %arg3[%dma_start3A_5] : memref<524288xi32, #tpu.memory_space<hbm>> -> memref<4096xi32, #tpu.memory_space<hbm>>
    tpu.enqueue_dma source(%dma_start3A_6 : memref<4096xi32, #tpu.memory_space<hbm>>) target(%arg10 : memref<4096xi32, #tpu.memory_space<vmem>>) target_semaphore(%arg14 : memref<!tpu.dma_semaphore, #tpu.memory_space<semaphore_mem>>)
    %dma_start3A_7 = arith.constant 0 : i32
    %dma_start3A_8 = tpu.memref_slice %arg4[%dma_start3A_7] : memref<524288xf32, #tpu.memory_space<hbm>> -> memref<4096xf32, #tpu.memory_space<hbm>>
    %dma_start3A_9 = arith.constant 0 : i32
    %dma_start3A_10 = tpu.memref_slice %arg4[%dma_start3A_9] : memref<524288xf32, #tpu.memory_space<hbm>> -> memref<4096xf32, #tpu.memory_space<hbm>>
    tpu.enqueue_dma source(%dma_start3A_10 : memref<4096xf32, #tpu.memory_space<hbm>>) target(%arg11 : memref<4096xf32, #tpu.memory_space<vmem>>) target_semaphore(%arg15 : memref<!tpu.dma_semaphore, #tpu.memory_space<semaphore_mem>>)
    %dma_start3A_11 = arith.constant 4096 : i32
    %dma_start3A_12 = tpu.memref_slice %arg3[%dma_start3A_11] : memref<524288xi32, #tpu.memory_space<hbm>> -> memref<4096xi32, #tpu.memory_space<hbm>>
    %dma_start3A_13 = arith.constant 4096 : i32
    %dma_start3A_14 = tpu.memref_slice %arg3[%dma_start3A_13] : memref<524288xi32, #tpu.memory_space<hbm>> -> memref<4096xi32, #tpu.memory_space<hbm>>
    tpu.enqueue_dma source(%dma_start3A_14 : memref<4096xi32, #tpu.memory_space<hbm>>) target(%arg12 : memref<4096xi32, #tpu.memory_space<vmem>>) target_semaphore(%arg16 : memref<!tpu.dma_semaphore, #tpu.memory_space<semaphore_mem>>)
    %dma_start3A_15 = arith.constant 4096 : i32
    %dma_start3A_16 = tpu.memref_slice %arg4[%dma_start3A_15] : memref<524288xf32, #tpu.memory_space<hbm>> -> memref<4096xf32, #tpu.memory_space<hbm>>
    %dma_start3A_17 = arith.constant 4096 : i32
    %dma_start3A_18 = tpu.memref_slice %arg4[%dma_start3A_17] : memref<524288xf32, #tpu.memory_space<hbm>> -> memref<4096xf32, #tpu.memory_space<hbm>>
    tpu.enqueue_dma source(%dma_start3A_18 : memref<4096xf32, #tpu.memory_space<hbm>>) target(%arg13 : memref<4096xf32, #tpu.memory_space<vmem>>) target_semaphore(%arg17 : memref<!tpu.dma_semaphore, #tpu.memory_space<semaphore_mem>>)
    %broadcast_in_dim3A_19 = arith.constant -1 : i32
    %broadcast_in_dim3A_20 = vector.broadcast %broadcast_in_dim3A_19 : i32 to vector<16xi32>
    %scan3A = arith.constant 0 : i32
    %scan3A_21 = arith.constant 64 : i32
    %scan3A_22 = arith.addi %scan3A, %scan3A_21 : i32
    %scan3A_23 = arith.constant 1 : i32
    %scan3A_24 = scf.for %scan3A_484 = %scan3A to %scan3A_22 step %scan3A_23 iter_args(%scan3A_485 = %broadcast_in_dim3A_20) -> (vector<16xi32>)  : i32 {
      %mul3A_486 = arith.constant 2 : i32
      %mul3A_487 = arith.muli %mul3A_486, %scan3A_484 : i32
      %mul3A_488 = arith.constant 2 : i32
      %mul3A_489 = arith.muli %mul3A_488, %scan3A_484 : i32
      %add3A_490 = arith.constant 1 : i32
      %add3A_491 = arith.addi %mul3A_489, %add3A_490 : i32
      %mul3A_492 = arith.constant 4096 : i32
      %mul3A_493 = arith.muli %mul3A_487, %mul3A_492 : i32
      %dma_wait3A_494 = tpu.memref_slice %arg3[%mul3A_493] : memref<524288xi32, #tpu.memory_space<hbm>> -> memref<4096xi32, #tpu.memory_space<hbm>>
      %dma_wait3A_495 = tpu.memref_slice %arg3[%mul3A_493] : memref<524288xi32, #tpu.memory_space<hbm>> -> memref<4096xi32, #tpu.memory_space<hbm>>
      tpu.wait_dma2 semaphore(%arg14 : memref<!tpu.dma_semaphore, #tpu.memory_space<semaphore_mem>>) src(%dma_wait3A_495 : memref<4096xi32, #tpu.memory_space<hbm>>) dst(%arg10 : memref<4096xi32, #tpu.memory_space<vmem>>)
      %mul3A_496 = arith.constant 4096 : i32
      %mul3A_497 = arith.muli %mul3A_487, %mul3A_496 : i32
      %dma_wait3A_498 = tpu.memref_slice %arg4[%mul3A_497] : memref<524288xf32, #tpu.memory_space<hbm>> -> memref<4096xf32, #tpu.memory_space<hbm>>
      %dma_wait3A_499 = tpu.memref_slice %arg4[%mul3A_497] : memref<524288xf32, #tpu.memory_space<hbm>> -> memref<4096xf32, #tpu.memory_space<hbm>>
      tpu.wait_dma2 semaphore(%arg15 : memref<!tpu.dma_semaphore, #tpu.memory_space<semaphore_mem>>) src(%dma_wait3A_499 : memref<4096xf32, #tpu.memory_space<hbm>>) dst(%arg11 : memref<4096xf32, #tpu.memory_space<vmem>>)
      %parallel_loop3A_500 = arith.constant 0 : i32
      %parallel_loop3A_501 = arith.constant 256 : i32
      %parallel_loop3A_502 = arith.constant 1 : i32
      %parallel_loop3A_503 = scf.for %parallel_loop3A_540 = %parallel_loop3A_500 to %parallel_loop3A_501 step %parallel_loop3A_502 iter_args(%parallel_loop3A_541 = %scan3A_485) -> (vector<16xi32>)  : i32 {
        %parallel_loop3A_542 = arith.constant 16 : i32
        %parallel_loop3A_543 = arith.muli %parallel_loop3A_540, %parallel_loop3A_542 : i32
        %parallel_loop3A_544 = arith.index_cast %parallel_loop3A_543 : i32 to index
        %parallel_loop3A_545 = tpu.vector_load %arg10[%parallel_loop3A_544] {strides = array<i32>} : memref<4096xi32, #tpu.memory_space<vmem>>, vector<16xi32>,
        %parallel_loop3A_546 = arith.constant 16 : i32
        %parallel_loop3A_547 = arith.muli %parallel_loop3A_540, %parallel_loop3A_546 : i32
        %parallel_loop3A_548 = arith.index_cast %parallel_loop3A_547 : i32 to index
        %parallel_loop3A_549 = tpu.vector_load %arg11[%parallel_loop3A_548] {strides = array<i32>} : memref<4096xf32, #tpu.memory_space<vmem>>, vector<16xf32>,
        %parallel_loop3A_550 = vector.broadcast %mul3A_2 : i32 to vector<16xi32>
        %parallel_loop3A_551 = arith.subi %parallel_loop3A_545, %parallel_loop3A_550 : vector<16xi32>
        %parallel_loop3A_552 = tpu.bitcast %parallel_loop3A_551 : vector<16xi32> -> vector<16xi32>
        %parallel_loop3A_553 = arith.constant 1048576 : i32
        %parallel_loop3A_554 = vector.broadcast %parallel_loop3A_553 : i32 to vector<16xi32>
        %parallel_loop3A_555 = arith.cmpi ult, %parallel_loop3A_552, %parallel_loop3A_554 : vector<16xi32>
        %parallel_loop3A_556 = tpu.scan <sum>, %broadcast_in_dim3A_3 masked %parallel_loop3A_555 : vector<16xi32>, vector<16xi1> -> vector<16xi32>
        %parallel_loop3A_557 = arith.addi %parallel_loop3A_541, %parallel_loop3A_556 : vector<16xi32>
        %parallel_loop3A_558 = arith.constant 22911 : i32
        %parallel_loop3A_559 = vector.broadcast %parallel_loop3A_558 : i32 to vector<16xi32>
        %parallel_loop3A_560 = arith.minsi %parallel_loop3A_557, %parallel_loop3A_559 : vector<16xi32>
        tpu.vector_store_idx %arg8[%parallel_loop3A_560], %parallel_loop3A_551 masked %parallel_loop3A_555 : memref<22960xi32, #tpu.memory_space<vmem>>[vector<16xi32>], vector<16xi32>, vector<16xi1>
        tpu.vector_store_idx %arg9[%parallel_loop3A_560], %parallel_loop3A_549 masked %parallel_loop3A_555 : memref<22960xf32, #tpu.memory_space<vmem>>[vector<16xi32>], vector<16xf32>, vector<16xi1>
        %parallel_loop3A_561 = tpu.all_reduce %parallel_loop3A_555 {dim = 0 : i64, kind = #tpu.reduction_kind<sum>} : vector<16xi1> -> vector<16xi32>
        %parallel_loop3A_562 = arith.addi %parallel_loop3A_541, %parallel_loop3A_561 : vector<16xi32>
        scf.yield %parallel_loop3A_562 : vector<16xi32>
      } {sc.loop_unroll_factor = 16 : i64, sc.parallel_access}
      %add3A_504 = arith.constant 2 : i32
      %add3A_505 = arith.addi %mul3A_487, %add3A_504 : i32
      %min3A_506 = arith.constant 126 : i32
      %min3A_507 = arith.minsi %add3A_505, %min3A_506 : i32
      %mul3A_508 = arith.constant 4096 : i32
      %mul3A_509 = arith.muli %min3A_507, %mul3A_508 : i32
      %dma_start3A_510 = tpu.memref_slice %arg3[%mul3A_509] : memref<524288xi32, #tpu.memory_space<hbm>> -> memref<4096xi32, #tpu.memory_space<hbm>>
      %dma_start3A_511 = tpu.memref_slice %arg3[%mul3A_509] : memref<524288xi32, #tpu.memory_space<hbm>> -> memref<4096xi32, #tpu.memory_space<hbm>>
      tpu.enqueue_dma source(%dma_start3A_511 : memref<4096xi32, #tpu.memory_space<hbm>>) target(%arg10 : memref<4096xi32, #tpu.memory_space<vmem>>) target_semaphore(%arg14 : memref<!tpu.dma_semaphore, #tpu.memory_space<semaphore_mem>>)
      %mul3A_512 = arith.constant 4096 : i32
      %mul3A_513 = arith.muli %min3A_507, %mul3A_512 : i32
      %dma_start3A_514 = tpu.memref_slice %arg4[%mul3A_513] : memref<524288xf32, #tpu.memory_space<hbm>> -> memref<4096xf32, #tpu.memory_space<hbm>>
      %dma_start3A_515 = tpu.memref_slice %arg4[%mul3A_513] : memref<524288xf32, #tpu.memory_space<hbm>> -> memref<4096xf32, #tpu.memory_space<hbm>>
      tpu.enqueue_dma source(%dma_start3A_515 : memref<4096xf32, #tpu.memory_space<hbm>>) target(%arg11 : memref<4096xf32, #tpu.memory_space<vmem>>) target_semaphore(%arg15 : memref<!tpu.dma_semaphore, #tpu.memory_space<semaphore_mem>>)
      %mul3A_516 = arith.constant 4096 : i32
      %mul3A_517 = arith.muli %add3A_491, %mul3A_516 : i32
      %dma_wait3A_518 = tpu.memref_slice %arg3[%mul3A_517] : memref<524288xi32, #tpu.memory_space<hbm>> -> memref<4096xi32, #tpu.memory_space<hbm>>
      %dma_wait3A_519 = tpu.memref_slice %arg3[%mul3A_517] : memref<524288xi32, #tpu.memory_space<hbm>> -> memref<4096xi32, #tpu.memory_space<hbm>>
      tpu.wait_dma2 semaphore(%arg16 : memref<!tpu.dma_semaphore, #tpu.memory_space<semaphore_mem>>) src(%dma_wait3A_519 : memref<4096xi32, #tpu.memory_space<hbm>>) dst(%arg12 : memref<4096xi32, #tpu.memory_space<vmem>>)
      %mul3A_520 = arith.constant 4096 : i32
      %mul3A_521 = arith.muli %add3A_491, %mul3A_520 : i32
      %dma_wait3A_522 = tpu.memref_slice %arg4[%mul3A_521] : memref<524288xf32, #tpu.memory_space<hbm>> -> memref<4096xf32, #tpu.memory_space<hbm>>
      %dma_wait3A_523 = tpu.memref_slice %arg4[%mul3A_521] : memref<524288xf32, #tpu.memory_space<hbm>> -> memref<4096xf32, #tpu.memory_space<hbm>>
      tpu.wait_dma2 semaphore(%arg17 : memref<!tpu.dma_semaphore, #tpu.memory_space<semaphore_mem>>) src(%dma_wait3A_523 : memref<4096xf32, #tpu.memory_space<hbm>>) dst(%arg13 : memref<4096xf32, #tpu.memory_space<vmem>>)
      %parallel_loop3A_524 = arith.constant 0 : i32
      %parallel_loop3A_525 = arith.constant 256 : i32
      %parallel_loop3A_526 = arith.constant 1 : i32
      %parallel_loop3A_527 = scf.for %parallel_loop3A_540 = %parallel_loop3A_524 to %parallel_loop3A_525 step %parallel_loop3A_526 iter_args(%parallel_loop3A_541 = %parallel_loop3A_503) -> (vector<16xi32>)  : i32 {
        %parallel_loop3A_542 = arith.constant 16 : i32
        %parallel_loop3A_543 = arith.muli %parallel_loop3A_540, %parallel_loop3A_542 : i32
        %parallel_loop3A_544 = arith.index_cast %parallel_loop3A_543 : i32 to index
        %parallel_loop3A_545 = tpu.vector_load %arg12[%parallel_loop3A_544] {strides = array<i32>} : memref<4096xi32, #tpu.memory_space<vmem>>, vector<16xi32>,
        %parallel_loop3A_546 = arith.constant 16 : i32
        %parallel_loop3A_547 = arith.muli %parallel_loop3A_540, %parallel_loop3A_546 : i32
        %parallel_loop3A_548 = arith.index_cast %parallel_loop3A_547 : i32 to index
        %parallel_loop3A_549 = tpu.vector_load %arg13[%parallel_loop3A_548] {strides = array<i32>} : memref<4096xf32, #tpu.memory_space<vmem>>, vector<16xf32>,
        %parallel_loop3A_550 = vector.broadcast %mul3A_2 : i32 to vector<16xi32>
        %parallel_loop3A_551 = arith.subi %parallel_loop3A_545, %parallel_loop3A_550 : vector<16xi32>
        %parallel_loop3A_552 = tpu.bitcast %parallel_loop3A_551 : vector<16xi32> -> vector<16xi32>
        %parallel_loop3A_553 = arith.constant 1048576 : i32
        %parallel_loop3A_554 = vector.broadcast %parallel_loop3A_553 : i32 to vector<16xi32>
        %parallel_loop3A_555 = arith.cmpi ult, %parallel_loop3A_552, %parallel_loop3A_554 : vector<16xi32>
        %parallel_loop3A_556 = tpu.scan <sum>, %broadcast_in_dim3A_3 masked %parallel_loop3A_555 : vector<16xi32>, vector<16xi1> -> vector<16xi32>
        %parallel_loop3A_557 = arith.addi %parallel_loop3A_541, %parallel_loop3A_556 : vector<16xi32>
        %parallel_loop3A_558 = arith.constant 22911 : i32
        %parallel_loop3A_559 = vector.broadcast %parallel_loop3A_558 : i32 to vector<16xi32>
        %parallel_loop3A_560 = arith.minsi %parallel_loop3A_557, %parallel_loop3A_559 : vector<16xi32>
        tpu.vector_store_idx %arg8[%parallel_loop3A_560], %parallel_loop3A_551 masked %parallel_loop3A_555 : memref<22960xi32, #tpu.memory_space<vmem>>[vector<16xi32>], vector<16xi32>, vector<16xi1>
        tpu.vector_store_idx %arg9[%parallel_loop3A_560], %parallel_loop3A_549 masked %parallel_loop3A_555 : memref<22960xf32, #tpu.memory_space<vmem>>[vector<16xi32>], vector<16xf32>, vector<16xi1>
        %parallel_loop3A_561 = tpu.all_reduce %parallel_loop3A_555 {dim = 0 : i64, kind = #tpu.reduction_kind<sum>} : vector<16xi1> -> vector<16xi32>
        %parallel_loop3A_562 = arith.addi %parallel_loop3A_541, %parallel_loop3A_561 : vector<16xi32>
        scf.yield %parallel_loop3A_562 : vector<16xi32>
      } {sc.loop_unroll_factor = 16 : i64, sc.parallel_access}
      %add3A_528 = arith.constant 2 : i32
      %add3A_529 = arith.addi %add3A_491, %add3A_528 : i32
      %min3A_530 = arith.constant 127 : i32
      %min3A_531 = arith.minsi %add3A_529, %min3A_530 : i32
      %mul3A_532 = arith.constant 4096 : i32
      %mul3A_533 = arith.muli %min3A_531, %mul3A_532 : i32
      %dma_start3A_534 = tpu.memref_slice %arg3[%mul3A_533] : memref<524288xi32, #tpu.memory_space<hbm>> -> memref<4096xi32, #tpu.memory_space<hbm>>
      %dma_start3A_535 = tpu.memref_slice %arg3[%mul3A_533] : memref<524288xi32, #tpu.memory_space<hbm>> -> memref<4096xi32, #tpu.memory_space<hbm>>
      tpu.enqueue_dma source(%dma_start3A_535 : memref<4096xi32, #tpu.memory_space<hbm>>) target(%arg12 : memref<4096xi32, #tpu.memory_space<vmem>>) target_semaphore(%arg16 : memref<!tpu.dma_semaphore, #tpu.memory_space<semaphore_mem>>)
      %mul3A_536 = arith.constant 4096 : i32
      %mul3A_537 = arith.muli %min3A_531, %mul3A_536 : i32
      %dma_start3A_538 = tpu.memref_slice %arg4[%mul3A_537] : memref<524288xf32, #tpu.memory_space<hbm>> -> memref<4096xf32, #tpu.memory_space<hbm>>
      %dma_start3A_539 = tpu.memref_slice %arg4[%mul3A_537] : memref<524288xf32, #tpu.memory_space<hbm>> -> memref<4096xf32, #tpu.memory_space<hbm>>
      tpu.enqueue_dma source(%dma_start3A_539 : memref<4096xf32, #tpu.memory_space<hbm>>) target(%arg13 : memref<4096xf32, #tpu.memory_space<vmem>>) target_semaphore(%arg17 : memref<!tpu.dma_semaphore, #tpu.memory_space<semaphore_mem>>)
      scf.yield %parallel_loop3A_527 : vector<16xi32>
    }
    %scan3A_25 = arith.constant 64 : i32
    %dma_wait3A = arith.constant 516096 : i32
    %dma_wait3A_26 = tpu.memref_slice %arg3[%dma_wait3A] : memref<524288xi32, #tpu.memory_space<hbm>> -> memref<4096xi32, #tpu.memory_space<hbm>>
    %dma_wait3A_27 = arith.constant 516096 : i32
    %dma_wait3A_28 = tpu.memref_slice %arg3[%dma_wait3A_27] : memref<524288xi32, #tpu.memory_space<hbm>> -> memref<4096xi32, #tpu.memory_space<hbm>>
    tpu.wait_dma2 semaphore(%arg14 : memref<!tpu.dma_semaphore, #tpu.memory_space<semaphore_mem>>) src(%dma_wait3A_28 : memref<4096xi32, #tpu.memory_space<hbm>>) dst(%arg10 : memref<4096xi32, #tpu.memory_space<vmem>>)
    %dma_wait3A_29 = arith.constant 516096 : i32
    %dma_wait3A_30 = tpu.memref_slice %arg4[%dma_wait3A_29] : memref<524288xf32, #tpu.memory_space<hbm>> -> memref<4096xf32, #tpu.memory_space<hbm>>
    %dma_wait3A_31 = arith.constant 516096 : i32
    %dma_wait3A_32 = tpu.memref_slice %arg4[%dma_wait3A_31] : memref<524288xf32, #tpu.memory_space<hbm>> -> memref<4096xf32, #tpu.memory_space<hbm>>
    tpu.wait_dma2 semaphore(%arg15 : memref<!tpu.dma_semaphore, #tpu.memory_space<semaphore_mem>>) src(%dma_wait3A_32 : memref<4096xf32, #tpu.memory_space<hbm>>) dst(%arg11 : memref<4096xf32, #tpu.memory_space<vmem>>)
    %dma_wait3A_33 = arith.constant 520192 : i32
    %dma_wait3A_34 = tpu.memref_slice %arg3[%dma_wait3A_33] : memref<524288xi32, #tpu.memory_space<hbm>> -> memref<4096xi32, #tpu.memory_space<hbm>>
    %dma_wait3A_35 = arith.constant 520192 : i32
    %dma_wait3A_36 = tpu.memref_slice %arg3[%dma_wait3A_35] : memref<524288xi32, #tpu.memory_space<hbm>> -> memref<4096xi32, #tpu.memory_space<hbm>>
    tpu.wait_dma2 semaphore(%arg16 : memref<!tpu.dma_semaphore, #tpu.memory_space<semaphore_mem>>) src(%dma_wait3A_36 : memref<4096xi32, #tpu.memory_space<hbm>>) dst(%arg12 : memref<4096xi32, #tpu.memory_space<vmem>>)
    %dma_wait3A_37 = arith.constant 520192 : i32
    %dma_wait3A_38 = tpu.memref_slice %arg4[%dma_wait3A_37] : memref<524288xf32, #tpu.memory_space<hbm>> -> memref<4096xf32, #tpu.memory_space<hbm>>
    %dma_wait3A_39 = arith.constant 520192 : i32
    %dma_wait3A_40 = tpu.memref_slice %arg4[%dma_wait3A_39] : memref<524288xf32, #tpu.memory_space<hbm>> -> memref<4096xf32, #tpu.memory_space<hbm>>
    tpu.wait_dma2 semaphore(%arg17 : memref<!tpu.dma_semaphore, #tpu.memory_space<semaphore_mem>>) src(%dma_wait3A_40 : memref<4096xf32, #tpu.memory_space<hbm>>) dst(%arg13 : memref<4096xf32, #tpu.memory_space<vmem>>)
    %slice3A = vector.extract_strided_slice %scan3A_24 {offsets = [0], sizes = [1], strides = [1]} : vector<16xi32> to vector<1xi32>
    %squeeze3A = vector.extract %slice3A[0] : i32 from vector<1xi32>
    %add3A_41 = arith.constant 1 : i32
    %add3A_42 = arith.addi %squeeze3A, %add3A_41 : i32
    %min3A = arith.constant 22896 : i32
    %min3A_43 = arith.minsi %add3A_42, %min3A : i32
    %add3A_44 = arith.constant 15 : i32
    %add3A_45 = arith.addi %min3A_43, %add3A_44 : i32
    %jit3A = arith.constant 16 : i32
    %div3A = arith.divsi %add3A_45, %jit3A : i32
    %sign3A = arith.constant 0 : i32
    %sign3A_46 = arith.cmpi sgt, %add3A_45, %sign3A : i32
    %sign3A_47 = arith.extui %sign3A_46 : i1 to i32
    %sign3A_48 = arith.constant 0 : i32
    %sign3A_49 = arith.cmpi slt, %add3A_45, %sign3A_48 : i32
    %sign3A_50 = arith.extui %sign3A_49 : i1 to i32
    %sign3A_51 = arith.subi %sign3A_47, %sign3A_50 : i32
    %sign3A_52 = arith.constant 0 : i32
    %sign3A_53 = arith.cmpi sgt, %jit3A, %sign3A_52 : i32
    %sign3A_54 = arith.extui %sign3A_53 : i1 to i32
    %sign3A_55 = arith.constant 0 : i32
    %sign3A_56 = arith.cmpi slt, %jit3A, %sign3A_55 : i32
    %sign3A_57 = arith.extui %sign3A_56 : i1 to i32
    %sign3A_58 = arith.subi %sign3A_54, %sign3A_57 : i32
    %ne3A = arith.cmpi ne, %sign3A_51, %sign3A_58 : i32
    %rem3A = arith.remsi %add3A_45, %jit3A : i32
    %ne3A_59 = arith.constant 0 : i32
    %ne3A_60 = arith.cmpi ne, %rem3A, %ne3A_59 : i32
    %and3A = arith.andi %ne3A, %ne3A_60 : i1
    %sub3A = arith.constant 1 : i32
    %sub3A_61 = arith.subi %div3A, %sub3A : i32
    %select_n3A = arith.select %and3A, %sub3A_61, %div3A : i32
    %broadcast_in_dim3A_62 = arith.constant -1 : i32
    %broadcast_in_dim3A_63 = vector.broadcast %broadcast_in_dim3A_62 : i32 to vector<16xi32>
    %broadcast_in_dim3A_64 = arith.constant 32768 : i32
    %broadcast_in_dim3A_65 = vector.broadcast %broadcast_in_dim3A_64 : i32 to vector<16xi32>
    %parallel_loop3A = arith.constant 0 : i32
    %parallel_loop3A_66 = arith.constant 1 : i32
    %parallel_loop3A_67:2 = scf.for %parallel_loop3A_484 = %parallel_loop3A to %select_n3A step %parallel_loop3A_66 iter_args(%parallel_loop3A_485 = %broadcast_in_dim3A_63, %parallel_loop3A_486 = %broadcast_in_dim3A_65) -> (vector<16xi32>, vector<16xi32>)  : i32 {
      %parallel_loop3A_487 = arith.constant 16 : i32
      %parallel_loop3A_488 = arith.muli %parallel_loop3A_484, %parallel_loop3A_487 : i32
      %parallel_loop3A_489 = vector.broadcast %parallel_loop3A_488 : i32 to vector<16xi32>
      %parallel_loop3A_490 = arith.addi %parallel_loop3A_489, %iota3A : vector<16xi32>
      %parallel_loop3A_491 = vector.broadcast %min3A_43 : i32 to vector<16xi32>
      %parallel_loop3A_492 = arith.cmpi slt, %parallel_loop3A_490, %parallel_loop3A_491 : vector<16xi32>
      %parallel_loop3A_493 = arith.constant 16 : i32
      %parallel_loop3A_494 = arith.muli %parallel_loop3A_484, %parallel_loop3A_493 : i32
      %parallel_loop3A_495 = arith.index_cast %parallel_loop3A_494 : i32 to index
      %parallel_loop3A_496 = tpu.vector_load %arg8[%parallel_loop3A_495] {strides = array<i32>} : memref<22960xi32, #tpu.memory_space<vmem>>, vector<16xi32>,
      %parallel_loop3A_497 = arith.constant 16 : i32
      %parallel_loop3A_498 = arith.muli %parallel_loop3A_484, %parallel_loop3A_497 : i32
      %parallel_loop3A_499 = arith.index_cast %parallel_loop3A_498 : i32 to index
      %parallel_loop3A_500 = tpu.vector_load %arg9[%parallel_loop3A_499] {strides = array<i32>} : memref<22960xf32, #tpu.memory_space<vmem>>, vector<16xf32>,
      %parallel_loop3A_501 = tpu.bitcast %parallel_loop3A_496 : vector<16xi32> -> vector<16xi32>
      %parallel_loop3A_502 = arith.constant 524288 : i32
      %parallel_loop3A_503 = vector.broadcast %parallel_loop3A_502 : i32 to vector<16xi32>
      %parallel_loop3A_504 = arith.cmpi ult, %parallel_loop3A_501, %parallel_loop3A_503 : vector<16xi32>
      %parallel_loop3A_505 = arith.andi %parallel_loop3A_492, %parallel_loop3A_504 : vector<16xi1>
      %parallel_loop3A_506 = arith.xori %parallel_loop3A_492, %parallel_loop3A_505 : vector<16xi1>
      %parallel_loop3A_507 = tpu.scan <sum>, %broadcast_in_dim3A_3 masked %parallel_loop3A_505 : vector<16xi32>, vector<16xi1> -> vector<16xi32>
      %parallel_loop3A_508 = arith.addi %parallel_loop3A_485, %parallel_loop3A_507 : vector<16xi32>
      %parallel_loop3A_509 = arith.constant 12 : i32
      %parallel_loop3A_510 = vector.broadcast %parallel_loop3A_509 : i32 to vector<16xi32>
      %parallel_loop3A_511 = arith.shrsi %parallel_loop3A_508, %parallel_loop3A_510 : vector<16xi32>
      %parallel_loop3A_512 = arith.constant 4095 : i32
      %parallel_loop3A_513 = vector.broadcast %parallel_loop3A_512 : i32 to vector<16xi32>
      %parallel_loop3A_514 = arith.andi %parallel_loop3A_508, %parallel_loop3A_513 : vector<16xi32>
      %parallel_loop3A_515 = tpu.bitcast %parallel_loop3A_496 : vector<16xi32> -> vector<16xf32>
      tpu.vector_store_idx %arg6[%parallel_loop3A_511, %parallel_loop3A_514], %parallel_loop3A_515 masked %parallel_loop3A_505 : memref<8x4096xf32, #tpu.memory_space<vmem>>[vector<16xi32>, vector<16xi32>], vector<16xf32>, vector<16xi1>
      %parallel_loop3A_516 = arith.constant 12 : i32
      %parallel_loop3A_517 = vector.broadcast %parallel_loop3A_516 : i32 to vector<16xi32>
      %parallel_loop3A_518 = arith.shrsi %parallel_loop3A_508, %parallel_loop3A_517 : vector<16xi32>
      %parallel_loop3A_519 = arith.constant 4095 : i32
      %parallel_loop3A_520 = vector.broadcast %parallel_loop3A_519 : i32 to vector<16xi32>
      %parallel_loop3A_521 = arith.andi %parallel_loop3A_508, %parallel_loop3A_520 : vector<16xi32>
      tpu.vector_store_idx %arg7[%parallel_loop3A_518, %parallel_loop3A_521], %parallel_loop3A_500 masked %parallel_loop3A_505 : memref<8x4096xf32, #tpu.memory_space<vmem>>[vector<16xi32>, vector<16xi32>], vector<16xf32>, vector<16xi1>
      %parallel_loop3A_522 = tpu.scan <sum>, %broadcast_in_dim3A_3 masked %parallel_loop3A_506 : vector<16xi32>, vector<16xi1> -> vector<16xi32>
      %parallel_loop3A_523 = arith.subi %parallel_loop3A_486, %parallel_loop3A_522 : vector<16xi32>
      %parallel_loop3A_524 = arith.constant 12 : i32
      %parallel_loop3A_525 = vector.broadcast %parallel_loop3A_524 : i32 to vector<16xi32>
      %parallel_loop3A_526 = arith.shrsi %parallel_loop3A_523, %parallel_loop3A_525 : vector<16xi32>
      %parallel_loop3A_527 = arith.constant 4095 : i32
      %parallel_loop3A_528 = vector.broadcast %parallel_loop3A_527 : i32 to vector<16xi32>
      %parallel_loop3A_529 = arith.andi %parallel_loop3A_523, %parallel_loop3A_528 : vector<16xi32>
      %parallel_loop3A_530 = tpu.bitcast %parallel_loop3A_496 : vector<16xi32> -> vector<16xf32>
      tpu.vector_store_idx %arg6[%parallel_loop3A_526, %parallel_loop3A_529], %parallel_loop3A_530 masked %parallel_loop3A_506 : memref<8x4096xf32, #tpu.memory_space<vmem>>[vector<16xi32>, vector<16xi32>], vector<16xf32>, vector<16xi1>
      %parallel_loop3A_531 = arith.constant 12 : i32
      %parallel_loop3A_532 = vector.broadcast %parallel_loop3A_531 : i32 to vector<16xi32>
      %parallel_loop3A_533 = arith.shrsi %parallel_loop3A_523, %parallel_loop3A_532 : vector<16xi32>
      %parallel_loop3A_534 = arith.constant 4095 : i32
      %parallel_loop3A_535 = vector.broadcast %parallel_loop3A_534 : i32 to vector<16xi32>
      %parallel_loop3A_536 = arith.andi %parallel_loop3A_523, %parallel_loop3A_535 : vector<16xi32>
      tpu.vector_store_idx %arg7[%parallel_loop3A_533, %parallel_loop3A_536], %parallel_loop3A_500 masked %parallel_loop3A_506 : memref<8x4096xf32, #tpu.memory_space<vmem>>[vector<16xi32>, vector<16xi32>], vector<16xf32>, vector<16xi1>
      %parallel_loop3A_537 = tpu.all_reduce %parallel_loop3A_505 {dim = 0 : i64, kind = #tpu.reduction_kind<sum>} : vector<16xi1> -> vector<16xi32>
      %parallel_loop3A_538 = arith.addi %parallel_loop3A_485, %parallel_loop3A_537 : vector<16xi32>
      %parallel_loop3A_539 = tpu.all_reduce %parallel_loop3A_506 {dim = 0 : i64, kind = #tpu.reduction_kind<sum>} : vector<16xi1> -> vector<16xi32>
      %parallel_loop3A_540 = arith.subi %parallel_loop3A_486, %parallel_loop3A_539 : vector<16xi32>
      scf.yield %parallel_loop3A_538, %parallel_loop3A_540 : vector<16xi32>, vector<16xi32>
    } {sc.loop_unroll_factor = 4 : i64, sc.parallel_access}
    %slice3A_68 = vector.extract_strided_slice %parallel_loop3A_67#0 {offsets = [0], sizes = [1], strides = [1]} : vector<16xi32> to vector<1xi32>
    %squeeze3A_69 = vector.extract %slice3A_68[0] : i32 from vector<1xi32>
    %add3A_70 = arith.constant 1 : i32
    %add3A_71 = arith.addi %squeeze3A_69, %add3A_70 : i32
    %slice3A_72 = vector.extract_strided_slice %parallel_loop3A_67#1 {offsets = [0], sizes = [1], strides = [1]} : vector<16xi32> to vector<1xi32>
    %squeeze3A_73 = vector.extract %slice3A_72[0] : i32 from vector<1xi32>
    %add3A_74 = arith.constant 15 : i32
    %add3A_75 = arith.addi %add3A_71, %add3A_74 : i32
    %jit3A_76 = arith.constant 16 : i32
    %div3A_77 = arith.divsi %add3A_75, %jit3A_76 : i32
    %sign3A_78 = arith.constant 0 : i32
    %sign3A_79 = arith.cmpi sgt, %add3A_75, %sign3A_78 : i32
    %sign3A_80 = arith.extui %sign3A_79 : i1 to i32
    %sign3A_81 = arith.constant 0 : i32
    %sign3A_82 = arith.cmpi slt, %add3A_75, %sign3A_81 : i32
    %sign3A_83 = arith.extui %sign3A_82 : i1 to i32
    %sign3A_84 = arith.subi %sign3A_80, %sign3A_83 : i32
    %sign3A_85 = arith.constant 0 : i32
    %sign3A_86 = arith.cmpi sgt, %jit3A_76, %sign3A_85 : i32
    %sign3A_87 = arith.extui %sign3A_86 : i1 to i32
    %sign3A_88 = arith.constant 0 : i32
    %sign3A_89 = arith.cmpi slt, %jit3A_76, %sign3A_88 : i32
    %sign3A_90 = arith.extui %sign3A_89 : i1 to i32
    %sign3A_91 = arith.subi %sign3A_87, %sign3A_90 : i32
    %ne3A_92 = arith.cmpi ne, %sign3A_84, %sign3A_91 : i32
    %rem3A_93 = arith.remsi %add3A_75, %jit3A_76 : i32
    %ne3A_94 = arith.constant 0 : i32
    %ne3A_95 = arith.cmpi ne, %rem3A_93, %ne3A_94 : i32
    %and3A_96 = arith.andi %ne3A_92, %ne3A_95 : i1
    %sub3A_97 = arith.constant 1 : i32
    %sub3A_98 = arith.subi %div3A_77, %sub3A_97 : i32
    %select_n3A_99 = arith.select %and3A_96, %sub3A_98, %div3A_77 : i32
    %mul3A_100 = arith.constant 16 : i32
    %mul3A_101 = arith.muli %select_n3A_99, %mul3A_100 : i32
    %jit3A_102 = arith.constant 0 : i32
    %jit3A_103 = arith.constant 16 : i32
    %div3A_104 = arith.divsi %jit3A_102, %jit3A_103 : i32
    %sign3A_105 = arith.constant 0 : i32
    %sign3A_106 = arith.cmpi sgt, %jit3A_102, %sign3A_105 : i32
    %sign3A_107 = arith.extui %sign3A_106 : i1 to i32
    %sign3A_108 = arith.constant 0 : i32
    %sign3A_109 = arith.cmpi slt, %jit3A_102, %sign3A_108 : i32
    %sign3A_110 = arith.extui %sign3A_109 : i1 to i32
    %sign3A_111 = arith.subi %sign3A_107, %sign3A_110 : i32
    %sign3A_112 = arith.constant 0 : i32
    %sign3A_113 = arith.cmpi sgt, %jit3A_103, %sign3A_112 : i32
    %sign3A_114 = arith.extui %sign3A_113 : i1 to i32
    %sign3A_115 = arith.constant 0 : i32
    %sign3A_116 = arith.cmpi slt, %jit3A_103, %sign3A_115 : i32
    %sign3A_117 = arith.extui %sign3A_116 : i1 to i32
    %sign3A_118 = arith.subi %sign3A_114, %sign3A_117 : i32
    %ne3A_119 = arith.cmpi ne, %sign3A_111, %sign3A_118 : i32
    %rem3A_120 = arith.remsi %jit3A_102, %jit3A_103 : i32
    %ne3A_121 = arith.constant 0 : i32
    %ne3A_122 = arith.cmpi ne, %rem3A_120, %ne3A_121 : i32
    %and3A_123 = arith.andi %ne3A_119, %ne3A_122 : i1
    %sub3A_124 = arith.constant 1 : i32
    %sub3A_125 = arith.subi %div3A_104, %sub3A_124 : i32
    %select_n3A_126 = arith.select %and3A_123, %sub3A_125, %div3A_104 : i32
    %mul3A_127 = arith.constant 16 : i32
    %mul3A_128 = arith.muli %select_n3A_126, %mul3A_127 : i32
    %sub3A_129 = arith.subi %add3A_71, %mul3A_128 : i32
    %add3A_130 = arith.constant 15 : i32
    %add3A_131 = arith.addi %sub3A_129, %add3A_130 : i32
    %jit3A_132 = arith.constant 16 : i32
    %div3A_133 = arith.divsi %add3A_131, %jit3A_132 : i32
    %sign3A_134 = arith.constant 0 : i32
    %sign3A_135 = arith.cmpi sgt, %add3A_131, %sign3A_134 : i32
    %sign3A_136 = arith.extui %sign3A_135 : i1 to i32
    %sign3A_137 = arith.constant 0 : i32
    %sign3A_138 = arith.cmpi slt, %add3A_131, %sign3A_137 : i32
    %sign3A_139 = arith.extui %sign3A_138 : i1 to i32
    %sign3A_140 = arith.subi %sign3A_136, %sign3A_139 : i32
    %sign3A_141 = arith.constant 0 : i32
    %sign3A_142 = arith.cmpi sgt, %jit3A_132, %sign3A_141 : i32
    %sign3A_143 = arith.extui %sign3A_142 : i1 to i32
    %sign3A_144 = arith.constant 0 : i32
    %sign3A_145 = arith.cmpi slt, %jit3A_132, %sign3A_144 : i32
    %sign3A_146 = arith.extui %sign3A_145 : i1 to i32
    %sign3A_147 = arith.subi %sign3A_143, %sign3A_146 : i32
    %ne3A_148 = arith.cmpi ne, %sign3A_140, %sign3A_147 : i32
    %rem3A_149 = arith.remsi %add3A_131, %jit3A_132 : i32
    %ne3A_150 = arith.constant 0 : i32
    %ne3A_151 = arith.cmpi ne, %rem3A_149, %ne3A_150 : i32
    %and3A_152 = arith.andi %ne3A_148, %ne3A_151 : i1
    %sub3A_153 = arith.constant 1 : i32
    %sub3A_154 = arith.subi %div3A_133, %sub3A_153 : i32
    %select_n3A_155 = arith.select %and3A_152, %sub3A_154, %div3A_133 : i32
    %broadcast_in_dim3A_156 = arith.constant -1 : i32
    %broadcast_in_dim3A_157 = vector.broadcast %broadcast_in_dim3A_156 : i32 to vector<16xi32>
    %broadcast_in_dim3A_158 = vector.broadcast %mul3A_101 : i32 to vector<16xi32>
    %parallel_loop3A_159 = arith.constant 0 : i32
    %parallel_loop3A_160 = arith.constant 1 : i32
    %parallel_loop3A_161 = arith.constant 0 : i32
    %parallel_loop3A_162:2 = scf.for %parallel_loop3A_484 = %parallel_loop3A_159 to %select_n3A_155 step %parallel_loop3A_160 iter_args(%parallel_loop3A_485 = %broadcast_in_dim3A_157, %parallel_loop3A_486 = %broadcast_in_dim3A_158) -> (vector<16xi32>, vector<16xi32>)  : i32 {
      %parallel_loop3A_487 = arith.constant 16 : i32
      %parallel_loop3A_488 = arith.muli %parallel_loop3A_484, %parallel_loop3A_487 : i32
      %parallel_loop3A_489 = arith.addi %mul3A_128, %parallel_loop3A_488 : i32
      %parallel_loop3A_490 = vector.broadcast %parallel_loop3A_489 : i32 to vector<16xi32>
      %parallel_loop3A_491 = arith.addi %parallel_loop3A_490, %iota3A : vector<16xi32>
      %parallel_loop3A_492 = vector.broadcast %parallel_loop3A_161 : i32 to vector<16xi32>
      %parallel_loop3A_493 = arith.cmpi sge, %parallel_loop3A_491, %parallel_loop3A_492 : vector<16xi32>
      %parallel_loop3A_494 = vector.broadcast %add3A_71 : i32 to vector<16xi32>
      %parallel_loop3A_495 = arith.cmpi slt, %parallel_loop3A_491, %parallel_loop3A_494 : vector<16xi32>
      %parallel_loop3A_496 = arith.andi %parallel_loop3A_493, %parallel_loop3A_495 : vector<16xi1>
      %parallel_loop3A_497 = arith.constant 12 : i32
      %parallel_loop3A_498 = arith.shrsi %parallel_loop3A_489, %parallel_loop3A_497 : i32
      %parallel_loop3A_499 = arith.constant 4095 : i32
      %parallel_loop3A_500 = arith.andi %parallel_loop3A_489, %parallel_loop3A_499 : i32
      %parallel_loop3A_501 = arith.index_cast %parallel_loop3A_498 : i32 to index
      %parallel_loop3A_502 = arith.index_cast %parallel_loop3A_500 : i32 to index
      %parallel_loop3A_503 = tpu.vector_load %arg6[%parallel_loop3A_501, %parallel_loop3A_502] {strides = array<i32>} : memref<8x4096xf32, #tpu.memory_space<vmem>>, vector<16xf32>,
      %parallel_loop3A_504 = tpu.bitcast %parallel_loop3A_503 : vector<16xf32> -> vector<16xi32>
      %parallel_loop3A_505 = arith.index_cast %parallel_loop3A_498 : i32 to index
      %parallel_loop3A_506 = arith.index_cast %parallel_loop3A_500 : i32 to index
      %parallel_loop3A_507 = tpu.vector_load %arg7[%parallel_loop3A_505, %parallel_loop3A_506] {strides = array<i32>} : memref<8x4096xf32, #tpu.memory_space<vmem>>, vector<16xf32>,
      %parallel_loop3A_508 = tpu.bitcast %parallel_loop3A_504 : vector<16xi32> -> vector<16xi32>
      %parallel_loop3A_509 = arith.constant 262144 : i32
      %parallel_loop3A_510 = vector.broadcast %parallel_loop3A_509 : i32 to vector<16xi32>
      %parallel_loop3A_511 = arith.cmpi ult, %parallel_loop3A_508, %parallel_loop3A_510 : vector<16xi32>
      %parallel_loop3A_512 = arith.andi %parallel_loop3A_496, %parallel_loop3A_511 : vector<16xi1>
      %parallel_loop3A_513 = arith.xori %parallel_loop3A_496, %parallel_loop3A_512 : vector<16xi1>
      %parallel_loop3A_514 = tpu.scan <sum>, %broadcast_in_dim3A_3 masked %parallel_loop3A_512 : vector<16xi32>, vector<16xi1> -> vector<16xi32>
      %parallel_loop3A_515 = arith.addi %parallel_loop3A_485, %parallel_loop3A_514 : vector<16xi32>
      tpu.vector_store_idx %arg8[%parallel_loop3A_515], %parallel_loop3A_504 masked %parallel_loop3A_512 : memref<22960xi32, #tpu.memory_space<vmem>>[vector<16xi32>], vector<16xi32>, vector<16xi1>
      tpu.vector_store_idx %arg9[%parallel_loop3A_515], %parallel_loop3A_507 masked %parallel_loop3A_512 : memref<22960xf32, #tpu.memory_space<vmem>>[vector<16xi32>], vector<16xf32>, vector<16xi1>
      %parallel_loop3A_516 = tpu.scan <sum>, %broadcast_in_dim3A_3 masked %parallel_loop3A_513 : vector<16xi32>, vector<16xi1> -> vector<16xi32>
      %parallel_loop3A_517 = arith.subi %parallel_loop3A_486, %parallel_loop3A_516 : vector<16xi32>
      tpu.vector_store_idx %arg8[%parallel_loop3A_517], %parallel_loop3A_504 masked %parallel_loop3A_513 : memref<22960xi32, #tpu.memory_space<vmem>>[vector<16xi32>], vector<16xi32>, vector<16xi1>
      tpu.vector_store_idx %arg9[%parallel_loop3A_517], %parallel_loop3A_507 masked %parallel_loop3A_513 : memref<22960xf32, #tpu.memory_space<vmem>>[vector<16xi32>], vector<16xf32>, vector<16xi1>
      %parallel_loop3A_518 = tpu.all_reduce %parallel_loop3A_512 {dim = 0 : i64, kind = #tpu.reduction_kind<sum>} : vector<16xi1> -> vector<16xi32>
      %parallel_loop3A_519 = arith.addi %parallel_loop3A_485, %parallel_loop3A_518 : vector<16xi32>
      %parallel_loop3A_520 = tpu.all_reduce %parallel_loop3A_513 {dim = 0 : i64, kind = #tpu.reduction_kind<sum>} : vector<16xi1> -> vector<16xi32>
      %parallel_loop3A_521 = arith.subi %parallel_loop3A_486, %parallel_loop3A_520 : vector<16xi32>
      scf.yield %parallel_loop3A_519, %parallel_loop3A_521 : vector<16xi32>, vector<16xi32>
    } {sc.loop_unroll_factor = 4 : i64, sc.parallel_access}
    %slice3A_163 = vector.extract_strided_slice %parallel_loop3A_162#0 {offsets = [0], sizes = [1], strides = [1]} : vector<16xi32> to vector<1xi32>
    %squeeze3A_164 = vector.extract %slice3A_163[0] : i32 from vector<1xi32>
    %add3A_165 = arith.constant 1 : i32
    %add3A_166 = arith.addi %squeeze3A_164, %add3A_165 : i32
    %slice3A_167 = vector.extract_strided_slice %parallel_loop3A_162#1 {offsets = [0], sizes = [1], strides = [1]} : vector<16xi32> to vector<1xi32>
    %squeeze3A_168 = vector.extract %slice3A_167[0] : i32 from vector<1xi32>
    %jit3A_169 = arith.constant 16 : i32
    %div3A_170 = arith.divsi %squeeze3A_73, %jit3A_169 : i32
    %sign3A_171 = arith.constant 0 : i32
    %sign3A_172 = arith.cmpi sgt, %squeeze3A_73, %sign3A_171 : i32
    %sign3A_173 = arith.extui %sign3A_172 : i1 to i32
    %sign3A_174 = arith.constant 0 : i32
    %sign3A_175 = arith.cmpi slt, %squeeze3A_73, %sign3A_174 : i32
    %sign3A_176 = arith.extui %sign3A_175 : i1 to i32
    %sign3A_177 = arith.subi %sign3A_173, %sign3A_176 : i32
    %sign3A_178 = arith.constant 0 : i32
    %sign3A_179 = arith.cmpi sgt, %jit3A_169, %sign3A_178 : i32
    %sign3A_180 = arith.extui %sign3A_179 : i1 to i32
    %sign3A_181 = arith.constant 0 : i32
    %sign3A_182 = arith.cmpi slt, %jit3A_169, %sign3A_181 : i32
    %sign3A_183 = arith.extui %sign3A_182 : i1 to i32
    %sign3A_184 = arith.subi %sign3A_180, %sign3A_183 : i32
    %ne3A_185 = arith.cmpi ne, %sign3A_177, %sign3A_184 : i32
    %rem3A_186 = arith.remsi %squeeze3A_73, %jit3A_169 : i32
    %ne3A_187 = arith.constant 0 : i32
    %ne3A_188 = arith.cmpi ne, %rem3A_186, %ne3A_187 : i32
    %and3A_189 = arith.andi %ne3A_185, %ne3A_188 : i1
    %sub3A_190 = arith.constant 1 : i32
    %sub3A_191 = arith.subi %div3A_170, %sub3A_190 : i32
    %select_n3A_192 = arith.select %and3A_189, %sub3A_191, %div3A_170 : i32
    %mul3A_193 = arith.constant 16 : i32
    %mul3A_194 = arith.muli %select_n3A_192, %mul3A_193 : i32
    %sub3A_195 = arith.constant 32768 : i32
    %sub3A_196 = arith.subi %sub3A_195, %mul3A_194 : i32
    %add3A_197 = arith.constant 15 : i32
    %add3A_198 = arith.addi %sub3A_196, %add3A_197 : i32
    %jit3A_199 = arith.constant 16 : i32
    %div3A_200 = arith.divsi %add3A_198, %jit3A_199 : i32
    %sign3A_201 = arith.constant 0 : i32
    %sign3A_202 = arith.cmpi sgt, %add3A_198, %sign3A_201 : i32
    %sign3A_203 = arith.extui %sign3A_202 : i1 to i32
    %sign3A_204 = arith.constant 0 : i32
    %sign3A_205 = arith.cmpi slt, %add3A_198, %sign3A_204 : i32
    %sign3A_206 = arith.extui %sign3A_205 : i1 to i32
    %sign3A_207 = arith.subi %sign3A_203, %sign3A_206 : i32
    %sign3A_208 = arith.constant 0 : i32
    %sign3A_209 = arith.cmpi sgt, %jit3A_199, %sign3A_208 : i32
    %sign3A_210 = arith.extui %sign3A_209 : i1 to i32
    %sign3A_211 = arith.constant 0 : i32
    %sign3A_212 = arith.cmpi slt, %jit3A_199, %sign3A_211 : i32
    %sign3A_213 = arith.extui %sign3A_212 : i1 to i32
    %sign3A_214 = arith.subi %sign3A_210, %sign3A_213 : i32
    %ne3A_215 = arith.cmpi ne, %sign3A_207, %sign3A_214 : i32
    %rem3A_216 = arith.remsi %add3A_198, %jit3A_199 : i32
    %ne3A_217 = arith.constant 0 : i32
    %ne3A_218 = arith.cmpi ne, %rem3A_216, %ne3A_217 : i32
    %and3A_219 = arith.andi %ne3A_215, %ne3A_218 : i1
    %sub3A_220 = arith.constant 1 : i32
    %sub3A_221 = arith.subi %div3A_200, %sub3A_220 : i32
    %select_n3A_222 = arith.select %and3A_219, %sub3A_221, %div3A_200 : i32
    %sub3A_223 = arith.constant 1 : i32
    %sub3A_224 = arith.subi %mul3A_101, %sub3A_223 : i32
    %broadcast_in_dim3A_225 = vector.broadcast %sub3A_224 : i32 to vector<16xi32>
    %broadcast_in_dim3A_226 = arith.constant 22960 : i32
    %broadcast_in_dim3A_227 = vector.broadcast %broadcast_in_dim3A_226 : i32 to vector<16xi32>
    %parallel_loop3A_228 = arith.constant 0 : i32
    %parallel_loop3A_229 = arith.constant 1 : i32
    %parallel_loop3A_230 = arith.constant 32768 : i32
    %parallel_loop3A_231:2 = scf.for %parallel_loop3A_484 = %parallel_loop3A_228 to %select_n3A_222 step %parallel_loop3A_229 iter_args(%parallel_loop3A_485 = %broadcast_in_dim3A_225, %parallel_loop3A_486 = %broadcast_in_dim3A_227) -> (vector<16xi32>, vector<16xi32>)  : i32 {
      %parallel_loop3A_487 = arith.constant 16 : i32
      %parallel_loop3A_488 = arith.muli %parallel_loop3A_484, %parallel_loop3A_487 : i32
      %parallel_loop3A_489 = arith.addi %mul3A_194, %parallel_loop3A_488 : i32
      %parallel_loop3A_490 = vector.broadcast %parallel_loop3A_489 : i32 to vector<16xi32>
      %parallel_loop3A_491 = arith.addi %parallel_loop3A_490, %iota3A : vector<16xi32>
      %parallel_loop3A_492 = vector.broadcast %squeeze3A_73 : i32 to vector<16xi32>
      %parallel_loop3A_493 = arith.cmpi sge, %parallel_loop3A_491, %parallel_loop3A_492 : vector<16xi32>
      %parallel_loop3A_494 = vector.broadcast %parallel_loop3A_230 : i32 to vector<16xi32>
      %parallel_loop3A_495 = arith.cmpi slt, %parallel_loop3A_491, %parallel_loop3A_494 : vector<16xi32>
      %parallel_loop3A_496 = arith.andi %parallel_loop3A_493, %parallel_loop3A_495 : vector<16xi1>
      %parallel_loop3A_497 = arith.constant 12 : i32
      %parallel_loop3A_498 = arith.shrsi %parallel_loop3A_489, %parallel_loop3A_497 : i32
      %parallel_loop3A_499 = arith.constant 4095 : i32
      %parallel_loop3A_500 = arith.andi %parallel_loop3A_489, %parallel_loop3A_499 : i32
      %parallel_loop3A_501 = arith.index_cast %parallel_loop3A_498 : i32 to index
      %parallel_loop3A_502 = arith.index_cast %parallel_loop3A_500 : i32 to index
      %parallel_loop3A_503 = tpu.vector_load %arg6[%parallel_loop3A_501, %parallel_loop3A_502] {strides = array<i32>} : memref<8x4096xf32, #tpu.memory_space<vmem>>, vector<16xf32>,
      %parallel_loop3A_504 = tpu.bitcast %parallel_loop3A_503 : vector<16xf32> -> vector<16xi32>
      %parallel_loop3A_505 = arith.index_cast %parallel_loop3A_498 : i32 to index
      %parallel_loop3A_506 = arith.index_cast %parallel_loop3A_500 : i32 to index
      %parallel_loop3A_507 = tpu.vector_load %arg7[%parallel_loop3A_505, %parallel_loop3A_506] {strides = array<i32>} : memref<8x4096xf32, #tpu.memory_space<vmem>>, vector<16xf32>,
      %parallel_loop3A_508 = tpu.bitcast %parallel_loop3A_504 : vector<16xi32> -> vector<16xi32>
      %parallel_loop3A_509 = arith.constant 786432 : i32
      %parallel_loop3A_510 = vector.broadcast %parallel_loop3A_509 : i32 to vector<16xi32>
      %parallel_loop3A_511 = arith.cmpi ult, %parallel_loop3A_508, %parallel_loop3A_510 : vector<16xi32>
      %parallel_loop3A_512 = arith.andi %parallel_loop3A_496, %parallel_loop3A_511 : vector<16xi1>
      %parallel_loop3A_513 = arith.xori %parallel_loop3A_496, %parallel_loop3A_512 : vector<16xi1>
      %parallel_loop3A_514 = tpu.scan <sum>, %broadcast_in_dim3A_3 masked %parallel_loop3A_512 : vector<16xi32>, vector<16xi1> -> vector<16xi32>
      %parallel_loop3A_515 = arith.addi %parallel_loop3A_485, %parallel_loop3A_514 : vector<16xi32>
      tpu.vector_store_idx %arg8[%parallel_loop3A_515], %parallel_loop3A_504 masked %parallel_loop3A_512 : memref<22960xi32, #tpu.memory_space<vmem>>[vector<16xi32>], vector<16xi32>, vector<16xi1>
      tpu.vector_store_idx %arg9[%parallel_loop3A_515], %parallel_loop3A_507 masked %parallel_loop3A_512 : memref<22960xf32, #tpu.memory_space<vmem>>[vector<16xi32>], vector<16xf32>, vector<16xi1>
      %parallel_loop3A_516 = tpu.scan <sum>, %broadcast_in_dim3A_3 masked %parallel_loop3A_513 : vector<16xi32>, vector<16xi1> -> vector<16xi32>
      %parallel_loop3A_517 = arith.subi %parallel_loop3A_486, %parallel_loop3A_516 : vector<16xi32>
      tpu.vector_store_idx %arg8[%parallel_loop3A_517], %parallel_loop3A_504 masked %parallel_loop3A_513 : memref<22960xi32, #tpu.memory_space<vmem>>[vector<16xi32>], vector<16xi32>, vector<16xi1>
      tpu.vector_store_idx %arg9[%parallel_loop3A_517], %parallel_loop3A_507 masked %parallel_loop3A_513 : memref<22960xf32, #tpu.memory_space<vmem>>[vector<16xi32>], vector<16xf32>, vector<16xi1>
      %parallel_loop3A_518 = tpu.all_reduce %parallel_loop3A_512 {dim = 0 : i64, kind = #tpu.reduction_kind<sum>} : vector<16xi1> -> vector<16xi32>
      %parallel_loop3A_519 = arith.addi %parallel_loop3A_485, %parallel_loop3A_518 : vector<16xi32>
      %parallel_loop3A_520 = tpu.all_reduce %parallel_loop3A_513 {dim = 0 : i64, kind = #tpu.reduction_kind<sum>} : vector<16xi1> -> vector<16xi32>
      %parallel_loop3A_521 = arith.subi %parallel_loop3A_486, %parallel_loop3A_520 : vector<16xi32>
      scf.yield %parallel_loop3A_519, %parallel_loop3A_521 : vector<16xi32>, vector<16xi32>
    } {sc.loop_unroll_factor = 4 : i64, sc.parallel_access}
    %slice3A_232 = vector.extract_strided_slice %parallel_loop3A_231#0 {offsets = [0], sizes = [1], strides = [1]} : vector<16xi32> to vector<1xi32>
    %squeeze3A_233 = vector.extract %slice3A_232[0] : i32 from vector<1xi32>
    %add3A_234 = arith.constant 1 : i32
    %add3A_235 = arith.addi %squeeze3A_233, %add3A_234 : i32
    %sub3A_236 = arith.subi %add3A_235, %mul3A_101 : i32
    %slice3A_237 = vector.extract_strided_slice %parallel_loop3A_231#1 {offsets = [0], sizes = [1], strides = [1]} : vector<16xi32> to vector<1xi32>
    %squeeze3A_238 = vector.extract %slice3A_237[0] : i32 from vector<1xi32>
    %add3A_239 = arith.addi %mul3A_101, %sub3A_236 : i32
    %jit3A_240 = arith.constant 0 : i32
    %jit3A_241 = arith.constant 16 : i32
    %div3A_242 = arith.divsi %jit3A_240, %jit3A_241 : i32
    %sign3A_243 = arith.constant 0 : i32
    %sign3A_244 = arith.cmpi sgt, %jit3A_240, %sign3A_243 : i32
    %sign3A_245 = arith.extui %sign3A_244 : i1 to i32
    %sign3A_246 = arith.constant 0 : i32
    %sign3A_247 = arith.cmpi slt, %jit3A_240, %sign3A_246 : i32
    %sign3A_248 = arith.extui %sign3A_247 : i1 to i32
    %sign3A_249 = arith.subi %sign3A_245, %sign3A_248 : i32
    %sign3A_250 = arith.constant 0 : i32
    %sign3A_251 = arith.cmpi sgt, %jit3A_241, %sign3A_250 : i32
    %sign3A_252 = arith.extui %sign3A_251 : i1 to i32
    %sign3A_253 = arith.constant 0 : i32
    %sign3A_254 = arith.cmpi slt, %jit3A_241, %sign3A_253 : i32
    %sign3A_255 = arith.extui %sign3A_254 : i1 to i32
    %sign3A_256 = arith.subi %sign3A_252, %sign3A_255 : i32
    %ne3A_257 = arith.cmpi ne, %sign3A_249, %sign3A_256 : i32
    %rem3A_258 = arith.remsi %jit3A_240, %jit3A_241 : i32
    %ne3A_259 = arith.constant 0 : i32
    %ne3A_260 = arith.cmpi ne, %rem3A_258, %ne3A_259 : i32
    %and3A_261 = arith.andi %ne3A_257, %ne3A_260 : i1
    %sub3A_262 = arith.constant 1 : i32
    %sub3A_263 = arith.subi %div3A_242, %sub3A_262 : i32
    %select_n3A_264 = arith.select %and3A_261, %sub3A_263, %div3A_242 : i32
    %mul3A_265 = arith.constant 16 : i32
    %mul3A_266 = arith.muli %select_n3A_264, %mul3A_265 : i32
    %sub3A_267 = arith.subi %add3A_166, %mul3A_266 : i32
    %add3A_268 = arith.constant 15 : i32
    %add3A_269 = arith.addi %sub3A_267, %add3A_268 : i32
    %jit3A_270 = arith.constant 16 : i32
    %div3A_271 = arith.divsi %add3A_269, %jit3A_270 : i32
    %sign3A_272 = arith.constant 0 : i32
    %sign3A_273 = arith.cmpi sgt, %add3A_269, %sign3A_272 : i32
    %sign3A_274 = arith.extui %sign3A_273 : i1 to i32
    %sign3A_275 = arith.constant 0 : i32
    %sign3A_276 = arith.cmpi slt, %add3A_269, %sign3A_275 : i32
    %sign3A_277 = arith.extui %sign3A_276 : i1 to i32
    %sign3A_278 = arith.subi %sign3A_274, %sign3A_277 : i32
    %sign3A_279 = arith.constant 0 : i32
    %sign3A_280 = arith.cmpi sgt, %jit3A_270, %sign3A_279 : i32
    %sign3A_281 = arith.extui %sign3A_280 : i1 to i32
    %sign3A_282 = arith.constant 0 : i32
    %sign3A_283 = arith.cmpi slt, %jit3A_270, %sign3A_282 : i32
    %sign3A_284 = arith.extui %sign3A_283 : i1 to i32
    %sign3A_285 = arith.subi %sign3A_281, %sign3A_284 : i32
    %ne3A_286 = arith.cmpi ne, %sign3A_278, %sign3A_285 : i32
    %rem3A_287 = arith.remsi %add3A_269, %jit3A_270 : i32
    %ne3A_288 = arith.constant 0 : i32
    %ne3A_289 = arith.cmpi ne, %rem3A_287, %ne3A_288 : i32
    %and3A_290 = arith.andi %ne3A_286, %ne3A_289 : i1
    %sub3A_291 = arith.constant 1 : i32
    %sub3A_292 = arith.subi %div3A_271, %sub3A_291 : i32
    %select_n3A_293 = arith.select %and3A_290, %sub3A_292, %div3A_271 : i32
    %scan3A_294 = arith.constant 0 : i32
    %scan3A_295 = arith.constant 0 : i32
    %scan3A_296 = arith.constant 0 : i32
    %scan3A_297 = arith.constant 4 : i32
    %scan3A_298 = arith.addi %scan3A_296, %scan3A_297 : i32
    %scan3A_299 = arith.constant 1 : i32
    %scan3A_300 = scf.for %scan3A_484 = %scan3A_296 to %scan3A_298 step %scan3A_299 iter_args(%scan3A_485 = %scan3A_295) -> (i32)  : i32 {
      %add3A_486 = arith.constant 0 : i32
      %add3A_487 = arith.addi %add3A_486, %scan3A_484 : i32
      %mul3A_488 = arith.constant 32 : i32
      %mul3A_489 = arith.muli %add3A, %mul3A_488 : i32
      %mul3A_490 = arith.constant 2 : i32
      %mul3A_491 = arith.muli %mul3A_490, %add3A_487 : i32
      %add3A_492 = arith.addi %mul3A_489, %mul3A_491 : i32
      %add3A_493 = arith.constant 1 : i32
      %add3A_494 = arith.addi %add3A_492, %add3A_493 : i32
      %jit3A_495 = arith.constant 16 : i32
      %div3A_496 = arith.divsi %add3A_492, %jit3A_495 : i32
      %sign3A_497 = arith.constant 0 : i32
      %sign3A_498 = arith.cmpi sgt, %add3A_492, %sign3A_497 : i32
      %sign3A_499 = arith.extui %sign3A_498 : i1 to i32
      %sign3A_500 = arith.constant 0 : i32
      %sign3A_501 = arith.cmpi slt, %add3A_492, %sign3A_500 : i32
      %sign3A_502 = arith.extui %sign3A_501 : i1 to i32
      %sign3A_503 = arith.subi %sign3A_499, %sign3A_502 : i32
      %sign3A_504 = arith.constant 0 : i32
      %sign3A_505 = arith.cmpi sgt, %jit3A_495, %sign3A_504 : i32
      %sign3A_506 = arith.extui %sign3A_505 : i1 to i32
      %sign3A_507 = arith.constant 0 : i32
      %sign3A_508 = arith.cmpi slt, %jit3A_495, %sign3A_507 : i32
      %sign3A_509 = arith.extui %sign3A_508 : i1 to i32
      %sign3A_510 = arith.subi %sign3A_506, %sign3A_509 : i32
      %ne3A_511 = arith.cmpi ne, %sign3A_503, %sign3A_510 : i32
      %rem3A_512 = arith.remsi %add3A_492, %jit3A_495 : i32
      %ne3A_513 = arith.constant 0 : i32
      %ne3A_514 = arith.cmpi ne, %rem3A_512, %ne3A_513 : i32
      %and3A_515 = arith.andi %ne3A_511, %ne3A_514 : i1
      %sub3A_516 = arith.constant 1 : i32
      %sub3A_517 = arith.subi %div3A_496, %sub3A_516 : i32
      %select_n3A_518 = arith.select %and3A_515, %sub3A_517, %div3A_496 : i32
      %jit3A_519 = arith.constant 16 : i32
      %eq3A = arith.constant 0 : i32
      %eq3A_520 = arith.cmpi eq, %jit3A_519, %eq3A : i32
      %jit3A_521 = arith.constant 1 : i32
      %select_n3A_522 = arith.select %eq3A_520, %jit3A_521, %jit3A_519 : i32
      %rem3A_523 = arith.remsi %add3A_492, %select_n3A_522 : i32
      %ne3A_524 = arith.constant 0 : i32
      %ne3A_525 = arith.cmpi ne, %rem3A_523, %ne3A_524 : i32
      %lt3A = arith.constant 0 : i32
      %lt3A_526 = arith.cmpi slt, %rem3A_523, %lt3A : i32
      %lt3A_527 = arith.constant 0 : i32
      %lt3A_528 = arith.cmpi slt, %select_n3A_522, %lt3A_527 : i32
      %ne3A_529 = arith.xori %lt3A_526, %lt3A_528 : i1
      %and3A_530 = arith.andi %ne3A_529, %ne3A_525 : i1
      %add3A_531 = arith.addi %rem3A_523, %select_n3A_522 : i32
      %select_n3A_532 = arith.select %and3A_530, %add3A_531, %rem3A_523 : i32
      %jit3A_533 = arith.constant 16 : i32
      %div3A_534 = arith.divsi %add3A_494, %jit3A_533 : i32
      %sign3A_535 = arith.constant 0 : i32
      %sign3A_536 = arith.cmpi sgt, %add3A_494, %sign3A_535 : i32
      %sign3A_537 = arith.extui %sign3A_536 : i1 to i32
      %sign3A_538 = arith.constant 0 : i32
      %sign3A_539 = arith.cmpi slt, %add3A_494, %sign3A_538 : i32
      %sign3A_540 = arith.extui %sign3A_539 : i1 to i32
      %sign3A_541 = arith.subi %sign3A_537, %sign3A_540 : i32
      %sign3A_542 = arith.constant 0 : i32
      %sign3A_543 = arith.cmpi sgt, %jit3A_533, %sign3A_542 : i32
      %sign3A_544 = arith.extui %sign3A_543 : i1 to i32
      %sign3A_545 = arith.constant 0 : i32
      %sign3A_546 = arith.cmpi slt, %jit3A_533, %sign3A_545 : i32
      %sign3A_547 = arith.extui %sign3A_546 : i1 to i32
      %sign3A_548 = arith.subi %sign3A_544, %sign3A_547 : i32
      %ne3A_549 = arith.cmpi ne, %sign3A_541, %sign3A_548 : i32
      %rem3A_550 = arith.remsi %add3A_494, %jit3A_533 : i32
      %ne3A_551 = arith.constant 0 : i32
      %ne3A_552 = arith.cmpi ne, %rem3A_550, %ne3A_551 : i32
      %and3A_553 = arith.andi %ne3A_549, %ne3A_552 : i1
      %sub3A_554 = arith.constant 1 : i32
      %sub3A_555 = arith.subi %div3A_534, %sub3A_554 : i32
      %select_n3A_556 = arith.select %and3A_553, %sub3A_555, %div3A_534 : i32
      %jit3A_557 = arith.constant 16 : i32
      %eq3A_558 = arith.constant 0 : i32
      %eq3A_559 = arith.cmpi eq, %jit3A_557, %eq3A_558 : i32
      %jit3A_560 = arith.constant 1 : i32
      %select_n3A_561 = arith.select %eq3A_559, %jit3A_560, %jit3A_557 : i32
      %rem3A_562 = arith.remsi %add3A_494, %select_n3A_561 : i32
      %ne3A_563 = arith.constant 0 : i32
      %ne3A_564 = arith.cmpi ne, %rem3A_562, %ne3A_563 : i32
      %lt3A_565 = arith.constant 0 : i32
      %lt3A_566 = arith.cmpi slt, %rem3A_562, %lt3A_565 : i32
      %lt3A_567 = arith.constant 0 : i32
      %lt3A_568 = arith.cmpi slt, %select_n3A_561, %lt3A_567 : i32
      %ne3A_569 = arith.xori %lt3A_566, %lt3A_568 : i1
      %and3A_570 = arith.andi %ne3A_569, %ne3A_564 : i1
      %add3A_571 = arith.addi %rem3A_562, %select_n3A_561 : i32
      %select_n3A_572 = arith.select %and3A_570, %add3A_571, %rem3A_562 : i32
      %dma_start3A_573 = arith.constant 0 : i32
      %dma_start3A_574 = arith.constant 0 : i32
      %dma_start3A_575 = tpu.memref_slice %arg2[%select_n3A_518, %select_n3A_532, %dma_start3A_573, %dma_start3A_574] : memref<64x16x8x4096xf32, #tpu.memory_space<hbm>> -> memref<1x1x8x4096xf32, #tpu.memory_space<hbm>>
      %dma_start3A_576 = tpu.memref_squeeze %dma_start3A_575 : memref<1x1x8x4096xf32, #tpu.memory_space<hbm>> -> memref<8x4096xf32, #tpu.memory_space<hbm>>
      %dma_start3A_577 = arith.constant 0 : i32
      %dma_start3A_578 = arith.constant 0 : i32
      %dma_start3A_579 = tpu.memref_slice %arg2[%select_n3A_518, %select_n3A_532, %dma_start3A_577, %dma_start3A_578] : memref<64x16x8x4096xf32, #tpu.memory_space<hbm>> -> memref<1x1x8x4096xf32, #tpu.memory_space<hbm>>
      %dma_start3A_580 = tpu.memref_squeeze %dma_start3A_579 : memref<1x1x8x4096xf32, #tpu.memory_space<hbm>> -> memref<8x4096xf32, #tpu.memory_space<hbm>>
      tpu.enqueue_dma source(%dma_start3A_580 : memref<8x4096xf32, #tpu.memory_space<hbm>>) target(%arg6 : memref<8x4096xf32, #tpu.memory_space<vmem>>) target_semaphore(%arg14 : memref<!tpu.dma_semaphore, #tpu.memory_space<semaphore_mem>>)
      %dma_start3A_581 = arith.constant 0 : i32
      %dma_start3A_582 = arith.constant 0 : i32
      %dma_start3A_583 = tpu.memref_slice %arg2[%select_n3A_556, %select_n3A_572, %dma_start3A_581, %dma_start3A_582] : memref<64x16x8x4096xf32, #tpu.memory_space<hbm>> -> memref<1x1x8x4096xf32, #tpu.memory_space<hbm>>
      %dma_start3A_584 = tpu.memref_squeeze %dma_start3A_583 : memref<1x1x8x4096xf32, #tpu.memory_space<hbm>> -> memref<8x4096xf32, #tpu.memory_space<hbm>>
      %dma_start3A_585 = arith.constant 0 : i32
      %dma_start3A_586 = arith.constant 0 : i32
      %dma_start3A_587 = tpu.memref_slice %arg2[%select_n3A_556, %select_n3A_572, %dma_start3A_585, %dma_start3A_586] : memref<64x16x8x4096xf32, #tpu.memory_space<hbm>> -> memref<1x1x8x4096xf32, #tpu.memory_space<hbm>>
      %dma_start3A_588 = tpu.memref_squeeze %dma_start3A_587 : memref<1x1x8x4096xf32, #tpu.memory_space<hbm>> -> memref<8x4096xf32, #tpu.memory_space<hbm>>
      tpu.enqueue_dma source(%dma_start3A_588 : memref<8x4096xf32, #tpu.memory_space<hbm>>) target(%arg7 : memref<8x4096xf32, #tpu.memory_space<vmem>>) target_semaphore(%arg16 : memref<!tpu.dma_semaphore, #tpu.memory_space<semaphore_mem>>)
      %dma_wait3A_589 = arith.constant 0 : i32
      %dma_wait3A_590 = arith.constant 0 : i32
      %dma_wait3A_591 = tpu.memref_slice %arg2[%select_n3A_518, %select_n3A_532, %dma_wait3A_589, %dma_wait3A_590] : memref<64x16x8x4096xf32, #tpu.memory_space<hbm>> -> memref<1x1x8x4096xf32, #tpu.memory_space<hbm>>
      %dma_wait3A_592 = tpu.memref_squeeze %dma_wait3A_591 : memref<1x1x8x4096xf32, #tpu.memory_space<hbm>> -> memref<8x4096xf32, #tpu.memory_space<hbm>>
      %dma_wait3A_593 = arith.constant 0 : i32
      %dma_wait3A_594 = arith.constant 0 : i32
      %dma_wait3A_595 = tpu.memref_slice %arg2[%select_n3A_518, %select_n3A_532, %dma_wait3A_593, %dma_wait3A_594] : memref<64x16x8x4096xf32, #tpu.memory_space<hbm>> -> memref<1x1x8x4096xf32, #tpu.memory_space<hbm>>
      %dma_wait3A_596 = tpu.memref_squeeze %dma_wait3A_595 : memref<1x1x8x4096xf32, #tpu.memory_space<hbm>> -> memref<8x4096xf32, #tpu.memory_space<hbm>>
      tpu.wait_dma2 semaphore(%arg14 : memref<!tpu.dma_semaphore, #tpu.memory_space<semaphore_mem>>) src(%dma_wait3A_596 : memref<8x4096xf32, #tpu.memory_space<hbm>>) dst(%arg6 : memref<8x4096xf32, #tpu.memory_space<vmem>>)
      %dma_wait3A_597 = arith.constant 0 : i32
      %dma_wait3A_598 = arith.constant 0 : i32
      %dma_wait3A_599 = tpu.memref_slice %arg2[%select_n3A_556, %select_n3A_572, %dma_wait3A_597, %dma_wait3A_598] : memref<64x16x8x4096xf32, #tpu.memory_space<hbm>> -> memref<1x1x8x4096xf32, #tpu.memory_space<hbm>>
      %dma_wait3A_600 = tpu.memref_squeeze %dma_wait3A_599 : memref<1x1x8x4096xf32, #tpu.memory_space<hbm>> -> memref<8x4096xf32, #tpu.memory_space<hbm>>
      %dma_wait3A_601 = arith.constant 0 : i32
      %dma_wait3A_602 = arith.constant 0 : i32
      %dma_wait3A_603 = tpu.memref_slice %arg2[%select_n3A_556, %select_n3A_572, %dma_wait3A_601, %dma_wait3A_602] : memref<64x16x8x4096xf32, #tpu.memory_space<hbm>> -> memref<1x1x8x4096xf32, #tpu.memory_space<hbm>>
      %dma_wait3A_604 = tpu.memref_squeeze %dma_wait3A_603 : memref<1x1x8x4096xf32, #tpu.memory_space<hbm>> -> memref<8x4096xf32, #tpu.memory_space<hbm>>
      tpu.wait_dma2 semaphore(%arg16 : memref<!tpu.dma_semaphore, #tpu.memory_space<semaphore_mem>>) src(%dma_wait3A_604 : memref<8x4096xf32, #tpu.memory_space<hbm>>) dst(%arg7 : memref<8x4096xf32, #tpu.memory_space<vmem>>)
      %mul3A_605 = arith.constant 65536 : i32
      %mul3A_606 = arith.muli %add3A_487, %mul3A_605 : i32
      %parallel_loop3A_607 = arith.constant 0 : i32
      %parallel_loop3A_608 = arith.constant 1 : i32
      scf.for %parallel_loop3A_642 = %parallel_loop3A_607 to %select_n3A_293 step %parallel_loop3A_608  : i32 {
        %parallel_loop3A_643 = arith.constant 16 : i32
        %parallel_loop3A_644 = arith.muli %parallel_loop3A_642, %parallel_loop3A_643 : i32
        %parallel_loop3A_645 = arith.addi %mul3A_266, %parallel_loop3A_644 : i32
        %parallel_loop3A_646 = vector.broadcast %parallel_loop3A_645 : i32 to vector<16xi32>
        %parallel_loop3A_647 = arith.addi %parallel_loop3A_646, %iota3A : vector<16xi32>
        %parallel_loop3A_648 = vector.broadcast %scan3A_294 : i32 to vector<16xi32>
        %parallel_loop3A_649 = arith.cmpi sge, %parallel_loop3A_647, %parallel_loop3A_648 : vector<16xi32>
        %parallel_loop3A_650 = vector.broadcast %add3A_166 : i32 to vector<16xi32>
        %parallel_loop3A_651 = arith.cmpi slt, %parallel_loop3A_647, %parallel_loop3A_650 : vector<16xi32>
        %parallel_loop3A_652 = arith.andi %parallel_loop3A_649, %parallel_loop3A_651 : vector<16xi1>
        %parallel_loop3A_653 = arith.index_cast %parallel_loop3A_645 : i32 to index
        %parallel_loop3A_654 = tpu.vector_load %arg8[%parallel_loop3A_653] {strides = array<i32>} : memref<22960xi32, #tpu.memory_space<vmem>>, vector<16xi32>,
        %parallel_loop3A_655 = arith.index_cast %parallel_loop3A_645 : i32 to index
        %parallel_loop3A_656 = tpu.vector_load %arg9[%parallel_loop3A_655] {strides = array<i32>} : memref<22960xf32, #tpu.memory_space<vmem>>, vector<16xf32>,
        %parallel_loop3A_657 = vector.broadcast %mul3A_606 : i32 to vector<16xi32>
        %parallel_loop3A_658 = arith.subi %parallel_loop3A_654, %parallel_loop3A_657 : vector<16xi32>
        %parallel_loop3A_659 = tpu.bitcast %parallel_loop3A_658 : vector<16xi32> -> vector<16xi32>
        %parallel_loop3A_660 = arith.constant 32768 : i32
        %parallel_loop3A_661 = vector.broadcast %parallel_loop3A_660 : i32 to vector<16xi32>
        %parallel_loop3A_662 = arith.cmpi ult, %parallel_loop3A_659, %parallel_loop3A_661 : vector<16xi32>
        %parallel_loop3A_663 = arith.andi %parallel_loop3A_652, %parallel_loop3A_662 : vector<16xi1>
        %parallel_loop3A_664 = arith.constant 65536 : i32
        %parallel_loop3A_665 = vector.broadcast %parallel_loop3A_664 : i32 to vector<16xi32>
        %parallel_loop3A_666 = arith.cmpi ult, %parallel_loop3A_659, %parallel_loop3A_665 : vector<16xi32>
        %parallel_loop3A_667 = arith.andi %parallel_loop3A_652, %parallel_loop3A_666 : vector<16xi1>
        %parallel_loop3A_668 = arith.xori %parallel_loop3A_667, %parallel_loop3A_663 : vector<16xi1>
        %parallel_loop3A_669 = arith.constant 12 : i32
        %parallel_loop3A_670 = vector.broadcast %parallel_loop3A_669 : i32 to vector<16xi32>
        %parallel_loop3A_671 = arith.shrui %parallel_loop3A_658, %parallel_loop3A_670 : vector<16xi32>
        %parallel_loop3A_672 = arith.constant 4095 : i32
        %parallel_loop3A_673 = vector.broadcast %parallel_loop3A_672 : i32 to vector<16xi32>
        %parallel_loop3A_674 = arith.andi %parallel_loop3A_658, %parallel_loop3A_673 : vector<16xi32>
        tpu.vector_store_idx %arg6[%parallel_loop3A_671, %parallel_loop3A_674], %parallel_loop3A_656 masked %parallel_loop3A_663 {add = true} : memref<8x4096xf32, #tpu.memory_space<vmem>>[vector<16xi32>, vector<16xi32>], vector<16xf32>, vector<16xi1>
        %parallel_loop3A_675 = arith.constant 8 : i32
        %parallel_loop3A_676 = vector.broadcast %parallel_loop3A_675 : i32 to vector<16xi32>
        %parallel_loop3A_677 = arith.subi %parallel_loop3A_671, %parallel_loop3A_676 : vector<16xi32>
        tpu.vector_store_idx %arg7[%parallel_loop3A_677, %parallel_loop3A_674], %parallel_loop3A_656 masked %parallel_loop3A_668 {add = true} : memref<8x4096xf32, #tpu.memory_space<vmem>>[vector<16xi32>, vector<16xi32>], vector<16xf32>, vector<16xi1>
      } {sc.loop_unroll_factor = 8 : i64, sc.parallel_access}
      %dma_start3A_609 = arith.constant 0 : i32
      %dma_start3A_610 = arith.constant 0 : i32
      %dma_start3A_611 = tpu.memref_slice %arg5[%select_n3A_518, %select_n3A_532, %dma_start3A_609, %dma_start3A_610] : memref<64x16x8x4096xf32, #tpu.memory_space<hbm>> -> memref<1x1x8x4096xf32, #tpu.memory_space<hbm>>
      %dma_start3A_612 = tpu.memref_squeeze %dma_start3A_611 : memref<1x1x8x4096xf32, #tpu.memory_space<hbm>> -> memref<8x4096xf32, #tpu.memory_space<hbm>>
      %dma_start3A_613 = arith.constant 0 : i32
      %dma_start3A_614 = arith.constant 0 : i32
      %dma_start3A_615 = tpu.memref_slice %arg5[%select_n3A_518, %select_n3A_532, %dma_start3A_613, %dma_start3A_614] : memref<64x16x8x4096xf32, #tpu.memory_space<hbm>> -> memref<1x1x8x4096xf32, #tpu.memory_space<hbm>>
      %dma_start3A_616 = tpu.memref_squeeze %dma_start3A_615 : memref<1x1x8x4096xf32, #tpu.memory_space<hbm>> -> memref<8x4096xf32, #tpu.memory_space<hbm>>
      tpu.enqueue_dma source(%arg6 : memref<8x4096xf32, #tpu.memory_space<vmem>>) target(%dma_start3A_616 : memref<8x4096xf32, #tpu.memory_space<hbm>>) target_semaphore(%arg15 : memref<!tpu.dma_semaphore, #tpu.memory_space<semaphore_mem>>)
      %dma_start3A_617 = arith.constant 0 : i32
      %dma_start3A_618 = arith.constant 0 : i32
      %dma_start3A_619 = tpu.memref_slice %arg5[%select_n3A_556, %select_n3A_572, %dma_start3A_617, %dma_start3A_618] : memref<64x16x8x4096xf32, #tpu.memory_space<hbm>> -> memref<1x1x8x4096xf32, #tpu.memory_space<hbm>>
      %dma_start3A_620 = tpu.memref_squeeze %dma_start3A_619 : memref<1x1x8x4096xf32, #tpu.memory_space<hbm>> -> memref<8x4096xf32, #tpu.memory_space<hbm>>
      %dma_start3A_621 = arith.constant 0 : i32
      %dma_start3A_622 = arith.constant 0 : i32
      %dma_start3A_623 = tpu.memref_slice %arg5[%select_n3A_556, %select_n3A_572, %dma_start3A_621, %dma_start3A_622] : memref<64x16x8x4096xf32, #tpu.memory_space<hbm>> -> memref<1x1x8x4096xf32, #tpu.memory_space<hbm>>
      %dma_start3A_624 = tpu.memref_squeeze %dma_start3A_623 : memref<1x1x8x4096xf32, #tpu.memory_space<hbm>> -> memref<8x4096xf32, #tpu.memory_space<hbm>>
      tpu.enqueue_dma source(%arg7 : memref<8x4096xf32, #tpu.memory_space<vmem>>) target(%dma_start3A_624 : memref<8x4096xf32, #tpu.memory_space<hbm>>) target_semaphore(%arg17 : memref<!tpu.dma_semaphore, #tpu.memory_space<semaphore_mem>>)
      %dma_wait3A_625 = arith.constant 0 : i32
      %dma_wait3A_626 = arith.constant 0 : i32
      %dma_wait3A_627 = tpu.memref_slice %arg5[%select_n3A_518, %select_n3A_532, %dma_wait3A_625, %dma_wait3A_626] : memref<64x16x8x4096xf32, #tpu.memory_space<hbm>> -> memref<1x1x8x4096xf32, #tpu.memory_space<hbm>>
      %dma_wait3A_628 = tpu.memref_squeeze %dma_wait3A_627 : memref<1x1x8x4096xf32, #tpu.memory_space<hbm>> -> memref<8x4096xf32, #tpu.memory_space<hbm>>
      %dma_wait3A_629 = arith.constant 0 : i32
      %dma_wait3A_630 = arith.constant 0 : i32
      %dma_wait3A_631 = tpu.memref_slice %arg5[%select_n3A_518, %select_n3A_532, %dma_wait3A_629, %dma_wait3A_630] : memref<64x16x8x4096xf32, #tpu.memory_space<hbm>> -> memref<1x1x8x4096xf32, #tpu.memory_space<hbm>>
      %dma_wait3A_632 = tpu.memref_squeeze %dma_wait3A_631 : memref<1x1x8x4096xf32, #tpu.memory_space<hbm>> -> memref<8x4096xf32, #tpu.memory_space<hbm>>
      tpu.wait_dma2 semaphore(%arg15 : memref<!tpu.dma_semaphore, #tpu.memory_space<semaphore_mem>>) src(%arg6 : memref<8x4096xf32, #tpu.memory_space<vmem>>) dst(%dma_wait3A_632 : memref<8x4096xf32, #tpu.memory_space<hbm>>)
      %dma_wait3A_633 = arith.constant 0 : i32
      %dma_wait3A_634 = arith.constant 0 : i32
      %dma_wait3A_635 = tpu.memref_slice %arg5[%select_n3A_556, %select_n3A_572, %dma_wait3A_633, %dma_wait3A_634] : memref<64x16x8x4096xf32, #tpu.memory_space<hbm>> -> memref<1x1x8x4096xf32, #tpu.memory_space<hbm>>
      %dma_wait3A_636 = tpu.memref_squeeze %dma_wait3A_635 : memref<1x1x8x4096xf32, #tpu.memory_space<hbm>> -> memref<8x4096xf32, #tpu.memory_space<hbm>>
      %dma_wait3A_637 = arith.constant 0 : i32
      %dma_wait3A_638 = arith.constant 0 : i32
      %dma_wait3A_639 = tpu.memref_slice %arg5[%select_n3A_556, %select_n3A_572, %dma_wait3A_637, %dma_wait3A_638] : memref<64x16x8x4096xf32, #tpu.memory_space<hbm>> -> memref<1x1x8x4096xf32, #tpu.memory_space<hbm>>
      %dma_wait3A_640 = tpu.memref_squeeze %dma_wait3A_639 : memref<1x1x8x4096xf32, #tpu.memory_space<hbm>> -> memref<8x4096xf32, #tpu.memory_space<hbm>>
      tpu.wait_dma2 semaphore(%arg17 : memref<!tpu.dma_semaphore, #tpu.memory_space<semaphore_mem>>) src(%arg7 : memref<8x4096xf32, #tpu.memory_space<vmem>>) dst(%dma_wait3A_640 : memref<8x4096xf32, #tpu.memory_space<hbm>>)
      %scan3A_641 = arith.constant 0 : i32
      scf.yield %scan3A_641 : i32
    }
    %scan3A_301 = arith.constant 4 : i32
    %jit3A_302 = arith.constant 16 : i32
    %div3A_303 = arith.divsi %squeeze3A_168, %jit3A_302 : i32
    %sign3A_304 = arith.constant 0 : i32
    %sign3A_305 = arith.cmpi sgt, %squeeze3A_168, %sign3A_304 : i32
    %sign3A_306 = arith.extui %sign3A_305 : i1 to i32
    %sign3A_307 = arith.constant 0 : i32
    %sign3A_308 = arith.cmpi slt, %squeeze3A_168, %sign3A_307 : i32
    %sign3A_309 = arith.extui %sign3A_308 : i1 to i32
    %sign3A_310 = arith.subi %sign3A_306, %sign3A_309 : i32
    %sign3A_311 = arith.constant 0 : i32
    %sign3A_312 = arith.cmpi sgt, %jit3A_302, %sign3A_311 : i32
    %sign3A_313 = arith.extui %sign3A_312 : i1 to i32
    %sign3A_314 = arith.constant 0 : i32
    %sign3A_315 = arith.cmpi slt, %jit3A_302, %sign3A_314 : i32
    %sign3A_316 = arith.extui %sign3A_315 : i1 to i32
    %sign3A_317 = arith.subi %sign3A_313, %sign3A_316 : i32
    %ne3A_318 = arith.cmpi ne, %sign3A_310, %sign3A_317 : i32
    %rem3A_319 = arith.remsi %squeeze3A_168, %jit3A_302 : i32
    %ne3A_320 = arith.constant 0 : i32
    %ne3A_321 = arith.cmpi ne, %rem3A_319, %ne3A_320 : i32
    %and3A_322 = arith.andi %ne3A_318, %ne3A_321 : i1
    %sub3A_323 = arith.constant 1 : i32
    %sub3A_324 = arith.subi %div3A_303, %sub3A_323 : i32
    %select_n3A_325 = arith.select %and3A_322, %sub3A_324, %div3A_303 : i32
    %mul3A_326 = arith.constant 16 : i32
    %mul3A_327 = arith.muli %select_n3A_325, %mul3A_326 : i32
    %sub3A_328 = arith.subi %mul3A_101, %mul3A_327 : i32
    %add3A_329 = arith.constant 15 : i32
    %add3A_330 = arith.addi %sub3A_328, %add3A_329 : i32
    %jit3A_331 = arith.constant 16 : i32
    %div3A_332 = arith.divsi %add3A_330, %jit3A_331 : i32
    %sign3A_333 = arith.constant 0 : i32
    %sign3A_334 = arith.cmpi sgt, %add3A_330, %sign3A_333 : i32
    %sign3A_335 = arith.extui %sign3A_334 : i1 to i32
    %sign3A_336 = arith.constant 0 : i32
    %sign3A_337 = arith.cmpi slt, %add3A_330, %sign3A_336 : i32
    %sign3A_338 = arith.extui %sign3A_337 : i1 to i32
    %sign3A_339 = arith.subi %sign3A_335, %sign3A_338 : i32
    %sign3A_340 = arith.constant 0 : i32
    %sign3A_341 = arith.cmpi sgt, %jit3A_331, %sign3A_340 : i32
    %sign3A_342 = arith.extui %sign3A_341 : i1 to i32
    %sign3A_343 = arith.constant 0 : i32
    %sign3A_344 = arith.cmpi slt, %jit3A_331, %sign3A_343 : i32
    %sign3A_345 = arith.extui %sign3A_344 : i1 to i32
    %sign3A_346 = arith.subi %sign3A_342, %sign3A_345 : i32
    %ne3A_347 = arith.cmpi ne, %sign3A_339, %sign3A_346 : i32
    %rem3A_348 = arith.remsi %add3A_330, %jit3A_331 : i32
    %ne3A_349 = arith.constant 0 : i32
    %ne3A_350 = arith.cmpi ne, %rem3A_348, %ne3A_349 : i32
    %and3A_351 = arith.andi %ne3A_347, %ne3A_350 : i1
    %sub3A_352 = arith.constant 1 : i32
    %sub3A_353 = arith.subi %div3A_332, %sub3A_352 : i32
    %select_n3A_354 = arith.select %and3A_351, %sub3A_353, %div3A_332 : i32
    %scan3A_355 = arith.constant 0 : i32
    %scan3A_356 = arith.constant 0 : i32
    %scan3A_357 = arith.constant 4 : i32
    %scan3A_358 = arith.addi %scan3A_356, %scan3A_357 : i32
    %scan3A_359 = arith.constant 1 : i32
    %scan3A_360 = scf.for %scan3A_484 = %scan3A_356 to %scan3A_358 step %scan3A_359 iter_args(%scan3A_485 = %scan3A_355) -> (i32)  : i32 {
      %add3A_486 = arith.constant 4 : i32
      %add3A_487 = arith.addi %add3A_486, %scan3A_484 : i32
      %mul3A_488 = arith.constant 32 : i32
      %mul3A_489 = arith.muli %add3A, %mul3A_488 : i32
      %mul3A_490 = arith.constant 2 : i32
      %mul3A_491 = arith.muli %mul3A_490, %add3A_487 : i32
      %add3A_492 = arith.addi %mul3A_489, %mul3A_491 : i32
      %add3A_493 = arith.constant 1 : i32
      %add3A_494 = arith.addi %add3A_492, %add3A_493 : i32
      %jit3A_495 = arith.constant 16 : i32
      %div3A_496 = arith.divsi %add3A_492, %jit3A_495 : i32
      %sign3A_497 = arith.constant 0 : i32
      %sign3A_498 = arith.cmpi sgt, %add3A_492, %sign3A_497 : i32
      %sign3A_499 = arith.extui %sign3A_498 : i1 to i32
      %sign3A_500 = arith.constant 0 : i32
      %sign3A_501 = arith.cmpi slt, %add3A_492, %sign3A_500 : i32
      %sign3A_502 = arith.extui %sign3A_501 : i1 to i32
      %sign3A_503 = arith.subi %sign3A_499, %sign3A_502 : i32
      %sign3A_504 = arith.constant 0 : i32
      %sign3A_505 = arith.cmpi sgt, %jit3A_495, %sign3A_504 : i32
      %sign3A_506 = arith.extui %sign3A_505 : i1 to i32
      %sign3A_507 = arith.constant 0 : i32
      %sign3A_508 = arith.cmpi slt, %jit3A_495, %sign3A_507 : i32
      %sign3A_509 = arith.extui %sign3A_508 : i1 to i32
      %sign3A_510 = arith.subi %sign3A_506, %sign3A_509 : i32
      %ne3A_511 = arith.cmpi ne, %sign3A_503, %sign3A_510 : i32
      %rem3A_512 = arith.remsi %add3A_492, %jit3A_495 : i32
      %ne3A_513 = arith.constant 0 : i32
      %ne3A_514 = arith.cmpi ne, %rem3A_512, %ne3A_513 : i32
      %and3A_515 = arith.andi %ne3A_511, %ne3A_514 : i1
      %sub3A_516 = arith.constant 1 : i32
      %sub3A_517 = arith.subi %div3A_496, %sub3A_516 : i32
      %select_n3A_518 = arith.select %and3A_515, %sub3A_517, %div3A_496 : i32
      %jit3A_519 = arith.constant 16 : i32
      %eq3A = arith.constant 0 : i32
      %eq3A_520 = arith.cmpi eq, %jit3A_519, %eq3A : i32
      %jit3A_521 = arith.constant 1 : i32
      %select_n3A_522 = arith.select %eq3A_520, %jit3A_521, %jit3A_519 : i32
      %rem3A_523 = arith.remsi %add3A_492, %select_n3A_522 : i32
      %ne3A_524 = arith.constant 0 : i32
      %ne3A_525 = arith.cmpi ne, %rem3A_523, %ne3A_524 : i32
      %lt3A = arith.constant 0 : i32
      %lt3A_526 = arith.cmpi slt, %rem3A_523, %lt3A : i32
      %lt3A_527 = arith.constant 0 : i32
      %lt3A_528 = arith.cmpi slt, %select_n3A_522, %lt3A_527 : i32
      %ne3A_529 = arith.xori %lt3A_526, %lt3A_528 : i1
      %and3A_530 = arith.andi %ne3A_529, %ne3A_525 : i1
      %add3A_531 = arith.addi %rem3A_523, %select_n3A_522 : i32
      %select_n3A_532 = arith.select %and3A_530, %add3A_531, %rem3A_523 : i32
      %jit3A_533 = arith.constant 16 : i32
      %div3A_534 = arith.divsi %add3A_494, %jit3A_533 : i32
      %sign3A_535 = arith.constant 0 : i32
      %sign3A_536 = arith.cmpi sgt, %add3A_494, %sign3A_535 : i32
      %sign3A_537 = arith.extui %sign3A_536 : i1 to i32
      %sign3A_538 = arith.constant 0 : i32
      %sign3A_539 = arith.cmpi slt, %add3A_494, %sign3A_538 : i32
      %sign3A_540 = arith.extui %sign3A_539 : i1 to i32
      %sign3A_541 = arith.subi %sign3A_537, %sign3A_540 : i32
      %sign3A_542 = arith.constant 0 : i32
      %sign3A_543 = arith.cmpi sgt, %jit3A_533, %sign3A_542 : i32
      %sign3A_544 = arith.extui %sign3A_543 : i1 to i32
      %sign3A_545 = arith.constant 0 : i32
      %sign3A_546 = arith.cmpi slt, %jit3A_533, %sign3A_545 : i32
      %sign3A_547 = arith.extui %sign3A_546 : i1 to i32
      %sign3A_548 = arith.subi %sign3A_544, %sign3A_547 : i32
      %ne3A_549 = arith.cmpi ne, %sign3A_541, %sign3A_548 : i32
      %rem3A_550 = arith.remsi %add3A_494, %jit3A_533 : i32
      %ne3A_551 = arith.constant 0 : i32
      %ne3A_552 = arith.cmpi ne, %rem3A_550, %ne3A_551 : i32
      %and3A_553 = arith.andi %ne3A_549, %ne3A_552 : i1
      %sub3A_554 = arith.constant 1 : i32
      %sub3A_555 = arith.subi %div3A_534, %sub3A_554 : i32
      %select_n3A_556 = arith.select %and3A_553, %sub3A_555, %div3A_534 : i32
      %jit3A_557 = arith.constant 16 : i32
      %eq3A_558 = arith.constant 0 : i32
      %eq3A_559 = arith.cmpi eq, %jit3A_557, %eq3A_558 : i32
      %jit3A_560 = arith.constant 1 : i32
      %select_n3A_561 = arith.select %eq3A_559, %jit3A_560, %jit3A_557 : i32
      %rem3A_562 = arith.remsi %add3A_494, %select_n3A_561 : i32
      %ne3A_563 = arith.constant 0 : i32
      %ne3A_564 = arith.cmpi ne, %rem3A_562, %ne3A_563 : i32
      %lt3A_565 = arith.constant 0 : i32
      %lt3A_566 = arith.cmpi slt, %rem3A_562, %lt3A_565 : i32
      %lt3A_567 = arith.constant 0 : i32
      %lt3A_568 = arith.cmpi slt, %select_n3A_561, %lt3A_567 : i32
      %ne3A_569 = arith.xori %lt3A_566, %lt3A_568 : i1
      %and3A_570 = arith.andi %ne3A_569, %ne3A_564 : i1
      %add3A_571 = arith.addi %rem3A_562, %select_n3A_561 : i32
      %select_n3A_572 = arith.select %and3A_570, %add3A_571, %rem3A_562 : i32
      %dma_start3A_573 = arith.constant 0 : i32
      %dma_start3A_574 = arith.constant 0 : i32
      %dma_start3A_575 = tpu.memref_slice %arg2[%select_n3A_518, %select_n3A_532, %dma_start3A_573, %dma_start3A_574] : memref<64x16x8x4096xf32, #tpu.memory_space<hbm>> -> memref<1x1x8x4096xf32, #tpu.memory_space<hbm>>
      %dma_start3A_576 = tpu.memref_squeeze %dma_start3A_575 : memref<1x1x8x4096xf32, #tpu.memory_space<hbm>> -> memref<8x4096xf32, #tpu.memory_space<hbm>>
      %dma_start3A_577 = arith.constant 0 : i32
      %dma_start3A_578 = arith.constant 0 : i32
      %dma_start3A_579 = tpu.memref_slice %arg2[%select_n3A_518, %select_n3A_532, %dma_start3A_577, %dma_start3A_578] : memref<64x16x8x4096xf32, #tpu.memory_space<hbm>> -> memref<1x1x8x4096xf32, #tpu.memory_space<hbm>>
      %dma_start3A_580 = tpu.memref_squeeze %dma_start3A_579 : memref<1x1x8x4096xf32, #tpu.memory_space<hbm>> -> memref<8x4096xf32, #tpu.memory_space<hbm>>
      tpu.enqueue_dma source(%dma_start3A_580 : memref<8x4096xf32, #tpu.memory_space<hbm>>) target(%arg6 : memref<8x4096xf32, #tpu.memory_space<vmem>>) target_semaphore(%arg14 : memref<!tpu.dma_semaphore, #tpu.memory_space<semaphore_mem>>)
      %dma_start3A_581 = arith.constant 0 : i32
      %dma_start3A_582 = arith.constant 0 : i32
      %dma_start3A_583 = tpu.memref_slice %arg2[%select_n3A_556, %select_n3A_572, %dma_start3A_581, %dma_start3A_582] : memref<64x16x8x4096xf32, #tpu.memory_space<hbm>> -> memref<1x1x8x4096xf32, #tpu.memory_space<hbm>>
      %dma_start3A_584 = tpu.memref_squeeze %dma_start3A_583 : memref<1x1x8x4096xf32, #tpu.memory_space<hbm>> -> memref<8x4096xf32, #tpu.memory_space<hbm>>
      %dma_start3A_585 = arith.constant 0 : i32
      %dma_start3A_586 = arith.constant 0 : i32
      %dma_start3A_587 = tpu.memref_slice %arg2[%select_n3A_556, %select_n3A_572, %dma_start3A_585, %dma_start3A_586] : memref<64x16x8x4096xf32, #tpu.memory_space<hbm>> -> memref<1x1x8x4096xf32, #tpu.memory_space<hbm>>
      %dma_start3A_588 = tpu.memref_squeeze %dma_start3A_587 : memref<1x1x8x4096xf32, #tpu.memory_space<hbm>> -> memref<8x4096xf32, #tpu.memory_space<hbm>>
      tpu.enqueue_dma source(%dma_start3A_588 : memref<8x4096xf32, #tpu.memory_space<hbm>>) target(%arg7 : memref<8x4096xf32, #tpu.memory_space<vmem>>) target_semaphore(%arg16 : memref<!tpu.dma_semaphore, #tpu.memory_space<semaphore_mem>>)
      %dma_wait3A_589 = arith.constant 0 : i32
      %dma_wait3A_590 = arith.constant 0 : i32
      %dma_wait3A_591 = tpu.memref_slice %arg2[%select_n3A_518, %select_n3A_532, %dma_wait3A_589, %dma_wait3A_590] : memref<64x16x8x4096xf32, #tpu.memory_space<hbm>> -> memref<1x1x8x4096xf32, #tpu.memory_space<hbm>>
      %dma_wait3A_592 = tpu.memref_squeeze %dma_wait3A_591 : memref<1x1x8x4096xf32, #tpu.memory_space<hbm>> -> memref<8x4096xf32, #tpu.memory_space<hbm>>
      %dma_wait3A_593 = arith.constant 0 : i32
      %dma_wait3A_594 = arith.constant 0 : i32
      %dma_wait3A_595 = tpu.memref_slice %arg2[%select_n3A_518, %select_n3A_532, %dma_wait3A_593, %dma_wait3A_594] : memref<64x16x8x4096xf32, #tpu.memory_space<hbm>> -> memref<1x1x8x4096xf32, #tpu.memory_space<hbm>>
      %dma_wait3A_596 = tpu.memref_squeeze %dma_wait3A_595 : memref<1x1x8x4096xf32, #tpu.memory_space<hbm>> -> memref<8x4096xf32, #tpu.memory_space<hbm>>
      tpu.wait_dma2 semaphore(%arg14 : memref<!tpu.dma_semaphore, #tpu.memory_space<semaphore_mem>>) src(%dma_wait3A_596 : memref<8x4096xf32, #tpu.memory_space<hbm>>) dst(%arg6 : memref<8x4096xf32, #tpu.memory_space<vmem>>)
      %dma_wait3A_597 = arith.constant 0 : i32
      %dma_wait3A_598 = arith.constant 0 : i32
      %dma_wait3A_599 = tpu.memref_slice %arg2[%select_n3A_556, %select_n3A_572, %dma_wait3A_597, %dma_wait3A_598] : memref<64x16x8x4096xf32, #tpu.memory_space<hbm>> -> memref<1x1x8x4096xf32, #tpu.memory_space<hbm>>
      %dma_wait3A_600 = tpu.memref_squeeze %dma_wait3A_599 : memref<1x1x8x4096xf32, #tpu.memory_space<hbm>> -> memref<8x4096xf32, #tpu.memory_space<hbm>>
      %dma_wait3A_601 = arith.constant 0 : i32
      %dma_wait3A_602 = arith.constant 0 : i32
      %dma_wait3A_603 = tpu.memref_slice %arg2[%select_n3A_556, %select_n3A_572, %dma_wait3A_601, %dma_wait3A_602] : memref<64x16x8x4096xf32, #tpu.memory_space<hbm>> -> memref<1x1x8x4096xf32, #tpu.memory_space<hbm>>
      %dma_wait3A_604 = tpu.memref_squeeze %dma_wait3A_603 : memref<1x1x8x4096xf32, #tpu.memory_space<hbm>> -> memref<8x4096xf32, #tpu.memory_space<hbm>>
      tpu.wait_dma2 semaphore(%arg16 : memref<!tpu.dma_semaphore, #tpu.memory_space<semaphore_mem>>) src(%dma_wait3A_604 : memref<8x4096xf32, #tpu.memory_space<hbm>>) dst(%arg7 : memref<8x4096xf32, #tpu.memory_space<vmem>>)
      %mul3A_605 = arith.constant 65536 : i32
      %mul3A_606 = arith.muli %add3A_487, %mul3A_605 : i32
      %parallel_loop3A_607 = arith.constant 0 : i32
      %parallel_loop3A_608 = arith.constant 1 : i32
      scf.for %parallel_loop3A_642 = %parallel_loop3A_607 to %select_n3A_354 step %parallel_loop3A_608  : i32 {
        %parallel_loop3A_643 = arith.constant 16 : i32
        %parallel_loop3A_644 = arith.muli %parallel_loop3A_642, %parallel_loop3A_643 : i32
        %parallel_loop3A_645 = arith.addi %mul3A_327, %parallel_loop3A_644 : i32
        %parallel_loop3A_646 = vector.broadcast %parallel_loop3A_645 : i32 to vector<16xi32>
        %parallel_loop3A_647 = arith.addi %parallel_loop3A_646, %iota3A : vector<16xi32>
        %parallel_loop3A_648 = vector.broadcast %squeeze3A_168 : i32 to vector<16xi32>
        %parallel_loop3A_649 = arith.cmpi sge, %parallel_loop3A_647, %parallel_loop3A_648 : vector<16xi32>
        %parallel_loop3A_650 = vector.broadcast %mul3A_101 : i32 to vector<16xi32>
        %parallel_loop3A_651 = arith.cmpi slt, %parallel_loop3A_647, %parallel_loop3A_650 : vector<16xi32>
        %parallel_loop3A_652 = arith.andi %parallel_loop3A_649, %parallel_loop3A_651 : vector<16xi1>
        %parallel_loop3A_653 = arith.index_cast %parallel_loop3A_645 : i32 to index
        %parallel_loop3A_654 = tpu.vector_load %arg8[%parallel_loop3A_653] {strides = array<i32>} : memref<22960xi32, #tpu.memory_space<vmem>>, vector<16xi32>,
        %parallel_loop3A_655 = arith.index_cast %parallel_loop3A_645 : i32 to index
        %parallel_loop3A_656 = tpu.vector_load %arg9[%parallel_loop3A_655] {strides = array<i32>} : memref<22960xf32, #tpu.memory_space<vmem>>, vector<16xf32>,
        %parallel_loop3A_657 = vector.broadcast %mul3A_606 : i32 to vector<16xi32>
        %parallel_loop3A_658 = arith.subi %parallel_loop3A_654, %parallel_loop3A_657 : vector<16xi32>
        %parallel_loop3A_659 = tpu.bitcast %parallel_loop3A_658 : vector<16xi32> -> vector<16xi32>
        %parallel_loop3A_660 = arith.constant 32768 : i32
        %parallel_loop3A_661 = vector.broadcast %parallel_loop3A_660 : i32 to vector<16xi32>
        %parallel_loop3A_662 = arith.cmpi ult, %parallel_loop3A_659, %parallel_loop3A_661 : vector<16xi32>
        %parallel_loop3A_663 = arith.andi %parallel_loop3A_652, %parallel_loop3A_662 : vector<16xi1>
        %parallel_loop3A_664 = arith.constant 65536 : i32
        %parallel_loop3A_665 = vector.broadcast %parallel_loop3A_664 : i32 to vector<16xi32>
        %parallel_loop3A_666 = arith.cmpi ult, %parallel_loop3A_659, %parallel_loop3A_665 : vector<16xi32>
        %parallel_loop3A_667 = arith.andi %parallel_loop3A_652, %parallel_loop3A_666 : vector<16xi1>
        %parallel_loop3A_668 = arith.xori %parallel_loop3A_667, %parallel_loop3A_663 : vector<16xi1>
        %parallel_loop3A_669 = arith.constant 12 : i32
        %parallel_loop3A_670 = vector.broadcast %parallel_loop3A_669 : i32 to vector<16xi32>
        %parallel_loop3A_671 = arith.shrui %parallel_loop3A_658, %parallel_loop3A_670 : vector<16xi32>
        %parallel_loop3A_672 = arith.constant 4095 : i32
        %parallel_loop3A_673 = vector.broadcast %parallel_loop3A_672 : i32 to vector<16xi32>
        %parallel_loop3A_674 = arith.andi %parallel_loop3A_658, %parallel_loop3A_673 : vector<16xi32>
        tpu.vector_store_idx %arg6[%parallel_loop3A_671, %parallel_loop3A_674], %parallel_loop3A_656 masked %parallel_loop3A_663 {add = true} : memref<8x4096xf32, #tpu.memory_space<vmem>>[vector<16xi32>, vector<16xi32>], vector<16xf32>, vector<16xi1>
        %parallel_loop3A_675 = arith.constant 8 : i32
        %parallel_loop3A_676 = vector.broadcast %parallel_loop3A_675 : i32 to vector<16xi32>
        %parallel_loop3A_677 = arith.subi %parallel_loop3A_671, %parallel_loop3A_676 : vector<16xi32>
        tpu.vector_store_idx %arg7[%parallel_loop3A_677, %parallel_loop3A_674], %parallel_loop3A_656 masked %parallel_loop3A_668 {add = true} : memref<8x4096xf32, #tpu.memory_space<vmem>>[vector<16xi32>, vector<16xi32>], vector<16xf32>, vector<16xi1>
      } {sc.loop_unroll_factor = 8 : i64, sc.parallel_access}
      %dma_start3A_609 = arith.constant 0 : i32
      %dma_start3A_610 = arith.constant 0 : i32
      %dma_start3A_611 = tpu.memref_slice %arg5[%select_n3A_518, %select_n3A_532, %dma_start3A_609, %dma_start3A_610] : memref<64x16x8x4096xf32, #tpu.memory_space<hbm>> -> memref<1x1x8x4096xf32, #tpu.memory_space<hbm>>
      %dma_start3A_612 = tpu.memref_squeeze %dma_start3A_611 : memref<1x1x8x4096xf32, #tpu.memory_space<hbm>> -> memref<8x4096xf32, #tpu.memory_space<hbm>>
      %dma_start3A_613 = arith.constant 0 : i32
      %dma_start3A_614 = arith.constant 0 : i32
      %dma_start3A_615 = tpu.memref_slice %arg5[%select_n3A_518, %select_n3A_532, %dma_start3A_613, %dma_start3A_614] : memref<64x16x8x4096xf32, #tpu.memory_space<hbm>> -> memref<1x1x8x4096xf32, #tpu.memory_space<hbm>>
      %dma_start3A_616 = tpu.memref_squeeze %dma_start3A_615 : memref<1x1x8x4096xf32, #tpu.memory_space<hbm>> -> memref<8x4096xf32, #tpu.memory_space<hbm>>
      tpu.enqueue_dma source(%arg6 : memref<8x4096xf32, #tpu.memory_space<vmem>>) target(%dma_start3A_616 : memref<8x4096xf32, #tpu.memory_space<hbm>>) target_semaphore(%arg15 : memref<!tpu.dma_semaphore, #tpu.memory_space<semaphore_mem>>)
      %dma_start3A_617 = arith.constant 0 : i32
      %dma_start3A_618 = arith.constant 0 : i32
      %dma_start3A_619 = tpu.memref_slice %arg5[%select_n3A_556, %select_n3A_572, %dma_start3A_617, %dma_start3A_618] : memref<64x16x8x4096xf32, #tpu.memory_space<hbm>> -> memref<1x1x8x4096xf32, #tpu.memory_space<hbm>>
      %dma_start3A_620 = tpu.memref_squeeze %dma_start3A_619 : memref<1x1x8x4096xf32, #tpu.memory_space<hbm>> -> memref<8x4096xf32, #tpu.memory_space<hbm>>
      %dma_start3A_621 = arith.constant 0 : i32
      %dma_start3A_622 = arith.constant 0 : i32
      %dma_start3A_623 = tpu.memref_slice %arg5[%select_n3A_556, %select_n3A_572, %dma_start3A_621, %dma_start3A_622] : memref<64x16x8x4096xf32, #tpu.memory_space<hbm>> -> memref<1x1x8x4096xf32, #tpu.memory_space<hbm>>
      %dma_start3A_624 = tpu.memref_squeeze %dma_start3A_623 : memref<1x1x8x4096xf32, #tpu.memory_space<hbm>> -> memref<8x4096xf32, #tpu.memory_space<hbm>>
      tpu.enqueue_dma source(%arg7 : memref<8x4096xf32, #tpu.memory_space<vmem>>) target(%dma_start3A_624 : memref<8x4096xf32, #tpu.memory_space<hbm>>) target_semaphore(%arg17 : memref<!tpu.dma_semaphore, #tpu.memory_space<semaphore_mem>>)
      %dma_wait3A_625 = arith.constant 0 : i32
      %dma_wait3A_626 = arith.constant 0 : i32
      %dma_wait3A_627 = tpu.memref_slice %arg5[%select_n3A_518, %select_n3A_532, %dma_wait3A_625, %dma_wait3A_626] : memref<64x16x8x4096xf32, #tpu.memory_space<hbm>> -> memref<1x1x8x4096xf32, #tpu.memory_space<hbm>>
      %dma_wait3A_628 = tpu.memref_squeeze %dma_wait3A_627 : memref<1x1x8x4096xf32, #tpu.memory_space<hbm>> -> memref<8x4096xf32, #tpu.memory_space<hbm>>
      %dma_wait3A_629 = arith.constant 0 : i32
      %dma_wait3A_630 = arith.constant 0 : i32
      %dma_wait3A_631 = tpu.memref_slice %arg5[%select_n3A_518, %select_n3A_532, %dma_wait3A_629, %dma_wait3A_630] : memref<64x16x8x4096xf32, #tpu.memory_space<hbm>> -> memref<1x1x8x4096xf32, #tpu.memory_space<hbm>>
      %dma_wait3A_632 = tpu.memref_squeeze %dma_wait3A_631 : memref<1x1x8x4096xf32, #tpu.memory_space<hbm>> -> memref<8x4096xf32, #tpu.memory_space<hbm>>
      tpu.wait_dma2 semaphore(%arg15 : memref<!tpu.dma_semaphore, #tpu.memory_space<semaphore_mem>>) src(%arg6 : memref<8x4096xf32, #tpu.memory_space<vmem>>) dst(%dma_wait3A_632 : memref<8x4096xf32, #tpu.memory_space<hbm>>)
      %dma_wait3A_633 = arith.constant 0 : i32
      %dma_wait3A_634 = arith.constant 0 : i32
      %dma_wait3A_635 = tpu.memref_slice %arg5[%select_n3A_556, %select_n3A_572, %dma_wait3A_633, %dma_wait3A_634] : memref<64x16x8x4096xf32, #tpu.memory_space<hbm>> -> memref<1x1x8x4096xf32, #tpu.memory_space<hbm>>
      %dma_wait3A_636 = tpu.memref_squeeze %dma_wait3A_635 : memref<1x1x8x4096xf32, #tpu.memory_space<hbm>> -> memref<8x4096xf32, #tpu.memory_space<hbm>>
      %dma_wait3A_637 = arith.constant 0 : i32
      %dma_wait3A_638 = arith.constant 0 : i32
      %dma_wait3A_639 = tpu.memref_slice %arg5[%select_n3A_556, %select_n3A_572, %dma_wait3A_637, %dma_wait3A_638] : memref<64x16x8x4096xf32, #tpu.memory_space<hbm>> -> memref<1x1x8x4096xf32, #tpu.memory_space<hbm>>
      %dma_wait3A_640 = tpu.memref_squeeze %dma_wait3A_639 : memref<1x1x8x4096xf32, #tpu.memory_space<hbm>> -> memref<8x4096xf32, #tpu.memory_space<hbm>>
      tpu.wait_dma2 semaphore(%arg17 : memref<!tpu.dma_semaphore, #tpu.memory_space<semaphore_mem>>) src(%arg7 : memref<8x4096xf32, #tpu.memory_space<vmem>>) dst(%dma_wait3A_640 : memref<8x4096xf32, #tpu.memory_space<hbm>>)
      %scan3A_641 = arith.constant 0 : i32
      scf.yield %scan3A_641 : i32
    }
    %scan3A_361 = arith.constant 4 : i32
    %jit3A_362 = arith.constant 16 : i32
    %div3A_363 = arith.divsi %mul3A_101, %jit3A_362 : i32
    %sign3A_364 = arith.constant 0 : i32
    %sign3A_365 = arith.cmpi sgt, %mul3A_101, %sign3A_364 : i32
    %sign3A_366 = arith.extui %sign3A_365 : i1 to i32
    %sign3A_367 = arith.constant 0 : i32
    %sign3A_368 = arith.cmpi slt, %mul3A_101, %sign3A_367 : i32
    %sign3A_369 = arith.extui %sign3A_368 : i1 to i32
    %sign3A_370 = arith.subi %sign3A_366, %sign3A_369 : i32
    %sign3A_371 = arith.constant 0 : i32
    %sign3A_372 = arith.cmpi sgt, %jit3A_362, %sign3A_371 : i32
    %sign3A_373 = arith.extui %sign3A_372 : i1 to i32
    %sign3A_374 = arith.constant 0 : i32
    %sign3A_375 = arith.cmpi slt, %jit3A_362, %sign3A_374 : i32
    %sign3A_376 = arith.extui %sign3A_375 : i1 to i32
    %sign3A_377 = arith.subi %sign3A_373, %sign3A_376 : i32
    %ne3A_378 = arith.cmpi ne, %sign3A_370, %sign3A_377 : i32
    %rem3A_379 = arith.remsi %mul3A_101, %jit3A_362 : i32
    %ne3A_380 = arith.constant 0 : i32
    %ne3A_381 = arith.cmpi ne, %rem3A_379, %ne3A_380 : i32
    %and3A_382 = arith.andi %ne3A_378, %ne3A_381 : i1
    %sub3A_383 = arith.constant 1 : i32
    %sub3A_384 = arith.subi %div3A_363, %sub3A_383 : i32
    %select_n3A_385 = arith.select %and3A_382, %sub3A_384, %div3A_363 : i32
    %mul3A_386 = arith.constant 16 : i32
    %mul3A_387 = arith.muli %select_n3A_385, %mul3A_386 : i32
    %sub3A_388 = arith.subi %add3A_239, %mul3A_387 : i32
    %add3A_389 = arith.constant 15 : i32
    %add3A_390 = arith.addi %sub3A_388, %add3A_389 : i32
    %jit3A_391 = arith.constant 16 : i32
    %div3A_392 = arith.divsi %add3A_390, %jit3A_391 : i32
    %sign3A_393 = arith.constant 0 : i32
    %sign3A_394 = arith.cmpi sgt, %add3A_390, %sign3A_393 : i32
    %sign3A_395 = arith.extui %sign3A_394 : i1 to i32
    %sign3A_396 = arith.constant 0 : i32
    %sign3A_397 = arith.cmpi slt, %add3A_390, %sign3A_396 : i32
    %sign3A_398 = arith.extui %sign3A_397 : i1 to i32
    %sign3A_399 = arith.subi %sign3A_395, %sign3A_398 : i32
    %sign3A_400 = arith.constant 0 : i32
    %sign3A_401 = arith.cmpi sgt, %jit3A_391, %sign3A_400 : i32
    %sign3A_402 = arith.extui %sign3A_401 : i1 to i32
    %sign3A_403 = arith.constant 0 : i32
    %sign3A_404 = arith.cmpi slt, %jit3A_391, %sign3A_403 : i32
    %sign3A_405 = arith.extui %sign3A_404 : i1 to i32
    %sign3A_406 = arith.subi %sign3A_402, %sign3A_405 : i32
    %ne3A_407 = arith.cmpi ne, %sign3A_399, %sign3A_406 : i32
    %rem3A_408 = arith.remsi %add3A_390, %jit3A_391 : i32
    %ne3A_409 = arith.constant 0 : i32
    %ne3A_410 = arith.cmpi ne, %rem3A_408, %ne3A_409 : i32
    %and3A_411 = arith.andi %ne3A_407, %ne3A_410 : i1
    %sub3A_412 = arith.constant 1 : i32
    %sub3A_413 = arith.subi %div3A_392, %sub3A_412 : i32
    %select_n3A_414 = arith.select %and3A_411, %sub3A_413, %div3A_392 : i32
    %scan3A_415 = arith.constant 0 : i32
    %scan3A_416 = arith.constant 0 : i32
    %scan3A_417 = arith.constant 4 : i32
    %scan3A_418 = arith.addi %scan3A_416, %scan3A_417 : i32
    %scan3A_419 = arith.constant 1 : i32
    %scan3A_420 = scf.for %scan3A_484 = %scan3A_416 to %scan3A_418 step %scan3A_419 iter_args(%scan3A_485 = %scan3A_415) -> (i32)  : i32 {
      %add3A_486 = arith.constant 8 : i32
      %add3A_487 = arith.addi %add3A_486, %scan3A_484 : i32
      %mul3A_488 = arith.constant 32 : i32
      %mul3A_489 = arith.muli %add3A, %mul3A_488 : i32
      %mul3A_490 = arith.constant 2 : i32
      %mul3A_491 = arith.muli %mul3A_490, %add3A_487 : i32
      %add3A_492 = arith.addi %mul3A_489, %mul3A_491 : i32
      %add3A_493 = arith.constant 1 : i32
      %add3A_494 = arith.addi %add3A_492, %add3A_493 : i32
      %jit3A_495 = arith.constant 16 : i32
      %div3A_496 = arith.divsi %add3A_492, %jit3A_495 : i32
      %sign3A_497 = arith.constant 0 : i32
      %sign3A_498 = arith.cmpi sgt, %add3A_492, %sign3A_497 : i32
      %sign3A_499 = arith.extui %sign3A_498 : i1 to i32
      %sign3A_500 = arith.constant 0 : i32
      %sign3A_501 = arith.cmpi slt, %add3A_492, %sign3A_500 : i32
      %sign3A_502 = arith.extui %sign3A_501 : i1 to i32
      %sign3A_503 = arith.subi %sign3A_499, %sign3A_502 : i32
      %sign3A_504 = arith.constant 0 : i32
      %sign3A_505 = arith.cmpi sgt, %jit3A_495, %sign3A_504 : i32
      %sign3A_506 = arith.extui %sign3A_505 : i1 to i32
      %sign3A_507 = arith.constant 0 : i32
      %sign3A_508 = arith.cmpi slt, %jit3A_495, %sign3A_507 : i32
      %sign3A_509 = arith.extui %sign3A_508 : i1 to i32
      %sign3A_510 = arith.subi %sign3A_506, %sign3A_509 : i32
      %ne3A_511 = arith.cmpi ne, %sign3A_503, %sign3A_510 : i32
      %rem3A_512 = arith.remsi %add3A_492, %jit3A_495 : i32
      %ne3A_513 = arith.constant 0 : i32
      %ne3A_514 = arith.cmpi ne, %rem3A_512, %ne3A_513 : i32
      %and3A_515 = arith.andi %ne3A_511, %ne3A_514 : i1
      %sub3A_516 = arith.constant 1 : i32
      %sub3A_517 = arith.subi %div3A_496, %sub3A_516 : i32
      %select_n3A_518 = arith.select %and3A_515, %sub3A_517, %div3A_496 : i32
      %jit3A_519 = arith.constant 16 : i32
      %eq3A = arith.constant 0 : i32
      %eq3A_520 = arith.cmpi eq, %jit3A_519, %eq3A : i32
      %jit3A_521 = arith.constant 1 : i32
      %select_n3A_522 = arith.select %eq3A_520, %jit3A_521, %jit3A_519 : i32
      %rem3A_523 = arith.remsi %add3A_492, %select_n3A_522 : i32
      %ne3A_524 = arith.constant 0 : i32
      %ne3A_525 = arith.cmpi ne, %rem3A_523, %ne3A_524 : i32
      %lt3A = arith.constant 0 : i32
      %lt3A_526 = arith.cmpi slt, %rem3A_523, %lt3A : i32
      %lt3A_527 = arith.constant 0 : i32
      %lt3A_528 = arith.cmpi slt, %select_n3A_522, %lt3A_527 : i32
      %ne3A_529 = arith.xori %lt3A_526, %lt3A_528 : i1
      %and3A_530 = arith.andi %ne3A_529, %ne3A_525 : i1
      %add3A_531 = arith.addi %rem3A_523, %select_n3A_522 : i32
      %select_n3A_532 = arith.select %and3A_530, %add3A_531, %rem3A_523 : i32
      %jit3A_533 = arith.constant 16 : i32
      %div3A_534 = arith.divsi %add3A_494, %jit3A_533 : i32
      %sign3A_535 = arith.constant 0 : i32
      %sign3A_536 = arith.cmpi sgt, %add3A_494, %sign3A_535 : i32
      %sign3A_537 = arith.extui %sign3A_536 : i1 to i32
      %sign3A_538 = arith.constant 0 : i32
      %sign3A_539 = arith.cmpi slt, %add3A_494, %sign3A_538 : i32
      %sign3A_540 = arith.extui %sign3A_539 : i1 to i32
      %sign3A_541 = arith.subi %sign3A_537, %sign3A_540 : i32
      %sign3A_542 = arith.constant 0 : i32
      %sign3A_543 = arith.cmpi sgt, %jit3A_533, %sign3A_542 : i32
      %sign3A_544 = arith.extui %sign3A_543 : i1 to i32
      %sign3A_545 = arith.constant 0 : i32
      %sign3A_546 = arith.cmpi slt, %jit3A_533, %sign3A_545 : i32
      %sign3A_547 = arith.extui %sign3A_546 : i1 to i32
      %sign3A_548 = arith.subi %sign3A_544, %sign3A_547 : i32
      %ne3A_549 = arith.cmpi ne, %sign3A_541, %sign3A_548 : i32
      %rem3A_550 = arith.remsi %add3A_494, %jit3A_533 : i32
      %ne3A_551 = arith.constant 0 : i32
      %ne3A_552 = arith.cmpi ne, %rem3A_550, %ne3A_551 : i32
      %and3A_553 = arith.andi %ne3A_549, %ne3A_552 : i1
      %sub3A_554 = arith.constant 1 : i32
      %sub3A_555 = arith.subi %div3A_534, %sub3A_554 : i32
      %select_n3A_556 = arith.select %and3A_553, %sub3A_555, %div3A_534 : i32
      %jit3A_557 = arith.constant 16 : i32
      %eq3A_558 = arith.constant 0 : i32
      %eq3A_559 = arith.cmpi eq, %jit3A_557, %eq3A_558 : i32
      %jit3A_560 = arith.constant 1 : i32
      %select_n3A_561 = arith.select %eq3A_559, %jit3A_560, %jit3A_557 : i32
      %rem3A_562 = arith.remsi %add3A_494, %select_n3A_561 : i32
      %ne3A_563 = arith.constant 0 : i32
      %ne3A_564 = arith.cmpi ne, %rem3A_562, %ne3A_563 : i32
      %lt3A_565 = arith.constant 0 : i32
      %lt3A_566 = arith.cmpi slt, %rem3A_562, %lt3A_565 : i32
      %lt3A_567 = arith.constant 0 : i32
      %lt3A_568 = arith.cmpi slt, %select_n3A_561, %lt3A_567 : i32
      %ne3A_569 = arith.xori %lt3A_566, %lt3A_568 : i1
      %and3A_570 = arith.andi %ne3A_569, %ne3A_564 : i1
      %add3A_571 = arith.addi %rem3A_562, %select_n3A_561 : i32
      %select_n3A_572 = arith.select %and3A_570, %add3A_571, %rem3A_562 : i32
      %dma_start3A_573 = arith.constant 0 : i32
      %dma_start3A_574 = arith.constant 0 : i32
      %dma_start3A_575 = tpu.memref_slice %arg2[%select_n3A_518, %select_n3A_532, %dma_start3A_573, %dma_start3A_574] : memref<64x16x8x4096xf32, #tpu.memory_space<hbm>> -> memref<1x1x8x4096xf32, #tpu.memory_space<hbm>>
      %dma_start3A_576 = tpu.memref_squeeze %dma_start3A_575 : memref<1x1x8x4096xf32, #tpu.memory_space<hbm>> -> memref<8x4096xf32, #tpu.memory_space<hbm>>
      %dma_start3A_577 = arith.constant 0 : i32
      %dma_start3A_578 = arith.constant 0 : i32
      %dma_start3A_579 = tpu.memref_slice %arg2[%select_n3A_518, %select_n3A_532, %dma_start3A_577, %dma_start3A_578] : memref<64x16x8x4096xf32, #tpu.memory_space<hbm>> -> memref<1x1x8x4096xf32, #tpu.memory_space<hbm>>
      %dma_start3A_580 = tpu.memref_squeeze %dma_start3A_579 : memref<1x1x8x4096xf32, #tpu.memory_space<hbm>> -> memref<8x4096xf32, #tpu.memory_space<hbm>>
      tpu.enqueue_dma source(%dma_start3A_580 : memref<8x4096xf32, #tpu.memory_space<hbm>>) target(%arg6 : memref<8x4096xf32, #tpu.memory_space<vmem>>) target_semaphore(%arg14 : memref<!tpu.dma_semaphore, #tpu.memory_space<semaphore_mem>>)
      %dma_start3A_581 = arith.constant 0 : i32
      %dma_start3A_582 = arith.constant 0 : i32
      %dma_start3A_583 = tpu.memref_slice %arg2[%select_n3A_556, %select_n3A_572, %dma_start3A_581, %dma_start3A_582] : memref<64x16x8x4096xf32, #tpu.memory_space<hbm>> -> memref<1x1x8x4096xf32, #tpu.memory_space<hbm>>
      %dma_start3A_584 = tpu.memref_squeeze %dma_start3A_583 : memref<1x1x8x4096xf32, #tpu.memory_space<hbm>> -> memref<8x4096xf32, #tpu.memory_space<hbm>>
      %dma_start3A_585 = arith.constant 0 : i32
      %dma_start3A_586 = arith.constant 0 : i32
      %dma_start3A_587 = tpu.memref_slice %arg2[%select_n3A_556, %select_n3A_572, %dma_start3A_585, %dma_start3A_586] : memref<64x16x8x4096xf32, #tpu.memory_space<hbm>> -> memref<1x1x8x4096xf32, #tpu.memory_space<hbm>>
      %dma_start3A_588 = tpu.memref_squeeze %dma_start3A_587 : memref<1x1x8x4096xf32, #tpu.memory_space<hbm>> -> memref<8x4096xf32, #tpu.memory_space<hbm>>
      tpu.enqueue_dma source(%dma_start3A_588 : memref<8x4096xf32, #tpu.memory_space<hbm>>) target(%arg7 : memref<8x4096xf32, #tpu.memory_space<vmem>>) target_semaphore(%arg16 : memref<!tpu.dma_semaphore, #tpu.memory_space<semaphore_mem>>)
      %dma_wait3A_589 = arith.constant 0 : i32
      %dma_wait3A_590 = arith.constant 0 : i32
      %dma_wait3A_591 = tpu.memref_slice %arg2[%select_n3A_518, %select_n3A_532, %dma_wait3A_589, %dma_wait3A_590] : memref<64x16x8x4096xf32, #tpu.memory_space<hbm>> -> memref<1x1x8x4096xf32, #tpu.memory_space<hbm>>
      %dma_wait3A_592 = tpu.memref_squeeze %dma_wait3A_591 : memref<1x1x8x4096xf32, #tpu.memory_space<hbm>> -> memref<8x4096xf32, #tpu.memory_space<hbm>>
      %dma_wait3A_593 = arith.constant 0 : i32
      %dma_wait3A_594 = arith.constant 0 : i32
      %dma_wait3A_595 = tpu.memref_slice %arg2[%select_n3A_518, %select_n3A_532, %dma_wait3A_593, %dma_wait3A_594] : memref<64x16x8x4096xf32, #tpu.memory_space<hbm>> -> memref<1x1x8x4096xf32, #tpu.memory_space<hbm>>
      %dma_wait3A_596 = tpu.memref_squeeze %dma_wait3A_595 : memref<1x1x8x4096xf32, #tpu.memory_space<hbm>> -> memref<8x4096xf32, #tpu.memory_space<hbm>>
      tpu.wait_dma2 semaphore(%arg14 : memref<!tpu.dma_semaphore, #tpu.memory_space<semaphore_mem>>) src(%dma_wait3A_596 : memref<8x4096xf32, #tpu.memory_space<hbm>>) dst(%arg6 : memref<8x4096xf32, #tpu.memory_space<vmem>>)
      %dma_wait3A_597 = arith.constant 0 : i32
      %dma_wait3A_598 = arith.constant 0 : i32
      %dma_wait3A_599 = tpu.memref_slice %arg2[%select_n3A_556, %select_n3A_572, %dma_wait3A_597, %dma_wait3A_598] : memref<64x16x8x4096xf32, #tpu.memory_space<hbm>> -> memref<1x1x8x4096xf32, #tpu.memory_space<hbm>>
      %dma_wait3A_600 = tpu.memref_squeeze %dma_wait3A_599 : memref<1x1x8x4096xf32, #tpu.memory_space<hbm>> -> memref<8x4096xf32, #tpu.memory_space<hbm>>
      %dma_wait3A_601 = arith.constant 0 : i32
      %dma_wait3A_602 = arith.constant 0 : i32
      %dma_wait3A_603 = tpu.memref_slice %arg2[%select_n3A_556, %select_n3A_572, %dma_wait3A_601, %dma_wait3A_602] : memref<64x16x8x4096xf32, #tpu.memory_space<hbm>> -> memref<1x1x8x4096xf32, #tpu.memory_space<hbm>>
      %dma_wait3A_604 = tpu.memref_squeeze %dma_wait3A_603 : memref<1x1x8x4096xf32, #tpu.memory_space<hbm>> -> memref<8x4096xf32, #tpu.memory_space<hbm>>
      tpu.wait_dma2 semaphore(%arg16 : memref<!tpu.dma_semaphore, #tpu.memory_space<semaphore_mem>>) src(%dma_wait3A_604 : memref<8x4096xf32, #tpu.memory_space<hbm>>) dst(%arg7 : memref<8x4096xf32, #tpu.memory_space<vmem>>)
      %mul3A_605 = arith.constant 65536 : i32
      %mul3A_606 = arith.muli %add3A_487, %mul3A_605 : i32
      %parallel_loop3A_607 = arith.constant 0 : i32
      %parallel_loop3A_608 = arith.constant 1 : i32
      scf.for %parallel_loop3A_642 = %parallel_loop3A_607 to %select_n3A_414 step %parallel_loop3A_608  : i32 {
        %parallel_loop3A_643 = arith.constant 16 : i32
        %parallel_loop3A_644 = arith.muli %parallel_loop3A_642, %parallel_loop3A_643 : i32
        %parallel_loop3A_645 = arith.addi %mul3A_387, %parallel_loop3A_644 : i32
        %parallel_loop3A_646 = vector.broadcast %parallel_loop3A_645 : i32 to vector<16xi32>
        %parallel_loop3A_647 = arith.addi %parallel_loop3A_646, %iota3A : vector<16xi32>
        %parallel_loop3A_648 = vector.broadcast %mul3A_101 : i32 to vector<16xi32>
        %parallel_loop3A_649 = arith.cmpi sge, %parallel_loop3A_647, %parallel_loop3A_648 : vector<16xi32>
        %parallel_loop3A_650 = vector.broadcast %add3A_239 : i32 to vector<16xi32>
        %parallel_loop3A_651 = arith.cmpi slt, %parallel_loop3A_647, %parallel_loop3A_650 : vector<16xi32>
        %parallel_loop3A_652 = arith.andi %parallel_loop3A_649, %parallel_loop3A_651 : vector<16xi1>
        %parallel_loop3A_653 = arith.index_cast %parallel_loop3A_645 : i32 to index
        %parallel_loop3A_654 = tpu.vector_load %arg8[%parallel_loop3A_653] {strides = array<i32>} : memref<22960xi32, #tpu.memory_space<vmem>>, vector<16xi32>,
        %parallel_loop3A_655 = arith.index_cast %parallel_loop3A_645 : i32 to index
        %parallel_loop3A_656 = tpu.vector_load %arg9[%parallel_loop3A_655] {strides = array<i32>} : memref<22960xf32, #tpu.memory_space<vmem>>, vector<16xf32>,
        %parallel_loop3A_657 = vector.broadcast %mul3A_606 : i32 to vector<16xi32>
        %parallel_loop3A_658 = arith.subi %parallel_loop3A_654, %parallel_loop3A_657 : vector<16xi32>
        %parallel_loop3A_659 = tpu.bitcast %parallel_loop3A_658 : vector<16xi32> -> vector<16xi32>
        %parallel_loop3A_660 = arith.constant 32768 : i32
        %parallel_loop3A_661 = vector.broadcast %parallel_loop3A_660 : i32 to vector<16xi32>
        %parallel_loop3A_662 = arith.cmpi ult, %parallel_loop3A_659, %parallel_loop3A_661 : vector<16xi32>
        %parallel_loop3A_663 = arith.andi %parallel_loop3A_652, %parallel_loop3A_662 : vector<16xi1>
        %parallel_loop3A_664 = arith.constant 65536 : i32
        %parallel_loop3A_665 = vector.broadcast %parallel_loop3A_664 : i32 to vector<16xi32>
        %parallel_loop3A_666 = arith.cmpi ult, %parallel_loop3A_659, %parallel_loop3A_665 : vector<16xi32>
        %parallel_loop3A_667 = arith.andi %parallel_loop3A_652, %parallel_loop3A_666 : vector<16xi1>
        %parallel_loop3A_668 = arith.xori %parallel_loop3A_667, %parallel_loop3A_663 : vector<16xi1>
        %parallel_loop3A_669 = arith.constant 12 : i32
        %parallel_loop3A_670 = vector.broadcast %parallel_loop3A_669 : i32 to vector<16xi32>
        %parallel_loop3A_671 = arith.shrui %parallel_loop3A_658, %parallel_loop3A_670 : vector<16xi32>
        %parallel_loop3A_672 = arith.constant 4095 : i32
        %parallel_loop3A_673 = vector.broadcast %parallel_loop3A_672 : i32 to vector<16xi32>
        %parallel_loop3A_674 = arith.andi %parallel_loop3A_658, %parallel_loop3A_673 : vector<16xi32>
        tpu.vector_store_idx %arg6[%parallel_loop3A_671, %parallel_loop3A_674], %parallel_loop3A_656 masked %parallel_loop3A_663 {add = true} : memref<8x4096xf32, #tpu.memory_space<vmem>>[vector<16xi32>, vector<16xi32>], vector<16xf32>, vector<16xi1>
        %parallel_loop3A_675 = arith.constant 8 : i32
        %parallel_loop3A_676 = vector.broadcast %parallel_loop3A_675 : i32 to vector<16xi32>
        %parallel_loop3A_677 = arith.subi %parallel_loop3A_671, %parallel_loop3A_676 : vector<16xi32>
        tpu.vector_store_idx %arg7[%parallel_loop3A_677, %parallel_loop3A_674], %parallel_loop3A_656 masked %parallel_loop3A_668 {add = true} : memref<8x4096xf32, #tpu.memory_space<vmem>>[vector<16xi32>, vector<16xi32>], vector<16xf32>, vector<16xi1>
      } {sc.loop_unroll_factor = 8 : i64, sc.parallel_access}
      %dma_start3A_609 = arith.constant 0 : i32
      %dma_start3A_610 = arith.constant 0 : i32
      %dma_start3A_611 = tpu.memref_slice %arg5[%select_n3A_518, %select_n3A_532, %dma_start3A_609, %dma_start3A_610] : memref<64x16x8x4096xf32, #tpu.memory_space<hbm>> -> memref<1x1x8x4096xf32, #tpu.memory_space<hbm>>
      %dma_start3A_612 = tpu.memref_squeeze %dma_start3A_611 : memref<1x1x8x4096xf32, #tpu.memory_space<hbm>> -> memref<8x4096xf32, #tpu.memory_space<hbm>>
      %dma_start3A_613 = arith.constant 0 : i32
      %dma_start3A_614 = arith.constant 0 : i32
      %dma_start3A_615 = tpu.memref_slice %arg5[%select_n3A_518, %select_n3A_532, %dma_start3A_613, %dma_start3A_614] : memref<64x16x8x4096xf32, #tpu.memory_space<hbm>> -> memref<1x1x8x4096xf32, #tpu.memory_space<hbm>>
      %dma_start3A_616 = tpu.memref_squeeze %dma_start3A_615 : memref<1x1x8x4096xf32, #tpu.memory_space<hbm>> -> memref<8x4096xf32, #tpu.memory_space<hbm>>
      tpu.enqueue_dma source(%arg6 : memref<8x4096xf32, #tpu.memory_space<vmem>>) target(%dma_start3A_616 : memref<8x4096xf32, #tpu.memory_space<hbm>>) target_semaphore(%arg15 : memref<!tpu.dma_semaphore, #tpu.memory_space<semaphore_mem>>)
      %dma_start3A_617 = arith.constant 0 : i32
      %dma_start3A_618 = arith.constant 0 : i32
      %dma_start3A_619 = tpu.memref_slice %arg5[%select_n3A_556, %select_n3A_572, %dma_start3A_617, %dma_start3A_618] : memref<64x16x8x4096xf32, #tpu.memory_space<hbm>> -> memref<1x1x8x4096xf32, #tpu.memory_space<hbm>>
      %dma_start3A_620 = tpu.memref_squeeze %dma_start3A_619 : memref<1x1x8x4096xf32, #tpu.memory_space<hbm>> -> memref<8x4096xf32, #tpu.memory_space<hbm>>
      %dma_start3A_621 = arith.constant 0 : i32
      %dma_start3A_622 = arith.constant 0 : i32
      %dma_start3A_623 = tpu.memref_slice %arg5[%select_n3A_556, %select_n3A_572, %dma_start3A_621, %dma_start3A_622] : memref<64x16x8x4096xf32, #tpu.memory_space<hbm>> -> memref<1x1x8x4096xf32, #tpu.memory_space<hbm>>
      %dma_start3A_624 = tpu.memref_squeeze %dma_start3A_623 : memref<1x1x8x4096xf32, #tpu.memory_space<hbm>> -> memref<8x4096xf32, #tpu.memory_space<hbm>>
      tpu.enqueue_dma source(%arg7 : memref<8x4096xf32, #tpu.memory_space<vmem>>) target(%dma_start3A_624 : memref<8x4096xf32, #tpu.memory_space<hbm>>) target_semaphore(%arg17 : memref<!tpu.dma_semaphore, #tpu.memory_space<semaphore_mem>>)
      %dma_wait3A_625 = arith.constant 0 : i32
      %dma_wait3A_626 = arith.constant 0 : i32
      %dma_wait3A_627 = tpu.memref_slice %arg5[%select_n3A_518, %select_n3A_532, %dma_wait3A_625, %dma_wait3A_626] : memref<64x16x8x4096xf32, #tpu.memory_space<hbm>> -> memref<1x1x8x4096xf32, #tpu.memory_space<hbm>>
      %dma_wait3A_628 = tpu.memref_squeeze %dma_wait3A_627 : memref<1x1x8x4096xf32, #tpu.memory_space<hbm>> -> memref<8x4096xf32, #tpu.memory_space<hbm>>
      %dma_wait3A_629 = arith.constant 0 : i32
      %dma_wait3A_630 = arith.constant 0 : i32
      %dma_wait3A_631 = tpu.memref_slice %arg5[%select_n3A_518, %select_n3A_532, %dma_wait3A_629, %dma_wait3A_630] : memref<64x16x8x4096xf32, #tpu.memory_space<hbm>> -> memref<1x1x8x4096xf32, #tpu.memory_space<hbm>>
      %dma_wait3A_632 = tpu.memref_squeeze %dma_wait3A_631 : memref<1x1x8x4096xf32, #tpu.memory_space<hbm>> -> memref<8x4096xf32, #tpu.memory_space<hbm>>
      tpu.wait_dma2 semaphore(%arg15 : memref<!tpu.dma_semaphore, #tpu.memory_space<semaphore_mem>>) src(%arg6 : memref<8x4096xf32, #tpu.memory_space<vmem>>) dst(%dma_wait3A_632 : memref<8x4096xf32, #tpu.memory_space<hbm>>)
      %dma_wait3A_633 = arith.constant 0 : i32
      %dma_wait3A_634 = arith.constant 0 : i32
      %dma_wait3A_635 = tpu.memref_slice %arg5[%select_n3A_556, %select_n3A_572, %dma_wait3A_633, %dma_wait3A_634] : memref<64x16x8x4096xf32, #tpu.memory_space<hbm>> -> memref<1x1x8x4096xf32, #tpu.memory_space<hbm>>
      %dma_wait3A_636 = tpu.memref_squeeze %dma_wait3A_635 : memref<1x1x8x4096xf32, #tpu.memory_space<hbm>> -> memref<8x4096xf32, #tpu.memory_space<hbm>>
      %dma_wait3A_637 = arith.constant 0 : i32
      %dma_wait3A_638 = arith.constant 0 : i32
      %dma_wait3A_639 = tpu.memref_slice %arg5[%select_n3A_556, %select_n3A_572, %dma_wait3A_637, %dma_wait3A_638] : memref<64x16x8x4096xf32, #tpu.memory_space<hbm>> -> memref<1x1x8x4096xf32, #tpu.memory_space<hbm>>
      %dma_wait3A_640 = tpu.memref_squeeze %dma_wait3A_639 : memref<1x1x8x4096xf32, #tpu.memory_space<hbm>> -> memref<8x4096xf32, #tpu.memory_space<hbm>>
      tpu.wait_dma2 semaphore(%arg17 : memref<!tpu.dma_semaphore, #tpu.memory_space<semaphore_mem>>) src(%arg7 : memref<8x4096xf32, #tpu.memory_space<vmem>>) dst(%dma_wait3A_640 : memref<8x4096xf32, #tpu.memory_space<hbm>>)
      %scan3A_641 = arith.constant 0 : i32
      scf.yield %scan3A_641 : i32
    }
    %scan3A_421 = arith.constant 4 : i32
    %jit3A_422 = arith.constant 16 : i32
    %div3A_423 = arith.divsi %squeeze3A_238, %jit3A_422 : i32
    %sign3A_424 = arith.constant 0 : i32
    %sign3A_425 = arith.cmpi sgt, %squeeze3A_238, %sign3A_424 : i32
    %sign3A_426 = arith.extui %sign3A_425 : i1 to i32
    %sign3A_427 = arith.constant 0 : i32
    %sign3A_428 = arith.cmpi slt, %squeeze3A_238, %sign3A_427 : i32
    %sign3A_429 = arith.extui %sign3A_428 : i1 to i32
    %sign3A_430 = arith.subi %sign3A_426, %sign3A_429 : i32
    %sign3A_431 = arith.constant 0 : i32
    %sign3A_432 = arith.cmpi sgt, %jit3A_422, %sign3A_431 : i32
    %sign3A_433 = arith.extui %sign3A_432 : i1 to i32
    %sign3A_434 = arith.constant 0 : i32
    %sign3A_435 = arith.cmpi slt, %jit3A_422, %sign3A_434 : i32
    %sign3A_436 = arith.extui %sign3A_435 : i1 to i32
    %sign3A_437 = arith.subi %sign3A_433, %sign3A_436 : i32
    %ne3A_438 = arith.cmpi ne, %sign3A_430, %sign3A_437 : i32
    %rem3A_439 = arith.remsi %squeeze3A_238, %jit3A_422 : i32
    %ne3A_440 = arith.constant 0 : i32
    %ne3A_441 = arith.cmpi ne, %rem3A_439, %ne3A_440 : i32
    %and3A_442 = arith.andi %ne3A_438, %ne3A_441 : i1
    %sub3A_443 = arith.constant 1 : i32
    %sub3A_444 = arith.subi %div3A_423, %sub3A_443 : i32
    %select_n3A_445 = arith.select %and3A_442, %sub3A_444, %div3A_423 : i32
    %mul3A_446 = arith.constant 16 : i32
    %mul3A_447 = arith.muli %select_n3A_445, %mul3A_446 : i32
    %sub3A_448 = arith.constant 22960 : i32
    %sub3A_449 = arith.subi %sub3A_448, %mul3A_447 : i32
    %add3A_450 = arith.constant 15 : i32
    %add3A_451 = arith.addi %sub3A_449, %add3A_450 : i32
    %jit3A_452 = arith.constant 16 : i32
    %div3A_453 = arith.divsi %add3A_451, %jit3A_452 : i32
    %sign3A_454 = arith.constant 0 : i32
    %sign3A_455 = arith.cmpi sgt, %add3A_451, %sign3A_454 : i32
    %sign3A_456 = arith.extui %sign3A_455 : i1 to i32
    %sign3A_457 = arith.constant 0 : i32
    %sign3A_458 = arith.cmpi slt, %add3A_451, %sign3A_457 : i32
    %sign3A_459 = arith.extui %sign3A_458 : i1 to i32
    %sign3A_460 = arith.subi %sign3A_456, %sign3A_459 : i32
    %sign3A_461 = arith.constant 0 : i32
    %sign3A_462 = arith.cmpi sgt, %jit3A_452, %sign3A_461 : i32
    %sign3A_463 = arith.extui %sign3A_462 : i1 to i32
    %sign3A_464 = arith.constant 0 : i32
    %sign3A_465 = arith.cmpi slt, %jit3A_452, %sign3A_464 : i32
    %sign3A_466 = arith.extui %sign3A_465 : i1 to i32
    %sign3A_467 = arith.subi %sign3A_463, %sign3A_466 : i32
    %ne3A_468 = arith.cmpi ne, %sign3A_460, %sign3A_467 : i32
    %rem3A_469 = arith.remsi %add3A_451, %jit3A_452 : i32
    %ne3A_470 = arith.constant 0 : i32
    %ne3A_471 = arith.cmpi ne, %rem3A_469, %ne3A_470 : i32
    %and3A_472 = arith.andi %ne3A_468, %ne3A_471 : i1
    %sub3A_473 = arith.constant 1 : i32
    %sub3A_474 = arith.subi %div3A_453, %sub3A_473 : i32
    %select_n3A_475 = arith.select %and3A_472, %sub3A_474, %div3A_453 : i32
    %scan3A_476 = arith.constant 22960 : i32
    %scan3A_477 = arith.constant 0 : i32
    %scan3A_478 = arith.constant 0 : i32
    %scan3A_479 = arith.constant 4 : i32
    %scan3A_480 = arith.addi %scan3A_478, %scan3A_479 : i32
    %scan3A_481 = arith.constant 1 : i32
    %scan3A_482 = scf.for %scan3A_484 = %scan3A_478 to %scan3A_480 step %scan3A_481 iter_args(%scan3A_485 = %scan3A_477) -> (i32)  : i32 {
      %add3A_486 = arith.constant 12 : i32
      %add3A_487 = arith.addi %add3A_486, %scan3A_484 : i32
      %mul3A_488 = arith.constant 32 : i32
      %mul3A_489 = arith.muli %add3A, %mul3A_488 : i32
      %mul3A_490 = arith.constant 2 : i32
      %mul3A_491 = arith.muli %mul3A_490, %add3A_487 : i32
      %add3A_492 = arith.addi %mul3A_489, %mul3A_491 : i32
      %add3A_493 = arith.constant 1 : i32
      %add3A_494 = arith.addi %add3A_492, %add3A_493 : i32
      %jit3A_495 = arith.constant 16 : i32
      %div3A_496 = arith.divsi %add3A_492, %jit3A_495 : i32
      %sign3A_497 = arith.constant 0 : i32
      %sign3A_498 = arith.cmpi sgt, %add3A_492, %sign3A_497 : i32
      %sign3A_499 = arith.extui %sign3A_498 : i1 to i32
      %sign3A_500 = arith.constant 0 : i32
      %sign3A_501 = arith.cmpi slt, %add3A_492, %sign3A_500 : i32
      %sign3A_502 = arith.extui %sign3A_501 : i1 to i32
      %sign3A_503 = arith.subi %sign3A_499, %sign3A_502 : i32
      %sign3A_504 = arith.constant 0 : i32
      %sign3A_505 = arith.cmpi sgt, %jit3A_495, %sign3A_504 : i32
      %sign3A_506 = arith.extui %sign3A_505 : i1 to i32
      %sign3A_507 = arith.constant 0 : i32
      %sign3A_508 = arith.cmpi slt, %jit3A_495, %sign3A_507 : i32
      %sign3A_509 = arith.extui %sign3A_508 : i1 to i32
      %sign3A_510 = arith.subi %sign3A_506, %sign3A_509 : i32
      %ne3A_511 = arith.cmpi ne, %sign3A_503, %sign3A_510 : i32
      %rem3A_512 = arith.remsi %add3A_492, %jit3A_495 : i32
      %ne3A_513 = arith.constant 0 : i32
      %ne3A_514 = arith.cmpi ne, %rem3A_512, %ne3A_513 : i32
      %and3A_515 = arith.andi %ne3A_511, %ne3A_514 : i1
      %sub3A_516 = arith.constant 1 : i32
      %sub3A_517 = arith.subi %div3A_496, %sub3A_516 : i32
      %select_n3A_518 = arith.select %and3A_515, %sub3A_517, %div3A_496 : i32
      %jit3A_519 = arith.constant 16 : i32
      %eq3A = arith.constant 0 : i32
      %eq3A_520 = arith.cmpi eq, %jit3A_519, %eq3A : i32
      %jit3A_521 = arith.constant 1 : i32
      %select_n3A_522 = arith.select %eq3A_520, %jit3A_521, %jit3A_519 : i32
      %rem3A_523 = arith.remsi %add3A_492, %select_n3A_522 : i32
      %ne3A_524 = arith.constant 0 : i32
      %ne3A_525 = arith.cmpi ne, %rem3A_523, %ne3A_524 : i32
      %lt3A = arith.constant 0 : i32
      %lt3A_526 = arith.cmpi slt, %rem3A_523, %lt3A : i32
      %lt3A_527 = arith.constant 0 : i32
      %lt3A_528 = arith.cmpi slt, %select_n3A_522, %lt3A_527 : i32
      %ne3A_529 = arith.xori %lt3A_526, %lt3A_528 : i1
      %and3A_530 = arith.andi %ne3A_529, %ne3A_525 : i1
      %add3A_531 = arith.addi %rem3A_523, %select_n3A_522 : i32
      %select_n3A_532 = arith.select %and3A_530, %add3A_531, %rem3A_523 : i32
      %jit3A_533 = arith.constant 16 : i32
      %div3A_534 = arith.divsi %add3A_494, %jit3A_533 : i32
      %sign3A_535 = arith.constant 0 : i32
      %sign3A_536 = arith.cmpi sgt, %add3A_494, %sign3A_535 : i32
      %sign3A_537 = arith.extui %sign3A_536 : i1 to i32
      %sign3A_538 = arith.constant 0 : i32
      %sign3A_539 = arith.cmpi slt, %add3A_494, %sign3A_538 : i32
      %sign3A_540 = arith.extui %sign3A_539 : i1 to i32
      %sign3A_541 = arith.subi %sign3A_537, %sign3A_540 : i32
      %sign3A_542 = arith.constant 0 : i32
      %sign3A_543 = arith.cmpi sgt, %jit3A_533, %sign3A_542 : i32
      %sign3A_544 = arith.extui %sign3A_543 : i1 to i32
      %sign3A_545 = arith.constant 0 : i32
      %sign3A_546 = arith.cmpi slt, %jit3A_533, %sign3A_545 : i32
      %sign3A_547 = arith.extui %sign3A_546 : i1 to i32
      %sign3A_548 = arith.subi %sign3A_544, %sign3A_547 : i32
      %ne3A_549 = arith.cmpi ne, %sign3A_541, %sign3A_548 : i32
      %rem3A_550 = arith.remsi %add3A_494, %jit3A_533 : i32
      %ne3A_551 = arith.constant 0 : i32
      %ne3A_552 = arith.cmpi ne, %rem3A_550, %ne3A_551 : i32
      %and3A_553 = arith.andi %ne3A_549, %ne3A_552 : i1
      %sub3A_554 = arith.constant 1 : i32
      %sub3A_555 = arith.subi %div3A_534, %sub3A_554 : i32
      %select_n3A_556 = arith.select %and3A_553, %sub3A_555, %div3A_534 : i32
      %jit3A_557 = arith.constant 16 : i32
      %eq3A_558 = arith.constant 0 : i32
      %eq3A_559 = arith.cmpi eq, %jit3A_557, %eq3A_558 : i32
      %jit3A_560 = arith.constant 1 : i32
      %select_n3A_561 = arith.select %eq3A_559, %jit3A_560, %jit3A_557 : i32
      %rem3A_562 = arith.remsi %add3A_494, %select_n3A_561 : i32
      %ne3A_563 = arith.constant 0 : i32
      %ne3A_564 = arith.cmpi ne, %rem3A_562, %ne3A_563 : i32
      %lt3A_565 = arith.constant 0 : i32
      %lt3A_566 = arith.cmpi slt, %rem3A_562, %lt3A_565 : i32
      %lt3A_567 = arith.constant 0 : i32
      %lt3A_568 = arith.cmpi slt, %select_n3A_561, %lt3A_567 : i32
      %ne3A_569 = arith.xori %lt3A_566, %lt3A_568 : i1
      %and3A_570 = arith.andi %ne3A_569, %ne3A_564 : i1
      %add3A_571 = arith.addi %rem3A_562, %select_n3A_561 : i32
      %select_n3A_572 = arith.select %and3A_570, %add3A_571, %rem3A_562 : i32
      %dma_start3A_573 = arith.constant 0 : i32
      %dma_start3A_574 = arith.constant 0 : i32
      %dma_start3A_575 = tpu.memref_slice %arg2[%select_n3A_518, %select_n3A_532, %dma_start3A_573, %dma_start3A_574] : memref<64x16x8x4096xf32, #tpu.memory_space<hbm>> -> memref<1x1x8x4096xf32, #tpu.memory_space<hbm>>
      %dma_start3A_576 = tpu.memref_squeeze %dma_start3A_575 : memref<1x1x8x4096xf32, #tpu.memory_space<hbm>> -> memref<8x4096xf32, #tpu.memory_space<hbm>>
      %dma_start3A_577 = arith.constant 0 : i32
      %dma_start3A_578 = arith.constant 0 : i32
      %dma_start3A_579 = tpu.memref_slice %arg2[%select_n3A_518, %select_n3A_532, %dma_start3A_577, %dma_start3A_578] : memref<64x16x8x4096xf32, #tpu.memory_space<hbm>> -> memref<1x1x8x4096xf32, #tpu.memory_space<hbm>>
      %dma_start3A_580 = tpu.memref_squeeze %dma_start3A_579 : memref<1x1x8x4096xf32, #tpu.memory_space<hbm>> -> memref<8x4096xf32, #tpu.memory_space<hbm>>
      tpu.enqueue_dma source(%dma_start3A_580 : memref<8x4096xf32, #tpu.memory_space<hbm>>) target(%arg6 : memref<8x4096xf32, #tpu.memory_space<vmem>>) target_semaphore(%arg14 : memref<!tpu.dma_semaphore, #tpu.memory_space<semaphore_mem>>)
      %dma_start3A_581 = arith.constant 0 : i32
      %dma_start3A_582 = arith.constant 0 : i32
      %dma_start3A_583 = tpu.memref_slice %arg2[%select_n3A_556, %select_n3A_572, %dma_start3A_581, %dma_start3A_582] : memref<64x16x8x4096xf32, #tpu.memory_space<hbm>> -> memref<1x1x8x4096xf32, #tpu.memory_space<hbm>>
      %dma_start3A_584 = tpu.memref_squeeze %dma_start3A_583 : memref<1x1x8x4096xf32, #tpu.memory_space<hbm>> -> memref<8x4096xf32, #tpu.memory_space<hbm>>
      %dma_start3A_585 = arith.constant 0 : i32
      %dma_start3A_586 = arith.constant 0 : i32
      %dma_start3A_587 = tpu.memref_slice %arg2[%select_n3A_556, %select_n3A_572, %dma_start3A_585, %dma_start3A_586] : memref<64x16x8x4096xf32, #tpu.memory_space<hbm>> -> memref<1x1x8x4096xf32, #tpu.memory_space<hbm>>
      %dma_start3A_588 = tpu.memref_squeeze %dma_start3A_587 : memref<1x1x8x4096xf32, #tpu.memory_space<hbm>> -> memref<8x4096xf32, #tpu.memory_space<hbm>>
      tpu.enqueue_dma source(%dma_start3A_588 : memref<8x4096xf32, #tpu.memory_space<hbm>>) target(%arg7 : memref<8x4096xf32, #tpu.memory_space<vmem>>) target_semaphore(%arg16 : memref<!tpu.dma_semaphore, #tpu.memory_space<semaphore_mem>>)
      %dma_wait3A_589 = arith.constant 0 : i32
      %dma_wait3A_590 = arith.constant 0 : i32
      %dma_wait3A_591 = tpu.memref_slice %arg2[%select_n3A_518, %select_n3A_532, %dma_wait3A_589, %dma_wait3A_590] : memref<64x16x8x4096xf32, #tpu.memory_space<hbm>> -> memref<1x1x8x4096xf32, #tpu.memory_space<hbm>>
      %dma_wait3A_592 = tpu.memref_squeeze %dma_wait3A_591 : memref<1x1x8x4096xf32, #tpu.memory_space<hbm>> -> memref<8x4096xf32, #tpu.memory_space<hbm>>
      %dma_wait3A_593 = arith.constant 0 : i32
      %dma_wait3A_594 = arith.constant 0 : i32
      %dma_wait3A_595 = tpu.memref_slice %arg2[%select_n3A_518, %select_n3A_532, %dma_wait3A_593, %dma_wait3A_594] : memref<64x16x8x4096xf32, #tpu.memory_space<hbm>> -> memref<1x1x8x4096xf32, #tpu.memory_space<hbm>>
      %dma_wait3A_596 = tpu.memref_squeeze %dma_wait3A_595 : memref<1x1x8x4096xf32, #tpu.memory_space<hbm>> -> memref<8x4096xf32, #tpu.memory_space<hbm>>
      tpu.wait_dma2 semaphore(%arg14 : memref<!tpu.dma_semaphore, #tpu.memory_space<semaphore_mem>>) src(%dma_wait3A_596 : memref<8x4096xf32, #tpu.memory_space<hbm>>) dst(%arg6 : memref<8x4096xf32, #tpu.memory_space<vmem>>)
      %dma_wait3A_597 = arith.constant 0 : i32
      %dma_wait3A_598 = arith.constant 0 : i32
      %dma_wait3A_599 = tpu.memref_slice %arg2[%select_n3A_556, %select_n3A_572, %dma_wait3A_597, %dma_wait3A_598] : memref<64x16x8x4096xf32, #tpu.memory_space<hbm>> -> memref<1x1x8x4096xf32, #tpu.memory_space<hbm>>
      %dma_wait3A_600 = tpu.memref_squeeze %dma_wait3A_599 : memref<1x1x8x4096xf32, #tpu.memory_space<hbm>> -> memref<8x4096xf32, #tpu.memory_space<hbm>>
      %dma_wait3A_601 = arith.constant 0 : i32
      %dma_wait3A_602 = arith.constant 0 : i32
      %dma_wait3A_603 = tpu.memref_slice %arg2[%select_n3A_556, %select_n3A_572, %dma_wait3A_601, %dma_wait3A_602] : memref<64x16x8x4096xf32, #tpu.memory_space<hbm>> -> memref<1x1x8x4096xf32, #tpu.memory_space<hbm>>
      %dma_wait3A_604 = tpu.memref_squeeze %dma_wait3A_603 : memref<1x1x8x4096xf32, #tpu.memory_space<hbm>> -> memref<8x4096xf32, #tpu.memory_space<hbm>>
      tpu.wait_dma2 semaphore(%arg16 : memref<!tpu.dma_semaphore, #tpu.memory_space<semaphore_mem>>) src(%dma_wait3A_604 : memref<8x4096xf32, #tpu.memory_space<hbm>>) dst(%arg7 : memref<8x4096xf32, #tpu.memory_space<vmem>>)
      %mul3A_605 = arith.constant 65536 : i32
      %mul3A_606 = arith.muli %add3A_487, %mul3A_605 : i32
      %parallel_loop3A_607 = arith.constant 0 : i32
      %parallel_loop3A_608 = arith.constant 1 : i32
      scf.for %parallel_loop3A_642 = %parallel_loop3A_607 to %select_n3A_475 step %parallel_loop3A_608  : i32 {
        %parallel_loop3A_643 = arith.constant 16 : i32
        %parallel_loop3A_644 = arith.muli %parallel_loop3A_642, %parallel_loop3A_643 : i32
        %parallel_loop3A_645 = arith.addi %mul3A_447, %parallel_loop3A_644 : i32
        %parallel_loop3A_646 = vector.broadcast %parallel_loop3A_645 : i32 to vector<16xi32>
        %parallel_loop3A_647 = arith.addi %parallel_loop3A_646, %iota3A : vector<16xi32>
        %parallel_loop3A_648 = vector.broadcast %squeeze3A_238 : i32 to vector<16xi32>
        %parallel_loop3A_649 = arith.cmpi sge, %parallel_loop3A_647, %parallel_loop3A_648 : vector<16xi32>
        %parallel_loop3A_650 = vector.broadcast %scan3A_476 : i32 to vector<16xi32>
        %parallel_loop3A_651 = arith.cmpi slt, %parallel_loop3A_647, %parallel_loop3A_650 : vector<16xi32>
        %parallel_loop3A_652 = arith.andi %parallel_loop3A_649, %parallel_loop3A_651 : vector<16xi1>
        %parallel_loop3A_653 = arith.index_cast %parallel_loop3A_645 : i32 to index
        %parallel_loop3A_654 = tpu.vector_load %arg8[%parallel_loop3A_653] {strides = array<i32>} : memref<22960xi32, #tpu.memory_space<vmem>>, vector<16xi32>,
        %parallel_loop3A_655 = arith.index_cast %parallel_loop3A_645 : i32 to index
        %parallel_loop3A_656 = tpu.vector_load %arg9[%parallel_loop3A_655] {strides = array<i32>} : memref<22960xf32, #tpu.memory_space<vmem>>, vector<16xf32>,
        %parallel_loop3A_657 = vector.broadcast %mul3A_606 : i32 to vector<16xi32>
        %parallel_loop3A_658 = arith.subi %parallel_loop3A_654, %parallel_loop3A_657 : vector<16xi32>
        %parallel_loop3A_659 = tpu.bitcast %parallel_loop3A_658 : vector<16xi32> -> vector<16xi32>
        %parallel_loop3A_660 = arith.constant 32768 : i32
        %parallel_loop3A_661 = vector.broadcast %parallel_loop3A_660 : i32 to vector<16xi32>
        %parallel_loop3A_662 = arith.cmpi ult, %parallel_loop3A_659, %parallel_loop3A_661 : vector<16xi32>
        %parallel_loop3A_663 = arith.andi %parallel_loop3A_652, %parallel_loop3A_662 : vector<16xi1>
        %parallel_loop3A_664 = arith.constant 65536 : i32
        %parallel_loop3A_665 = vector.broadcast %parallel_loop3A_664 : i32 to vector<16xi32>
        %parallel_loop3A_666 = arith.cmpi ult, %parallel_loop3A_659, %parallel_loop3A_665 : vector<16xi32>
        %parallel_loop3A_667 = arith.andi %parallel_loop3A_652, %parallel_loop3A_666 : vector<16xi1>
        %parallel_loop3A_668 = arith.xori %parallel_loop3A_667, %parallel_loop3A_663 : vector<16xi1>
        %parallel_loop3A_669 = arith.constant 12 : i32
        %parallel_loop3A_670 = vector.broadcast %parallel_loop3A_669 : i32 to vector<16xi32>
        %parallel_loop3A_671 = arith.shrui %parallel_loop3A_658, %parallel_loop3A_670 : vector<16xi32>
        %parallel_loop3A_672 = arith.constant 4095 : i32
        %parallel_loop3A_673 = vector.broadcast %parallel_loop3A_672 : i32 to vector<16xi32>
        %parallel_loop3A_674 = arith.andi %parallel_loop3A_658, %parallel_loop3A_673 : vector<16xi32>
        tpu.vector_store_idx %arg6[%parallel_loop3A_671, %parallel_loop3A_674], %parallel_loop3A_656 masked %parallel_loop3A_663 {add = true} : memref<8x4096xf32, #tpu.memory_space<vmem>>[vector<16xi32>, vector<16xi32>], vector<16xf32>, vector<16xi1>
        %parallel_loop3A_675 = arith.constant 8 : i32
        %parallel_loop3A_676 = vector.broadcast %parallel_loop3A_675 : i32 to vector<16xi32>
        %parallel_loop3A_677 = arith.subi %parallel_loop3A_671, %parallel_loop3A_676 : vector<16xi32>
        tpu.vector_store_idx %arg7[%parallel_loop3A_677, %parallel_loop3A_674], %parallel_loop3A_656 masked %parallel_loop3A_668 {add = true} : memref<8x4096xf32, #tpu.memory_space<vmem>>[vector<16xi32>, vector<16xi32>], vector<16xf32>, vector<16xi1>
      } {sc.loop_unroll_factor = 8 : i64, sc.parallel_access}
      %dma_start3A_609 = arith.constant 0 : i32
      %dma_start3A_610 = arith.constant 0 : i32
      %dma_start3A_611 = tpu.memref_slice %arg5[%select_n3A_518, %select_n3A_532, %dma_start3A_609, %dma_start3A_610] : memref<64x16x8x4096xf32, #tpu.memory_space<hbm>> -> memref<1x1x8x4096xf32, #tpu.memory_space<hbm>>
      %dma_start3A_612 = tpu.memref_squeeze %dma_start3A_611 : memref<1x1x8x4096xf32, #tpu.memory_space<hbm>> -> memref<8x4096xf32, #tpu.memory_space<hbm>>
      %dma_start3A_613 = arith.constant 0 : i32
      %dma_start3A_614 = arith.constant 0 : i32
      %dma_start3A_615 = tpu.memref_slice %arg5[%select_n3A_518, %select_n3A_532, %dma_start3A_613, %dma_start3A_614] : memref<64x16x8x4096xf32, #tpu.memory_space<hbm>> -> memref<1x1x8x4096xf32, #tpu.memory_space<hbm>>
      %dma_start3A_616 = tpu.memref_squeeze %dma_start3A_615 : memref<1x1x8x4096xf32, #tpu.memory_space<hbm>> -> memref<8x4096xf32, #tpu.memory_space<hbm>>
      tpu.enqueue_dma source(%arg6 : memref<8x4096xf32, #tpu.memory_space<vmem>>) target(%dma_start3A_616 : memref<8x4096xf32, #tpu.memory_space<hbm>>) target_semaphore(%arg15 : memref<!tpu.dma_semaphore, #tpu.memory_space<semaphore_mem>>)
      %dma_start3A_617 = arith.constant 0 : i32
      %dma_start3A_618 = arith.constant 0 : i32
      %dma_start3A_619 = tpu.memref_slice %arg5[%select_n3A_556, %select_n3A_572, %dma_start3A_617, %dma_start3A_618] : memref<64x16x8x4096xf32, #tpu.memory_space<hbm>> -> memref<1x1x8x4096xf32, #tpu.memory_space<hbm>>
      %dma_start3A_620 = tpu.memref_squeeze %dma_start3A_619 : memref<1x1x8x4096xf32, #tpu.memory_space<hbm>> -> memref<8x4096xf32, #tpu.memory_space<hbm>>
      %dma_start3A_621 = arith.constant 0 : i32
      %dma_start3A_622 = arith.constant 0 : i32
      %dma_start3A_623 = tpu.memref_slice %arg5[%select_n3A_556, %select_n3A_572, %dma_start3A_621, %dma_start3A_622] : memref<64x16x8x4096xf32, #tpu.memory_space<hbm>> -> memref<1x1x8x4096xf32, #tpu.memory_space<hbm>>
      %dma_start3A_624 = tpu.memref_squeeze %dma_start3A_623 : memref<1x1x8x4096xf32, #tpu.memory_space<hbm>> -> memref<8x4096xf32, #tpu.memory_space<hbm>>
      tpu.enqueue_dma source(%arg7 : memref<8x4096xf32, #tpu.memory_space<vmem>>) target(%dma_start3A_624 : memref<8x4096xf32, #tpu.memory_space<hbm>>) target_semaphore(%arg17 : memref<!tpu.dma_semaphore, #tpu.memory_space<semaphore_mem>>)
      %dma_wait3A_625 = arith.constant 0 : i32
      %dma_wait3A_626 = arith.constant 0 : i32
      %dma_wait3A_627 = tpu.memref_slice %arg5[%select_n3A_518, %select_n3A_532, %dma_wait3A_625, %dma_wait3A_626] : memref<64x16x8x4096xf32, #tpu.memory_space<hbm>> -> memref<1x1x8x4096xf32, #tpu.memory_space<hbm>>
      %dma_wait3A_628 = tpu.memref_squeeze %dma_wait3A_627 : memref<1x1x8x4096xf32, #tpu.memory_space<hbm>> -> memref<8x4096xf32, #tpu.memory_space<hbm>>
      %dma_wait3A_629 = arith.constant 0 : i32
      %dma_wait3A_630 = arith.constant 0 : i32
      %dma_wait3A_631 = tpu.memref_slice %arg5[%select_n3A_518, %select_n3A_532, %dma_wait3A_629, %dma_wait3A_630] : memref<64x16x8x4096xf32, #tpu.memory_space<hbm>> -> memref<1x1x8x4096xf32, #tpu.memory_space<hbm>>
      %dma_wait3A_632 = tpu.memref_squeeze %dma_wait3A_631 : memref<1x1x8x4096xf32, #tpu.memory_space<hbm>> -> memref<8x4096xf32, #tpu.memory_space<hbm>>
      tpu.wait_dma2 semaphore(%arg15 : memref<!tpu.dma_semaphore, #tpu.memory_space<semaphore_mem>>) src(%arg6 : memref<8x4096xf32, #tpu.memory_space<vmem>>) dst(%dma_wait3A_632 : memref<8x4096xf32, #tpu.memory_space<hbm>>)
      %dma_wait3A_633 = arith.constant 0 : i32
      %dma_wait3A_634 = arith.constant 0 : i32
      %dma_wait3A_635 = tpu.memref_slice %arg5[%select_n3A_556, %select_n3A_572, %dma_wait3A_633, %dma_wait3A_634] : memref<64x16x8x4096xf32, #tpu.memory_space<hbm>> -> memref<1x1x8x4096xf32, #tpu.memory_space<hbm>>
      %dma_wait3A_636 = tpu.memref_squeeze %dma_wait3A_635 : memref<1x1x8x4096xf32, #tpu.memory_space<hbm>> -> memref<8x4096xf32, #tpu.memory_space<hbm>>
      %dma_wait3A_637 = arith.constant 0 : i32
      %dma_wait3A_638 = arith.constant 0 : i32
      %dma_wait3A_639 = tpu.memref_slice %arg5[%select_n3A_556, %select_n3A_572, %dma_wait3A_637, %dma_wait3A_638] : memref<64x16x8x4096xf32, #tpu.memory_space<hbm>> -> memref<1x1x8x4096xf32, #tpu.memory_space<hbm>>
      %dma_wait3A_640 = tpu.memref_squeeze %dma_wait3A_639 : memref<1x1x8x4096xf32, #tpu.memory_space<hbm>> -> memref<8x4096xf32, #tpu.memory_space<hbm>>
      tpu.wait_dma2 semaphore(%arg17 : memref<!tpu.dma_semaphore, #tpu.memory_space<semaphore_mem>>) src(%arg7 : memref<8x4096xf32, #tpu.memory_space<vmem>>) dst(%dma_wait3A_640 : memref<8x4096xf32, #tpu.memory_space<hbm>>)
      %scan3A_641 = arith.constant 0 : i32
      scf.yield %scan3A_641 : i32
    }
    %scan3A_483 = arith.constant 4 : i32
    return
  }
}

</mosaic_0001>

<sc_bundles>
// kernel: kernel.3.cloned.1.call-start
scs
__scs_entry_jumppad:
0x0: {  	(pc) =	sbr.rel $0x88, $3  }
0x1: {  	(tag) =	ssettag $0x0;
	lr =	simm.s32 $0x1  }
0x2: {  	[smem:$0x3F9E] =	sst lr;
	_ =	strace $0xD0000000  }
0x3: {  	_ = 	snop  }
0x4: {  	_ = 	snop  }
0x5: {  	_ = 	snop  }
0x6: {  	_ = 	snop  }
0x7: {  	_ = 	snop  }
__scs_overlays_trampoline_lowered:
0x8: {  	[smem:$0x3FAD] =	sst s0  }
0x9: {  	[smem:$0x3FAE] =	sst s1  }
0xa: {  	[smem:$0x3FAF] =	sst s2  }
0xb: {  	[smem:$0x3FB0] =	sst s3  }
0xc: {  	[smem:$0x3FB1] =	sst s4  }
0xd: {  	[smem:$0x3FB2] =	sst s5  }
0xe: {  	[smem:$0x3FB3] =	sst s6  }
0xf: {  	[smem:$0x3FB4] =	sst s7  }
0x10: {  	[smem:$0x3FB5] =	sst s8  }
0x11: {  	[smem:$0x3FB6] =	sst s9;
	s0 =	simm.s32 @!p0 $0x0  }
0x12: {  	s1 =	sld [smem:$0x3F9C];
	s0 =	simm.s32 @p0 $0x1  }
0x13: {  	[smem:$0x3FB7] =	sst s0;
	s0 =	simm.s32 @!p1 $0x0  }
0x14: {  	s2 =	sld [smem:$0x3F9B];
	s0 =	simm.s32 @p1 $0x1  }
0x15: {  	[smem:$0x3FB8] =	sst s0;
	s0 =	simm.s32 @!p2 $0x0  }
0x16: {  	s3 =	sld [smem:$0x3FDB];
	s0 =	simm.s32 @p2 $0x1  }
0x17: {  	s4 =	simm.s32 $0x1BF5;
	[smem:$0x3FBA] =	sst s0  }
0x18: {  	s0 =	sld [smem:$0x3F9D];
	_ =	swait.ge [sflag:s4], $0x0  }
0x19: {  	s7 =	sld [smem:$0x3F9E]  }
0x1a: {  	s8 =	sadd.s32 $0xFFFFE003, lr  }
0x1b: {  	s9 =	sadd.s32 $0xFFFFFEF7, lr;
	s5 =	simm.s32 $0xFFFFFFFF;
	p2 =	slt.u32 s8, $0xFFFFF086  }
0x1c: {  	p1 =	slt.u32 s9, $0xF7A;
	s5 =	simm.s32 @!p2 $0x0  }
0x1d: {  	s5 =	simm.s32 @p1 $0x1;
	p0 =	seq.s32 s7, s2  }
0x1e: {  	s7 =	smul.u32 @!p0 $0xF7A, s2;
	p2 =	seq.s32 @!p0 s5, $0x0  }
0x1f: {  	s9 =	smul.u32 $0xF7A, s1;
	s8 =	simm.s32 @!p0 $0x1BF5;
	p2 =	por !p2, p0  }
0x20: {  	[sflag:s8] =	ssyncset.s32 @!p0 $0xFFFFF086;
	s6 =	sadd.s32 @!p0 s3, s7;
	s7 =	simm.s32 @!p0 $0x108  }
0x21: {  	s3 =	sadd.s32 s3, s9;
	s6 =	sadd.s32 @!p0 $0x88, s6;
	s7 =	simm.s32 @p2 $0x1082  }
0x22: {  	[simem:s7], [sflag:s8] =	dma.local @!p0 [hbm:s6], $0xF7A  }
0x23: {  	s9 =	sor.u32 $0xD0000000, s2;
	s6 =	simm.s32 $0x108;
	_ =	swait.ge @!p0 [sflag:s8], $0x0  }
0x24: {  	s3 =	sadd.s32 $0x88, s3;
	s6 =	simm.s32 @!p1 $0x1082;
	[sflag:s4] =	ssyncset.s32 $0xFFFFF086  }
0x25: {  	[simem:s6], [sflag:s4] =	dma.local [hbm:s3], $0xF7A  }
0x26: {  	[smem:$0x3F9E] =	sst s1;
	(tag) =	ssettag s2;
	_ =	strace s9  }
0x27: {  	s1 =	sld [smem:$0x3FAE]  }
0x28: {  	s2 =	sld [smem:$0x3FAF]  }
0x29: {  	s4 =	sld [smem:$0x3FB1]  }
0x2a: {  	p0 =	seq.s32 s5, $0x0;
	s5 =	sld [smem:$0x3FB2]  }
0x2b: {  	s6 =	sld [smem:$0x3FB3]  }
0x2c: {  	s7 =	sld [smem:$0x3FB4]  }
0x2d: {  	s3 =	simm.s32 $0x108;
	s8 =	sld [smem:$0x3FB5]  }
0x2e: {  	s3 =	simm.s32 @!p0 $0x1082;
	s9 =	sld [smem:$0x3FB6]  }
0x2f: {  	lr =	sadd.s32 s0, s3;
	s0 =	sld [smem:$0x3FAD]  }
0x30: {  	s3 =	sld [smem:$0x3FB0]  }
0x31: {  	[smem:$0x3FB9] =	sst s10  }
0x32: {  	s10 =	sld [smem:$0x3FB7];
	_ =	sdelay $0x3  }
0x33: {  	p0 =	seq.s32 s10, $0x1;
	s10 =	sld [smem:$0x3FB9];
	_ =	sdelay $0x3  }
0x34: {  	[smem:$0x3FB9] =	sst s10  }
0x35: {  	s10 =	sld [smem:$0x3FB8];
	_ =	sdelay $0x3  }
0x36: {  	p1 =	seq.s32 s10, $0x1;
	s10 =	sld [smem:$0x3FB9];
	_ =	sdelay $0x3  }
0x37: {  	[smem:$0x3FB9] =	sst s10  }
0x38: {  	s10 =	sld [smem:$0x3FBA]  }
0x39: {  	_ = 	snop;
	(pc) =	sbr.ind lr, $3  }
0x3a: {  	_ = 	snop  }
0x3b: {  	_ = 	snop  }
0x3c: {  	p2 =	seq.s32 s10, $0x1;
	s10 =	sld [smem:$0x3FB9]  }
0x3d: {  	_ =	shalt  }
0x3e: {  	_ =	shalt  }
0x3f: {  	_ =	shalt  }
0x40: {  	_ =	shalt  }
0x41: {  	_ =	shalt  }
0x42: {  	_ =	shalt  }
0x43: {  	_ =	shalt  }
0x44: {  	_ =	shalt  }
0x45: {  	_ =	shalt  }
0x46: {  	_ =	shalt  }
0x47: {  	_ =	shalt  }
0x48: {  	_ =	shalt  }
0x49: {  	_ =	shalt  }
0x4a: {  	_ =	shalt  }
0x4b: {  	_ =	shalt  }
0x4c: {  	_ =	shalt  }
0x4d: {  	_ =	shalt  }
0x4e: {  	_ =	shalt  }
0x4f: {  	_ =	shalt  }
0x50: {  	_ =	shalt  }
0x51: {  	_ =	shalt  }
0x52: {  	_ =	shalt  }
0x53: {  	_ =	shalt  }
0x54: {  	_ =	shalt  }
0x55: {  	_ =	shalt  }
0x56: {  	_ =	shalt  }
0x57: {  	_ =	shalt  }
0x58: {  	_ =	shalt  }
0x59: {  	_ =	shalt  }
0x5a: {  	_ =	shalt  }
0x5b: {  	_ =	shalt  }
0x5c: {  	_ =	shalt  }
0x5d: {  	_ =	shalt  }
0x5e: {  	_ =	shalt  }
0x5f: {  	_ =	shalt  }
0x60: {  	_ =	shalt  }
0x61: {  	_ =	shalt  }
0x62: {  	_ =	shalt  }
0x63: {  	_ =	shalt  }
0x64: {  	_ =	shalt  }
0x65: {  	_ =	shalt  }
0x66: {  	_ =	shalt  }
0x67: {  	_ =	shalt  }
0x68: {  	_ =	shalt  }
0x69: {  	_ =	shalt  }
0x6a: {  	_ =	shalt  }
0x6b: {  	_ =	shalt  }
0x6c: {  	_ =	shalt  }
0x6d: {  	_ =	shalt  }
0x6e: {  	_ =	shalt  }
0x6f: {  	_ =	shalt  }
0x70: {  	_ =	shalt  }
0x71: {  	_ =	shalt  }
0x72: {  	_ =	shalt  }
0x73: {  	_ =	shalt  }
0x74: {  	_ =	shalt  }
0x75: {  	_ =	shalt  }
0x76: {  	_ =	shalt  }
0x77: {  	_ =	shalt  }
0x78: {  	_ =	shalt  }
0x79: {  	_ =	shalt  }
0x7a: {  	_ =	shalt  }
0x7b: {  	_ =	shalt  }
0x7c: {  	_ =	shalt  }
0x7d: {  	_ =	shalt  }
0x7e: {  	_ =	shalt  }
0x7f: {  	_ =	shalt  }
0x80: {  	_ =	shalt  }
0x81: {  	_ =	shalt  }
0x82: {  	_ =	shalt  }
0x83: {  	_ =	shalt  }
0x84: {  	_ =	shalt  }
0x85: {  	_ =	shalt  }
0x86: {  	_ =	shalt  }
0x87: {  	_ =	shalt  }
.Lfunc_end0:
.L_simem_size_0:
called_computation_lowered:
.L_overlay_start_0:
0x88: {  	s2 =	sld [smem:$0x3FD9]  }
0x89: {  	s3 =	sld [smem:$0x3FFE];
	_ =	sdelay $0x1  }
0x8a: {  	s1 =	srdreg.scid  }
0x8b: {  	s0 =	sand.u32 $0x1, s1  }
0x8c: {  	s18 =	sshll.u32 s0, $0xA;
	s2 =	sadd.s32 s3, s2  }
0x8d: {  	s2 =	sadd.s32 s2, s18  }
0x8e: {  	[smem:$0x3FC5] =	sst s2  }
0x8f: {  	_ = 	snop  }
0x90: {  	s2 =	sld [smem:$0x3FC9]  }
0x91: {  	s19 =	sld [smem:$0x3FC8]  }
0x92: {  	s4 =	sld [smem:$0x3FC7]  }
0x93: {  	s5 =	sld [smem:$0x3FD0];
	(tm) =	ssettm $0x1  }
0x94: {  	s6 =	sld [smem:$0x3FFB];
	_ =	sdelay $0x3  }
0x95: {  	_ =	strace s6  }
0x96: {  	s6 =	sld [smem:$0x3FFC];
	_ =	sdelay $0x3  }
0x97: {  	_ =	strace s6  }
0x98: {  	s6 =	sld [smem:$0x3FFD];
	_ =	sdelay $0x3  }
0x99: {  	_ =	strace s6  }
0x9a: {  	_ =	strace $0x8FFFFFFF  }
0x9b: {  	s20 =	sld [smem:$0x3FDB];
	_ =	sdelay $0x1  }
0x9c: {  	s7 =	simm.s32 $_scs_section_size  }
0x9d: {  	s8 =	simm.s32 $_size__tile_overlayer_lowered;
	s9 =	simm.s32 $_tile_overlayer_lowered  }
0x9e: {  	s23 =	simm.s32 $0x1BFF;
	s22 =	sshll.u32 s9, $0x1;
	s6 =	sadd.s32 s7, s20  }
0x9f: {  	s10 =	simm.s32 $0x0;
	s21 =	sshll.u32 s8, $0x1;
	s8 =	sadd.s32 s22, s6  }
0xa0: {  	[timem:s10], [sflag:s23] =	dma.local [hbm:s8], s21  }
0xa1: {  	_ =	swait.ge [sflag:s23], s21  }
0xa2: {  	s7 =	ssub.s32 $0x0, s21;
	[sflag:s23] =	ssyncset.done $0x0  }
0xa3: {  	[sflag:s23] =	ssyncadd.s32 s7;
	_ =	sdelay $0x1  }
0xa4: {  	s24 =	simm.s32 $0x1B8B  }
0xa5: {  	_ =	swait.ge [sflag:s24], $0x1  }
0xa6: {  	[sflag:s24] =	ssyncset.done $0x0  }
0xa7: {  	s25 =	simm.s32 $0x1B8E;
	[sflag:s24] =	ssyncadd.s32 $0xFFFFFFFF  }
0xa8: {  	s26 =	simm.s32 $execute0_lowered;
	[smem:$0x3FD2] =	sst s25  }
0xa9: {  	s7 =	sshll.u32 s26, $0x1;
	_ =	strace $0x80000046;
	[dreg:$0x1] =	wrdreg $0xFFFFFFFF  }
0xaa: {  	s28 =	simm.s32 $_size_execute0_lowered;
	s6 =	sadd.s32 s6, s7;
	[dreg:$0x0] =	wrdreg $0x0  }
0xab: {  	s7 =	sshll.u32 s28, $0x1;
	[dreg:$0x2] =	wrdreg s6  }
0xac: {  	[dreg:$0x3] =	wrdreg s7  }
0xad: {  	[dreg:$0x4] =	wrdreg $0xC0  }
0xae: {  	_ =	task [dreg:s10], $0x5FFFF  }
0xaf: {  	[dreg:$0x1] =	wrdreg $0xFFFFFFFF  }
0xb0: {  	[dreg:$0x0] =	wrdreg $0x60  }
0xb1: {  	[dreg:$0x2] =	wrdreg s2  }
0xb2: {  	[dreg:$0x3] =	wrdreg s19  }
0xb3: {  	[dreg:$0x4] =	wrdreg s4  }
0xb4: {  	[dreg:$0x5] =	wrdreg s5  }
0xb5: {  	[dreg:$0x6] =	wrdreg $0x9  }
0xb6: {  	_ =	task.clear_ibuf [dreg:s10], $0x7FFFF;
	_ =	strace $0x90000046  }
0xb7: {  	s29 =	simm.s32 $0x9;
	_ =	strace $0x80000048  }
0xb8: {  	_ =	swait.ge [sflag:s29], $0x1  }
0xb9: {  	[sflag:s29] =	ssyncadd.s32 $0xFFFFFFFF  }
0xba: {  	_ =	strace $0x90000048  }
0xbb: {  	_ =	sfence  }
0xbc: {  	s30 =	sld [smem:$0x0];
	_ =	sdelay $0x2  }
0xbd: {  	s31 =	sshll.u32 s1, $0xD;
	s1 =	sshrl.u32 s1, $0x2  }
0xbe: {  	s3 =	sand.u32 $0x4000, s31;
	s1 =	sadd.s32 s1, s30  }
0xbf: {  	s0 =	sor.u32 s3, s0;
	s1 =	sshll.u32 s1, $0x11  }
0xc0: {  	s0 =	sor.u32 s1, s0  }
0xc1: {  	s0 =	sadd.s32 $0x8F2B, s0  }
0xc2: {  	[sflag:s0] =	ssyncadd.remote.s32 $0x1  }
0xc3: {  	_ =	sfence.sel $0xFFFF  }
0xc4: {  	[dreg:$0x0] =	wrdreg $0xFFFFFFFF;
	(pc) =	sbr.abs _section_cstart, $3  }
0xc5: {  	[dreg:$0x1] =	wrdreg $0xFFFFFFFF  }
0xc6: {  	_ =	task.clear_ibuf [dreg:s10], $0x2FFFF;
	_ =	strace $0x9FFFFFFF  }
0xc7: {  	(tm) =	ssettm $0x7FFFFFFF  }
tec
execute0_lowered:
.L_overlay_start_1:
0x0: {  	(tag) =	ssettag $0x1  }
0x1: {  	s1 =	rddreg [dreg:$0x0]  }
0x2: {  	s11 =	rddreg [dreg:$0x1]  }
0x3: {  	s14 =	rddreg [dreg:$0x2]  }
0x4: {  	s5 =	rddreg [dreg:$0x3];
	s0 =	srdreg.scid;
	s6 =	simm.s32 $0x0  }
0x5: {  	s3 =	stileid.u32;
	s15 =	simm.s32 $0x1B400;
	s31 =	simm.s32 $0x1C400  }
0x6: {  	s16 =	simm.s32 $0x1D400;
	s17 =	simm.s32 $0x1E400;
	s19 =	simm.s32 $0x1  }
0x7: {  	s20 =	simm.s32 $0x2;
	s21 =	simm.s32 $0x10000;
	s22 =	simm.s32 $0x15A00  }
0x8: {  	s23 =	simm.s32 $0x3;
	s24 =	simm.s32 $0x4;
	s0 =	sand.u32 $0x1, s0  }
0x9: {  	[smem:$0x7FF] =	sst s6;
	s3 =	sshll.u32 s3, $0x1;
	s26 =	sadd.s32 $0x200, s11  }
0xa: {  	s29 =	sadd.s32 $0x200, s14;
	_ =	strace $0x80000047;
	[dreg:$0x7] =	wrdreg s26  }
0xb: {  	s2 =	ssub.s32 $0x2, s0;
	s0 =	sor.u32 s0, s3;
	[dreg:$0x8] =	wrdreg s29  }
.Ltmp0:
0xc: {  	s3 =	sshll.u32 s0, $0x14;
	s0 =	sshll.u32 s0, $0x11;
	(pc) =	sbr.rel .LBB2_1-.Ltmp0, $4  }
0xd: {  	s25 =	simm.s32 $0x8000;
	s4 =	sshrl.u32 s2, $0x1;
	[dreg:$0x6] =	wrdreg s0  }
0xe: {  	s2 =	ssub.s32 s2, s4;
	s28 =	sor.u32 $0x1000, s0;
	[dreg:$0x5] =	wrdreg s3  }
0xf: {  	s12 =	sor.u32 $0x10000, s0;
	s30 =	smax.u32 s2, $0x1;
	[dreg:$0x9] =	wrdreg s28  }
0x10: {  	v1 =	vimm.s32 $0x1;
	v2 =	vlaneseq.u32;
	s13 =	sor.u32 $0x11000, s0;
	v0 =	vmov s3;
	s2 =	simm.s32 $0x0;
	[dreg:$0xa] =	wrdreg s30  }
.LBB2_49:
0x11: {  	s2 =	rddreg [dreg:$0xb]  }
0x12: {  	s0 =	rddreg [dreg:$0xa];
	s2 =	sadd.s32 $0x1, s2  }
0x13: {  	p0 =	sne.s32 s2, s0  }
.Ltmp1:
0x14: {  	_ = 	snop;
	(pc) =	sbr.rel @!p0 .LBB2_50-.Ltmp1, $4  }
0x15: {  	s11 =	rddreg [dreg:$0x1]  }
0x16: {  	s14 =	rddreg [dreg:$0x2]  }
0x17: {  	s28 =	rddreg [dreg:$0x9]  }
0x18: {  	s15 =	simm.s32 $0x1B400;
	s16 =	simm.s32 $0x1D400;
	s17 =	simm.s32 $0x1E400  }
.LBB2_1:
0x19: {  	[tilespmem:s15], [sflag:$0x1] =	stream.linear.gather [hbm4b:s11+s6], $0x1000, $0x38;
	[tilespmem:$0x1F400] =	vst v63  }
0x1a: {  	[dreg:$0xb] =	wrdreg s2  }
0x1b: {  	[tilespmem:s31], [sflag:$0x2] =	stream.linear.gather [hbm4b:s14+s6], $0x1000, $0x38;
	[tilespmem:$0x1F400] =	vst v63  }
0x1c: {  	s0 =	rddreg [dreg:$0x7]  }
0x1d: {  	[tilespmem:s16], [sflag:$0x3] =	stream.linear.gather [hbm4b:s0+s6], $0x1000, $0x38;
	[tilespmem:$0x1F400] =	vst v63  }
0x1e: {  	s30 =	rddreg [dreg:$0x8];
	s0 =	simm.s32 $0x0  }
0x1f: {  	v10 =	vimm.s32 $0xFFFFFFFF;
	[tilespmem:s17], [sflag:$0x4] =	stream.linear.gather [hbm4b:s30+s6], $0x1000, $0x38;
	[tilespmem:$0x1F400] =	vst v63  }
.LBB2_2:
0x20: {  	_ =	swait.ge [sflag:s19], $0x1000  }
0x21: {  	[sflag:s19] =	ssyncset.done $0x0  }
0x22: {  	[sflag:s19] =	ssyncadd.s32 $0xFFFFF000  }
0x23: {  	_ =	swait.ge [sflag:s20], $0x1000  }
0x24: {  	[sflag:s20] =	ssyncset.done $0x0  }
0x25: {  	s2 =	simm.s32 $0x1B480;
	[sflag:s20] =	ssyncadd.s32 $0xFFFFF000  }
0x26: {  	v3 =	vld [tilespmem:s2+$0xFFFFFF80]  }
0x27: {  	v4 =	vld [tilespmem:s2+$0x30]  }
0x28: {  	v8 =	vld [tilespmem:s2+$0x10]  }
0x29: {  	v11 =	vld [tilespmem:s2+$0xFFFFFFC0]  }
0x2a: {  	v14 =	vld [tilespmem:s2+$0x20]  }
0x2b: {  	v16 =	vld [tilespmem:s2+$0xFFFFFFA0];
	_ =	sdelay $0x2  }
0x2c: {  	v26 =	vimm.s32 $0x0;
	v42 =	vimm.s32 $0x0;
	v5 =	vld [tilespmem:s2+$0x60]  }
0x2d: {  	v6 =	vld [tilespmem:s2+$0x50];
	v24 =	vsub.s32 v3, v0;
	v12 =	vsub.s32 v8, v0;
	v8 =	vsub.s32 v11, v0  }
0x2e: {  	v9 =	vld [tilespmem:s2+$0xFFFFFFF0];
	v15 =	vsub.s32 v14, v0;
	v4 =	vsub.s32 v4, v0;
	v14 =	vsub.s32 v16, v0  }
0x2f: {  	v17 =	vld [tilespmem:s2+$0x40];
	v16 =	vimm.s32 $0x0;
	vm2 =	vlt.u32 v24, $0x100000;
	vm3 =	vlt.u32 v8, $0x100000  }
0x30: {  	v18 =	vld [tilespmem:s2+$0xFFFFFF90];
	vm1 =	vlt.u32 v12, $0x100000;
	vm10 =	vlt.u32 v15, $0x100000;
	vm4 =	vlt.u32 v4, $0x100000  }
0x31: {  	v3 =	vld [tilespmem:s2+$0xFFFFFFE0];
	vm5 =	vlt.u32 v14, $0x100000;
	v7 =	vmpcnt.ones.xlane vm2;
	v20 =	vmpcnt.ones.xlane vm3  }
0x32: {  	v11 =	vld [tilespmem:s2+$0xFFFFFFD0];
	(xrf0) =	vadd.scan.msk.s32 vm2, v1;
	v16 =	vsel vm3, $0xFFFFFFFF, v16;
	v26 =	vsel vm4, $0xFFFFFFFF, v26;
	v28 =	vmpcnt.ones.xlane vm4  }
0x33: {  	v19 =	vld [tilespmem:s2+$0x0];
	v29 =	vmpcnt.ones.xlane vm5;
	v13 =	vadd.s32 v10, v7;
	v7 =	vsub.s32 v5, v0  }
0x34: {  	v5 =	vsub.s32 v6, v0;
	v6 =	vsub.s32 v9, v0;
	v9 =	vsub.s32 v17, v0;
	v17 =	vld [tilespmem:s2+$0xFFFFFFB0];
	[tilespmem:$0x1FF90] =	vst v16  }
0x35: {  	v36 =	vmpcnt.ones.xlane vm1;
	v16 =	vsub.s32 v18, v0;
	[tilespmem:$0x1FFA0] =	vst v26;
	vm0 =	vlt.u32 v6, $0x100000  }
0x36: {  	v3 =	vsub.s32 v3, v0;
	vm14 =	vlt.u32 v9, $0x100000;
	vm7 =	vlt.u32 v5, $0x100000;
	(xrf0) =	vadd.scan.msk.s32 vm0, v1  }
0x37: {  	v11 =	vsub.s32 v11, v0;
	vm13 =	vlt.u32 v16, $0x100000;
	vm11 =	vlt.u32 v7, $0x100000;
	(xrf0) =	vadd.scan.msk.s32 vm1, v1  }
0x38: {  	vm8 =	vlt.u32 v3, $0x100000;
	v18 =	vmpcnt.ones.xlane vm7;
	vm9 =	vlt.u32 v11, $0x100000;
	v21, _, _ =	vpop (xrf0);
	(xrf0) =	vadd.scan.msk.s32 vm3, v1  }
0x39: {  	v25 =	vmpcnt.ones.xlane vm13;
	v38 =	vmpcnt.ones.xlane vm14;
	vm0 =	vmmov vm0;
	(xrf0) =	vadd.scan.msk.s32 vm10, v1  }
0x3a: {  	v26 =	vld [tilespmem:s2+$0x70];
	v42 =	vsel vm7, $0xFFFFFFFF, v42;
	v21 =	vadd.s32 v10, v21;
	v10 =	vsub.s32 v19, v0;
	(xrf0) =	vadd.scan.msk.s32 vm4, v1  }
0x3b: {  	v37 =	vmpcnt.ones.xlane vm8;
	v17 =	vsub.s32 v17, v0;
	vm3 =	vlt.u32 v10, $0x100000;
	(xrf0) =	vadd.scan.msk.s32 vm5, v1  }
0x3c: {  	v39 =	vmpcnt.ones.xlane vm0;
	vm6 =	vlt.s32 v21, $0x597F;
	vm4 =	vlt.u32 v17, $0x100000;
	v23, _, _ =	vpop (xrf0);
	(xrf0) =	vadd.scan.msk.s32 vm3, v1  }
0x3d: {  	v34 =	vnsel vm6, $0x597F, v21;
	v21 =	vadd.s32 v13, v25;
	v25 =	vmpcnt.ones.xlane vm4;
	v27, _, _ =	vpop (xrf0);
	(xrf0) =	vadd.scan.msk.s32 vm9, v1  }
0x3e: {  	v19 =	vmpcnt.ones.xlane vm10;
	v33 =	vadd.s32 v21, v29;
	v29 =	vimm.s32 $0x0;
	v30, _, _ =	vpop (xrf0)  }
0x3f: {  	v26 =	vsub.s32 v26, v0;
	v29 =	vsel vm9, $0xFFFFFFFF, v29;
	v31 =	vadd.s32 v33, v25;
	v32, _, _ =	vpop (xrf0)  }
0x40: {  	v25 =	vimm.s32 $0x0;
	(xrf0) =	vadd.scan.msk.s32 vm8, v1;
	[tilespmem:$0x1FFB0] =	vst v29;
	v29 =	vmpcnt.ones.xlane vm9;
	v44, _, _ =	vpop (xrf0)  }
0x41: {  	[tilespmem:$0x1FFE0] =	vst v42;
	v22 =	vmpcnt.ones.xlane vm3;
	v20 =	vadd.s32 v31, v20;
	v25 =	vsel vm0, $0xFFFFFFFF, v25;
	v35, _, _ =	vpop (xrf0)  }
0x42: {  	(xrf0) =	vadd.scan.msk.s32 vm13, v1;
	[tilespmem:$0x1FFC0] =	vst v25;
	v25 =	vimm.s32 $0x0;
	v29 =	vadd.s32 v20, v29;
	v40, _, _ =	vpop (xrf0)  }
0x43: {  	(xrf0) =	vadd.scan.msk.s32 vm11, v1;
	v25 =	vsel vm14, $0xFFFFFFFF, v25;
	v43 =	vadd.s32 v29, v37;
	v37 =	vadd.s32 v31, v30;
	v41, _, _ =	vpop (xrf0)  }
0x44: {  	(xrf0) =	vadd.scan.msk.s32 vm14, v1;
	v30 =	vadd.s32 v43, v39;
	v39 =	vadd.s32 v20, v41;
	v20 =	vimm.s32 $0x0  }
0x45: {  	s9 =	simm.s32 $0x1C480;
	[tilespmem:$0x1FFD0] =	vst v25;
	vm14 =	vlt.u32 v26, $0x100000;
	(xrf0) =	vadd.scan.msk.s32 vm7, v1;
	v20 =	vsel vm4, $0xFFFFFFFF, v20  }
0x46: {  	v35 =	vadd.s32 v21, v35;
	v47 =	vld [tilespmem:s9+$0xFFFFFF80];
	v21, _, _ =	vpop (xrf0);
	(xrf0) =	vadd.scan.msk.s32 vm14, v1;
	[tilespmem:$0x1FFF0] =	vst v20;
	v20 =	vadd.s32 v30, v22  }
0x47: {  	vm12 =	vmmov vm8;
	v25 =	vmpcnt.ones.xlane vm11;
	(xrf0) =	vadd.scan.msk.s32 vm4, v1;
	v22 =	vadd.s32 v20, v36  }
0x48: {  	v43 =	vadd.s32 v43, v23;
	v31 =	vadd.s32 v29, v21;
	v42, _, _ =	vpop (xrf0);
	v21 =	vld [tilespmem:s9+$0xFFFFFFB0];
	v19 =	vadd.s32 v22, v19  }
0x49: {  	vm7 =	vlt.s32 v35, $0x597F;
	vm0 =	vlt.s32 v43, $0x597F;
	v41 =	vadd.s32 v30, v40;
	v40, _, _ =	vpop (xrf0);
	v29 =	vld [tilespmem:s9+$0xFFFFFFC0]  }
0x4a: {  	vm8 =	vlt.s32 v39, $0x597F;
	vm6 =	vlt.s32 v41, $0x597F;
	v46 =	vadd.s32 v20, v27;
	v36 =	vld [tilespmem:s9+$0xFFFFFFA0];
	v20, _, _ =	vpop (xrf0)  }
0x4b: {  	v30 =	vld [tilespmem:s9+$0x10];
	v45 =	vadd.s32 v22, v32;
	v23 =	vadd.s32 v19, v44;
	v22 =	vadd.s32 v19, v28;
	v19, _, _ =	vpop (xrf0)  }
0x4c: {  	vm15 =	vlt.s32 v31, $0x597F;
	[tilespmem:v34+s21+$0x0] =	vst.idx.msk vm2, v24;
	v32 =	vld [tilespmem:s9+$0xFFFFFF90];
	v20 =	vadd.s32 v22, v20;
	v22 =	vadd.s32 v22, v38;
	v38, _, _ =	vpop (xrf0)  }
0x4d: {  	s7 =	simm.s32 $0x0;
	s8 =	simm.s32 $0x1B580;
	s4 =	simm.s32 $0x1C480;
	v27 =	vmpcnt.ones.xlane vm14;
	[tilespmem:v34+s22+$0x0] =	vst.idx.msk vm2, v47;
	vm2 =	vlt.s32 v46, $0x597F;
	v44 =	vld [tilespmem:s9+$0x20];
	vm4 =	vlt.s32 v23, $0x597F;
	v47, _, _ =	vpop (xrf0)  }
.LBB2_3:
0x4e: {  	v43 =	vnsel vm0, $0x597F, v43;
	v24 =	vmovc v26;
	vm0 =	vmmov vm12;
	v26 =	vimm.s32 $0x0  }
0x4f: {  	v26 =	vsel vm0, $0xFFFFFFFF, v26  }
0x50: {  	[tilespmem:$0x1FF30] =	vst v26;
	v26 =	vld [tilespmem:$0x1FF90];
	_ =	sdelay $0x1  }
0x51: {  	v28 =	vld [tilespmem:s8+$0xFFFFFF80]  }
0x52: {  	v34 =	vnsel vm2, $0x597F, v46  }
0x53: {  	v49 =	vimm.s32 $0x0;
	vm2 =	vlt.s32 v45, $0x597F  }
0x54: {  	v48 =	vsel vm4, $0xFFFFFFFF, v49;
	vm4 =	vnez.u8 v26;
	v26 =	vadd.s32 v33, v47  }
0x55: {  	v61 =	vnsel vm2, $0x597F, v45;
	vm2 =	vlt.s32 v26, $0x597F  }
0x56: {  	v47 =	vnsel vm2, $0x597F, v26;
	v26 =	vnsel vm15, $0x597F, v31;
	v31 =	vsub.s32 v28, v0;
	v28 =	vld [tilespmem:s8+$0x10]  }
0x57: {  	[tilespmem:v34+s21+$0x0] =	vst.idx.msk vm1, v12;
	v12 =	vld [tilespmem:$0x1FFA0];
	_ =	sdelay $0x3  }
0x58: {  	vm2 =	vlt.s32 v37, $0x597F  }
0x59: {  	v13 =	vadd.s32 v13, v42;
	v37 =	vnsel vm2, $0x597F, v37;
	vm2 =	vnez.u8 v12  }
0x5a: {  	vm0 =	vmmov vm4;
	v12 =	vimm.s32 $0x0;
	vm4 =	vmmov vm2  }
0x5b: {  	v33 =	vnsel vm6, $0x597F, v41;
	vm6 =	vlt.s32 v13, $0x597F;
	v12 =	vsel vm4, $0xFFFFFFFF, v12  }
0x5c: {  	v53 =	vnsel vm6, $0x597F, v13;
	v13 =	vld [tilespmem:$0x1FFD0];
	[tilespmem:$0x1FF50] =	vst v12;
	v12 =	vadd.s32 v22, v18  }
0x5d: {  	v18 =	vadd.s32 v12, v40;
	v12 =	vadd.s32 v12, v25  }
0x5e: {  	v38 =	vadd.s32 v12, v38;
	v27 =	vadd.s32 v12, v27;
	v12 =	vld [tilespmem:$0x1FFE0];
	_ =	sdelay $0x2  }
0x5f: {  	vm6 =	vnez.u8 v13;
	v25 =	vld [tilespmem:s8+$0xFFFFFFC0]  }
0x60: {  	v35 =	vnsel vm7, $0x597F, v35;
	v13 =	vimm.s32 $0x0;
	vm4 =	vmmov vm6  }
0x61: {  	[tilespmem:v34+s22+$0x0] =	vst.idx.msk vm1, v30;
	v13 =	vsel vm4, $0xFFFFFFFF, v13;
	vm1 =	vnez.u8 v12  }
0x62: {  	[tilespmem:v37+s21+$0x0] =	vst.idx.msk vm0, v8;
	v8 =	vimm.s32 $0x0;
	vm4 =	vmmov vm1;
	vm1 =	vmmov vm14  }
0x63: {  	v50 =	vld [tilespmem:s8+$0xFFFFFFF0];
	vm2 =	vlt.u32 v31, $0x100000;
	v8 =	vsel vm1, $0xFFFFFFFF, v8  }
0x64: {  	(xrf0) =	vadd.scan.msk.s32 vm2, v1;
	[tilespmem:$0x1FF80] =	vst v8;
	v8 =	vsub.s32 v25, v0  }
0x65: {  	v54 =	vld [tilespmem:s8+$0xFFFFFFA0];
	[tilespmem:v35+s21+$0x0] =	vst.idx.msk vm5, v14;
	v14 =	vimm.s32 $0x0;
	vm1 =	vlt.u32 v8, $0x100000  }
0x66: {  	v14 =	vsel vm1, $0xFFFFFFFF, v14  }
0x67: {  	v12 =	vimm.s32 $0x0;
	[tilespmem:$0x1FF90] =	vst v14;
	v14 =	vld [tilespmem:$0x1FFF0]  }
0x68: {  	v56 =	vsub.s32 v50, v0;
	v12 =	vsel vm4, $0xFFFFFFFF, v12  }
0x69: {  	vm7 =	vlt.u32 v56, $0x100000;
	[tilespmem:$0x1FF70] =	vst v12;
	v12 =	vsub.s32 v28, v0  }
0x6a: {  	v25, _, _ =	vpop (xrf0);
	(xrf0) =	vadd.scan.msk.s32 vm7, v1;
	vm4 =	vlt.u32 v12, $0x100000  }
0x6b: {  	(xrf0) =	vadd.scan.msk.s32 vm4, v1  }
0x6c: {  	[tilespmem:v37+s22+$0x0] =	vst.idx.msk vm0, v29;
	v29 =	vmpcnt.ones.xlane vm1;
	(xrf0) =	vadd.scan.msk.s32 vm1, v1;
	vm1 =	vnez.u8 v14;
	_ =	sdelay $0x2  }
0x6d: {  	vm6 =	vlt.s32 v18, $0x597F  }
0x6e: {  	[tilespmem:v53+s21+$0x0] =	vst.idx.msk vm13, v16;
	v16 =	vnsel vm6, $0x597F, v18;
	vm6 =	vlt.s32 v38, $0x597F  }
0x6f: {  	v30 =	vnsel vm6, $0x597F, v38;
	v38 =	vld [tilespmem:s8+$0xFFFFFFB0]  }
0x70: {  	[tilespmem:v47+s21+$0x0] =	vst.idx.msk vm1, v17;
	v17 =	vld [tilespmem:$0x1FFC0];
	_ =	sdelay $0x1  }
0x71: {  	v46 =	vld [tilespmem:s8+$0x30]  }
0x72: {  	v62 =	vld [tilespmem:s8+$0x20]  }
0x73: {  	[tilespmem:v61+s21+$0x0] =	vst.idx.msk vm10, v15;
	v15 =	vld [tilespmem:s8+$0xFFFFFFE0]  }
0x74: {  	vm0 =	vnez.u8 v17  }
0x75: {  	v60 =	vld [tilespmem:s8+$0xFFFFFFD0]  }
0x76: {  	v59 =	vld [tilespmem:s4+$0xFFFFFFF0]  }
0x77: {  	v45 =	vsub.s32 v46, v0;
	[tilespmem:$0x1FF60] =	vst v13;
	v13 =	vmpcnt.ones.xlane vm2  }
0x78: {  	v42 =	vsub.s32 v15, v0;
	v15 =	vsub.s32 v62, v0;
	v14 =	vsub.s32 v54, v0;
	v54 =	vld [tilespmem:$0x1FFB0]  }
0x79: {  	vm12 =	vlt.u32 v45, $0x100000;
	[tilespmem:v61+s22+$0x0] =	vst.idx.msk vm10, v44;
	vm10 =	vlt.u32 v15, $0x100000;
	v13 =	vadd.s32 v27, v13  }
0x7a: {  	v63 =	vld [tilespmem:s8+$0x60];
	v25 =	vadd.s32 v27, v25;
	v27 =	vsub.s32 v60, v0;
	(xrf0) =	vadd.scan.msk.s32 vm10, v1;
	[tilespmem:v43+s21+$0x0] =	vst.idx.msk vm0, v6  }
0x7b: {  	v61 =	vld [tilespmem:s8+$0x0];
	(xrf0) =	vadd.scan.msk.s32 vm12, v1;
	vm9 =	vlt.u32 v14, $0x100000;
	[tilespmem:v43+s22+$0x0] =	vst.idx.msk vm0, v59;
	vm0 =	vlt.s32 v25, $0x597F  }
0x7c: {  	v57 =	vld [tilespmem:s8+$0x40];
	(xrf0) =	vadd.scan.msk.s32 vm9, v1;
	v50 =	vnsel vm0, $0x597F, v25;
	vm0 =	vlt.u32 v27, $0x100000;
	v25 =	vimm.s32 $0x0  }
0x7d: {  	v18 =	vld [tilespmem:s8+$0xFFFFFF90];
	[tilespmem:v53+s22+$0x0] =	vst.idx.msk vm13, v32;
	v32, _, _ =	vpop (xrf0);
	vm13 =	vnez.u8 v54;
	v25 =	vsel vm0, $0xFFFFFFFF, v25  }
0x7e: {  	v39 =	vnsel vm8, $0x597F, v39;
	v44, _, _ =	vpop (xrf0);
	[tilespmem:$0x1FFB0] =	vst v25;
	v25 =	vld [tilespmem:$0x1FF30]  }
0x7f: {  	v37, _, _ =	vpop (xrf0)  }
0x80: {  	v55 =	vsub.s32 v63, v0;
	v63 =	vsub.s32 v61, v0;
	v49, _, _ =	vpop (xrf0)  }
0x81: {  	vm6 =	vmmov vm3;
	vm3 =	vlt.u32 v63, $0x100000;
	v53, _, _ =	vpop (xrf0)  }
0x82: {  	v34 =	vsub.s32 v57, v0;
	(xrf0) =	vadd.scan.msk.s32 vm3, v1;
	v57, _, _ =	vpop (xrf0)  }
0x83: {  	v62 =	vld [tilespmem:s4+$0xFFFFFFD0];
	[tilespmem:v39+s21+$0x0] =	vst.idx.msk vm13, v11;
	v11 =	vmovc v27;
	v27 =	vmpcnt.ones.xlane vm0;
	(xrf0) =	vadd.scan.msk.s32 vm0, v1;
	vm0 =	vnez.u8 v25;
	_ =	sdelay $0x3  }
0x84: {  	v58 =	vld [tilespmem:s4+$0x60];
	[tilespmem:$0x1FF40] =	vst v48  }
0x85: {  	[tilespmem:v47+s22+$0x0] =	vst.idx.msk vm1, v21;
	v21 =	vld [tilespmem:s4+$0xFFFFFFE0]  }
0x86: {  	[tilespmem:v26+s21+$0x0] =	vst.idx.msk vm0, v3;
	v3 =	vld [tilespmem:$0x1FF40];
	_ =	sdelay $0x1  }
0x87: {  	[tilespmem:v16+s21+$0x0] =	vst.idx.msk vm11, v7  }
0x88: {  	[tilespmem:v16+s22+$0x0] =	vst.idx.msk vm11, v58;
	v16 =	vsub.s32 v18, v0;
	v17 =	vld [tilespmem:s4+$0x0]  }
0x89: {  	[tilespmem:v35+s22+$0x0] =	vst.idx.msk vm5, v36;
	vm5 =	vlt.u32 v16, $0x100000  }
0x8a: {  	v25 =	vmpcnt.ones.xlane vm5;
	[tilespmem:v26+s22+$0x0] =	vst.idx.msk vm0, v21;
	vm0 =	vnez.u8 v3  }
0x8b: {  	v21 =	vnsel vm0, $0x597F, v23;
	v23 =	vmpcnt.ones.xlane vm9  }
0x8c: {  	v19 =	vadd.s32 v22, v19;
	[tilespmem:v33+s21+$0x0] =	vst.idx.msk vm6, v10;
	v22 =	vadd.s32 v13, v25  }
0x8d: {  	[tilespmem:v33+s22+$0x0] =	vst.idx.msk vm6, v17;
	v33 =	vadd.s32 v22, v23;
	v23 =	vld [tilespmem:$0x1FF50];
	_ =	sdelay $0x3  }
0x8e: {  	vm0 =	vlt.s32 v20, $0x597F  }
0x8f: {  	v20 =	vnsel vm0, $0x597F, v20;
	vm0 =	vnez.u8 v23;
	_ =	sdelay $0x1  }
0x90: {  	v17 =	vsub.s32 v38, v0;
	v38 =	vld [tilespmem:s4+$0x30]  }
0x91: {  	[tilespmem:v39+s22+$0x0] =	vst.idx.msk vm13, v62;
	vm13 =	vlt.u32 v17, $0x100000  }
0x92: {  	v59 =	vmpcnt.ones.xlane vm13;
	_ =	sdelay $0x1  }
0x93: {  	v41, _, _ =	vpop (xrf0);
	v62 =	vadd.s32 v33, v59;
	[tilespmem:v21+s21+$0x0] =	vst.idx.msk vm0, v4  }
0x94: {  	v35 =	vadd.s32 v22, v57;
	v22, _, _ =	vpop (xrf0);
	[tilespmem:v21+s22+$0x0] =	vst.idx.msk vm0, v38;
	v21 =	vadd.s32 v62, v29  }
0x95: {  	v39 =	vadd.s32 v21, v22;
	v22 =	vimm.s32 $0x0  }
0x96: {  	v22 =	vsel vm13, $0xFFFFFFFF, v22  }
0x97: {  	[tilespmem:$0x1FFF0] =	vst v22;
	v22 =	vld [tilespmem:$0x1FF60];
	_ =	sdelay $0x4  }
0x98: {  	vm0 =	vnez.u8 v22;
	v22 =	vld [tilespmem:$0x1FF70];
	_ =	sdelay $0x2  }
0x99: {  	v51 =	vmpcnt.ones.xlane vm4;
	vm1 =	vmmov vm7  }
0x9a: {  	v54 =	vmpcnt.ones.xlane vm1;
	vm6 =	vlt.s32 v19, $0x597F;
	v26 =	vimm.s32 $0x0  }
0x9b: {  	v52 =	vld [tilespmem:s8+$0x50];
	v26 =	vsel vm1, $0xFFFFFFFF, v26;
	vm1 =	vmmov vm4;
	vm4 =	vnez.u8 v22  }
0x9c: {  	vm14 =	vlt.u32 v42, $0x100000;
	v19 =	vnsel vm6, $0x597F, v19  }
0x9d: {  	vm15 =	vlt.u32 v34, $0x100000;
	v60 =	vmpcnt.ones.xlane vm14  }
0x9e: {  	v61 =	vld [tilespmem:s4+$0x40];
	v48 =	vmpcnt.ones.xlane vm10;
	v46 =	vmpcnt.ones.xlane vm3;
	v7 =	vmovc v55;
	v21 =	vadd.s32 v21, v27  }
0x9f: {  	v55 =	vimm.s32 $0x0;
	vm11 =	vlt.u32 v7, $0x100000;
	v58 =	vld [tilespmem:s8+$0x70];
	[tilespmem:v20+s21+$0x0] =	vst.idx.msk vm0, v9;
	v9 =	vadd.s32 v21, v60  }
0xa0: {  	v28 =	vsub.s32 v52, v0;
	(xrf0) =	vadd.scan.msk.s32 vm14, v1;
	v23 =	vld [tilespmem:s4+$0x50];
	v43 =	vadd.s32 v9, v32;
	v9 =	vadd.s32 v9, v54  }
0xa1: {  	v52 =	vmpcnt.ones.xlane vm15;
	v41 =	vadd.s32 v9, v41;
	[tilespmem:v19+s21+$0x0] =	vst.idx.msk vm4, v5;
	v5 =	vadd.s32 v9, v46;
	v9 =	vld [tilespmem:$0x1FF80]  }
0xa2: {  	vm8 =	vlt.u32 v28, $0x100000;
	(xrf0) =	vadd.scan.msk.s32 vm5, v1;
	[tilespmem:$0x1FFC0] =	vst v26;
	v26 =	vimm.s32 $0x0  }
0xa3: {  	s9 =	sadd.s32 $0x100, s9;
	v18 =	vmpcnt.ones.xlane vm8;
	v47 =	vmpcnt.ones.xlane vm12;
	(xrf0) =	vadd.scan.msk.s32 vm11, v1;
	v26 =	vsel vm15, $0xFFFFFFFF, v26  }
0xa4: {  	v6 =	vmovc v56;
	v56 =	vsel vm12, $0xFFFFFFFF, v55;
	v55 =	vld [tilespmem:s9+$0xFFFFFF80];
	(xrf0) =	vadd.scan.msk.s32 vm15, v1;
	[tilespmem:$0x1FFD0] =	vst v26;
	v26 =	vsub.s32 v58, v0  }
0xa5: {  	vm12 =	vmmov vm14;
	[tilespmem:$0x1FFA0] =	vst v56;
	vm14 =	vlt.u32 v26, $0x100000;
	(xrf0) =	vadd.scan.msk.s32 vm8, v1  }
0xa6: {  	v57 =	vimm.s32 $0x0;
	v29, _, _ =	vpop (xrf0);
	(xrf0) =	vadd.scan.msk.s32 vm14, v1;
	[tilespmem:v19+s22+$0x0] =	vst.idx.msk vm4, v23;
	vm4 =	vnez.u8 v9  }
0xa7: {  	v10 =	vmovc v63;
	[tilespmem:v50+s21+$0x0] =	vst.idx.msk vm2, v31;
	v25 =	vmpcnt.ones.xlane vm11;
	vm7 =	vlt.s32 v35, $0x597F;
	v63 =	vsel vm8, $0xFFFFFFFF, v57  }
0xa8: {  	s7 =	sadd.s32 $0x10, s7;
	v36 =	vld [tilespmem:s9+$0xFFFFFFA0];
	v3 =	vmov v42;
	v37 =	vadd.s32 v62, v37;
	v4 =	vmov v45;
	v42, _, _ =	vpop (xrf0);
	(xrf0) =	vadd.scan.msk.s32 vm13, v1  }
0xa9: {  	p0 =	slt.u32 s7, $0xF0;
	v56 =	vld [tilespmem:s4+$0x70];
	[tilespmem:v50+s22+$0x0] =	vst.idx.msk vm2, v55;
	v27 =	vmpcnt.ones.xlane vm14;
	vm13 =	vmmov vm5;
	v31 =	vadd.s32 v21, v29;
	v40, _, _ =	vpop (xrf0)  }
.Ltmp2:
0xaa: {  	vm5 =	vmmov vm9;
	v29 =	vld [tilespmem:s9+$0xFFFFFFC0];
	[tilespmem:v20+s22+$0x0] =	vst.idx.msk vm0, v61;
	v20, _, _ =	vpop (xrf0);
	v46 =	vadd.s32 v5, v44;
	v5 =	vadd.s32 v5, v51;
	(pc) =	sbr.rel @p0 .LBB2_3-.Ltmp2, $4  }
0xab: {  	[tilespmem:$0x1FFE0] =	vst v63;
	vm8 =	vlt.s32 v39, $0x597F;
	vm15 =	vlt.s32 v31, $0x597F;
	v21 =	vld [tilespmem:s9+$0xFFFFFFB0];
	vm0 =	vlt.s32 v43, $0x597F;
	v19, _, _ =	vpop (xrf0)  }
0xac: {  	v32 =	vld [tilespmem:s9+$0xFFFFFF90];
	vm6 =	vlt.s32 v41, $0x597F;
	v45 =	vadd.s32 v5, v49;
	v38, _, _ =	vpop (xrf0);
	[tilespmem:v30+s21+$0x0] =	vst.idx.msk vm4, v24;
	v24 =	vadd.s32 v5, v48  }
0xad: {  	v44 =	vld [tilespmem:s9+$0x20];
	vm2 =	vlt.s32 v46, $0x597F;
	v9 =	vmovc v34;
	v5 =	vmovc v28;
	v23 =	vadd.s32 v24, v53;
	v24 =	vadd.s32 v24, v47  }
0xae: {  	s8 =	sadd.s32 $0x100, s8;
	s4 =	smov.u32 s9;
	[tilespmem:v30+s22+$0x0] =	vst.idx.msk vm4, v56;
	v30 =	vld [tilespmem:s9+$0x10];
	v47, _, _ =	vpop (xrf0);
	vm4 =	vlt.s32 v23, $0x597F;
	v20 =	vadd.s32 v24, v20;
	v22 =	vadd.s32 v24, v52  }
0xaf: {  	vm9 =	vlt.s32 v45, $0x597F  }
0xb0: {  	v24 =	vnsel vm9, $0x597F, v45;
	_ =	sdelay $0x4  }
0xb1: {  	[tilespmem:v24+s21+$0x0] =	vst.idx.msk vm10, v15  }
0xb2: {  	[tilespmem:v24+s22+$0x0] =	vst.idx.msk vm10, v44  }
0xb3: {  	v15 =	vadd.s32 v22, v18;
	v18 =	vld [tilespmem:$0x1FF90]  }
0xb4: {  	v28 =	vnsel vm2, $0x597F, v46;
	v13 =	vadd.s32 v13, v42  }
0xb5: {  	v34 =	vnsel vm7, $0x597F, v35;
	vm2 =	vlt.s32 v13, $0x597F  }
0xb6: {  	v13 =	vnsel vm2, $0x597F, v13;
	_ =	sdelay $0x1  }
0xb7: {  	vm2 =	vnez.u8 v18  }
0xb8: {  	vm7 =	vlt.s32 v37, $0x597F;
	[tilespmem:v28+s21+$0x0] =	vst.idx.msk vm1, v12;
	v18 =	vadd.s32 v15, v40;
	vm2 =	vmmov vm2  }
0xb9: {  	v24 =	vnsel vm7, $0x597F, v37;
	[tilespmem:v34+s21+$0x0] =	vst.idx.msk vm5, v14;
	vm7 =	vlt.s32 v18, $0x597F  }
0xba: {  	[tilespmem:v13+s21+$0x0] =	vst.idx.msk vm13, v16;
	v12 =	vnsel vm7, $0x597F, v18  }
0xbb: {  	[tilespmem:v28+s22+$0x0] =	vst.idx.msk vm1, v30  }
0xbc: {  	[tilespmem:v34+s22+$0x0] =	vst.idx.msk vm5, v36  }
0xbd: {  	[tilespmem:v13+s22+$0x0] =	vst.idx.msk vm13, v32  }
0xbe: {  	[tilespmem:v24+s21+$0x0] =	vst.idx.msk vm2, v8  }
0xbf: {  	v8 =	vld [tilespmem:s4+$0x60];
	[tilespmem:v12+s21+$0x0] =	vst.idx.msk vm11, v7  }
0xc0: {  	[tilespmem:v24+s22+$0x0] =	vst.idx.msk vm2, v29  }
0xc1: {  	v13 =	vld [tilespmem:$0x1FFF0];
	_ =	sdelay $0x3  }
0xc2: {  	v16 =	vnsel vm0, $0x597F, v43;
	v18 =	vadd.s32 v33, v47  }
0xc3: {  	vm0 =	vmmov vm3;
	vm1 =	vlt.s32 v18, $0x597F;
	vm3 =	vnez.u8 v13  }
0xc4: {  	v14 =	vnsel vm1, $0x597F, v18;
	_ =	sdelay $0x3  }
0xc5: {  	[tilespmem:v12+s22+$0x0] =	vst.idx.msk vm11, v8  }
0xc6: {  	[tilespmem:v14+s21+$0x0] =	vst.idx.msk vm3, v17  }
0xc7: {  	v8 =	vld [tilespmem:$0x1FFC0];
	_ =	sdelay $0x4  }
0xc8: {  	vm2 =	vnez.u8 v8;
	_ =	sdelay $0x1  }
0xc9: {  	v7 =	vld [tilespmem:s4+$0xFFFFFFF0];
	_ =	sdelay $0x3  }
0xca: {  	[tilespmem:v16+s21+$0x0] =	vst.idx.msk vm2, v6  }
0xcb: {  	[tilespmem:v16+s22+$0x0] =	vst.idx.msk vm2, v7  }
0xcc: {  	v12 =	vld [tilespmem:$0x1FFB0];
	_ =	sdelay $0x4  }
0xcd: {  	vm5 =	vnez.u8 v12  }
0xce: {  	v18 =	vnsel vm8, $0x597F, v39;
	_ =	sdelay $0x1  }
0xcf: {  	v13 =	vnsel vm6, $0x597F, v41  }
0xd0: {  	v6 =	vld [tilespmem:s4+$0x0]  }
0xd1: {  	v8 =	vld [tilespmem:s4+$0xFFFFFFD0]  }
0xd2: {  	[tilespmem:v18+s21+$0x0] =	vst.idx.msk vm5, v11  }
0xd3: {  	v11 =	vld [tilespmem:$0x1FFA0];
	[tilespmem:v14+s22+$0x0] =	vst.idx.msk vm3, v21  }
0xd4: {  	[tilespmem:v13+s21+$0x0] =	vst.idx.msk vm0, v10  }
0xd5: {  	v12 =	vld [tilespmem:$0x1FFD0];
	[tilespmem:v13+s22+$0x0] =	vst.idx.msk vm0, v6  }
0xd6: {  	[tilespmem:v18+s22+$0x0] =	vst.idx.msk vm5, v8  }
0xd7: {  	v14 =	vld [tilespmem:$0x1FFE0]  }
0xd8: {  	v7 =	vnsel vm15, $0x597F, v31;
	vm2 =	vnez.u8 v11  }
0xd9: {  	v11 =	vld [tilespmem:s4+$0xFFFFFFE0];
	vm2 =	vmmov vm2  }
0xda: {  	vm1 =	vmmov vm12;
	v10 =	vnsel vm4, $0x597F, v23;
	vm3 =	vnez.u8 v12  }
0xdb: {  	v6 =	vld [tilespmem:s4+$0x30];
	vm0 =	vlt.s32 v20, $0x597F;
	v8 =	vadd.s32 v22, v19;
	vm3 =	vmmov vm3  }
0xdc: {  	v13 =	vadd.s32 v15, v25;
	v12 =	vnsel vm0, $0x597F, v20;
	vm0 =	vnez.u8 v14  }
0xdd: {  	vm4 =	vlt.s32 v8, $0x597F;
	[tilespmem:v7+s21+$0x0] =	vst.idx.msk vm12, v3;
	v3 =	vld [tilespmem:s4+$0x40];
	v14 =	vadd.s32 v13, v38;
	vm0 =	vmmov vm0  }
0xde: {  	vm1 =	vlt.s32 v14, $0x597F;
	[tilespmem:v7+s22+$0x0] =	vst.idx.msk vm12, v11;
	v7 =	vnsel vm4, $0x597F, v8  }
0xdf: {  	v8 =	vnsel vm1, $0x597F, v14;
	[tilespmem:v10+s21+$0x0] =	vst.idx.msk vm2, v4  }
0xe0: {  	v4 =	vld [tilespmem:s4+$0x50];
	[tilespmem:v10+s22+$0x0] =	vst.idx.msk vm2, v6  }
0xe1: {  	v6 =	vld [tilespmem:s4+$0x70];
	[tilespmem:v12+s21+$0x0] =	vst.idx.msk vm3, v9  }
0xe2: {  	s2 =	sshll.u32 s0, $0x1;
	[tilespmem:v12+s22+$0x0] =	vst.idx.msk vm3, v3  }
0xe3: {  	s2 =	smin.u32 s2, $0x7C;
	[tilespmem:v7+s21+$0x0] =	vst.idx.msk vm0, v5  }
0xe4: {  	s4 =	sshll.u32 s2, $0x9;
	[tilespmem:v8+s21+$0x0] =	vst.idx.msk vm14, v26  }
0xe5: {  	s2 =	sadd.s32 $0x400, s4;
	[tilespmem:v7+s22+$0x0] =	vst.idx.msk vm0, v4  }
0xe6: {  	s3 =	sadd.s32 s11, s2;
	[tilespmem:v8+s22+$0x0] =	vst.idx.msk vm14, v6  }
0xe7: {  	[tilespmem:s15], [sflag:$0x1] =	stream.linear.gather [hbm4b:s3+s6], $0x1000, $0x38;
	[tilespmem:$0x1F400] =	vst v63  }
0xe8: {  	s2 =	sadd.s32 s14, s2  }
0xe9: {  	[tilespmem:s31], [sflag:$0x2] =	stream.linear.gather [hbm4b:s2+s6], $0x1000, $0x38;
	[tilespmem:$0x1F400] =	vst v63  }
0xea: {  	_ =	swait.ge [sflag:s23], $0x1000  }
0xeb: {  	[sflag:s23] =	ssyncset.done $0x0  }
0xec: {  	[sflag:s23] =	ssyncadd.s32 $0xFFFFF000  }
0xed: {  	_ =	swait.ge [sflag:s24], $0x1000  }
0xee: {  	[sflag:s24] =	ssyncset.done $0x0  }
0xef: {  	s30 =	simm.s32 $0x1D480;
	[sflag:s24] =	ssyncadd.s32 $0xFFFFF000  }
0xf0: {  	v3 =	vld [tilespmem:s30+$0xFFFFFF80]  }
0xf1: {  	v4 =	vld [tilespmem:s30+$0x30]  }
0xf2: {  	v8 =	vld [tilespmem:s30+$0x10]  }
0xf3: {  	v10 =	vld [tilespmem:s30+$0xFFFFFFC0]  }
0xf4: {  	v11 =	vld [tilespmem:s30+$0x20]  }
0xf5: {  	v14 =	vld [tilespmem:s30+$0xFFFFFFA0];
	_ =	sdelay $0x1  }
0xf6: {  	v61 =	vimm.s32 $0x0;
	v25 =	vimm.s32 $0x0;
	v16 =	vadd.s32 v13, v27;
	v5 =	vld [tilespmem:s30+$0x60]  }
0xf7: {  	vm4 =	vmmov vm14;
	v7 =	vld [tilespmem:s30+$0x50];
	v24 =	vsub.s32 v3, v0;
	v13 =	vsub.s32 v8, v0  }
0xf8: {  	v9 =	vld [tilespmem:s30+$0xFFFFFFF0];
	v8 =	vsub.s32 v10, v0;
	v17 =	vsub.s32 v11, v0;
	v4 =	vsub.s32 v4, v0  }
0xf9: {  	v15 =	vld [tilespmem:s30+$0x40];
	v14 =	vsub.s32 v14, v0;
	vm2 =	vlt.u32 v24, $0x100000;
	vm3 =	vlt.u32 v8, $0x100000  }
0xfa: {  	v3 =	vld [tilespmem:s30+$0xFFFFFFE0];
	vm1 =	vlt.u32 v13, $0x100000;
	vm9 =	vlt.u32 v17, $0x100000;
	vm4 =	vlt.u32 v4, $0x100000  }
0xfb: {  	vm5 =	vlt.u32 v14, $0x100000;
	v6 =	vmpcnt.ones.xlane vm2;
	v20 =	vmpcnt.ones.xlane vm3  }
0xfc: {  	v18 =	vld [tilespmem:s30+$0xFFFFFF90];
	(xrf0) =	vadd.scan.msk.s32 vm2, v1;
	v25 =	vsel vm4, $0xFFFFFFFF, v25;
	v50 =	vmpcnt.ones.xlane vm4;
	v26 =	vmpcnt.ones.xlane vm5  }
0xfd: {  	v19 =	vld [tilespmem:s30+$0x0];
	v52 =	vmpcnt.ones.xlane vm1;
	v12 =	vadd.s32 v16, v6;
	v6 =	vsub.s32 v5, v0  }
0xfe: {  	v10 =	vld [tilespmem:s30+$0xFFFFFFD0];
	v5 =	vsub.s32 v7, v0;
	v7 =	vsub.s32 v9, v0;
	v9 =	vsub.s32 v15, v0  }
0xff: {  	v21 =	vld [tilespmem:s30+$0xFFFFFFB0];
	[tilespmem:$0x1FED0] =	vst v25;
	v15 =	vimm.s32 $0x0;
	v3 =	vsub.s32 v3, v0;
	vm0 =	vlt.u32 v7, $0x100000  }
0x100: {  	vm14 =	vlt.u32 v9, $0x100000;
	v15 =	vsel vm3, $0xFFFFFFFF, v15;
	vm7 =	vlt.u32 v5, $0x100000;
	(xrf0) =	vadd.scan.msk.s32 vm0, v1  }
0x101: {  	vm12 =	vlt.u32 v6, $0x100000;
	vm8 =	vlt.u32 v3, $0x100000;
	[tilespmem:$0x1FEC0] =	vst v15;
	(xrf0) =	vadd.scan.msk.s32 vm1, v1  }
0x102: {  	v15 =	vsub.s32 v18, v0;
	v18 =	vmpcnt.ones.xlane vm7;
	v53 =	vmpcnt.ones.xlane vm14;
	v11, _, _ =	vpop (xrf0);
	(xrf0) =	vadd.scan.msk.s32 vm3, v1  }
0x103: {  	vm13 =	vlt.u32 v15, $0x100000;
	(xrf0) =	vadd.scan.msk.s32 vm9, v1;
	v22 =	vadd.s32 v16, v11;
	v11 =	vsub.s32 v10, v0  }
0x104: {  	v10 =	vsub.s32 v19, v0;
	v16 =	vsub.s32 v21, v0;
	v21 =	vmpcnt.ones.xlane vm13;
	(xrf0) =	vadd.scan.msk.s32 vm4, v1  }
0x105: {  	vm0 =	vmmov vm0;
	v42 =	vsel vm7, $0xFFFFFFFF, v61;
	vm3 =	vlt.u32 v10, $0x100000;
	(xrf0) =	vadd.scan.msk.s32 vm5, v1  }
0x106: {  	vm6 =	vlt.s32 v22, $0x597F;
	vm10 =	vlt.u32 v11, $0x100000;
	v21 =	vadd.s32 v12, v21;
	v27, _, _ =	vpop (xrf0);
	(xrf0) =	vadd.scan.msk.s32 vm3, v1  }
0x107: {  	vm4 =	vlt.u32 v16, $0x100000;
	v31 =	vadd.s32 v21, v26;
	v26 =	vimm.s32 $0x0;
	v28, _, _ =	vpop (xrf0);
	(xrf0) =	vadd.scan.msk.s32 vm10, v1  }
0x108: {  	v25 =	vld [tilespmem:s30+$0x70];
	[tilespmem:$0x1FF10] =	vst v42;
	v51 =	vnsel vm6, $0x597F, v22;
	v22 =	vmpcnt.ones.xlane vm4;
	v26 =	vsel vm10, $0xFFFFFFFF, v26;
	v29, _, _ =	vpop (xrf0)  }
0x109: {  	v57 =	vmpcnt.ones.xlane vm8;
	v59 =	vmpcnt.ones.xlane vm0;
	[tilespmem:$0x1FEE0] =	vst v26;
	v26 =	vimm.s32 $0x0;
	v30, _, _ =	vpop (xrf0)  }
0x10a: {  	v55 =	vmpcnt.ones.xlane vm10;
	v22 =	vadd.s32 v31, v22;
	(xrf0) =	vadd.scan.msk.s32 vm8, v1;
	v26 =	vsel vm0, $0xFFFFFFFF, v26;
	v54, _, _ =	vpop (xrf0)  }
0x10b: {  	v19 =	vmpcnt.ones.xlane vm9;
	v20 =	vadd.s32 v22, v20;
	[tilespmem:$0x1FEF0] =	vst v26;
	v26 =	vimm.s32 $0x0;
	v56, _, _ =	vpop (xrf0)  }
0x10c: {  	v23 =	vmpcnt.ones.xlane vm3;
	(xrf0) =	vadd.scan.msk.s32 vm13, v1;
	v32 =	vadd.s32 v20, v55;
	v26 =	vsel vm14, $0xFFFFFFFF, v26;
	v58, _, _ =	vpop (xrf0)  }
0x10d: {  	v37 =	vadd.s32 v22, v29;
	(xrf0) =	vadd.scan.msk.s32 vm12, v1;
	v62 =	vadd.s32 v32, v57;
	[tilespmem:$0x1FF00] =	vst v26;
	v60, _, _ =	vpop (xrf0)  }
0x10e: {  	(xrf0) =	vadd.scan.msk.s32 vm14, v1;
	v26 =	vsub.s32 v25, v0;
	v39 =	vadd.s32 v20, v60;
	v20 =	vimm.s32 $0x0  }
0x10f: {  	s10 =	simm.s32 $0x1E480;
	v22 =	vadd.s32 v62, v59;
	vm14 =	vlt.u32 v26, $0x100000;
	(xrf0) =	vadd.scan.msk.s32 vm7, v1;
	v20 =	vsel vm4, $0xFFFFFFFF, v20  }
0x110: {  	v35 =	vadd.s32 v21, v56;
	v63 =	vld [tilespmem:s10+$0xFFFFFF80];
	v21, _, _ =	vpop (xrf0);
	(xrf0) =	vadd.scan.msk.s32 vm14, v1;
	[tilespmem:$0x1FF20] =	vst v20;
	v20 =	vadd.s32 v22, v23  }
0x111: {  	vm11 =	vmmov vm8;
	v42 =	vadd.s32 v22, v58;
	(xrf0) =	vadd.scan.msk.s32 vm4, v1;
	v22 =	vadd.s32 v20, v52  }
0x112: {  	v43 =	vadd.s32 v62, v27;
	v32 =	vadd.s32 v32, v21;
	v41, _, _ =	vpop (xrf0);
	v21 =	vld [tilespmem:s10+$0xFFFFFFB0];
	v19 =	vadd.s32 v22, v19  }
0x113: {  	v25 =	vmpcnt.ones.xlane vm12;
	vm0 =	vlt.s32 v43, $0x597F;
	vm7 =	vlt.s32 v35, $0x597F;
	v40, _, _ =	vpop (xrf0);
	v29 =	vld [tilespmem:s10+$0xFFFFFFC0]  }
0x114: {  	vm6 =	vlt.s32 v42, $0x597F;
	vm8 =	vlt.s32 v39, $0x597F;
	v46 =	vadd.s32 v20, v28;
	v36 =	vld [tilespmem:s10+$0xFFFFFFA0];
	[tilespmem:v51+s21+$0x0] =	vst.idx.msk vm2, v24;
	v20, _, _ =	vpop (xrf0)  }
0x115: {  	v33 =	vld [tilespmem:s10+$0xFFFFFF90];
	v45 =	vadd.s32 v22, v30;
	v23 =	vadd.s32 v19, v54;
	v22 =	vadd.s32 v19, v50;
	v19, _, _ =	vpop (xrf0)  }
0x116: {  	vm15 =	vlt.s32 v32, $0x597F;
	v28 =	vld [tilespmem:s10+$0x10];
	v30 =	vmpcnt.ones.xlane vm14;
	[tilespmem:v51+s22+$0x0] =	vst.idx.msk vm2, v63;
	vm2 =	vlt.s32 v46, $0x597F;
	v38, _, _ =	vpop (xrf0)  }
0x117: {  	s7 =	simm.s32 $0x0;
	s8 =	simm.s32 $0x1D580;
	s9 =	simm.s32 $0x1E480;
	v44 =	vld [tilespmem:s10+$0x20];
	v20 =	vadd.s32 v22, v20;
	v22 =	vadd.s32 v22, v53;
	vm4 =	vlt.s32 v23, $0x597F;
	v47, _, _ =	vpop (xrf0)  }
.LBB2_5:
0x118: {  	v43 =	vnsel vm0, $0x597F, v43;
	v24 =	vmovc v26;
	vm0 =	vmmov vm11;
	v26 =	vimm.s32 $0x0  }
0x119: {  	v26 =	vsel vm0, $0xFFFFFFFF, v26  }
0x11a: {  	[tilespmem:$0x1FE60] =	vst v26;
	v26 =	vld [tilespmem:$0x1FEC0];
	_ =	sdelay $0x2  }
0x11b: {  	v27 =	vld [tilespmem:s8+$0xFFFFFF80]  }
0x11c: {  	v49 =	vimm.s32 $0x0;
	v34 =	vnsel vm2, $0x597F, v46;
	vm2 =	vlt.s32 v45, $0x597F  }
0x11d: {  	v12 =	vadd.s32 v12, v41;
	v48 =	vsel vm4, $0xFFFFFFFF, v49;
	vm4 =	vnez.u8 v26  }
0x11e: {  	v26 =	vadd.s32 v31, v47;
	v31 =	vnsel vm6, $0x597F, v42;
	vm6 =	vlt.s32 v12, $0x597F  }
0x11f: {  	v62 =	vnsel vm2, $0x597F, v45;
	vm2 =	vlt.s32 v26, $0x597F;
	v54 =	vnsel vm6, $0x597F, v12;
	v12 =	vld [tilespmem:$0x1FED0]  }
0x120: {  	v47 =	vnsel vm2, $0x597F, v26;
	v26 =	vnsel vm15, $0x597F, v32;
	v32 =	vsub.s32 v27, v0;
	v27 =	vld [tilespmem:s8+$0x10]  }
0x121: {  	[tilespmem:v34+s21+$0x0] =	vst.idx.msk vm1, v13;
	v13 =	vld [tilespmem:$0x1FF00];
	_ =	sdelay $0x2  }
0x122: {  	vm2 =	vlt.s32 v37, $0x597F  }
0x123: {  	vm0 =	vmmov vm4;
	v37 =	vnsel vm2, $0x597F, v37;
	vm2 =	vnez.u8 v12  }
0x124: {  	v12 =	vimm.s32 $0x0;
	vm4 =	vmmov vm2;
	vm6 =	vnez.u8 v13  }
0x125: {  	v13 =	vimm.s32 $0x0;
	v12 =	vsel vm4, $0xFFFFFFFF, v12;
	vm4 =	vmmov vm6  }
0x126: {  	vm2 =	vlt.u32 v32, $0x100000;
	[tilespmem:$0x1FE80] =	vst v12;
	v12 =	vadd.s32 v22, v18;
	v13 =	vsel vm4, $0xFFFFFFFF, v13  }
0x127: {  	[tilespmem:$0x1FE90] =	vst v13;
	v13 =	vmpcnt.ones.xlane vm2;
	v18 =	vadd.s32 v12, v40;
	v12 =	vadd.s32 v12, v25  }
0x128: {  	v30 =	vadd.s32 v12, v30  }
0x129: {  	v38 =	vadd.s32 v12, v38;
	v12 =	vadd.s32 v30, v13;
	v13 =	vld [tilespmem:$0x1FF10];
	_ =	sdelay $0x2  }
0x12a: {  	v25 =	vld [tilespmem:s8+$0xFFFFFFC0]  }
0x12b: {  	v35 =	vnsel vm7, $0x597F, v35  }
0x12c: {  	[tilespmem:v34+s22+$0x0] =	vst.idx.msk vm1, v28;
	vm1 =	vnez.u8 v13  }
0x12d: {  	[tilespmem:v37+s21+$0x0] =	vst.idx.msk vm0, v8;
	v8 =	vimm.s32 $0x0;
	vm4 =	vmmov vm1;
	vm1 =	vmmov vm14  }
0x12e: {  	v50 =	vld [tilespmem:s8+$0xFFFFFFF0];
	v8 =	vsel vm1, $0xFFFFFFFF, v8  }
0x12f: {  	(xrf0) =	vadd.scan.msk.s32 vm2, v1;
	[tilespmem:$0x1FEB0] =	vst v8;
	v8 =	vsub.s32 v25, v0  }
0x130: {  	v55 =	vld [tilespmem:s8+$0xFFFFFFA0];
	[tilespmem:v35+s21+$0x0] =	vst.idx.msk vm5, v14;
	v14 =	vimm.s32 $0x0;
	vm1 =	vlt.u32 v8, $0x100000  }
0x131: {  	v14 =	vsel vm1, $0xFFFFFFFF, v14  }
0x132: {  	v13 =	vimm.s32 $0x0;
	[tilespmem:$0x1FEC0] =	vst v14;
	v14 =	vld [tilespmem:$0x1FF20]  }
0x133: {  	v56 =	vsub.s32 v50, v0;
	v13 =	vsel vm4, $0xFFFFFFFF, v13  }
0x134: {  	vm7 =	vlt.u32 v56, $0x100000;
	[tilespmem:$0x1FEA0] =	vst v13;
	v13 =	vsub.s32 v27, v0  }
0x135: {  	v25, _, _ =	vpop (xrf0);
	(xrf0) =	vadd.scan.msk.s32 vm7, v1;
	vm4 =	vlt.u32 v13, $0x100000  }
0x136: {  	(xrf0) =	vadd.scan.msk.s32 vm4, v1  }
0x137: {  	[tilespmem:v37+s22+$0x0] =	vst.idx.msk vm0, v29;
	v29 =	vmpcnt.ones.xlane vm1;
	(xrf0) =	vadd.scan.msk.s32 vm1, v1;
	vm1 =	vnez.u8 v14;
	_ =	sdelay $0x2  }
0x138: {  	vm6 =	vlt.s32 v18, $0x597F  }
0x139: {  	[tilespmem:v54+s21+$0x0] =	vst.idx.msk vm13, v15;
	v15 =	vnsel vm6, $0x597F, v18;
	vm6 =	vlt.s32 v38, $0x597F  }
0x13a: {  	v28 =	vnsel vm6, $0x597F, v38;
	v38 =	vld [tilespmem:s8+$0xFFFFFFB0]  }
0x13b: {  	[tilespmem:v47+s21+$0x0] =	vst.idx.msk vm1, v16;
	v16 =	vld [tilespmem:$0x1FEF0];
	_ =	sdelay $0x1  }
0x13c: {  	v61 =	vld [tilespmem:s8+$0x30]  }
0x13d: {  	v63 =	vld [tilespmem:s8+$0x20]  }
0x13e: {  	[tilespmem:v62+s21+$0x0] =	vst.idx.msk vm9, v17;
	v17 =	vld [tilespmem:s8+$0xFFFFFFE0]  }
0x13f: {  	v59 =	vld [tilespmem:s9+$0xFFFFFFF0];
	vm0 =	vnez.u8 v16  }
0x140: {  	v60 =	vld [tilespmem:s8+$0xFFFFFFD0]  }
0x141: {  	v14 =	vsub.s32 v55, v0;
	v55 =	vld [tilespmem:$0x1FEE0]  }
0x142: {  	v45 =	vsub.s32 v61, v0  }
0x143: {  	v39 =	vnsel vm8, $0x597F, v39;
	[tilespmem:v62+s22+$0x0] =	vst.idx.msk vm9, v44;
	v42 =	vsub.s32 v17, v0;
	v17 =	vsub.s32 v63, v0  }
0x144: {  	vm11 =	vlt.u32 v45, $0x100000;
	vm9 =	vlt.u32 v17, $0x100000;
	v18 =	vld [tilespmem:s8+$0xFFFFFF90];
	[tilespmem:v54+s22+$0x0] =	vst.idx.msk vm13, v33;
	vm6 =	vmmov vm3  }
0x145: {  	v25 =	vadd.s32 v30, v25;
	v30 =	vsub.s32 v60, v0;
	(xrf0) =	vadd.scan.msk.s32 vm9, v1;
	[tilespmem:v43+s21+$0x0] =	vst.idx.msk vm0, v7  }
0x146: {  	v61 =	vld [tilespmem:s8+$0x0];
	vm10 =	vlt.u32 v14, $0x100000;
	vm13 =	vnez.u8 v55;
	[tilespmem:v43+s22+$0x0] =	vst.idx.msk vm0, v59;
	vm0 =	vlt.s32 v25, $0x597F  }
0x147: {  	v53 =	vld [tilespmem:s8+$0x50];
	(xrf0) =	vadd.scan.msk.s32 vm11, v1;
	v50 =	vnsel vm0, $0x597F, v25;
	vm0 =	vlt.u32 v30, $0x100000;
	v25 =	vimm.s32 $0x0  }
0x148: {  	(xrf0) =	vadd.scan.msk.s32 vm10, v1;
	v16 =	vld [tilespmem:s9+$0x0];
	v25 =	vsel vm0, $0xFFFFFFFF, v25  }
0x149: {  	v33, _, _ =	vpop (xrf0);
	[tilespmem:$0x1FEE0] =	vst v25;
	v25 =	vld [tilespmem:$0x1FE60]  }
0x14a: {  	v44, _, _ =	vpop (xrf0)  }
0x14b: {  	v63 =	vsub.s32 v61, v0;
	v37, _, _ =	vpop (xrf0)  }
0x14c: {  	v62 =	vld [tilespmem:s9+$0xFFFFFFD0];
	vm3 =	vlt.u32 v63, $0x100000;
	v49, _, _ =	vpop (xrf0);
	[tilespmem:v39+s21+$0x0] =	vst.idx.msk vm13, v11  }
0x14d: {  	v27 =	vsub.s32 v53, v0;
	(xrf0) =	vadd.scan.msk.s32 vm3, v1;
	v53, _, _ =	vpop (xrf0);
	[tilespmem:v31+s21+$0x0] =	vst.idx.msk vm6, v10;
	v11 =	vmov v30  }
0x14e: {  	[tilespmem:v31+s22+$0x0] =	vst.idx.msk vm6, v16;
	v31, _, _ =	vpop (xrf0);
	v30 =	vmpcnt.ones.xlane vm0;
	(xrf0) =	vadd.scan.msk.s32 vm0, v1;
	vm0 =	vnez.u8 v25;
	_ =	sdelay $0x3  }
0x14f: {  	v58 =	vld [tilespmem:s9+$0x60];
	[tilespmem:$0x1FE70] =	vst v48  }
0x150: {  	[tilespmem:v47+s22+$0x0] =	vst.idx.msk vm1, v21;
	v21 =	vld [tilespmem:s9+$0xFFFFFFE0]  }
0x151: {  	[tilespmem:v26+s21+$0x0] =	vst.idx.msk vm0, v3;
	v3 =	vld [tilespmem:$0x1FE70];
	_ =	sdelay $0x1  }
0x152: {  	v52 =	vld [tilespmem:s8+$0x60];
	[tilespmem:v15+s21+$0x0] =	vst.idx.msk vm12, v6  }
0x153: {  	[tilespmem:v15+s22+$0x0] =	vst.idx.msk vm12, v58;
	v15 =	vsub.s32 v18, v0  }
0x154: {  	[tilespmem:v35+s22+$0x0] =	vst.idx.msk vm5, v36;
	vm5 =	vlt.u32 v15, $0x100000  }
0x155: {  	v25 =	vmpcnt.ones.xlane vm5;
	[tilespmem:v26+s22+$0x0] =	vst.idx.msk vm0, v21;
	vm0 =	vnez.u8 v3  }
0x156: {  	v21 =	vnsel vm0, $0x597F, v23;
	v23 =	vmpcnt.ones.xlane vm10  }
0x157: {  	v19 =	vadd.s32 v22, v19;
	v22 =	vadd.s32 v12, v25  }
0x158: {  	v35 =	vadd.s32 v22, v31;
	v31 =	vadd.s32 v22, v23;
	v23 =	vld [tilespmem:$0x1FE80];
	_ =	sdelay $0x3  }
0x159: {  	vm0 =	vlt.s32 v20, $0x597F  }
0x15a: {  	v20 =	vnsel vm0, $0x597F, v20;
	vm0 =	vnez.u8 v23;
	_ =	sdelay $0x1  }
0x15b: {  	v16 =	vsub.s32 v38, v0;
	v38 =	vld [tilespmem:s9+$0x30]  }
0x15c: {  	[tilespmem:v39+s22+$0x0] =	vst.idx.msk vm13, v62;
	vm13 =	vlt.u32 v16, $0x100000  }
0x15d: {  	v59 =	vmpcnt.ones.xlane vm13;
	_ =	sdelay $0x1  }
0x15e: {  	vm14 =	vlt.u32 v42, $0x100000;
	v3 =	vmov v42;
	v42, _, _ =	vpop (xrf0);
	v62 =	vadd.s32 v31, v59;
	[tilespmem:v21+s21+$0x0] =	vst.idx.msk vm0, v4  }
0x15f: {  	v22, _, _ =	vpop (xrf0);
	[tilespmem:v21+s22+$0x0] =	vst.idx.msk vm0, v38;
	v21 =	vadd.s32 v62, v29  }
0x160: {  	v39 =	vadd.s32 v21, v22;
	v22 =	vimm.s32 $0x0  }
0x161: {  	v22 =	vsel vm13, $0xFFFFFFFF, v22  }
0x162: {  	[tilespmem:$0x1FF20] =	vst v22;
	v22 =	vld [tilespmem:$0x1FE90];
	_ =	sdelay $0x4  }
0x163: {  	vm0 =	vnez.u8 v22;
	v22 =	vld [tilespmem:$0x1FEA0]  }
0x164: {  	v57 =	vld [tilespmem:s8+$0x40];
	_ =	sdelay $0x1  }
0x165: {  	v51 =	vmpcnt.ones.xlane vm4;
	vm1 =	vmmov vm7  }
0x166: {  	v54 =	vmpcnt.ones.xlane vm1;
	vm6 =	vlt.s32 v19, $0x597F;
	v26 =	vimm.s32 $0x0  }
0x167: {  	v26 =	vsel vm1, $0xFFFFFFFF, v26;
	vm1 =	vmmov vm4;
	vm4 =	vnez.u8 v22  }
0x168: {  	v34 =	vsub.s32 v57, v0;
	v19 =	vnsel vm6, $0x597F, v19  }
0x169: {  	vm15 =	vlt.u32 v34, $0x100000;
	v60 =	vmpcnt.ones.xlane vm14  }
0x16a: {  	v41 =	vsub.s32 v52, v0;
	v61 =	vld [tilespmem:s9+$0x40];
	v52 =	vmpcnt.ones.xlane vm15;
	v21 =	vadd.s32 v21, v30  }
0x16b: {  	v48 =	vmpcnt.ones.xlane vm9;
	v46 =	vmpcnt.ones.xlane vm3;
	v6 =	vmovc v41;
	v58 =	vld [tilespmem:s8+$0x70];
	[tilespmem:v20+s21+$0x0] =	vst.idx.msk vm0, v9;
	v9 =	vadd.s32 v21, v60  }
0x16c: {  	vm12 =	vlt.u32 v6, $0x100000;
	(xrf0) =	vadd.scan.msk.s32 vm14, v1;
	v23 =	vld [tilespmem:s9+$0x50];
	v43 =	vadd.s32 v9, v33;
	v9 =	vadd.s32 v9, v54  }
0x16d: {  	vm8 =	vlt.u32 v27, $0x100000;
	v42 =	vadd.s32 v9, v42;
	[tilespmem:v19+s21+$0x0] =	vst.idx.msk vm4, v5;
	v5 =	vadd.s32 v9, v46;
	v9 =	vld [tilespmem:$0x1FEB0]  }
0x16e: {  	v7 =	vmovc v56;
	v56 =	vimm.s32 $0x0;
	(xrf0) =	vadd.scan.msk.s32 vm5, v1;
	[tilespmem:$0x1FEF0] =	vst v26;
	v26 =	vimm.s32 $0x0  }
0x16f: {  	v47 =	vmpcnt.ones.xlane vm11;
	v57 =	vsel vm11, $0xFFFFFFFF, v56;
	v26 =	vsel vm15, $0xFFFFFFFF, v26;
	(xrf0) =	vadd.scan.msk.s32 vm12, v1  }
0x170: {  	vm11 =	vmmov vm14;
	[tilespmem:$0x1FF00] =	vst v26;
	v26 =	vsub.s32 v58, v0;
	(xrf0) =	vadd.scan.msk.s32 vm15, v1  }
0x171: {  	s10 =	sadd.s32 $0x100, s10;
	v10 =	vmovc v63;
	[tilespmem:$0x1FED0] =	vst v57;
	v57 =	vimm.s32 $0x0;
	vm14 =	vlt.u32 v26, $0x100000;
	(xrf0) =	vadd.scan.msk.s32 vm8, v1  }
0x172: {  	v55 =	vld [tilespmem:s10+$0xFFFFFF80];
	v63 =	vsel vm8, $0xFFFFFFFF, v57;
	v29, _, _ =	vpop (xrf0);
	(xrf0) =	vadd.scan.msk.s32 vm14, v1;
	[tilespmem:v19+s22+$0x0] =	vst.idx.msk vm4, v23;
	vm4 =	vnez.u8 v9  }
0x173: {  	v18 =	vmpcnt.ones.xlane vm8;
	[tilespmem:$0x1FF10] =	vst v63;
	v25 =	vmpcnt.ones.xlane vm12  }
0x174: {  	s7 =	sadd.s32 $0x10, s7;
	v36 =	vld [tilespmem:s10+$0xFFFFFFA0];
	vm7 =	vlt.s32 v35, $0x597F;
	v37 =	vadd.s32 v62, v37;
	v4 =	vmov v45;
	v41, _, _ =	vpop (xrf0);
	(xrf0) =	vadd.scan.msk.s32 vm13, v1  }
0x175: {  	p0 =	slt.u32 s7, $0xF0;
	v56 =	vld [tilespmem:s9+$0x70];
	[tilespmem:v50+s21+$0x0] =	vst.idx.msk vm2, v32;
	v30 =	vmpcnt.ones.xlane vm14;
	vm13 =	vmmov vm5;
	v32 =	vadd.s32 v21, v29;
	v40, _, _ =	vpop (xrf0)  }
.Ltmp3:
0x176: {  	vm5 =	vmmov vm10;
	v29 =	vld [tilespmem:s10+$0xFFFFFFC0];
	[tilespmem:v20+s22+$0x0] =	vst.idx.msk vm0, v61;
	v20, _, _ =	vpop (xrf0);
	v46 =	vadd.s32 v5, v44;
	v5 =	vadd.s32 v5, v51;
	(pc) =	sbr.rel @p0 .LBB2_5-.Ltmp3, $4  }
0x177: {  	[tilespmem:v50+s22+$0x0] =	vst.idx.msk vm2, v55;
	vm8 =	vlt.s32 v39, $0x597F;
	vm15 =	vlt.s32 v32, $0x597F;
	v21 =	vld [tilespmem:s10+$0xFFFFFFB0];
	vm0 =	vlt.s32 v43, $0x597F;
	v19, _, _ =	vpop (xrf0)  }
0x178: {  	v33 =	vld [tilespmem:s10+$0xFFFFFF90];
	vm6 =	vlt.s32 v42, $0x597F;
	v45 =	vadd.s32 v5, v49;
	v38, _, _ =	vpop (xrf0);
	[tilespmem:v28+s21+$0x0] =	vst.idx.msk vm4, v24;
	v24 =	vadd.s32 v5, v48  }
0x179: {  	v44 =	vld [tilespmem:s10+$0x20];
	vm2 =	vlt.s32 v46, $0x597F;
	v9 =	vmovc v34;
	v5 =	vmovc v27;
	v23 =	vadd.s32 v24, v53;
	v24 =	vadd.s32 v24, v47  }
0x17a: {  	s8 =	sadd.s32 $0x100, s8;
	s9 =	smov.u32 s10;
	[tilespmem:v28+s22+$0x0] =	vst.idx.msk vm4, v56;
	v28 =	vld [tilespmem:s10+$0x10];
	v47, _, _ =	vpop (xrf0);
	vm4 =	vlt.s32 v23, $0x597F;
	v20 =	vadd.s32 v24, v20;
	v22 =	vadd.s32 v24, v52  }
0x17b: {  	v63 =	vld [tilespmem:$0x1FEC0]  }
0x17c: {  	v27 =	vnsel vm2, $0x597F, v46  }
0x17d: {  	vm10 =	vlt.s32 v45, $0x597F;
	v34 =	vnsel vm7, $0x597F, v35  }
0x17e: {  	v24 =	vnsel vm10, $0x597F, v45;
	_ =	sdelay $0x1  }
0x17f: {  	vm7 =	vnez.u8 v63  }
0x180: {  	v12 =	vadd.s32 v12, v41;
	vm10 =	vlt.s32 v37, $0x597F;
	[tilespmem:v27+s21+$0x0] =	vst.idx.msk vm1, v13;
	vm2 =	vmmov vm7  }
0x181: {  	v45 =	vnsel vm10, $0x597F, v37;
	vm10 =	vlt.s32 v12, $0x597F;
	[tilespmem:v34+s21+$0x0] =	vst.idx.msk vm5, v14  }
0x182: {  	v46 =	vadd.s32 v22, v18;
	v12 =	vnsel vm10, $0x597F, v12;
	[tilespmem:v24+s21+$0x0] =	vst.idx.msk vm9, v17  }
0x183: {  	v18 =	vadd.s32 v46, v40;
	[tilespmem:v27+s22+$0x0] =	vst.idx.msk vm1, v28  }
0x184: {  	[tilespmem:v24+s22+$0x0] =	vst.idx.msk vm9, v44;
	vm9 =	vlt.s32 v18, $0x597F  }
0x185: {  	[tilespmem:v34+s22+$0x0] =	vst.idx.msk vm5, v36;
	v48 =	vnsel vm9, $0x597F, v18  }
0x186: {  	[tilespmem:v45+s21+$0x0] =	vst.idx.msk vm2, v8;
	v8 =	vld [tilespmem:s9+$0x60]  }
0x187: {  	[tilespmem:v12+s21+$0x0] =	vst.idx.msk vm13, v15  }
0x188: {  	[tilespmem:v12+s22+$0x0] =	vst.idx.msk vm13, v33  }
0x189: {  	[tilespmem:v45+s22+$0x0] =	vst.idx.msk vm2, v29  }
0x18a: {  	[tilespmem:v48+s21+$0x0] =	vst.idx.msk vm12, v6  }
0x18b: {  	[tilespmem:v48+s22+$0x0] =	vst.idx.msk vm12, v8  }
0x18c: {  	v12 =	vld [tilespmem:$0x1FEF0];
	_ =	sdelay $0x4  }
0x18d: {  	vm13 =	vnez.u8 v12  }
0x18e: {  	v49 =	vnsel vm0, $0x597F, v43  }
0x18f: {  	v51 =	vld [tilespmem:s9+$0xFFFFFFF0];
	_ =	sdelay $0x3  }
0x190: {  	[tilespmem:v49+s21+$0x0] =	vst.idx.msk vm13, v7  }
0x191: {  	[tilespmem:v49+s22+$0x0] =	vst.idx.msk vm13, v51  }
0x192: {  	v55 =	vld [tilespmem:$0x1FF20];
	_ =	sdelay $0x3  }
0x193: {  	v50 =	vadd.s32 v31, v47  }
0x194: {  	vm10 =	vlt.s32 v50, $0x597F;
	v8 =	vnsel vm6, $0x597F, v42;
	vm6 =	vnez.u8 v55  }
0x195: {  	v52 =	vnsel vm10, $0x597F, v50;
	_ =	sdelay $0x4  }
0x196: {  	[tilespmem:v52+s21+$0x0] =	vst.idx.msk vm6, v16  }
0x197: {  	[tilespmem:v52+s22+$0x0] =	vst.idx.msk vm6, v21  }
0x198: {  	v58 =	vld [tilespmem:$0x1FEE0];
	_ =	sdelay $0x4  }
0x199: {  	v53 =	vnsel vm8, $0x597F, v39;
	vm8 =	vnez.u8 v58  }
0x19a: {  	vm12 =	vmmov vm3  }
0x19b: {  	v54 =	vld [tilespmem:s9+$0x0]  }
0x19c: {  	v56 =	vld [tilespmem:s9+$0xFFFFFFD0];
	_ =	sdelay $0x1  }
0x19d: {  	v15 =	vld [tilespmem:$0x1FED0];
	[tilespmem:v8+s21+$0x0] =	vst.idx.msk vm3, v10  }
0x19e: {  	[tilespmem:v53+s21+$0x0] =	vst.idx.msk vm8, v11  }
0x19f: {  	v10 =	vld [tilespmem:$0x1FF00];
	[tilespmem:v8+s22+$0x0] =	vst.idx.msk vm12, v54  }
0x1a0: {  	[tilespmem:v53+s22+$0x0] =	vst.idx.msk vm8, v56  }
0x1a1: {  	v57 =	vnsel vm15, $0x597F, v32;
	v12 =	vld [tilespmem:$0x1FF10]  }
0x1a2: {  	vm7 =	vnez.u8 v15;
	v11 =	vld [tilespmem:s9+$0xFFFFFFE0]  }
0x1a3: {  	vm2 =	vmmov vm7  }
0x1a4: {  	v59 =	vnsel vm4, $0x597F, v23;
	vm9 =	vnez.u8 v10  }
0x1a5: {  	v60 =	vld [tilespmem:s9+$0x30];
	v61 =	vadd.s32 v22, v19;
	vm10 =	vlt.s32 v20, $0x597F;
	vm3 =	vmmov vm9  }
0x1a6: {  	v8 =	vnsel vm10, $0x597F, v20;
	[tilespmem:v57+s21+$0x0] =	vst.idx.msk vm11, v3;
	v10 =	vadd.s32 v46, v25;
	vm12 =	vnez.u8 v12  }
0x1a7: {  	vm13 =	vlt.s32 v61, $0x597F;
	v3 =	vld [tilespmem:s9+$0x40];
	[tilespmem:v57+s22+$0x0] =	vst.idx.msk vm11, v11;
	v11 =	vadd.s32 v10, v38;
	vm0 =	vmmov vm12  }
0x1a8: {  	v6 =	vnsel vm13, $0x597F, v61;
	vm1 =	vlt.s32 v11, $0x597F  }
0x1a9: {  	[tilespmem:v59+s21+$0x0] =	vst.idx.msk vm2, v4;
	v11 =	vnsel vm1, $0x597F, v11  }
0x1aa: {  	v62 =	vld [tilespmem:s9+$0x50];
	[tilespmem:v59+s22+$0x0] =	vst.idx.msk vm2, v60  }
0x1ab: {  	v63 =	vld [tilespmem:s9+$0x70];
	[tilespmem:v8+s21+$0x0] =	vst.idx.msk vm3, v9  }
0x1ac: {  	[tilespmem:v8+s22+$0x0] =	vst.idx.msk vm3, v3  }
0x1ad: {  	s0 =	sadd.s32 $0x1, s0;
	[tilespmem:v6+s21+$0x0] =	vst.idx.msk vm0, v5  }
0x1ae: {  	p0 =	sne.s32 s0, $0x40;
	[tilespmem:v11+s21+$0x0] =	vst.idx.msk vm14, v26  }
.Ltmp4:
0x1af: {  	s2 =	sadd.s32 $0x600, s4;
	[tilespmem:v6+s22+$0x0] =	vst.idx.msk vm0, v62;
	(pc) =	sbr.rel @p0 .LBB2_2-.Ltmp4, $4  }
0x1b0: {  	s3 =	sadd.s32 s11, s2;
	[tilespmem:v11+s22+$0x0] =	vst.idx.msk vm14, v63  }
0x1b1: {  	[tilespmem:s16], [sflag:$0x3] =	stream.linear.gather [hbm4b:s3+s6], $0x1000, $0x38;
	[tilespmem:$0x1F400] =	vst v63  }
0x1b2: {  	s2 =	sadd.s32 s14, s2  }
0x1b3: {  	vm15 =	vmmov vm14;
	vm5 =	vmmov vm11;
	v10 =	vadd.s32 v10, v30;
	[tilespmem:s17], [sflag:$0x4] =	stream.linear.gather [hbm4b:s2+s6], $0x1000, $0x38;
	[tilespmem:$0x1F400] =	vst v63  }
0x1b4: {  	_ =	swait.ge [sflag:s19], $0x1000  }
0x1b5: {  	[sflag:s19] =	ssyncset.done $0x0  }
0x1b6: {  	[sflag:s19] =	ssyncadd.s32 $0xFFFFF000  }
0x1b7: {  	_ =	swait.ge [sflag:s20], $0x1000  }
0x1b8: {  	[sflag:s20] =	ssyncset.done $0x0  }
0x1b9: {  	[sflag:s20] =	ssyncadd.s32 $0xFFFFF000  }
0x1ba: {  	_ =	swait.ge [sflag:s23], $0x1000  }
0x1bb: {  	[sflag:s23] =	ssyncset.done $0x0  }
0x1bc: {  	[sflag:s23] =	ssyncadd.s32 $0xFFFFF000  }
0x1bd: {  	_ =	swait.ge [sflag:s24], $0x1000  }
0x1be: {  	(v2sf) =	vpush v10, $0x0;
	_ =	sdelay $0xe  }
0x1bf: {  	s0 =	spop (v2sf)  }
0x1c0: {  	s2 =	sadd.s32 $0x1, s0  }
0x1c1: {  	p0 =	slt.s32 s2, $0x5970  }
0x1c2: {  	p1 =	slt.s32 s2, $0xFFFFFFF2;
	s2 =	simm.s32 @!p0 $0x5970  }
0x1c3: {  	s30 =	sadd.s32 $0xF, s2  }
0x1c4: {  	s3 =	sand.u32 $0xF, s30  }
0x1c5: {  	s31 =	sshra.s32 s30, $0x1F;
	p6 =	sne.s32 s3, $0x0  }
0x1c6: {  	s3 =	sshrl.u32 s31, $0x1C;
	p0 =	por !p1, !p6  }
0x1c7: {  	s0 =	sadd.s32 s3, s30;
	s3 =	simm.s32 $0x1;
	p0 =	por !p0, !p0  }
0x1c8: {  	s0 =	sshra.s32 s0, $0x4;
	s3 =	simm.s32 @!p0 $0x0  }
0x1c9: {  	s0 =	ssub.s32 s0, s3  }
0x1ca: {  	s3 =	sshrl.u32 s0, $0x1E  }
0x1cb: {  	s3 =	sadd.s32 s3, s0  }
0x1cc: {  	s4 =	sand.u32 $0xFFFFFFFC, s3  }
0x1cd: {  	p0 =	slt.s32 s4, $0x1  }
.Ltmp5:
0x1ce: {  	_ = 	snop;
	(pc) =	sbr.rel @p0 .LBB2_8-.Ltmp5, $3  }
0x1cf: {  	_ =	sdelay $0x1  }
0x1d0: {  	[sflag:s24] =	ssyncset.done $0x0  }
0x1d1: {  	[sflag:s24] =	ssyncadd.s32 $0xFFFFF000;
	v3 =	vmov s2  }
0x1d2: {  	s3 =	simm.s32 $0x10020  }
0x1d3: {  	v4 =	vld [tilespmem:s3+$0xFFFFFFF0]  }
0x1d4: {  	v6 =	vld [tilespmem:s3+$0xFFFFFFE0]  }
0x1d5: {  	v5 =	vld [tilespmem:s3+$0x10]  }
0x1d6: {  	s7 =	simm.s32 $0x20;
	s10 =	simm.s32 $0x10;
	v7 =	vld [tilespmem:s3+$0x0]  }
0x1d7: {  	s2 =	simm.s32 $0x0;
	s9 =	simm.s32 $0x30;
	v8 =	vor.u32 s7, v2;
	v12 =	vor.u32 s10, v2  }
0x1d8: {  	v9 =	vor.u32 s9, v2;
	v13 =	vor.u32 s2, v2;
	vm0 =	vlt.s32 v12, v3  }
0x1d9: {  	vm2 =	vlt.s32 v13, v3;
	vm8 =	vlt.s32 v9, v3;
	vm1 =	vlt.u32 v4, $0x80000  }
0x1da: {  	vm4 =	vlt.u32 v5, $0x80000;
	vm6 =	vmand vm0, vm1;
	vm1 =	vlt.u32 v6, $0x80000  }
0x1db: {  	vm5 =	vlt.u32 v7, $0x80000;
	vm3 =	vmand vm2, vm1;
	(xrf0) =	vadd.scan.msk.s32 vm6, v1;
	vm1 =	vlt.s32 v8, v3  }
0x1dc: {  	vm7 =	vmand vm8, vm4;
	(xrf0) =	vadd.scan.msk.s32 vm3, v1;
	vm5 =	vmand vm1, vm5  }
0x1dd: {  	v11 =	vimm.s32 $0xFFFFFFFF;
	vm4 =	vmxor vm2, vm3;
	(xrf0) =	vadd.scan.msk.s32 vm7, v1;
	vm2 =	vmxor vm1, vm5  }
0x1de: {  	vm0 =	vmxor vm0, vm6;
	v8 =	vmpcnt.ones.xlane vm4;
	(xrf0) =	vadd.scan.msk.s32 vm5, v1;
	v12 =	vmpcnt.ones.xlane vm2  }
0x1df: {  	v10 =	vimm.s32 $0x8000;
	vm8 =	vmxor vm8, vm7;
	v9 =	vmpcnt.ones.xlane vm0  }
0x1e0: {  	v13 =	vmpcnt.ones.xlane vm6;
	v15 =	vmpcnt.ones.xlane vm3;
	v14 =	vsub.s32 v10, v8  }
0x1e1: {  	vm1 =	vmmov vm0;
	(xrf0) =	vadd.scan.msk.s32 vm0, v1;
	vm0 =	vmmov vm8;
	v16 =	vsub.s32 v14, v9;
	v17, _, _ =	vpop (xrf0)  }
0x1e2: {  	v23 =	vmpcnt.ones.xlane vm7;
	(xrf0) =	vadd.scan.msk.s32 vm4, v1;
	v9 =	vmpcnt.ones.xlane vm0;
	v8 =	vsub.s32 v16, v12;
	v12, _, _ =	vpop (xrf0)  }
0x1e3: {  	(xrf0) =	vadd.scan.msk.s32 vm0, v1;
	v12 =	vadd.s32 v11, v12;
	v11 =	vadd.s32 v11, v15;
	v15 =	vmpcnt.ones.xlane vm5;
	v18, _, _ =	vpop (xrf0)  }
0x1e4: {  	(xrf0) =	vadd.scan.msk.s32 vm2, v1;
	v19 =	vshll.u32 v12, $0x3;
	v20 =	vshrl.u32 v12, $0x5;
	v13 =	vadd.s32 v11, v13;
	v21, _, _ =	vpop (xrf0)  }
0x1e5: {  	v11 =	vadd.s32 v11, v17;
	v17 =	vadd.s32 v13, v21;
	v24 =	vadd.s32 v13, v15  }
0x1e6: {  	v15 =	vand.u32 $0xFFFF807F, v12;
	v19 =	vand.u32 $0x7C00, v19;
	v28 =	vand.u32 $0xFFFF807F, v11  }
0x1e7: {  	v21, _, _ =	vpop (xrf0);
	v60 =	vshrl.u32 v11, $0x5;
	v11 =	vshll.u32 v11, $0x3;
	v20 =	vand.u32 $0x380, v20  }
0x1e8: {  	v12 =	vshll.u32 v17, $0x3;
	v13 =	vadd.s32 v24, v18;
	v18, _, _ =	vpop (xrf0);
	v61 =	vand.u32 $0x7C00, v11  }
0x1e9: {  	v31 =	vshrl.u32 v17, $0x5;
	v17 =	vand.u32 $0xFFFF807F, v17;
	v12 =	vand.u32 $0x7C00, v12;
	v25, _, _ =	vpop (xrf0)  }
0x1ea: {  	v22 =	vshll.u32 v13, $0x3;
	v26 =	vshrl.u32 v13, $0x5;
	v13 =	vand.u32 $0xFFFF807F, v13;
	v27, _, _ =	vpop (xrf0)  }
0x1eb: {  	v10 =	vsub.s32 v10, v18;
	v22 =	vand.u32 $0x7C00, v22;
	v16 =	vsub.s32 v16, v27  }
0x1ec: {  	v26 =	vand.u32 $0x380, v26;
	v27 =	vand.u32 $0x380, v60;
	v29 =	vshll.u32 v16, $0x3  }
0x1ed: {  	v30 =	vand.u32 $0xFFFF807F, v16;
	v16 =	vshrl.u32 v16, $0x5;
	v29 =	vand.u32 $0x7C00, v29  }
0x1ee: {  	v13 =	vor.u32 v22, v13;
	v16 =	vand.u32 $0x380, v16;
	v29 =	vor.u32 v29, v30  }
0x1ef: {  	v26 =	vor.u32 v26, v13;
	v11 =	vor.u32 v16, v29;
	v16 =	vor.u32 v61, v28  }
0x1f0: {  	s8 =	simm.s32 $0x15A20;
	v12 =	vor.u32 v12, v17;
	v22 =	vor.u32 v27, v16;
	v16 =	vand.u32 $0x380, v31  }
0x1f1: {  	v15 =	vor.u32 v19, v15;
	v13 =	vshll.u32 v10, $0x3;
	v18 =	vor.u32 v16, v12;
	v12 =	vld [tilespmem:s8+$0x10]  }
0x1f2: {  	p0 =	sgt.s32 s4, $0x4;
	v19 =	vor.u32 v20, v15;
	v62 =	vshrl.u32 v10, $0x5;
	v16 =	vand.u32 $0x7C00, v13;
	v13 =	vld [tilespmem:s8+$0xFFFFFFF0]  }
.Ltmp6:
0x1f3: {  	v17 =	vsub.s32 v8, v25;
	v25 =	vand.u32 $0x380, v62;
	v10 =	vand.u32 $0xFFFF807F, v10;
	(pc) =	sbr.rel @!p0 .LBB2_53-.Ltmp6, $4  }
0x1f4: {  	v15 =	vld [tilespmem:s8+$0x0];
	v63 =	vshll.u32 v17, $0x3;
	v20 =	vshrl.u32 v17, $0x5;
	[tilespmem:v26+s6+$0x0] =	vst.idx.msk vm7, v5;
	v10 =	vor.u32 v16, v10  }
0x1f5: {  	v17 =	vand.u32 $0xFFFF807F, v17;
	v16 =	vor.u32 v25, v10;
	v10 =	vand.u32 $0x7C00, v63;
	[tilespmem:v22+s6+$0x0] =	vst.idx.msk vm6, v4  }
0x1f6: {  	s7 =	simm.s32 $0x4;
	v21 =	vsub.s32 v14, v21;
	v14 =	vand.u32 $0x380, v20;
	v10 =	vor.u32 v10, v17;
	[tilespmem:v26+s25+$0x0] =	vst.idx.msk vm7, v12  }
0x1f7: {  	s9 =	simm.s32 $0x10060;
	s10 =	simm.s32 $0x15A60;
	v20 =	vld [tilespmem:s8+$0xFFFFFFE0];
	s8 =	simm.s32 $0x40;
	v17 =	vor.u32 v14, v10;
	v10 =	vadd.s32 v24, v23;
	[tilespmem:v22+s25+$0x0] =	vst.idx.msk vm6, v13;
	v22 =	vshll.u32 v21, $0x3  }
.LBB2_52:
0x1f8: {  	v23 =	vld [tilespmem:s9+$0xFFFFFFF0];
	s2 =	sadd.s32 $0x20, s8;
	s3 =	sadd.s32 $0x30, s8;
	s7 =	sadd.s32 $0x4, s7;
	v24 =	vshrl.u32 v21, $0x5;
	[tilespmem:v18+s6+$0x0] =	vst.idx.msk vm5, v7;
	v14 =	vsub.s32 v8, v9  }
0x1f9: {  	v8 =	vor.u32 s2, v2;
	v9 =	vor.u32 s3, v2;
	v25 =	vld [tilespmem:s9+$0x10];
	p0 =	slt.s32 s7, s4;
	[tilespmem:v18+s25+$0x0] =	vst.idx.msk vm5, v15  }
0x1fa: {  	v22 =	vand.u32 $0x7C00, v22;
	v21 =	vand.u32 $0xFFFF807F, v21;
	s2 =	sadd.s32 $0x10, s8;
	v18 =	vld [tilespmem:s9+$0xFFFFFFE0];
	[tilespmem:v11+s6+$0x0] =	vst.idx.msk vm2, v7  }
0x1fb: {  	v24 =	vand.u32 $0x380, v24;
	v21 =	vor.u32 v22, v21;
	v26 =	vor.u32 s2, v2;
	v7 =	vld [tilespmem:s9+$0x0];
	[tilespmem:v19+s6+$0x0] =	vst.idx.msk vm3, v6  }
0x1fc: {  	v22 =	vor.u32 s8, v2;
	vm5 =	vlt.s32 v26, v3;
	[tilespmem:v19+s25+$0x0] =	vst.idx.msk vm3, v20;
	v19 =	vor.u32 v24, v21  }
0x1fd: {  	vm8 =	vlt.s32 v22, v3;
	vm9 =	vlt.s32 v8, v3;
	vm3 =	vlt.u32 v23, $0x80000;
	[tilespmem:v16+s6+$0x0] =	vst.idx.msk vm4, v6  }
0x1fe: {  	vm10 =	vlt.s32 v9, v3;
	vm6 =	vmand vm5, vm3;
	vm3 =	vlt.u32 v25, $0x80000;
	[tilespmem:v16+s25+$0x0] =	vst.idx.msk vm4, v20  }
0x1ff: {  	vm4 =	vlt.u32 v18, $0x80000;
	vm11 =	vmxor vm5, vm6;
	vm7 =	vmand vm10, vm3;
	[tilespmem:v17+s6+$0x0] =	vst.idx.msk vm0, v5;
	v5 =	vmovc v25;
	v6 =	vmovc v18  }
0x200: {  	vm3 =	vmand vm8, vm4;
	vm10 =	vmxor vm10, vm7;
	(xrf0) =	vadd.scan.msk.s32 vm6, v1;
	[tilespmem:v11+s25+$0x0] =	vst.idx.msk vm2, v15  }
0x201: {  	v8 =	vmpcnt.ones.xlane vm11;
	vm2 =	vlt.u32 v7, $0x80000;
	(xrf0) =	vadd.scan.msk.s32 vm3, v1;
	[tilespmem:v19+s6+$0x0] =	vst.idx.msk vm1, v4;
	v4 =	vmovc v23  }
0x202: {  	vm4 =	vmxor vm8, vm3;
	vm5 =	vmand vm9, vm2;
	(xrf0) =	vadd.scan.msk.s32 vm7, v1;
	[tilespmem:v19+s25+$0x0] =	vst.idx.msk vm1, v13  }
0x203: {  	v9 =	vmpcnt.ones.xlane vm4;
	vm2 =	vmxor vm9, vm5;
	(xrf0) =	vadd.scan.msk.s32 vm5, v1;
	[tilespmem:v17+s25+$0x0] =	vst.idx.msk vm0, v12  }
0x204: {  	vm1 =	vmmov vm11;
	v18 =	vmpcnt.ones.xlane vm2;
	vm0 =	vmmov vm10;
	(xrf0) =	vadd.scan.msk.s32 vm11, v1  }
0x205: {  	v12 =	vmpcnt.ones.xlane vm6;
	v17 =	vsub.s32 v14, v9;
	(xrf0) =	vadd.scan.msk.s32 vm4, v1  }
0x206: {  	v13 =	vmpcnt.ones.xlane vm3;
	v15 =	vsub.s32 v17, v8;
	v16, _, _ =	vpop (xrf0);
	(xrf0) =	vadd.scan.msk.s32 vm0, v1  }
0x207: {  	v23 =	vmpcnt.ones.xlane vm7;
	v9 =	vmpcnt.ones.xlane vm0;
	v8 =	vsub.s32 v15, v18;
	v11, _, _ =	vpop (xrf0);
	(xrf0) =	vadd.scan.msk.s32 vm2, v1  }
0x208: {  	v25 =	vmpcnt.ones.xlane vm5;
	v11 =	vadd.s32 v10, v11;
	v10 =	vadd.s32 v10, v13;
	v18, _, _ =	vpop (xrf0)  }
0x209: {  	v19 =	vshll.u32 v11, $0x3;
	v20 =	vshrl.u32 v11, $0x5;
	v12 =	vadd.s32 v10, v12;
	v21, _, _ =	vpop (xrf0)  }
0x20a: {  	v10 =	vadd.s32 v10, v16;
	v16 =	vadd.s32 v12, v21;
	v24 =	vadd.s32 v12, v25;
	v21, _, _ =	vpop (xrf0)  }
0x20b: {  	v22 =	vand.u32 $0xFFFF807F, v11;
	v11 =	vshll.u32 v16, $0x3;
	v12 =	vadd.s32 v24, v18;
	v13, _, _ =	vpop (xrf0)  }
0x20c: {  	v19 =	vand.u32 $0x7C00, v19;
	v18 =	vand.u32 $0x7C00, v11;
	v11 =	vshll.u32 v12, $0x3;
	v25, _, _ =	vpop (xrf0)  }
0x20d: {  	v26 =	vand.u32 $0x7C00, v11;
	v11 =	vshrl.u32 v12, $0x5;
	v12 =	vand.u32 $0xFFFF807F, v12;
	v27, _, _ =	vpop (xrf0)  }
0x20e: {  	v28 =	vand.u32 $0xFFFF807F, v10;
	v15 =	vsub.s32 v15, v27;
	v27 =	vand.u32 $0x380, v11  }
0x20f: {  	v11 =	vshrl.u32 v10, $0x5;
	v29 =	vshll.u32 v15, $0x3;
	v30 =	vand.u32 $0xFFFF807F, v15  }
0x210: {  	v31 =	vand.u32 $0x380, v11;
	v15 =	vshrl.u32 v15, $0x5;
	v11 =	vand.u32 $0x7C00, v29  }
0x211: {  	v10 =	vshll.u32 v10, $0x3;
	v15 =	vand.u32 $0x380, v15;
	v11 =	vor.u32 v11, v30  }
0x212: {  	v10 =	vand.u32 $0x7C00, v10;
	v29 =	vshrl.u32 v16, $0x5;
	v11 =	vor.u32 v15, v11  }
0x213: {  	v12 =	vor.u32 v26, v12;
	v10 =	vor.u32 v10, v28;
	v15 =	vand.u32 $0xFFFF807F, v16  }
0x214: {  	v26 =	vor.u32 v27, v12;
	v10 =	vor.u32 v31, v10;
	v16 =	vand.u32 $0x380, v29  }
0x215: {  	v13 =	vsub.s32 v14, v13;
	v14 =	vsub.s32 v8, v25;
	v12 =	vor.u32 v18, v15  }
0x216: {  	v25 =	vshrl.u32 v13, $0x5;
	v15 =	vshll.u32 v13, $0x3;
	v18 =	vor.u32 v16, v12;
	v12 =	vld [tilespmem:s10+$0x10]  }
0x217: {  	v15 =	vand.u32 $0x7C00, v15;
	v16 =	vand.u32 $0x380, v25;
	v25 =	vand.u32 $0xFFFF807F, v13;
	v13 =	vld [tilespmem:s10+$0xFFFFFFF0]  }
.Ltmp7:
0x218: {  	v20 =	vand.u32 $0x380, v20;
	v15 =	vor.u32 v15, v25;
	v25 =	vshll.u32 v14, $0x3;
	(pc) =	sbr.rel @p0 .LBB2_52-.Ltmp7, $4  }
0x219: {  	v19 =	vor.u32 v19, v22;
	v16 =	vor.u32 v16, v15;
	v22 =	vand.u32 $0x7C00, v25;
	[tilespmem:v10+s6+$0x0] =	vst.idx.msk vm6, v4;
	v15 =	vld [tilespmem:s10+$0x0]  }
0x21a: {  	v19 =	vor.u32 v20, v19;
	v20 =	vshrl.u32 v14, $0x5;
	v14 =	vand.u32 $0xFFFF807F, v14;
	[tilespmem:v26+s6+$0x0] =	vst.idx.msk vm7, v5  }
0x21b: {  	v21 =	vsub.s32 v17, v21;
	v17 =	vand.u32 $0x380, v20;
	v14 =	vor.u32 v22, v14;
	[tilespmem:v26+s25+$0x0] =	vst.idx.msk vm7, v12  }
0x21c: {  	s8 =	sadd.s32 $0x40, s8;
	s9 =	sadd.s32 $0x40, s9;
	v22 =	vshll.u32 v21, $0x3;
	v17 =	vor.u32 v17, v14;
	v20 =	vld [tilespmem:s10+$0xFFFFFFE0];
	[tilespmem:v10+s25+$0x0] =	vst.idx.msk vm6, v13;
	v10 =	vadd.s32 v24, v23;
	s10 =	sadd.s32 $0x40, s10  }
.LBB2_53:
0x21d: {  	_ =	sdelay $0x4  }
0x21e: {  	[tilespmem:v18+s6+$0x0] =	vst.idx.msk vm5, v7  }
0x21f: {  	[tilespmem:v19+s6+$0x0] =	vst.idx.msk vm3, v6  }
0x220: {  	[tilespmem:v17+s6+$0x0] =	vst.idx.msk vm0, v5  }
0x221: {  	v14 =	vshrl.u32 v21, $0x5;
	v61 =	vand.u32 $0x7C00, v22;
	v62 =	vand.u32 $0xFFFF807F, v21;
	[tilespmem:v18+s25+$0x0] =	vst.idx.msk vm5, v15  }
0x222: {  	v63 =	vor.u32 v61, v62;
	[tilespmem:v11+s6+$0x0] =	vst.idx.msk vm2, v7;
	v7 =	vand.u32 $0x380, v14  }
0x223: {  	[tilespmem:v17+s25+$0x0] =	vst.idx.msk vm0, v12;
	v7 =	vor.u32 v7, v63  }
0x224: {  	[tilespmem:v11+s25+$0x0] =	vst.idx.msk vm2, v15  }
.Ltmp8:
0x225: {  	[tilespmem:v19+s25+$0x0] =	vst.idx.msk vm3, v20;
	(pc) =	sbr.rel .LBB2_9-.Ltmp8, $4  }
0x226: {  	[tilespmem:v16+s6+$0x0] =	vst.idx.msk vm4, v6  }
0x227: {  	[tilespmem:v16+s25+$0x0] =	vst.idx.msk vm4, v20  }
0x228: {  	[tilespmem:v7+s6+$0x0] =	vst.idx.msk vm1, v4  }
0x229: {  	v4 =	vsub.s32 v8, v9;
	[tilespmem:v7+s25+$0x0] =	vst.idx.msk vm1, v13  }
.LBB2_8:
0x22a: {  	v4 =	vimm.s32 $0x8000;
	v10 =	vimm.s32 $0xFFFFFFFF  }
.LBB2_9:
0x22b: {  	s2 =	ssub.s32 s0, s4  }
0x22c: {  	p0 =	slt.s32 s2, $0x1  }
.Ltmp9:
0x22d: {  	_ = 	snop;
	(pc) =	sbr.rel @p0 .LBB2_12-.Ltmp9, $1  }
0x22e: {  	_ =	sdelay $0x3  }
0x22f: {  	s2 =	sshll.u32 s4, $0x6  }
0x230: {  	s3 =	sshra.s32 s2, $0x2  }
0x231: {  	s7 =	sshll.u32 s4, $0x4;
	s2 =	sadd.s32 $0x10000, s3;
	s3 =	sadd.s32 $0x15A00, s3  }
.LBB2_11:
0x232: {  	v5 =	vld [tilespmem:s2+$0x0];
	_ =	sdelay $0x3  }
0x233: {  	v6 =	vor.u32 s7, v2  }
0x234: {  	vm0 =	vlt.s32 v6, v3;
	vm1 =	vlt.u32 v5, $0x80000  }
0x235: {  	vm1 =	vmand vm0, vm1  }
0x236: {  	(xrf0) =	vadd.scan.msk.s32 vm1, v1;
	_ =	sdelay $0x1  }
0x237: {  	vm0 =	vmxor vm0, vm1  }
0x238: {  	(xrf0) =	vadd.scan.msk.s32 vm0, v1;
	_ =	sdelay $0x2  }
0x239: {  	v6, _, _ =	vpop (xrf0)  }
0x23a: {  	v6 =	vadd.s32 v10, v6  }
0x23b: {  	v7 =	vshll.u32 v6, $0x3  }
0x23c: {  	v9, _, _ =	vpop (xrf0);
	v8 =	vshrl.u32 v6, $0x5;
	v6 =	vand.u32 $0xFFFF807F, v6;
	v7 =	vand.u32 $0x7C00, v7  }
0x23d: {  	v8 =	vand.u32 $0x380, v8;
	v6 =	vor.u32 v7, v6;
	v7 =	vsub.s32 v4, v9  }
0x23e: {  	v6 =	vor.u32 v8, v6;
	v8 =	vshll.u32 v7, $0x3  }
0x23f: {  	v9 =	vshrl.u32 v7, $0x5;
	v7 =	vand.u32 $0xFFFF807F, v7;
	v8 =	vand.u32 $0x7C00, v8  }
0x240: {  	v9 =	vand.u32 $0x380, v9;
	v7 =	vor.u32 v8, v7;
	v8 =	vld [tilespmem:s3+$0x0]  }
0x241: {  	s4 =	sadd.s32 $0x1, s4;
	v7 =	vor.u32 v9, v7  }
0x242: {  	p0 =	slt.s32 s4, s0  }
.Ltmp10:
0x243: {  	_ = 	snop;
	(pc) =	sbr.rel @p0 .LBB2_11-.Ltmp10, $4  }
0x244: {  	[tilespmem:v6+s6+$0x0] =	vst.idx.msk vm1, v5  }
0x245: {  	v9 =	vmpcnt.ones.xlane vm0;
	[tilespmem:v6+s25+$0x0] =	vst.idx.msk vm1, v8;
	v6 =	vmpcnt.ones.xlane vm1  }
0x246: {  	[tilespmem:v7+s6+$0x0] =	vst.idx.msk vm0, v5  }
0x247: {  	s2 =	sadd.s32 $0x10, s2;
	s7 =	sadd.s32 $0x10, s7;
	s3 =	sadd.s32 $0x10, s3;
	v4 =	vsub.s32 v4, v9;
	[tilespmem:v7+s25+$0x0] =	vst.idx.msk vm0, v8;
	v10 =	vadd.s32 v10, v6  }
.LBB2_12:
0x248: {  	(v2sf) =	vpush v10, $0x0;
	_ =	sdelay $0xe  }
0x249: {  	(v2sf) =	vpush v4, $0x0;
	s0 =	spop (v2sf)  }
0x24a: {  	s2 =	sadd.s32 $0x10, s0;
	s3 =	sand.u32 $0xF, s0  }
0x24b: {  	s4 =	sshra.s32 s2, $0x1F;
	p0 =	slt.s32 s2, $0x1;
	p1 =	sne.s32 s3, $0x0  }
0x24c: {  	s30 =	sshrl.u32 s4, $0x1C;
	p0 =	por !p0, !p1  }
0x24d: {  	s3 =	simm.s32 $0x1;
	s2 =	sadd.s32 s30, s2;
	p0 =	por !p0, !p0  }
0x24e: {  	s2 =	sshra.s32 s2, $0x4;
	s3 =	simm.s32 @!p0 $0x0  }
0x24f: {  	s10 =	ssub.s32 s2, s3  }
0x250: {  	[dreg:$0xd] =	wrdreg s2;
	s2 =	sshrl.u32 s10, $0x1E  }
0x251: {  	s2 =	sadd.s32 s2, s10  }
0x252: {  	s4 =	sand.u32 $0xFFFFFFFC, s2  }
0x253: {  	p1 =	slt.s32 s4, $0x1  }
.Ltmp11:
0x254: {  	_ = 	snop;
	(pc) =	sbr.rel @p1 .LBB2_13-.Ltmp11, $3  }
0x255: {  	_ =	sdelay $0x1  }
0x256: {  	s31 =	sadd.s32 $0x1, s0;
	s3 =	sshll.u32 s10, $0x4;
	[dreg:$0xc] =	wrdreg s10  }
0x257: {  	v7 =	vimm.s32 $0xFFFFFFFF;
	s0 =	spop (v2sf);
	v5 =	vmov s31;
	[dreg:$0xe] =	wrdreg s3;
	v3 =	vmov s3  }
0x258: {  	s8 =	simm.s32 $0x30;
	p2 =	sgt.s32 s4, $0x4  }
.Ltmp12:
0x259: {  	s3 =	simm.s32 $0x0;
	s7 =	simm.s32 $0x0;
	(pc) =	sbr.rel @!p2 .LBB2_55-.Ltmp12, $4  }
0x25a: {  	s15 =	simm.s32 $0x10;
	s2 =	simm.s32 $0x20;
	p1 =	por $0x0, $0x0  }
0x25b: {  	s9 =	sand.u32 $0xFFFF8000, s7;
	s10 =	sand.u32 $0x7C00, s3;
	s17 =	sand.u32 $0x70, s8  }
0x25c: {  	v6 =	vmov s7;
	v8 =	vor.u32 s7, v2;
	s31 =	sand.u32 $0x380, s3;
	s29 =	sand.u32 $0x60, s2;
	s9 =	sor.u32 s10, s9  }
0x25d: {  	s3 =	sand.u32 $0x40, s7;
	s18 =	sand.u32 $0x50, s15;
	v18 =	vmov s2;
	vm7 =	vgt.s32 v6, $0xFFFFFFFF;
	vm8 =	vlt.s32 v8, v5;
	s30 =	sor.u32 s31, s9  }
0x25e: {  	s10 =	sor.u32 s3, s30  }
0x25f: {  	s16 =	sor.u32 s17, s30;
	v10 =	vld [tilespmem:s10+$0x0]  }
0x260: {  	v9 =	vld [tilespmem:s16+$0x0];
	_ =	sdelay $0x2  }
0x261: {  	s7 =	sor.u32 s29, s30;
	v8 =	vor.u32 s8, v2;
	v14 =	vmov s8;
	vm3 =	vmand vm7, vm8  }
0x262: {  	s18 =	sor.u32 s18, s30;
	v6 =	vld [tilespmem:s7+$0x0];
	vm0 =	vlt.s32 v8, v5;
	vm1 =	vgt.s32 v14, $0xFFFFFFFF;
	vm2 =	vlt.u32 v10, $0x40000  }
0x263: {  	v8 =	vld [tilespmem:s18+$0x0];
	vm0 =	vmand vm1, vm0;
	vm1 =	vlt.u32 v9, $0x40000;
	vm9 =	vmand vm3, vm2  }
0x264: {  	v11 =	vmov s15;
	v13 =	vor.u32 s2, v2;
	vm4 =	vmand vm0, vm1;
	(xrf0) =	vadd.scan.msk.s32 vm9, v1  }
0x265: {  	vm6 =	vgt.s32 v18, $0xFFFFFFFF;
	vm5 =	vlt.s32 v13, v5;
	vm2 =	vmxor vm0, vm4;
	(xrf0) =	vadd.scan.msk.s32 vm4, v1  }
0x266: {  	v12 =	vor.u32 s15, v2;
	vm5 =	vmand vm6, vm5;
	vm6 =	vmxor vm3, vm9;
	(xrf0) =	vadd.scan.msk.s32 vm2, v1  }
0x267: {  	vm7 =	vgt.s32 v11, $0xFFFFFFFF;
	vm1 =	vlt.s32 v12, v5;
	vm0 =	vlt.u32 v6, $0x40000;
	(xrf0) =	vadd.scan.msk.s32 vm6, v1  }
0x268: {  	vm7 =	vmand vm7, vm1;
	vm3 =	vmand vm5, vm0;
	vm0 =	vlt.u32 v8, $0x40000  }
0x269: {  	v11 =	vmpcnt.ones.xlane vm9;
	vm1 =	vmand vm7, vm0;
	(xrf0) =	vadd.scan.msk.s32 vm3, v1  }
0x26a: {  	vm0 =	vmxor vm7, vm1;
	v12 =	vmpcnt.ones.xlane vm1;
	(xrf0) =	vadd.scan.msk.s32 vm1, v1;
	v13, _, _ =	vpop (xrf0)  }
0x26b: {  	s31 =	simm.s32 $0x40;
	v11 =	vadd.s32 v7, v11;
	v17 =	vmpcnt.ones.xlane vm3;
	(xrf0) =	vadd.scan.msk.s32 vm0, v1;
	v18, _, _ =	vpop (xrf0);
	v22 =	vadd.s32 v7, v13  }
0x26c: {  	v14 =	vld [tilespmem:s10+$0x8000];
	v24 =	vor.u32 s31, v2;
	v19 =	vmpcnt.ones.xlane vm4;
	v15 =	vadd.s32 v11, v12;
	v23, _, _ =	vpop (xrf0)  }
0x26d: {  	s9 =	simm.s32 $0x8;
	p2 =	sgt.s32 s4, $0x8;
	s14 =	simm.s32 $0x200;
	v16 =	vmpcnt.ones.xlane vm6;
	vm5 =	vmxor vm5, vm3;
	v12 =	vadd.s32 v15, v17;
	v13, _, _ =	vpop (xrf0)  }
.Ltmp13:
0x26e: {  	s8 =	simm.s32 $0x70;
	s15 =	simm.s32 $0x50;
	v7 =	vmpcnt.ones.xlane vm0;
	v17 =	vsub.s32 v3, v13;
	v13 =	vadd.s32 v12, v18;
	(pc) =	sbr.rel @!p2 .LBB2_58-.Ltmp13, $4  }
0x26f: {  	s2 =	simm.s32 $0x60;
	p1 =	por $0x1, $0x1;
	s10 =	simm.s32 $0x2;
	vm8 =	vlt.s32 v24, v5;
	v16 =	vsub.s32 v3, v16;
	(xrf0) =	vadd.scan.msk.s32 vm5, v1;
	v21, _, _ =	vpop (xrf0);
	v18 =	vmpcnt.ones.xlane vm5  }
0x270: {  	s26 =	sand.u32 $0xFFFF8000, s31;
	s29 =	sand.u32 $0x7C00, s14;
	s17 =	sand.u32 $0x70, s8;
	v20 =	vsub.s32 v16, v7;
	v7 =	vadd.s32 v12, v19;
	v19 =	vmov s31;
	v12, _, _ =	vpop (xrf0);
	[tilespmem:v22+s21+$0x0] =	vst.idx.msk vm9, v10  }
0x271: {  	s3 =	sand.u32 $0x40, s31;
	s26 =	sor.u32 s29, s26;
	s30 =	sand.u32 $0x380, s10;
	vm7 =	vgt.s32 v19, $0xFFFFFFFF;
	v12 =	vadd.s32 v11, v12;
	v19 =	vsub.s32 v20, v18;
	v63, _, _ =	vpop (xrf0);
	[tilespmem:v22+s22+$0x0] =	vst.idx.msk vm9, v14;
	v22 =	vld [tilespmem:s16+$0x8000]  }
0x272: {  	s29 =	sand.u32 $0x60, s2;
	s30 =	sor.u32 s30, s26;
	v11 =	vld [tilespmem:s18+$0x8000];
	s18 =	sand.u32 $0x50, s15;
	v18 =	vmov s2;
	v16 =	vsub.s32 v16, v63;
	v23 =	vsub.s32 v19, v23  }
.LBB2_57:
0x273: {  	s26 =	sor.u32 s3, s30;
	v24 =	vmov s15;
	v25 =	vor.u32 s15, v2;
	s18 =	sor.u32 s18, s30;
	v26 =	vor.u32 s2, v2;
	v27 =	vld [tilespmem:s7+$0x8000];
	s7 =	sor.u32 s29, s30;
	[tilespmem:v13+s21+$0x0] =	vst.idx.msk vm4, v9  }
0x274: {  	s9 =	sadd.s32 $0x4, s9;
	s16 =	sor.u32 s17, s30;
	v15 =	vadd.s32 v15, v21;
	vm11 =	vlt.s32 v26, v5;
	[tilespmem:v17+s21+$0x0] =	vst.idx.msk vm6, v10;
	v10 =	vld [tilespmem:s26+$0x0]  }
0x275: {  	v21 =	vor.u32 s8, v2;
	p2 =	slt.s32 s9, s4;
	v26 =	vld [tilespmem:s16+$0x0];
	[tilespmem:v17+s22+$0x0] =	vst.idx.msk vm6, v14;
	v14, _, _ =	vpop (xrf0)  }
0x276: {  	vm9 =	vlt.s32 v25, v5;
	vm6 =	vgt.s32 v24, $0xFFFFFFFF;
	v17 =	vld [tilespmem:s7+$0x0];
	v14 =	vsub.s32 v20, v14;
	[tilespmem:v13+s22+$0x0] =	vst.idx.msk vm4, v22  }
0x277: {  	vm10 =	vmand vm6, vm9;
	v20 =	vmov s8;
	vm4 =	vlt.s32 v21, v5;
	v13 =	vld [tilespmem:s18+$0x0];
	[tilespmem:v23+s21+$0x0] =	vst.idx.msk vm2, v9  }
0x278: {  	vm6 =	vgt.s32 v18, $0xFFFFFFFF;
	vm9 =	vgt.s32 v20, $0xFFFFFFFF;
	v20 =	vmpcnt.ones.xlane vm2;
	[tilespmem:v23+s22+$0x0] =	vst.idx.msk vm2, v22  }
0x279: {  	vm8 =	vmand vm7, vm8;
	vm12 =	vmand vm9, vm4;
	vm2 =	vlt.u32 v10, $0x40000;
	[tilespmem:v15+s21+$0x0] =	vst.idx.msk vm3, v6  }
0x27a: {  	v18 =	vsub.s32 v19, v20;
	vm9 =	vmand vm8, vm2;
	vm2 =	vlt.u32 v26, $0x40000;
	[tilespmem:v15+s22+$0x0] =	vst.idx.msk vm3, v27;
	v9 =	vmovc v26  }
0x27b: {  	vm3 =	vlt.u32 v17, $0x40000;
	vm4 =	vmand vm12, vm2;
	(xrf0) =	vadd.scan.msk.s32 vm9, v1;
	[tilespmem:v12+s21+$0x0] =	vst.idx.msk vm1, v8  }
0x27c: {  	vm7 =	vmand vm6, vm11;
	vm2 =	vmxor vm12, vm4;
	(xrf0) =	vadd.scan.msk.s32 vm4, v1;
	[tilespmem:v12+s22+$0x0] =	vst.idx.msk vm1, v11  }
0x27d: {  	vm6 =	vmxor vm8, vm9;
	vm3 =	vmand vm7, vm3;
	(xrf0) =	vadd.scan.msk.s32 vm2, v1;
	[tilespmem:v16+s21+$0x0] =	vst.idx.msk vm0, v8;
	v8 =	vmovc v13  }
0x27e: {  	v12 =	vmpcnt.ones.xlane vm9;
	vm1 =	vlt.u32 v8, $0x40000;
	(xrf0) =	vadd.scan.msk.s32 vm6, v1;
	[tilespmem:v16+s22+$0x0] =	vst.idx.msk vm0, v11  }
0x27f: {  	v11 =	vmpcnt.ones.xlane vm6;
	vm1 =	vmand vm10, vm1;
	(xrf0) =	vadd.scan.msk.s32 vm3, v1;
	[tilespmem:v14+s21+$0x0] =	vst.idx.msk vm5, v6;
	v6 =	vmovc v17  }
0x280: {  	v12 =	vadd.s32 v7, v12;
	(xrf0) =	vadd.scan.msk.s32 vm1, v1;
	[tilespmem:v14+s22+$0x0] =	vst.idx.msk vm5, v27  }
0x281: {  	v16 =	vmpcnt.ones.xlane vm4;
	vm0 =	vmxor vm10, vm1;
	v17 =	vmpcnt.ones.xlane vm1;
	v14, _, _ =	vpop (xrf0)  }
0x282: {  	v19 =	vadd.s32 v7, v14;
	v7 =	vmpcnt.ones.xlane vm3;
	(xrf0) =	vadd.scan.msk.s32 vm0, v1;
	v20, _, _ =	vpop (xrf0)  }
0x283: {  	v15 =	vadd.s32 v12, v17;
	v14 =	vld [tilespmem:s26+$0x8000];
	v23, _, _ =	vpop (xrf0)  }
0x284: {  	s10 =	sadd.s32 $0x2, s10;
	v24 =	vsub.s32 v18, v11;
	v11 =	vmpcnt.ones.xlane vm0;
	v7 =	vadd.s32 v15, v7;
	v13, _, _ =	vpop (xrf0)  }
.Ltmp14:
0x285: {  	s14 =	sadd.s32 $0x200, s14;
	s8 =	sadd.s32 $0x40, s8;
	vm5 =	vmxor vm7, vm3;
	v17 =	vsub.s32 v18, v13;
	v13 =	vadd.s32 v7, v20;
	v21, _, _ =	vpop (xrf0);
	(pc) =	sbr.rel @p2 .LBB2_57-.Ltmp14, $4  }
0x286: {  	s3 =	sadd.s32 $0xFFFFFFD0, s8;
	s15 =	sadd.s32 $0xFFFFFFE0, s8;
	s17 =	sand.u32 $0x70, s8;
	v20 =	vsub.s32 v24, v11;
	v18 =	vmpcnt.ones.xlane vm5;
	v7 =	vadd.s32 v7, v16;
	v16, _, _ =	vpop (xrf0);
	(xrf0) =	vadd.scan.msk.s32 vm5, v1  }
0x287: {  	s29 =	sand.u32 $0x7C00, s14;
	s2 =	sadd.s32 $0xFFFFFFF0, s8;
	v22 =	vmov s3;
	v25 =	vor.u32 s3, v2;
	s26 =	sand.u32 $0xFFFF8000, s3;
	[tilespmem:v19+s21+$0x0] =	vst.idx.msk vm9, v10;
	v11 =	vld [tilespmem:s18+$0x8000];
	v12 =	vadd.s32 v12, v16  }
0x288: {  	vm8 =	vlt.s32 v25, v5;
	vm7 =	vgt.s32 v22, $0xFFFFFFFF;
	s18 =	sor.u32 s29, s26;
	s26 =	sand.u32 $0x380, s10;
	s29 =	sand.u32 $0x60, s2;
	[tilespmem:v19+s22+$0x0] =	vst.idx.msk vm9, v14;
	v19 =	vsub.s32 v20, v18;
	v22 =	vld [tilespmem:s16+$0x8000];
	v16, _, _ =	vpop (xrf0)  }
0x289: {  	s3 =	sand.u32 $0x40, s3;
	s30 =	sor.u32 s26, s18;
	s18 =	sand.u32 $0x50, s15;
	v18 =	vmov s2;
	v16 =	vsub.s32 v24, v16;
	v23 =	vsub.s32 v19, v23  }
.LBB2_58:
0x28a: {  	_ = 	snop  }
0x28b: {  	s9 =	sor.u32 s3, s30  }
0x28c: {  	v24 =	vld [tilespmem:s9+$0x0]  }
0x28d: {  	s26 =	sor.u32 s17, s30;
	v25 =	vmov s15  }
0x28e: {  	v26 =	vor.u32 s2, v2;
	v28 =	vor.u32 s15, v2;
	v15 =	vadd.s32 @p1 v15, v21;
	v27 =	vld [tilespmem:s26+$0x0]  }
0x28f: {  	[tilespmem:v17+s21+$0x0] =	vst.idx.msk @p1 vm6, v10;
	v42 =	vor.u32 s8, v2;
	v44 =	vmov s8;
	vm8 =	vmand vm7, vm8  }
0x290: {  	s31 =	sor.u32 s18, s30;
	[tilespmem:v13+s21+$0x0] =	vst.idx.msk @p1 vm4, v9;
	vm15 =	vgt.s32 v18, $0xFFFFFFFF;
	vm9 =	vlt.s32 v26, v5;
	vm10 =	vgt.s32 v25, $0xFFFFFFFF  }
0x291: {  	s29 =	sor.u32 s29, s30;
	[tilespmem:v17+s22+$0x0] =	vst.idx.msk @p1 vm6, v14;
	vm6 =	vlt.s32 v42, v5;
	v45 =	vld [tilespmem:s31+$0x0];
	vm12 =	vgt.s32 v44, $0xFFFFFFFF;
	vm13 =	vlt.u32 v24, $0x40000  }
0x292: {  	[tilespmem:v12+s21+$0x0] =	vst.idx.msk @p1 vm1, v8;
	vm11 =	vlt.s32 v28, v5;
	v43 =	vld [tilespmem:s29+$0x0];
	vm6 =	vmand vm12, vm6;
	vm7 =	vmand vm8, vm13  }
0x293: {  	vm10 =	vmand vm10, vm11;
	v26, _, _ =	vpop @p1 (xrf0);
	[tilespmem:v13+s22+$0x0] =	vst.idx.msk @p1 vm4, v22;
	vm14 =	vlt.u32 v27, $0x40000;
	(xrf0) =	vadd.scan.msk.s32 vm7, v1  }
0x294: {  	vm9 =	vmand vm15, vm9;
	v17 =	vsub.s32 @p1 v20, v26;
	[tilespmem:v23+s21+$0x0] =	vst.idx.msk @p1 vm2, v9;
	vm4 =	vmand vm6, vm14  }
0x295: {  	v9 =	vmpcnt.ones.xlane @p1 vm2;
	[tilespmem:v12+s22+$0x0] =	vst.idx.msk @p1 vm1, v11;
	vm6 =	vmxor vm6, vm4;
	(xrf0) =	vadd.scan.msk.s32 vm4, v1  }
0x296: {  	v21 =	vld @p1 [tilespmem:s7+$0x8000];
	[tilespmem:v23+s22+$0x0] =	vst.idx.msk @p1 vm2, v22;
	vm13 =	vlt.u32 v45, $0x40000;
	vm8 =	vmxor vm8, vm7;
	(xrf0) =	vadd.scan.msk.s32 vm6, v1  }
0x297: {  	vm12 =	vlt.u32 v43, $0x40000;
	v46 =	vmpcnt.ones.xlane vm7;
	vm2 =	vmand vm10, vm13;
	(xrf0) =	vadd.scan.msk.s32 vm8, v1  }
0x298: {  	[tilespmem:v15+s21+$0x0] =	vst.idx.msk @p1 vm3, v6;
	vm14 =	vmand vm9, vm12;
	v47 =	vmpcnt.ones.xlane vm2  }
0x299: {  	[tilespmem:v16+s21+$0x0] =	vst.idx.msk @p1 vm0, v8;
	v9 =	vsub.s32 @p1 v19, v9;
	v49 =	vmpcnt.ones.xlane vm14;
	v8 =	vadd.s32 v7, v46;
	v48, _, _ =	vpop (xrf0)  }
0x29a: {  	v9 =	vpsel p1, v9, v3;
	v12 =	vadd.s32 v8, v47;
	(xrf0) =	vadd.scan.msk.s32 vm14, v1;
	v7 =	vadd.s32 v7, v48  }
0x29b: {  	v52 =	vld [tilespmem:s9+$0x8000];
	[tilespmem:v15+s22+$0x0] =	vst.idx.msk @p1 vm3, v21;
	v50 =	vmpcnt.ones.xlane vm8;
	vm15 =	vmxor vm10, vm2;
	v15 =	vadd.s32 v12, v49;
	v51, _, _ =	vpop (xrf0)  }
0x29c: {  	vm3 =	vmxor vm9, vm14;
	[tilespmem:v17+s21+$0x0] =	vst.idx.msk @p1 vm5, v6;
	v6 =	vmpcnt.ones.xlane vm15;
	v53, _, _ =	vpop (xrf0);
	v13 =	vadd.s32 v15, v51  }
0x29d: {  	v57 =	vld [tilespmem:s26+$0x8000];
	[tilespmem:v16+s22+$0x0] =	vst.idx.msk @p1 vm0, v11;
	v55 =	vmpcnt.ones.xlane vm3;
	v11 =	vsub.s32 v9, v50;
	(xrf0) =	vadd.scan.msk.s32 vm2, v1;
	v54, _, _ =	vpop (xrf0)  }
0x29e: {  	[tilespmem:v17+s22+$0x0] =	vst.idx.msk @p1 vm5, v21;
	v6 =	vsub.s32 v11, v6;
	v9 =	vsub.s32 v9, v54  }
0x29f: {  	v56 =	vsub.s32 v6, v55;
	(xrf0) =	vadd.scan.msk.s32 vm15, v1;
	[tilespmem:v7+s21+$0x0] =	vst.idx.msk vm7, v24  }
0x2a0: {  	v58, _, _ =	vpop (xrf0);
	[tilespmem:v7+s22+$0x0] =	vst.idx.msk vm7, v52;
	v7 =	vsub.s32 v56, v53  }
0x2a1: {  	(xrf0) =	vadd.scan.msk.s32 vm3, v1;
	[tilespmem:v13+s21+$0x0] =	vst.idx.msk vm4, v27;
	v12 =	vadd.s32 v12, v58  }
0x2a2: {  	[tilespmem:v13+s22+$0x0] =	vst.idx.msk vm4, v57  }
0x2a3: {  	v60 =	vld [tilespmem:s29+$0x8000];
	v59, _, _ =	vpop (xrf0);
	[tilespmem:v9+s21+$0x0] =	vst.idx.msk vm8, v24  }
0x2a4: {  	v8 =	vadd.s32 v8, v59;
	[tilespmem:v9+s22+$0x0] =	vst.idx.msk vm8, v52  }
0x2a5: {  	v61 =	vld [tilespmem:s31+$0x8000];
	v62, _, _ =	vpop (xrf0);
	[tilespmem:v7+s21+$0x0] =	vst.idx.msk vm6, v27  }
0x2a6: {  	v11 =	vsub.s32 v11, v62;
	[tilespmem:v12+s21+$0x0] =	vst.idx.msk vm14, v43  }
0x2a7: {  	[tilespmem:v7+s22+$0x0] =	vst.idx.msk vm6, v57;
	v7, _, _ =	vpop (xrf0)  }
0x2a8: {  	[tilespmem:v12+s22+$0x0] =	vst.idx.msk vm14, v60;
	v63 =	vsub.s32 v6, v7  }
0x2a9: {  	[tilespmem:v8+s21+$0x0] =	vst.idx.msk vm2, v45  }
0x2aa: {  	[tilespmem:v8+s22+$0x0] =	vst.idx.msk vm2, v61  }
.Ltmp15:
0x2ab: {  	[tilespmem:v11+s21+$0x0] =	vst.idx.msk vm15, v45;
	(pc) =	sbr.rel .LBB2_14-.Ltmp15, $4  }
0x2ac: {  	[tilespmem:v11+s22+$0x0] =	vst.idx.msk vm15, v61  }
0x2ad: {  	v6 =	vmpcnt.ones.xlane vm4;
	v8 =	vmpcnt.ones.xlane vm6;
	[tilespmem:v63+s21+$0x0] =	vst.idx.msk vm3, v43  }
0x2ae: {  	[tilespmem:v63+s22+$0x0] =	vst.idx.msk vm3, v60  }
0x2af: {  	v7 =	vadd.s32 v15, v6;
	v6 =	vsub.s32 v56, v8;
	s10 =	rddreg [dreg:$0xc]  }
.LBB2_13:
0x2b0: {  	v6 =	vmov v3  }
.LBB2_14:
0x2b1: {  	s2 =	ssub.s32 s10, s4  }
0x2b2: {  	p1 =	slt.s32 s2, $0x1  }
.Ltmp16:
0x2b3: {  	_ = 	snop;
	(pc) =	sbr.rel @p1 .LBB2_17-.Ltmp16, $1  }
0x2b4: {  	_ =	sdelay $0x3  }
0x2b5: {  	s2 =	sshll.u32 s4, $0x7;
	s3 =	sshll.u32 s4, $0x4  }
.LBB2_16:
0x2b6: {  	s7 =	sand.u32 $0x7C00, s2;
	s8 =	sshrl.u32 s3, $0x5;
	s9 =	sand.u32 $0xFFFF8070, s3  }
0x2b7: {  	s8 =	sand.u32 $0x380, s8;
	s7 =	sor.u32 s7, s9  }
0x2b8: {  	s7 =	sor.u32 s8, s7  }
0x2b9: {  	v8 =	vld [tilespmem:s7+$0x0];
	_ =	sdelay $0x2  }
0x2ba: {  	v9 =	vmov s3;
	v10 =	vor.u32 s3, v2  }
0x2bb: {  	vm0 =	vgt.s32 v9, $0xFFFFFFFF;
	vm1 =	vlt.s32 v10, v5  }
0x2bc: {  	vm0 =	vmand vm0, vm1;
	vm15 =	vlt.u32 v8, $0x40000  }
0x2bd: {  	vm1 =	vmand vm0, vm15  }
0x2be: {  	(xrf0) =	vadd.scan.msk.s32 vm1, v1  }
0x2bf: {  	vm0 =	vmxor vm0, vm1  }
0x2c0: {  	(xrf0) =	vadd.scan.msk.s32 vm0, v1;
	_ =	sdelay $0x3  }
0x2c1: {  	v61, _, _ =	vpop (xrf0)  }
0x2c2: {  	v9 =	vadd.s32 v7, v61  }
0x2c3: {  	v62 =	vld [tilespmem:s7+$0x8000];
	v11, _, _ =	vpop (xrf0)  }
0x2c4: {  	s4 =	sadd.s32 $0x1, s4;
	v11 =	vsub.s32 v6, v11  }
0x2c5: {  	p1 =	slt.s32 s4, s10  }
.Ltmp17:
0x2c6: {  	_ = 	snop;
	(pc) =	sbr.rel @p1 .LBB2_16-.Ltmp17, $4  }
0x2c7: {  	[tilespmem:v9+s21+$0x0] =	vst.idx.msk vm1, v8  }
0x2c8: {  	v63 =	vmpcnt.ones.xlane vm1;
	v12 =	vmpcnt.ones.xlane vm0;
	[tilespmem:v9+s22+$0x0] =	vst.idx.msk vm1, v62  }
0x2c9: {  	[tilespmem:v11+s21+$0x0] =	vst.idx.msk vm0, v8  }
0x2ca: {  	s2 =	sadd.s32 $0x80, s2;
	s3 =	sadd.s32 $0x10, s3;
	v7 =	vadd.s32 v7, v63;
	v6 =	vsub.s32 v6, v12;
	[tilespmem:v11+s22+$0x0] =	vst.idx.msk vm0, v62  }
.LBB2_17:
0x2cb: {  	s2 =	sand.u32 $0xF, s0  }
0x2cc: {  	s3 =	sshra.s32 s0, $0x1F;
	p1 =	slt.s32 s0, $0x1;
	p2 =	sne.s32 s2, $0x0  }
0x2cd: {  	s18 =	sshrl.u32 s3, $0x1C;
	p1 =	por !p1, !p2  }
0x2ce: {  	s2 =	simm.s32 $0x1;
	s26 =	sadd.s32 s18, s0;
	p1 =	por !p1, !p1  }
0x2cf: {  	s7 =	sshra.s32 s26, $0x4;
	s2 =	simm.s32 @!p1 $0x0  }
0x2d0: {  	(v2sf) =	vpush v7, $0x0;
	s0 =	ssub.s32 s7, s2  }
0x2d1: {  	(v2sf) =	vpush v6, $0x0;
	s2 =	sshll.u32 s0, $0x4  }
0x2d2: {  	s29 =	ssub.s32 $0x800F, s2  }
0x2d3: {  	s15 =	sshra.s32 s29, $0x1F  }
0x2d4: {  	s4 =	sshrl.u32 s15, $0x1C  }
0x2d5: {  	s3 =	sadd.s32 s4, s29  }
0x2d6: {  	s8 =	sshra.s32 s3, $0x4  }
0x2d7: {  	s4 =	sadd.s32 s15, s8  }
0x2d8: {  	s30 =	sshrl.u32 s4, $0x1E  }
0x2d9: {  	s3 =	sadd.s32 s30, s4  }
0x2da: {  	s9 =	sand.u32 $0xFFFFFFFC, s3  }
0x2db: {  	p2 =	slt.s32 s9, $0x1  }
.Ltmp18:
0x2dc: {  	_ = 	snop;
	(pc) =	sbr.rel @p2 .LBB2_18-.Ltmp18, $4  }
0x2dd: {  	_ = 	snop  }
0x2de: {  	s31 =	rddreg [dreg:$0xe]  }
0x2df: {  	v7 =	vbroadcast v4, $0x0;
	s10 =	spop (v2sf);
	s3 =	sadd.s32 $0xFFFFFFFF, s31  }
0x2e0: {  	v5 =	vmov s3;
	s11 =	spop (v2sf)  }
0x2e1: {  	[dreg:$0x12] =	wrdreg s8  }
0x2e2: {  	[dreg:$0x11] =	wrdreg s7;
	s0 =	sshll.u32 s0, $0x7;
	s26 =	sadd.s32 $0x30, s2  }
0x2e3: {  	[dreg:$0x10] =	wrdreg s10;
	p3 =	sgt.s32 s9, $0x4;
	p2 =	por $0x0, $0x0  }
.Ltmp19:
0x2e4: {  	s29 =	sadd.s32 $0x180, s0;
	s2 =	sadd.s32 $0xFFFFFFD0, s26;
	(pc) =	sbr.rel @!p3 .LBB2_60-.Ltmp19, $4  }
0x2e5: {  	s0 =	sadd.s32 $0xFFFFFFF0, s26;
	s18 =	sadd.s32 $0xFFFFFFE0, s26;
	s17 =	sadd.s32 $0xFFFFFF00, s29  }
0x2e6: {  	v4 =	vimm.s32 $0x59B0;
	s3 =	sadd.s32 $0xFFFFFF80, s29;
	s30 =	sadd.s32 $0xFFFFFE80, s29;
	s10 =	sand.u32 $0xFFFF8070, s2  }
0x2e7: {  	v16 =	vor.u32 s2, v2;
	v17 =	vor.u32 s0, v2;
	v8 =	vor.u32 s18, v2;
	s14 =	sshrl.u32 s2, $0x5;
	s8 =	sand.u32 $0x7C00, s30;
	s30 =	sshrl.u32 s18, $0x5  }
0x2e8: {  	s16 =	sand.u32 $0x7C00, s3;
	vm8 =	vge.s32 v17, v7;
	vm9 =	vge.s32 v8, v7;
	vm10 =	vlt.s32 v8, $0x8000;
	s2 =	sor.u32 s8, s10;
	s31 =	sand.u32 $0x380, s30  }
0x2e9: {  	s3 =	sshrl.u32 s0, $0x5;
	s10 =	sand.u32 $0xFFFF8070, s0;
	s7 =	sand.u32 $0xFFFF8070, s26  }
0x2ea: {  	s8 =	sand.u32 $0x380, s14;
	s3 =	sand.u32 $0x380, s3;
	s0 =	sor.u32 s16, s10  }
0x2eb: {  	s16 =	sshrl.u32 s26, $0x5;
	s10 =	sand.u32 $0x7C00, s29;
	s3 =	sor.u32 s3, s0  }
0x2ec: {  	s30 =	sor.u32 s8, s2;
	s0 =	sand.u32 $0x380, s16;
	s16 =	sor.u32 s10, s7;
	v11 =	vld [tilespmem:s3+$0x0]  }
0x2ed: {  	s17 =	sand.u32 $0x7C00, s17;
	s18 =	sand.u32 $0xFFFF8070, s18;
	v9 =	vld [tilespmem:s30+$0x0];
	s2 =	sor.u32 s0, s16  }
0x2ee: {  	s8 =	sor.u32 s17, s18;
	v8 =	vld [tilespmem:s2+$0x0]  }
0x2ef: {  	vm0 =	vge.s32 v16, v7;
	vm1 =	vlt.s32 v16, $0x8000;
	s7 =	sor.u32 s31, s8  }
0x2f0: {  	vm2 =	vlt.s32 v17, $0x8000;
	v12 =	vor.u32 s26, v2;
	vm0 =	vmand vm0, vm1;
	v10 =	vld [tilespmem:s7+$0x0]  }
0x2f1: {  	vm1 =	vmand vm8, vm2;
	vm5 =	vlt.s32 v12, $0x8000;
	vm2 =	vlt.u32 v11, $0xC0000  }
0x2f2: {  	vm4 =	vlt.u32 v9, $0xC0000;
	vm3 =	vmand vm1, vm2;
	vm2 =	vge.s32 v12, v7  }
0x2f3: {  	vm6 =	vmand vm0, vm4;
	vm4 =	vlt.u32 v8, $0xC0000;
	(xrf0) =	vadd.scan.msk.s32 vm3, v1;
	vm5 =	vmand vm2, vm5  }
0x2f4: {  	vm8 =	vmand vm9, vm10;
	vm7 =	vmxor vm0, vm6;
	(xrf0) =	vadd.scan.msk.s32 vm6, v1;
	vm2 =	vmand vm5, vm4  }
0x2f5: {  	vm0 =	vlt.u32 v10, $0xC0000;
	v12 =	vmpcnt.ones.xlane vm6;
	vm4 =	vmxor vm1, vm3;
	(xrf0) =	vadd.scan.msk.s32 vm2, v1  }
0x2f6: {  	vm1 =	vmand vm8, vm0;
	(xrf0) =	vadd.scan.msk.s32 vm4, v1  }
0x2f7: {  	v23 =	vadd.s32 v5, v12;
	v12 =	vmpcnt.ones.xlane vm7;
	v14 =	vmpcnt.ones.xlane vm1;
	(xrf0) =	vadd.scan.msk.s32 vm1, v1  }
0x2f8: {  	v16 =	vmpcnt.ones.xlane vm3  }
0x2f9: {  	v14 =	vadd.s32 v23, v14;
	v17, _, _ =	vpop (xrf0)  }
0x2fa: {  	v15, _, _ =	vpop (xrf0);
	v20 =	vadd.s32 v14, v17;
	v14 =	vadd.s32 v14, v16  }
0x2fb: {  	v13 =	vmpcnt.ones.xlane vm2;
	vm0 =	vmxor vm8, vm1;
	v24 =	vsub.s32 v4, v12;
	v12, _, _ =	vpop (xrf0)  }
0x2fc: {  	p3 =	sgt.s32 s9, $0x8;
	vm5 =	vmxor vm5, vm2;
	(xrf0) =	vadd.scan.msk.s32 vm0, v1;
	v26, _, _ =	vpop (xrf0)  }
0x2fd: {  	p2 =	por $0x1, $0x1;
	s26 =	sadd.s32 $0x40, s26;
	s29 =	sadd.s32 $0x200, s29;
	v22 =	vmpcnt.ones.xlane vm0;
	v19 =	vadd.s32 v14, v13;
	v12 =	vadd.s32 v14, v12;
	v14, _, _ =	vpop (xrf0);
	(xrf0) =	vadd.scan.msk.s32 vm5, v1  }
.Ltmp20:
0x2fe: {  	s8 =	simm.s32 $0x8;
	s18 =	sadd.s32 $0xFFFFFFE0, s26;
	(pc) =	sbr.rel @!p3 .LBB2_62-.Ltmp20, $4  }
0x2ff: {  	s14 =	sadd.s32 $0xFFFFFFD0, s26;
	s10 =	sadd.s32 $0xFFFFFF80, s29;
	s31 =	sadd.s32 $0xFFFFFE80, s29;
	v27 =	vor.u32 s18, v2;
	v25 =	vsub.s32 v24, v22;
	v22 =	vld [tilespmem:s3+$0x8000]  }
0x300: {  	s17 =	sadd.s32 $0xFFFFFF00, s29;
	s0 =	sadd.s32 $0xFFFFFFF0, s26;
	s16 =	sand.u32 $0x7C00, s10;
	vm9 =	vge.s32 v27, v7;
	vm10 =	vlt.s32 v27, $0x8000;
	v21 =	vmpcnt.ones.xlane vm4;
	v13 =	vld [tilespmem:s2+$0x8000]  }
0x301: {  	s31 =	sand.u32 $0x7C00, s31;
	s10 =	sshrl.u32 s18, $0x5;
	v18 =	vmpcnt.ones.xlane vm5;
	v16 =	vor.u32 s14, v2;
	v17 =	vor.u32 s0, v2;
	s2 =	sand.u32 $0xFFFF8070, s14  }
0x302: {  	vm8 =	vge.s32 v17, v7;
	s14 =	sshrl.u32 s14, $0x5;
	s2 =	sor.u32 s31, s2;
	s31 =	sand.u32 $0x380, s10;
	v23 =	vadd.s32 v23, v14;
	v27, _, _ =	vpop (xrf0);
	v14 =	vimm.s32 $0x59B0  }
.LBB2_63:
0x303: {  	vm15 =	vge.s32 v16, v7;
	s3 =	sshrl.u32 s0, $0x5;
	s0 =	sand.u32 $0xFFFF8070, s0;
	s10 =	sand.u32 $0xFFFF8070, s26;
	v26 =	vsub.s32 v25, v26;
	v21 =	vsub.s32 v25, v21;
	v25, _, _ =	vpop (xrf0)  }
0x304: {  	s3 =	sand.u32 $0x380, s3;
	s0 =	sor.u32 s16, s0;
	s16 =	sshrl.u32 s26, $0x5;
	v28 =	vld [tilespmem:s30+$0x8000];
	[tilespmem:v20+s21+$0x0] =	vst.idx.msk vm3, v11;
	v25 =	vsub.s32 v21, v25;
	v18 =	vsub.s32 v21, v18;
	(xrf0) =	vadd.scan.msk.s32 vm7, v1  }
0x305: {  	v29 =	vmovc v13;
	vm14 =	vmmov vm6;
	vm13 =	vmmov vm7;
	vm12 =	vmmov vm2;
	s30 =	sand.u32 $0x380, s14;
	s14 =	sor.u32 s3, s0;
	s0 =	sand.u32 $0x7C00, s29;
	v21 =	vld [tilespmem:s7+$0x8000];
	[tilespmem:v20+s22+$0x0] =	vst.idx.msk vm3, v22  }
0x306: {  	v24 =	vsub.s32 v24, v27;
	vm11 =	vmmov vm5;
	s30 =	sor.u32 s30, s2;
	s2 =	sand.u32 $0x380, s16;
	v20 =	vld [tilespmem:s14+$0x0];
	s0 =	sor.u32 s0, s10;
	[tilespmem:v12+s21+$0x0] =	vst.idx.msk vm2, v8  }
0x307: {  	s3 =	sand.u32 $0x7C00, s17;
	s7 =	sand.u32 $0xFFFF8070, s18;
	v27 =	vld [tilespmem:s30+$0x0];
	s0 =	sor.u32 s2, s0;
	[tilespmem:v23+s21+$0x0] =	vst.idx.msk vm1, v10  }
0x308: {  	s8 =	sadd.s32 $0x4, s8;
	vm3 =	vlt.s32 v17, $0x8000;
	vm2 =	vlt.s32 v16, $0x8000;
	s2 =	sor.u32 s3, s7;
	v16 =	vld [tilespmem:s0+$0x0];
	[tilespmem:v26+s21+$0x0] =	vst.idx.msk vm4, v11  }
0x309: {  	vm5 =	vmand vm9, vm10;
	v15 =	vadd.s32 v5, v15;
	v5 =	vmovc v19;
	p3 =	slt.s32 s8, s9;
	vm2 =	vmand vm15, vm2;
	s7 =	sor.u32 s31, s2;
	v13 =	vld [tilespmem:s0+$0x8000];
	[tilespmem:v26+s22+$0x0] =	vst.idx.msk vm4, v22  }
0x30a: {  	vm4 =	vmand vm8, vm3;
	v17 =	vld [tilespmem:s7+$0x0];
	[tilespmem:v23+s22+$0x0] =	vst.idx.msk vm1, v21;
	v11, _, _ =	vpop (xrf0)  }
0x30b: {  	v22 =	vor.u32 s26, v2;
	vm1 =	vlt.u32 v20, $0xC0000;
	v23 =	vsub.s32 v14, v11;
	[tilespmem:v24+s21+$0x0] =	vst.idx.msk vm0, v10;
	v14 =	vmovc v18  }
0x30c: {  	v11 =	vmovc v20;
	vm6 =	vlt.u32 v27, $0xC0000;
	vm3 =	vmand vm4, vm1;
	vm1 =	vge.s32 v22, v7;
	[tilespmem:v24+s22+$0x0] =	vst.idx.msk vm0, v21  }
0x30d: {  	vm0 =	vlt.s32 v22, $0x8000;
	vm6 =	vmand vm2, vm6;
	vm8 =	vlt.u32 v16, $0xC0000;
	(xrf0) =	vadd.scan.msk.s32 vm3, v1  }
0x30e: {  	vm9 =	vmand vm1, vm0;
	vm7 =	vmxor vm2, vm6;
	(xrf0) =	vadd.scan.msk.s32 vm6, v1;
	[tilespmem:v15+s21+$0x0] =	vst.idx.msk vm14, v9  }
0x30f: {  	v20 =	vmpcnt.ones.xlane vm6;
	vm2 =	vmand vm9, vm8;
	vm0 =	vlt.u32 v17, $0xC0000;
	[tilespmem:v15+s22+$0x0] =	vst.idx.msk vm14, v28;
	v10 =	vmovc v17  }
0x310: {  	vm4 =	vmxor vm4, vm3;
	v17 =	vmpcnt.ones.xlane vm2;
	vm1 =	vmand vm5, vm0;
	(xrf0) =	vadd.scan.msk.s32 vm2, v1  }
0x311: {  	vm0 =	vmxor vm5, vm1;
	v30 =	vmpcnt.ones.xlane vm1;
	vm5 =	vmxor vm9, vm2;
	(xrf0) =	vadd.scan.msk.s32 vm4, v1  }
0x312: {  	v24 =	vmpcnt.ones.xlane vm3;
	v22 =	vmpcnt.ones.xlane vm0;
	(xrf0) =	vadd.scan.msk.s32 vm1, v1;
	[tilespmem:v23+s21+$0x0] =	vst.idx.msk vm13, v9;
	v9 =	vmovc v27  }
0x313: {  	v21 =	vmpcnt.ones.xlane vm4;
	v27 =	vadd.s32 v19, v20;
	(xrf0) =	vadd.scan.msk.s32 vm0, v1;
	v19, _, _ =	vpop (xrf0);
	[tilespmem:v23+s22+$0x0] =	vst.idx.msk vm13, v28  }
0x314: {  	s29 =	sadd.s32 $0x200, s29;
	v28 =	vmpcnt.ones.xlane vm7;
	v26 =	vadd.s32 v27, v30;
	v15, _, _ =	vpop (xrf0);
	(xrf0) =	vadd.scan.msk.s32 vm5, v1;
	[tilespmem:v12+s22+$0x0] =	vst.idx.msk vm12, v29  }
.Ltmp21:
0x315: {  	s17 =	sadd.s32 $0xFFFFFF00, s29;
	s26 =	sadd.s32 $0x40, s26;
	v20 =	vadd.s32 v26, v19;
	v12 =	vadd.s32 v26, v24;
	[tilespmem:v25+s21+$0x0] =	vst.idx.msk vm11, v8;
	v8 =	vmov v16;
	(pc) =	sbr.rel @p3 .LBB2_63-.Ltmp21, $4  }
0x316: {  	s3 =	sadd.s32 $0xFFFFFF80, s29;
	s2 =	sadd.s32 $0xFFFFFFD0, s26;
	s0 =	sadd.s32 $0xFFFFFFF0, s26;
	v24 =	vsub.s32 v18, v28;
	v19 =	vadd.s32 v12, v17;
	v18 =	vmpcnt.ones.xlane vm5;
	v23, _, _ =	vpop (xrf0);
	[tilespmem:v25+s22+$0x0] =	vst.idx.msk vm11, v29  }
0x317: {  	s10 =	sadd.s32 $0xFFFFFE80, s29;
	s16 =	sand.u32 $0x7C00, s3;
	s18 =	sadd.s32 $0xFFFFFFE0, s26;
	v16 =	vor.u32 s2, v2;
	v17 =	vor.u32 s0, v2;
	v25 =	vsub.s32 v24, v22;
	v22 =	vld [tilespmem:s14+$0x8000];
	v26, _, _ =	vpop (xrf0)  }
0x318: {  	s3 =	sand.u32 $0x7C00, s10;
	s10 =	sand.u32 $0xFFFF8070, s2;
	s31 =	sshrl.u32 s18, $0x5;
	v28 =	vor.u32 s18, v2;
	vm8 =	vge.s32 v17, v7;
	v12 =	vadd.s32 v12, v23;
	v23, _, _ =	vpop (xrf0)  }
0x319: {  	s31 =	sand.u32 $0x380, s31;
	vm9 =	vge.s32 v28, v7;
	vm10 =	vlt.s32 v28, $0x8000;
	s14 =	sshrl.u32 s2, $0x5;
	s2 =	sor.u32 s3, s10;
	v23 =	vadd.s32 v27, v23;
	v27, _, _ =	vpop (xrf0)  }
0x31a: {  	v28 =	vmov v5;
	v5 =	vmov v19  }
.LBB2_65:
0x31b: {  	_ = 	snop  }
0x31c: {  	s3 =	sshrl.u32 s0, $0x5;
	s10 =	sand.u32 $0xFFFF8070, s0  }
0x31d: {  	s8 =	sand.u32 $0xFFFF8070, s26;
	s3 =	sand.u32 $0x380, s3;
	s0 =	sor.u32 s16, s10  }
0x31e: {  	s29 =	sand.u32 $0x7C00, s29;
	s17 =	sand.u32 $0x7C00, s17;
	s3 =	sor.u32 s3, s0  }
0x31f: {  	v26 =	vsub.s32 @p2 v25, v26;
	s18 =	sand.u32 $0xFFFF8070, s18;
	s10 =	sand.u32 $0x380, s14;
	s16 =	sshrl.u32 s26, $0x5;
	v19 =	vld [tilespmem:s3+$0x0]  }
0x320: {  	v21 =	vsub.s32 @p2 v25, v21;
	v25, _, _ =	vpop @p2 (xrf0);
	[tilespmem:v20+s21+$0x0] =	vst.idx.msk @p2 vm3, v11;
	(xrf0) =	vadd.scan.msk.s32 @p2 vm7, v1;
	vm15 =	vlt.s32 v17, $0x8000;
	v17 =	vld @p2 [tilespmem:s7+$0x8000];
	s8 =	sor.u32 s29, s8;
	s0 =	sor.u32 s10, s2;
	s14 =	sand.u32 $0x380, s16  }
0x321: {  	v24 =	vsub.s32 @p2 v24, v27;
	vm13 =	vge.s32 v16, v7;
	[tilespmem:v23+s21+$0x0] =	vst.idx.msk @p2 vm1, v10;
	s29 =	sor.u32 s17, s18;
	v29 =	vld [tilespmem:s0+$0x0];
	s2 =	sor.u32 s14, s8  }
0x322: {  	vm14 =	vlt.s32 v16, $0x8000;
	vm11 =	vmmov @p2 vm7;
	vm9 =	vmand vm9, vm10;
	[tilespmem:v12+s21+$0x0] =	vst.idx.msk @p2 vm2, v8;
	s31 =	sor.u32 s31, s29;
	v40 =	vld [tilespmem:s2+$0x0]  }
0x323: {  	v42 =	vor.u32 s26, v2;
	[tilespmem:v20+s22+$0x0] =	vst.idx.msk @p2 vm3, v22;
	vm13 =	vmand vm13, vm14;
	vm7 =	vmand vm8, vm15;
	v41 =	vld [tilespmem:s31+$0x0]  }
0x324: {  	vm14 =	vge.s32 v42, v7;
	vm15 =	vlt.s32 v42, $0x8000;
	[tilespmem:v26+s21+$0x0] =	vst.idx.msk @p2 vm4, v11;
	vm10 =	vlt.u32 v19, $0xC0000  }
0x325: {  	vm12 =	vmmov @p2 vm6;
	vm8 =	vmand vm14, vm15;
	[tilespmem:v26+s22+$0x0] =	vst.idx.msk @p2 vm4, v22;
	vm4 =	vmand vm7, vm10  }
0x326: {  	v11 =	vadd.s32 @p2 v28, v15;
	[tilespmem:v23+s22+$0x0] =	vst.idx.msk @p2 vm1, v17;
	v22, _, _ =	vpop @p2 (xrf0);
	vm6 =	vlt.u32 v29, $0xC0000;
	(xrf0) =	vadd.scan.msk.s32 vm4, v1  }
0x327: {  	v15 =	vld @p2 [tilespmem:s30+$0x8000];
	[tilespmem:v24+s21+$0x0] =	vst.idx.msk @p2 vm0, v10;
	v14 =	vsub.s32 @p2 v14, v22;
	vm6 =	vmand vm13, vm6;
	vm10 =	vlt.u32 v40, $0xC0000  }
0x328: {  	vm14 =	vlt.u32 v41, $0xC0000;
	vm3 =	vmand vm8, vm10;
	vm1 =	vmxor vm7, vm4;
	(xrf0) =	vadd.scan.msk.s32 vm6, v1  }
0x329: {  	vm7 =	vmand vm9, vm14;
	vm14 =	vmmov @p2 vm2;
	v43 =	vmpcnt.ones.xlane vm6;
	(xrf0) =	vadd.scan.msk.s32 vm3, v1  }
0x32a: {  	v25 =	vsub.s32 @p2 v21, v25;
	[tilespmem:v24+s22+$0x0] =	vst.idx.msk @p2 vm0, v17;
	vm10 =	vmmov @p2 vm5;
	v44 =	vmpcnt.ones.xlane vm7  }
0x32b: {  	v18 =	vsub.s32 @p2 v21, v18;
	[tilespmem:v11+s21+$0x0] =	vst.idx.msk @p2 vm12, v9;
	v10 =	vadd.s32 v5, v43;
	(xrf0) =	vadd.scan.msk.s32 vm1, v1  }
0x32c: {  	v4 =	vpsel p2, v18, v4;
	vm15 =	vmxor vm13, vm6;
	[tilespmem:v11+s22+$0x0] =	vst.idx.msk @p2 vm12, v15;
	v17 =	vadd.s32 v10, v44;
	v45, _, _ =	vpop (xrf0)  }
0x32d: {  	v46 =	vmpcnt.ones.xlane vm4;
	[tilespmem:v14+s21+$0x0] =	vst.idx.msk @p2 vm11, v9;
	(xrf0) =	vadd.scan.msk.s32 vm7, v1;
	v21 =	vadd.s32 v17, v45  }
0x32e: {  	v51 =	vld [tilespmem:s3+$0x8000];
	vm13 =	vmmov vm6;
	vm9 =	vmxor vm9, vm7;
	v48 =	vmpcnt.ones.xlane vm15;
	[tilespmem:v14+s22+$0x0] =	vst.idx.msk @p2 vm11, v15;
	v47, _, _ =	vpop (xrf0)  }
0x32f: {  	v50 =	vmpcnt.ones.xlane vm9;
	v11 =	vadd.s32 v17, v46;
	[tilespmem:v12+s22+$0x0] =	vst.idx.msk @p2 vm14, v13;
	v49, _, _ =	vpop (xrf0);
	v5 =	vadd.s32 v5, v47  }
0x330: {  	v9 =	vsub.s32 v4, v48;
	(xrf0) =	vadd.scan.msk.s32 vm9, v1;
	[tilespmem:v25+s21+$0x0] =	vst.idx.msk @p2 vm10, v8;
	v53 =	vadd.s32 v11, v49  }
0x331: {  	v60 =	vld [tilespmem:s0+$0x8000];
	vm12 =	vmxor vm8, vm3;
	v8 =	vsub.s32 v9, v50;
	[tilespmem:v25+s22+$0x0] =	vst.idx.msk @p2 vm10, v13;
	v52, _, _ =	vpop (xrf0)  }
0x332: {  	(xrf0) =	vadd.scan.msk.s32 vm12, v1;
	v55 =	vsub.s32 v8, v52;
	[tilespmem:v21+s21+$0x0] =	vst.idx.msk vm4, v19  }
0x333: {  	v56 =	vld [tilespmem:s2+$0x8000];
	(xrf0) =	vadd.scan.msk.s32 vm15, v1;
	v54, _, _ =	vpop (xrf0);
	[tilespmem:v21+s22+$0x0] =	vst.idx.msk vm4, v51  }
0x334: {  	v10 =	vadd.s32 v10, v54;
	[tilespmem:v5+s21+$0x0] =	vst.idx.msk vm13, v29  }
0x335: {  	[tilespmem:v53+s21+$0x0] =	vst.idx.msk vm3, v40  }
0x336: {  	v58 =	vld [tilespmem:s31+$0x8000];
	v62 =	vmpcnt.ones.xlane vm1;
	v57, _, _ =	vpop (xrf0);
	[tilespmem:v5+s22+$0x0] =	vst.idx.msk vm13, v60  }
0x337: {  	v9 =	vsub.s32 v9, v57;
	[tilespmem:v55+s21+$0x0] =	vst.idx.msk vm1, v19  }
0x338: {  	v8 =	vsub.s32 v8, v62;
	v59, _, _ =	vpop (xrf0);
	[tilespmem:v53+s22+$0x0] =	vst.idx.msk vm3, v56  }
0x339: {  	vm2 =	vmmov vm15;
	v61, _, _ =	vpop (xrf0);
	v63 =	vsub.s32 v8, v59;
	[tilespmem:v10+s21+$0x0] =	vst.idx.msk vm7, v41  }
0x33a: {  	[tilespmem:v55+s22+$0x0] =	vst.idx.msk vm1, v51;
	v4 =	vsub.s32 v4, v61  }
0x33b: {  	[tilespmem:v10+s22+$0x0] =	vst.idx.msk vm7, v58  }
0x33c: {  	[tilespmem:v9+s21+$0x0] =	vst.idx.msk vm9, v41  }
0x33d: {  	[tilespmem:v9+s22+$0x0] =	vst.idx.msk vm9, v58  }
0x33e: {  	[tilespmem:v63+s21+$0x0] =	vst.idx.msk vm12, v40  }
0x33f: {  	[tilespmem:v4+s21+$0x0] =	vst.idx.msk vm2, v29  }
.Ltmp22:
0x340: {  	[tilespmem:v63+s22+$0x0] =	vst.idx.msk vm12, v56;
	(pc) =	sbr.rel .LBB2_19-.Ltmp22, $4  }
0x341: {  	[tilespmem:v4+s22+$0x0] =	vst.idx.msk vm2, v60  }
0x342: {  	v5 =	vmpcnt.ones.xlane vm3;
	v4 =	vmpcnt.ones.xlane vm12;
	s10 =	rddreg [dreg:$0x10]  }
0x343: {  	vm14 =	vmmov vm3;
	s7 =	rddreg [dreg:$0x11]  }
0x344: {  	vm15 =	vmmov vm12;
	v5 =	vadd.s32 v11, v5;
	s8 =	rddreg [dreg:$0x12];
	v4 =	vsub.s32 v8, v4  }
.LBB2_18:
0x345: {  	v4 =	vimm.s32 $0x59B0  }
.LBB2_19:
0x346: {  	s0 =	ssub.s32 s4, s9  }
0x347: {  	p2 =	slt.s32 s0, $0x1  }
.Ltmp23:
0x348: {  	_ = 	snop;
	(pc) =	sbr.rel @p2 .LBB2_22-.Ltmp23, $1  }
0x349: {  	_ =	sdelay $0x3  }
0x34a: {  	s2 =	simm.s32 $0xFFFFFFFF;
	s3 =	sadd.s32 s7, s15  }
0x34b: {  	s2 =	simm.s32 @!p1 $0x0;
	s3 =	sadd.s32 s8, s3  }
0x34c: {  	s2 =	sadd.s32 s2, s3  }
0x34d: {  	s2 =	ssub.s32 s2, s0  }
0x34e: {  	s0 =	sshll.u32 s2, $0x7;
	s2 =	sshll.u32 s2, $0x4  }
.LBB2_21:
0x34f: {  	s3 =	sand.u32 $0x7C00, s0;
	s7 =	sshrl.u32 s2, $0x5;
	s8 =	sand.u32 $0xFFFF8070, s2  }
0x350: {  	s7 =	sand.u32 $0x380, s7;
	s3 =	sor.u32 s3, s8  }
0x351: {  	s3 =	sor.u32 s7, s3  }
0x352: {  	v8 =	vld [tilespmem:s3+$0x0];
	_ =	sdelay $0x2  }
0x353: {  	v9 =	vor.u32 s2, v2  }
0x354: {  	vm0 =	vge.s32 v9, v7;
	vm1 =	vlt.s32 v9, $0x8000  }
0x355: {  	vm0 =	vmand vm0, vm1;
	vm15 =	vlt.u32 v8, $0xC0000  }
0x356: {  	vm1 =	vmand vm0, vm15  }
0x357: {  	(xrf0) =	vadd.scan.msk.s32 vm1, v1  }
0x358: {  	vm0 =	vmxor vm0, vm1  }
0x359: {  	(xrf0) =	vadd.scan.msk.s32 vm0, v1;
	_ =	sdelay $0x3  }
0x35a: {  	v62, _, _ =	vpop (xrf0)  }
0x35b: {  	v9 =	vadd.s32 v5, v62  }
0x35c: {  	v10 =	vld [tilespmem:s3+$0x8000];
	v11, _, _ =	vpop (xrf0)  }
0x35d: {  	s9 =	sadd.s32 $0x1, s9;
	v11 =	vsub.s32 v4, v11  }
0x35e: {  	p1 =	slt.s32 s9, s4  }
.Ltmp24:
0x35f: {  	_ = 	snop;
	(pc) =	sbr.rel @p1 .LBB2_21-.Ltmp24, $4  }
0x360: {  	[tilespmem:v9+s21+$0x0] =	vst.idx.msk vm1, v8  }
0x361: {  	v63 =	vmpcnt.ones.xlane vm1;
	v12 =	vmpcnt.ones.xlane vm0;
	[tilespmem:v9+s22+$0x0] =	vst.idx.msk vm1, v10  }
0x362: {  	[tilespmem:v11+s21+$0x0] =	vst.idx.msk vm0, v8  }
0x363: {  	s0 =	sadd.s32 $0x80, s0;
	s2 =	sadd.s32 $0x10, s2;
	v5 =	vadd.s32 v5, v63;
	v4 =	vsub.s32 v4, v12;
	[tilespmem:v11+s22+$0x0] =	vst.idx.msk vm0, v10  }
.LBB2_22:
0x364: {  	s0 =	sadd.s32 $0x10, s10;
	s2 =	sand.u32 $0xF, s10  }
0x365: {  	s3 =	sshra.s32 s0, $0x1F;
	p1 =	slt.s32 s0, $0x1;
	p2 =	sne.s32 s2, $0x0  }
0x366: {  	p1 =	por !p1, !p2;
	s26 =	sshrl.u32 s3, $0x1C  }
0x367: {  	s2 =	simm.s32 $0x1;
	s0 =	sadd.s32 s26, s0;
	p1 =	por !p1, !p1  }
0x368: {  	s0 =	sshra.s32 s0, $0x4;
	s2 =	simm.s32 @!p1 $0x0  }
0x369: {  	s4 =	ssub.s32 s0, s2  }
0x36a: {  	s30 =	sadd.s32 $0x1, s10;
	s0 =	sshrl.u32 s4, $0x1D  }
.Ltmp25:
0x36b: {  	s2 =	simm.s32 $0xFFFFFFFF;
	s0 =	sadd.s32 s0, s4;
	(pc) =	sbr.rel .LBB2_23-.Ltmp25, $4  }
0x36c: {  	s26 =	simm.s32 $0x0;
	s2 =	simm.s32 @!p0 $0x0;
	s9 =	sand.u32 $0xFFFFFFF8, s0  }
0x36d: {  	[dreg:$0xf] =	wrdreg s2;
	s0 =	sshll.u32 s9, $0x6;
	s31 =	ssub.s32 s4, s9  }
0x36e: {  	s29 =	sshll.u32 s9, $0x4;
	p0 =	slt.s32 s9, $0x1;
	s0 =	sshra.s32 s0, $0x2  }
0x36f: {  	v7 =	vmov s30;
	p1 =	slt.s32 s31, $0x1;
	s10 =	sadd.s32 $0x10000, s0;
	s14 =	sadd.s32 $0x15A00, s0  }
.LBB2_30:
0x370: {  	s0 =	sadd.s32 s5, s30  }
0x371: {  	[hbm4b:s0+s6] =	stream.linear.scatter [tilespmem:s6], [sflag:$0x2], $0x8000, $0x38;
	[tilespmem:$0x1F400] =	vst v63  }
0x372: {  	s31 =	sadd.s32 s5, s31;
	s26 =	sadd.s32 $0x1, s26  }
0x373: {  	[hbm4b:s31+s6] =	stream.linear.scatter [tilespmem:s25], [sflag:$0x4], $0x8000, $0x38;
	[tilespmem:$0x1F400] =	vst v63  }
0x374: {  	p2 =	sne.s32 s26, $0x4;
	_ =	swait.ge [sflag:s20], $0x8000  }
.Ltmp26:
0x375: {  	[sflag:s20] =	ssyncset.done $0x0;
	(pc) =	sbr.rel @!p2 .LBB2_31-.Ltmp26, $4  }
0x376: {  	[sflag:s20] =	ssyncadd.s32 $0xFFFF8000  }
0x377: {  	_ =	swait.ge [sflag:s24], $0x8000  }
0x378: {  	[sflag:s24] =	ssyncset.done $0x0  }
0x379: {  	[sflag:s24] =	ssyncadd.s32 $0xFFFF8000  }
.LBB2_23:
0x37a: {  	s0 =	sshll.u32 s26, $0x10;
	s2 =	rddreg [dreg:$0x5]  }
0x37b: {  	s2 =	sadd.s32 s0, s2  }
0x37c: {  	s18 =	sshll.u32 s26, $0xD;
	s30 =	sshrl.u32 s2, $0x3  }
0x37d: {  	s31 =	sor.u32 s28, s18;
	s3 =	sadd.s32 s1, s30  }
0x37e: {  	[tilespmem:s6], [sflag:$0x1] =	stream.linear.gather [hbm4b:s3+s6], $0x8000, $0x38;
	[tilespmem:$0x1F400] =	vst v63  }
0x37f: {  	s2 =	sadd.s32 s1, s31  }
0x380: {  	[tilespmem:s25], [sflag:$0x3] =	stream.linear.gather [hbm4b:s2+s6], $0x8000, $0x38;
	[tilespmem:$0x1F400] =	vst v63  }
0x381: {  	_ =	swait.ge [sflag:s19], $0x8000  }
.Ltmp27:
0x382: {  	[sflag:s19] =	ssyncset.done $0x0;
	(pc) =	sbr.rel @p0 .LBB2_27-.Ltmp27, $4  }
0x383: {  	[sflag:s19] =	ssyncadd.s32 $0xFFFF8000  }
0x384: {  	_ =	swait.ge [sflag:s23], $0x8000  }
0x385: {  	[sflag:s23] =	ssyncset.done $0x0  }
0x386: {  	v8 =	vmov s0;
	[sflag:s23] =	ssyncadd.s32 $0xFFFF8000  }
0x387: {  	s2 =	simm.s32 $0x70  }
0x388: {  	s3 =	simm.s32 $0x50;
	v22 =	vimm.s32 $0x0;
	v9 =	vmov s2  }
0x389: {  	s8 =	simm.s32 $0x60;
	s15 =	simm.s32 $0x10;
	s17 =	simm.s32 $0x40;
	v10 =	vor.u32 s2, v2;
	v11 =	vmov s3;
	v12 =	vor.u32 s3, v2  }
0x38a: {  	v13 =	vor.u32 s8, v2;
	v15 =	vor.u32 s15, v2;
	v17 =	vor.u32 s17, v2  }
0x38b: {  	s3 =	simm.s32 $0x0;
	vm0 =	vgt.s32 v11, $0xFFFFFFFF;
	vm1 =	vlt.s32 v12, v7;
	vm2 =	vlt.s32 v13, v7  }
0x38c: {  	v11 =	vmov s3;
	v13 =	vmov s8;
	v14 =	vor.u32 s3, v2  }
0x38d: {  	vm10 =	vlt.s32 v10, v7;
	v10 =	vmov s17;
	vm7 =	vlt.s32 v17, v7  }
0x38e: {  	s0 =	simm.s32 $0x10040;
	vm13 =	vlt.s32 v15, v7;
	vm6 =	vmand vm0, vm1;
	vm5 =	vgt.s32 v11, $0xFFFFFFFF  }
0x38f: {  	v12 =	vld [tilespmem:s0+$0xFFFFFFE0];
	vm0 =	vgt.s32 v13, $0xFFFFFFFF;
	vm1 =	vgt.s32 v9, $0xFFFFFFFF;
	v9 =	vimm.s32 $0x0  }
0x390: {  	s16 =	simm.s32 $0x20;
	v11 =	vmov s15;
	vm9 =	vlt.s32 v14, v7;
	v9 =	vsel vm1, $0xFFFFFFFF, v9  }
0x391: {  	v13 =	vld [tilespmem:s0+$0x10];
	vm3 =	vmand vm0, vm2;
	vm1 =	vgt.s32 v10, $0xFFFFFFFF;
	v10 =	vmov s16  }
0x392: {  	vm9 =	vmand vm5, vm9;
	[tilespmem:$0x1FE10] =	vst v9;
	v9 =	vor.u32 s16, v2;
	vm4 =	vmand vm1, vm7  }
0x393: {  	vm7 =	vgt.s32 v11, $0xFFFFFFFF;
	vm8 =	vlt.s32 v9, v7;
	v9 =	vimm.s32 $0x0  }
0x394: {  	v14 =	vsub.s32 v12, v8;
	v26 =	vshrl.u32 v12, $0x5;
	v31 =	vshll.u32 v12, $0x3  }
0x395: {  	v16 =	vld [tilespmem:s0+$0xFFFFFFF0];
	v12 =	vand.u32 $0x7F, v12;
	vm11 =	vlt.u32 v14, $0x8000;
	vm2 =	vlt.u32 v14, $0x10000  }
0x396: {  	v18 =	vld [tilespmem:s0+$0xFFFFFFD0];
	v20 =	vsub.s32 v13, v8;
	v14 =	vand.u32 $0xFFFF8000, v14;
	v26 =	vand.u32 $0x380, v26  }
0x397: {  	v19 =	vld [tilespmem:s0+$0xFFFFFFC0];
	v28 =	vand.u32 $0x7F, v13;
	v30 =	vshrl.u32 v13, $0x5;
	v13 =	vshll.u32 v13, $0x3  }
0x398: {  	v31 =	vand.u32 $0x7C00, v31;
	vm0 =	vlt.u32 v20, $0x10000;
	vm12 =	vmxor vm2, vm11  }
0x399: {  	vm2 =	vmand vm7, vm13;
	vm13 =	vgt.s32 v10, $0xFFFFFFFF;
	v10 =	vimm.s32 $0x0  }
0x39a: {  	s18 =	simm.s32 $0x30;
	v13 =	vand.u32 $0x7C00, v13;
	v30 =	vand.u32 $0x380, v30;
	v9 =	vsel vm0, $0xFFFFFFFF, v9  }
0x39b: {  	vm8 =	vmand vm13, vm8;
	v51 =	vor.u32 v28, v30;
	[tilespmem:$0x1FE20] =	vst v9;
	v9 =	vmov s18  }
0x39c: {  	v15 =	vsub.s32 v16, v8;
	v17 =	vsub.s32 v18, v8;
	v50 =	vshrl.u32 v19, $0x5  }
0x39d: {  	v27 =	vshll.u32 v19, $0x3;
	v29 =	vand.u32 $0x7F, v19;
	v53 =	vshrl.u32 v18, $0x5  }
0x39e: {  	v33 =	vshrl.u32 v16, $0x5;
	v34 =	vand.u32 $0x7F, v16;
	v16 =	vshll.u32 v16, $0x3  }
0x39f: {  	vm14 =	vgt.s32 v9, $0xFFFFFFFF;
	vm1 =	vlt.u32 v15, $0x10000;
	vm15 =	vlt.u32 v15, $0x8000  }
0x3a0: {  	v9 =	vsub.s32 v19, v8;
	v19 =	vor.u32 v26, v14;
	v26 =	vor.u32 v12, v26  }
0x3a1: {  	v33 =	vand.u32 $0x380, v33;
	v15 =	vand.u32 $0xFFFF8000, v15;
	v16 =	vand.u32 $0x7C00, v16  }
0x3a2: {  	vm0 =	vmxor vm1, vm15;
	vm13 =	vlt.u32 v9, $0x8000;
	vm1 =	vmand vm8, vm11  }
0x3a3: {  	vm11 =	vlt.u32 v9, $0x10000;
	v14 =	vor.u32 v14, v26;
	v35 =	vor.u32 v34, v33  }
0x3a4: {  	v11 =	vld [tilespmem:s0+$0x20];
	v33 =	vor.u32 v33, v15;
	v10 =	vsel vm1, $0xFFFFFFFF, v10;
	vm1 =	vmand vm8, vm12  }
0x3a5: {  	v21 =	vld [tilespmem:s0+$0x30];
	vm11 =	vmxor vm11, vm13;
	vm7 =	vmand vm9, vm13;
	[tilespmem:$0x1FE30] =	vst v10;
	v10 =	vor.u32 s18, v2  }
0x3a6: {  	v15 =	vor.u32 v15, v35;
	v33 =	vor.u32 v16, v33;
	vm8 =	vlt.s32 v10, v7  }
0x3a7: {  	v22 =	vsel vm1, $0xFFFFFFFF, v22;
	vm1 =	vmand vm9, vm11;
	vm8 =	vmand vm14, vm8  }
0x3a8: {  	v48 =	vld [tilespmem:$0x1FE10];
	vm14 =	vmand vm8, vm15;
	vm15 =	vlt.u32 v20, $0x8000;
	v20 =	vand.u32 $0xFFFF8000, v20  }
0x3a9: {  	v15 =	vor.u32 v16, v15;
	v10 =	vimm.s32 $0x0;
	v30 =	vor.u32 v30, v20  }
0x3aa: {  	[tilespmem:$0x1FE40] =	vst v22;
	v10 =	vsel vm1, $0xFFFFFFFF, v10;
	v20 =	vor.u32 v20, v51;
	v52 =	vor.u32 v13, v30  }
0x3ab: {  	s7 =	simm.s32 $0x15A40;
	[tilespmem:$0x1FE50] =	vst v10;
	v13 =	vor.u32 v13, v20;
	v20 =	vand.u32 $0x7F, v18;
	v18 =	vshll.u32 v18, $0x3  }
0x3ac: {  	vm13 =	vmand vm8, vm0;
	v54 =	vld [tilespmem:s7+$0xFFFFFFF0];
	v16 =	vand.u32 $0x7C00, v18;
	v18 =	vor.u32 v34, v33  }
0x3ad: {  	vm1 =	vnez.u8 v48;
	v23 =	vsub.s32 v21, v8;
	v18 =	vadd.s32 $0xFFFF8000, v18  }
0x3ae: {  	v10 =	vsub.s32 v11, v8;
	vm5 =	vmand vm1, vm10;
	vm10 =	vlt.u32 v23, $0x8000  }
0x3af: {  	v25 =	vld [tilespmem:$0x1FE20];
	vm11 =	vlt.u32 v23, $0x10000;
	vm0 =	vlt.u32 v10, $0x8000;
	vm8 =	vlt.u32 v10, $0x10000  }
0x3b0: {  	v49 =	vld [tilespmem:s0+$0x0];
	vm12 =	vmand vm6, vm15;
	vm9 =	vmand vm3, vm0;
	vm0 =	vmxor vm8, vm0  }
0x3b1: {  	v57 =	vand.u32 $0xFFFF8000, v10;
	v30 =	vand.u32 $0x380, v53;
	vm8 =	vmand vm3, vm0;
	[tilespmem:v15+s6+$0x0] =	vst.idx.add.f32.msk vm14, v54  }
0x3b2: {  	vm0 =	vlt.u32 v17, $0x10000;
	vm3 =	vmxor vm11, vm10;
	vm11 =	vmand vm5, vm10;
	[tilespmem:v18+s25+$0x0] =	vst.idx.add.f32.msk vm13, v54  }
0x3b3: {  	v55 =	vor.u32 v20, v30;
	vm3 =	vmand vm5, vm3;
	vm5 =	vlt.u32 v17, $0x8000;
	v18 =	vld [tilespmem:$0x1FE30]  }
0x3b4: {  	v17 =	vand.u32 $0xFFFF8000, v17;
	vm10 =	vmxor vm0, vm5;
	vm1 =	vmand vm2, vm5  }
0x3b5: {  	vm0 =	vnez.u8 v25;
	v33 =	vor.u32 v17, v55;
	vm5 =	vmand vm2, vm10  }
0x3b6: {  	v24 =	vsub.s32 v49, v8;
	vm10 =	vmxor vm0, vm15;
	v33 =	vor.u32 v16, v33  }
0x3b7: {  	vm15 =	vlt.u32 v24, $0x10000;
	vm0 =	vlt.u32 v24, $0x8000;
	vm10 =	vmand vm6, vm10  }
0x3b8: {  	v10 =	vld [tilespmem:s7+$0xFFFFFFD0];
	vm6 =	vmxor vm15, vm0;
	vm15 =	vmand vm4, vm0;
	vm0 =	vnez.u8 v18  }
0x3b9: {  	v14 =	vor.u32 v31, v14;
	v36 =	vld [tilespmem:s7+$0xFFFFFFE0];
	_ =	sdelay $0x2  }
0x3ba: {  	v56 =	vshll.u32 v11, $0x3  }
0x3bb: {  	v15 =	vor.u32 v31, v19;
	v19 =	vand.u32 $0x7F, v11;
	v11 =	vshrl.u32 v11, $0x5;
	[tilespmem:v33+s6+$0x0] =	vst.idx.add.f32.msk vm1, v10  }
0x3bc: {  	v37 =	vshll.u32 v21, $0x3;
	v34 =	vand.u32 $0x7C00, v56;
	v11 =	vand.u32 $0x380, v11;
	[tilespmem:v14+s6+$0x0] =	vst.idx.add.f32.msk vm0, v36  }
0x3bd: {  	v12 =	vor.u32 v12, v15;
	v15 =	vor.u32 v19, v11;
	v11 =	vor.u32 v11, v57;
	v63 =	vld [tilespmem:$0x1FE40]  }
0x3be: {  	v11 =	vor.u32 v34, v11;
	v14 =	vor.u32 v57, v15;
	v15 =	vshrl.u32 v21, $0x5  }
0x3bf: {  	v59 =	vld [tilespmem:s7+$0x10];
	v11 =	vor.u32 v19, v11;
	v21 =	vand.u32 $0x7F, v21;
	v58 =	vand.u32 $0x380, v15  }
0x3c0: {  	v19 =	vand.u32 $0xFFFF8000, v23;
	v18 =	vld [tilespmem:s7+$0x20];
	v14 =	vor.u32 v34, v14;
	v15 =	vor.u32 v21, v58  }
0x3c1: {  	v60 =	vand.u32 $0x7C00, v37;
	v11 =	vadd.s32 $0xFFFF8000, v11;
	v61 =	vor.u32 v19, v15  }
0x3c2: {  	v15 =	vld [tilespmem:s7+$0x30];
	v62 =	vor.u32 v60, v61;
	vm0 =	vnez.u8 v63  }
0x3c3: {  	v12 =	vadd.s32 $0xFFFF8000, v12  }
0x3c4: {  	[tilespmem:v13+s6+$0x0] =	vst.idx.add.f32.msk vm12, v59  }
0x3c5: {  	[tilespmem:v14+s6+$0x0] =	vst.idx.add.f32.msk vm9, v18  }
0x3c6: {  	[tilespmem:v11+s25+$0x0] =	vst.idx.add.f32.msk vm8, v18  }
0x3c7: {  	v9 =	vand.u32 $0xFFFF8000, v9;
	v26 =	vor.u32 v28, v52;
	[tilespmem:v62+s6+$0x0] =	vst.idx.add.f32.msk vm11, v15  }
0x3c8: {  	v26 =	vadd.s32 $0xFFFF8000, v26;
	v17 =	vor.u32 v30, v17;
	v13 =	vor.u32 v58, v19;
	[tilespmem:v12+s25+$0x0] =	vst.idx.add.f32.msk vm0, v36  }
0x3c9: {  	v32 =	vshrl.u32 v49, $0x5;
	v22 =	vand.u32 $0x7F, v49;
	v11 =	vor.u32 v60, v13;
	v13 =	vld [tilespmem:$0x1FE50]  }
0x3ca: {  	v16 =	vor.u32 v16, v17;
	v32 =	vand.u32 $0x380, v32;
	vm6 =	vmand vm4, vm6  }
0x3cb: {  	v14 =	vand.u32 $0xFFFF8000, v24;
	v11 =	vor.u32 v21, v11;
	v12 =	vshll.u32 v49, $0x3  }
0x3cc: {  	v17 =	vand.u32 $0x7C00, v12;
	v12 =	vor.u32 v20, v16;
	v16 =	vand.u32 $0x380, v50  }
0x3cd: {  	p2 =	sgt.s32 s9, $0x8;
	v18 =	vadd.s32 $0xFFFF8000, v11;
	v12 =	vadd.s32 $0xFFFF8000, v12;
	v19 =	vor.u32 v29, v16  }
.Ltmp28:
0x3ce: {  	[tilespmem:v26+s25+$0x0] =	vst.idx.add.f32.msk vm10, v59;
	v16 =	vor.u32 v16, v9;
	vm11 =	vnez.u8 v13;
	v13 =	vand.u32 $0x7C00, v27;
	(pc) =	sbr.rel @!p2 .LBB2_26-.Ltmp28, $4  }
0x3cf: {  	v9 =	vor.u32 v9, v19;
	v11 =	vor.u32 v13, v16;
	v16 =	vor.u32 v32, v14  }
0x3d0: {  	v19 =	vor.u32 v13, v9;
	v9 =	vor.u32 v22, v32;
	v16 =	vor.u32 v17, v16  }
0x3d1: {  	s17 =	simm.s32 $0x100C0;
	v13 =	vld [tilespmem:s7+$0xFFFFFFC0];
	v11 =	vor.u32 v29, v11;
	v14 =	vor.u32 v14, v9;
	v20 =	vor.u32 v22, v16  }
0x3d2: {  	s15 =	simm.s32 $0x8;
	s16 =	simm.s32 $0xF0;
	s18 =	simm.s32 $0x15AC0;
	v9 =	vadd.s32 $0xFFFF8000, v11;
	v11 =	vld [tilespmem:s7+$0x0];
	v16 =	vor.u32 v17, v14;
	v14 =	vadd.s32 $0xFFFF8000, v20  }
.LBB2_25:
0x3d3: {  	_ =	sdelay $0x1  }
0x3d4: {  	v17 =	vmov s16  }
0x3d5: {  	s2 =	sadd.s32 $0xFFFFFFE0, s16;
	s3 =	sadd.s32 $0xFFFFFFF0, s16;
	v20 =	vor.u32 s16, v2;
	v54 =	vimm.s32 $0x0;
	[tilespmem:v12+s25+$0x0] =	vst.idx.add.f32.msk vm5, v10;
	v32 =	vimm.s32 $0x0  }
0x3d6: {  	s0 =	sadd.s32 $0xFFFFFFA0, s16;
	s8 =	sadd.s32 $0xFFFFFF90, s16;
	[tilespmem:v18+s25+$0x0] =	vst.idx.add.f32.msk vm3, v15;
	v21 =	vmov s2;
	v22 =	vor.u32 s2, v2;
	v23 =	vor.u32 s3, v2  }
0x3d7: {  	s7 =	sadd.s32 $0xFFFFFFB0, s16;
	v29 =	vld [tilespmem:s17+$0xFFFFFFF0];
	v55 =	vmov s3;
	v56 =	vor.u32 s8, v2;
	v24 =	vmov s0  }
0x3d8: {  	v36 =	vld [tilespmem:s17+$0x20];
	s3 =	sadd.s32 $0xFFFFFFD0, s16;
	v12 =	vor.u32 s0, v2;
	v25 =	vmov s7;
	vm0 =	vgt.s32 v21, $0xFFFFFFFF  }
0x3d9: {  	v30 =	vld [tilespmem:s17+$0xFFFFFFD0];
	vm1 =	vlt.s32 v22, v7;
	vm2 =	vlt.s32 v23, v7;
	v10 =	vor.u32 s3, v2  }
0x3da: {  	vm13 =	vlt.s32 v12, v7;
	v12 =	vimm.s32 $0x0;
	vm0 =	vmand vm0, vm1;
	[tilespmem:v19+s6+$0x0] =	vst.idx.add.f32.msk vm7, v13  }
0x3db: {  	vm1 =	vgt.s32 v17, $0xFFFFFFFF;
	v17 =	vimm.s32 $0x0;
	vm3 =	vlt.s32 v10, v7;
	[tilespmem:v16+s6+$0x0] =	vst.idx.add.f32.msk vm15, v11  }
0x3dc: {  	v16 =	vmov s8;
	v21 =	vsel vm0, $0xFFFFFFFF, v54;
	vm0 =	vgt.s32 v55, $0xFFFFFFFF;
	v53 =	vld [tilespmem:s17+$0xFFFFFFC0]  }
0x3dd: {  	vm12 =	vgt.s32 v16, $0xFFFFFFFF;
	[tilespmem:v14+s25+$0x0] =	vst.idx.add.f32.msk vm6, v11;
	v14 =	vimm.s32 $0x0;
	v16 =	vmov s3  }
0x3de: {  	s8 =	sadd.s32 $0xFFFFFFC0, s16;
	vm0 =	vmand vm0, vm2;
	[tilespmem:v9+s25+$0x0] =	vst.idx.add.f32.msk vm11, v13;
	vm11 =	vlt.s32 v56, v7;
	v59 =	vsub.s32 v29, v8  }
0x3df: {  	v38 =	vshll.u32 v36, $0x3;
	v39 =	vor.u32 s8, v2;
	v40 =	vshrl.u32 v29, $0x5  }
0x3e0: {  	v43 =	vand.u32 $0x7F, v29;
	v29 =	vshll.u32 v29, $0x3;
	v46 =	vand.u32 $0x7F, v36  }
0x3e1: {  	v48 =	vsub.s32 v36, v8;
	v23 =	vshrl.u32 v36, $0x5;
	v14 =	vsel vm1, $0xFFFFFFFF, v14  }
0x3e2: {  	vm1 =	vlt.s32 v20, v7;
	v17 =	vsel vm0, $0xFFFFFFFF, v17;
	vm5 =	vgt.s32 v16, $0xFFFFFFFF  }
0x3e3: {  	v19 =	vld [tilespmem:s17+$0xFFFFFFE0];
	v61 =	vsub.s32 v30, v8;
	v33 =	vshrl.u32 v30, $0x5;
	v34 =	vand.u32 $0x7F, v30  }
0x3e4: {  	vm2 =	vlt.u32 v59, $0x8000;
	vm11 =	vmand vm12, vm11;
	v29 =	vand.u32 $0x7C00, v29  }
0x3e5: {  	v36 =	vand.u32 $0xFFFF8000, v48;
	v23 =	vand.u32 $0x380, v23;
	[tilespmem:$0x1FD80] =	vst v14;
	v14 =	vimm.s32 $0x0  }
0x3e6: {  	v11 =	vld [tilespmem:s17+$0x10];
	v62 =	vand.u32 $0x380, v33;
	vm9 =	vlt.u32 v61, $0x10000;
	vm15 =	vlt.u32 v61, $0x8000  }
0x3e7: {  	v49 =	vor.u32 v46, v23;
	v23 =	vor.u32 v23, v36;
	v14 =	vsel vm1, $0xFFFFFFFF, v14  }
0x3e8: {  	v37 =	vor.u32 v34, v62;
	[tilespmem:$0x1FD90] =	vst v14;
	v14 =	vor.u32 s7, v2;
	v10 =	vsub.s32 v19, v8  }
0x3e9: {  	v16 =	vshrl.u32 v19, $0x5;
	v26 =	vshll.u32 v19, $0x3;
	v58 =	vand.u32 $0x7F, v19  }
0x3ea: {  	v19 =	vimm.s32 $0x0;
	v13 =	vshrl.u32 v53, $0x5;
	vm14 =	vlt.s32 v14, v7  }
0x3eb: {  	v15 =	vshll.u32 v53, $0x3;
	v57 =	vand.u32 $0x7F, v11;
	v9 =	vand.u32 $0x7F, v53  }
0x3ec: {  	[tilespmem:$0x1FDA0] =	vst v17;
	v17 =	vand.u32 $0xFFFF8000, v10;
	v16 =	vand.u32 $0x380, v16;
	vm4 =	vlt.u32 v10, $0x8000  }
0x3ed: {  	vm0 =	vlt.u32 v10, $0x10000;
	v20 =	vshrl.u32 v11, $0x5;
	v28 =	vsub.s32 v11, v8  }
0x3ee: {  	v14 =	vld [tilespmem:s17+$0x0];
	v11 =	vshll.u32 v11, $0x3;
	v22 =	vsub.s32 v53, v8;
	v26 =	vand.u32 $0x7C00, v26  }
0x3ef: {  	v10 =	vor.u32 v16, v17;
	v16 =	vor.u32 v58, v16;
	vm7 =	vmxor vm0, vm4  }
0x3f0: {  	vm10 =	vlt.u32 v28, $0x8000;
	v54 =	vand.u32 $0x7C00, v15;
	v31 =	vor.u32 v17, v16  }
0x3f1: {  	v13 =	vand.u32 $0x380, v13;
	v31 =	vor.u32 v26, v31;
	v26 =	vor.u32 v26, v10  }
0x3f2: {  	[tilespmem:$0x1FDB0] =	vst v21;
	v16 =	vimm.s32 $0x0;
	v55 =	vor.u32 v9, v13;
	v21 =	vor.u32 v58, v26  }
0x3f3: {  	v26 =	vor.u32 v36, v49;
	v27 =	vsub.s32 v14, v8;
	v18 =	vshrl.u32 v14, $0x5  }
0x3f4: {  	v17 =	vshll.u32 v14, $0x3;
	v14 =	vand.u32 $0x7F, v14;
	vm1 =	vlt.u32 v27, $0x10000  }
0x3f5: {  	v21 =	vadd.s32 $0xFFFF8000, v21;
	vm0 =	vlt.u32 v27, $0x8000;
	v19 =	vsel vm1, $0xFFFFFFFF, v19  }
0x3f6: {  	vm1 =	vlt.u32 v28, $0x10000;
	v32 =	vsel vm0, $0xFFFFFFFF, v32;
	v28 =	vand.u32 $0xFFFF8000, v28  }
0x3f7: {  	[tilespmem:$0x1FDE0] =	vst v19;
	v19 =	vand.u32 $0x7C00, v11;
	v11 =	vand.u32 $0x380, v18;
	v16 =	vsel vm1, $0xFFFFFFFF, v16  }
0x3f8: {  	vm1 =	vmand vm5, vm3;
	vm3 =	vgt.s32 v24, $0xFFFFFFFF;
	[tilespmem:$0x1FDD0] =	vst v16;
	v16 =	vmov s8  }
0x3f9: {  	v12 =	vsel vm1, $0xFFFFFFFF, v12;
	vm0 =	vmand vm1, vm0;
	vm13 =	vmand vm3, vm13  }
0x3fa: {  	vm3 =	vgt.s32 v25, $0xFFFFFFFF;
	vm1 =	vlt.s32 v39, v7;
	v25 =	vand.u32 $0x7C00, v38  }
0x3fb: {  	vm6 =	vgt.s32 v16, $0xFFFFFFFF;
	v16 =	vand.u32 $0xFFFF8000, v27;
	[tilespmem:$0x1FE00] =	vst v12;
	v12 =	vand.u32 $0x380, v20  }
0x3fc: {  	v20 =	vimm.s32 $0x0;
	vm8 =	vmand vm13, vm15;
	vm14 =	vmand vm3, vm14  }
0x3fd: {  	v27 =	vand.u32 $0xFFFF8000, v59;
	v23 =	vor.u32 v25, v23;
	v20 =	vsel vm0, $0xFFFFFFFF, v20  }
0x3fe: {  	vm0 =	vlt.u32 v59, $0x10000;
	vm3 =	vmand vm14, vm4;
	vm4 =	vlt.u32 v22, $0x10000  }
0x3ff: {  	v41 =	vld [tilespmem:$0x1FD80];
	vm1 =	vmand vm6, vm1;
	[tilespmem:$0x1FDC0] =	vst v20;
	v20 =	vor.u32 v57, v12;
	v12 =	vor.u32 v12, v28  }
0x400: {  	vm5 =	vmxor vm0, vm2;
	vm0 =	vlt.u32 v22, $0x8000;
	v20 =	vor.u32 v28, v20  }
0x401: {  	v42 =	vld [tilespmem:$0x1FD90];
	v12 =	vor.u32 v19, v12;
	vm4 =	vmxor vm4, vm0;
	vm12 =	vmand vm11, vm0  }
0x402: {  	v45 =	vld [tilespmem:s18+$0xFFFFFFF0];
	vm0 =	vmand vm1, vm2;
	v20 =	vor.u32 v19, v20;
	v19 =	vshll.u32 v30, $0x3  }
0x403: {  	v47 =	vld [tilespmem:s18+$0x10];
	v63 =	vand.u32 $0x7C00, v19;
	v19 =	vor.u32 v57, v12;
	v12 =	vand.u32 $0xFFFF8000, v61  }
0x404: {  	v52 =	vld [tilespmem:$0x1FDB0];
	vm2 =	vnez.u8 v41;
	vm11 =	vmand vm11, vm4;
	v28 =	vor.u32 v62, v12  }
0x405: {  	v51 =	vld [tilespmem:$0x1FDA0];
	v24 =	vor.u32 v12, v37;
	v12 =	vor.u32 v63, v28;
	v28 =	vand.u32 $0x380, v40  }
0x406: {  	v18 =	vld [tilespmem:s17+$0x30];
	vm4 =	vnez.u8 v42;
	v44 =	vor.u32 v43, v28;
	v28 =	vor.u32 v28, v27  }
0x407: {  	v35 =	vld [tilespmem:s18+$0xFFFFFFE0];
	vm4 =	vmand vm2, vm4;
	v27 =	vor.u32 v27, v44;
	v28 =	vor.u32 v29, v28  }
0x408: {  	v50 =	vld [tilespmem:s18+$0x20];
	vm2 =	vmand vm1, vm5;
	v27 =	vor.u32 v29, v27;
	v28 =	vor.u32 v43, v28  }
0x409: {  	v10 =	vld [tilespmem:s18+$0xFFFFFFD0];
	v25 =	vor.u32 v25, v26;
	vm14 =	vmand vm14, vm7;
	v28 =	vadd.s32 $0xFFFF8000, v28  }
0x40a: {  	v58 =	vld [tilespmem:$0x1FDD0];
	vm6 =	vnez.u8 v51;
	v23 =	vor.u32 v46, v23;
	vm7 =	vnez.u8 v52  }
0x40b: {  	v23 =	vadd.s32 $0xFFFF8000, v23;
	v22 =	vand.u32 $0xFFFF8000, v22;
	v60 =	vshll.u32 v18, $0x3;
	v53 =	vld [tilespmem:$0x1FDC0]  }
0x40c: {  	v15 =	vsub.s32 v18, v8;
	v56 =	vshrl.u32 v18, $0x5;
	vm1 =	vlt.u32 v48, $0x8000;
	[tilespmem:v31+s6+$0x0] =	vst.idx.add.f32.msk vm3, v35  }
0x40d: {  	v24 =	vor.u32 v63, v24;
	vm3 =	vmand vm7, vm10;
	[tilespmem:v27+s6+$0x0] =	vst.idx.add.f32.msk vm0, v45;
	vm0 =	vlt.u32 v48, $0x10000  }
0x40e: {  	v18 =	vand.u32 $0x7F, v18;
	[tilespmem:v28+s25+$0x0] =	vst.idx.add.f32.msk vm2, v45;
	vm2 =	vmand vm6, vm1;
	vm0 =	vmxor vm0, vm1  }
0x40f: {  	[tilespmem:$0x1FDF0] =	vst v32;
	v13 =	vor.u32 v13, v22;
	v32 =	vand.u32 $0x7C00, v60;
	v63 =	vld [tilespmem:$0x1FE00];
	vm1 =	vmand vm6, vm0  }
0x410: {  	v61 =	vor.u32 v14, v11;
	v60 =	vadd.s32 $0xFFFF8000, v19;
	[tilespmem:v21+s25+$0x0] =	vst.idx.add.f32.msk vm14, v35;
	v21 =	vor.u32 v22, v55  }
0x411: {  	v62 =	vor.u32 v11, v16;
	v19 =	vor.u32 v54, v21;
	v21 =	vor.u32 v16, v61;
	v16 =	vld [tilespmem:$0x1FDE0]  }
0x412: {  	v59 =	vor.u32 v54, v13;
	vm5 =	vmxor vm9, vm15;
	v57 =	vand.u32 $0x380, v56;
	[tilespmem:v24+s6+$0x0] =	vst.idx.add.f32.msk vm8, v10  }
0x413: {  	v9 =	vor.u32 v9, v59;
	vm8 =	vlt.u32 v15, $0x10000;
	[tilespmem:v20+s6+$0x0] =	vst.idx.add.f32.msk vm3, v47;
	vm6 =	vlt.u32 v15, $0x8000  }
0x414: {  	v20 =	vor.u32 v18, v57;
	v15 =	vand.u32 $0xFFFF8000, v15;
	[tilespmem:v25+s6+$0x0] =	vst.idx.add.f32.msk vm2, v50;
	vm2 =	vmxor vm8, vm6  }
0x415: {  	vm0 =	vmand vm4, vm6;
	vm3 =	vmand vm4, vm2;
	vm2 =	vnez.u8 v58;
	[tilespmem:v23+s25+$0x0] =	vst.idx.add.f32.msk vm1, v50  }
0x416: {  	v20 =	vor.u32 v15, v20;
	vm1 =	vnez.u8 v16;
	v16 =	vld [tilespmem:$0x1FDF0];
	vm2 =	vmxor vm2, vm10  }
0x417: {  	s15 =	sadd.s32 $0x8, s15;
	v20 =	vor.u32 v32, v20;
	v25 =	vor.u32 v57, v15;
	v15 =	vld [tilespmem:s18+$0x30];
	vm2 =	vmand vm7, vm2  }
0x418: {  	p2 =	slt.s32 s15, s9;
	v17 =	vand.u32 $0x7C00, v17;
	vm5 =	vmand vm13, vm5;
	v9 =	vadd.s32 $0xFFFF8000, v9  }
.Ltmp29:
0x419: {  	v12 =	vor.u32 v34, v12;
	vm15 =	vnez.u8 v53;
	v25 =	vor.u32 v32, v25;
	(pc) =	sbr.rel @p2 .LBB2_25-.Ltmp29, $4  }
0x41a: {  	v13 =	vld [tilespmem:s18+$0xFFFFFFC0];
	v12 =	vadd.s32 $0xFFFF8000, v12;
	v18 =	vor.u32 v18, v25;
	vm7 =	vmmov vm12  }
0x41b: {  	v11 =	vld [tilespmem:s18+$0x0];
	vm4 =	vnez.u8 v16;
	v16 =	vor.u32 v17, v21;
	v17 =	vor.u32 v17, v62  }
0x41c: {  	[tilespmem:v20+s6+$0x0] =	vst.idx.add.f32.msk vm0, v15;
	vm1 =	vmxor vm1, vm4;
	vm4 =	vnez.u8 v63;
	v14 =	vor.u32 v14, v17  }
0x41d: {  	s16 =	sadd.s32 $0x80, s16;
	s17 =	sadd.s32 $0x80, s17;
	s18 =	sadd.s32 $0x80, s18;
	v18 =	vadd.s32 $0xFFFF8000, v18;
	vm6 =	vmand vm4, vm1;
	v14 =	vadd.s32 $0xFFFF8000, v14;
	[tilespmem:v60+s25+$0x0] =	vst.idx.add.f32.msk vm2, v47  }
.LBB2_26:
0x41e: {  	_ =	sdelay $0x4  }
0x41f: {  	[tilespmem:v12+s25+$0x0] =	vst.idx.add.f32.msk vm5, v10  }
0x420: {  	[tilespmem:v18+s25+$0x0] =	vst.idx.add.f32.msk vm3, v15  }
0x421: {  	[tilespmem:v19+s6+$0x0] =	vst.idx.add.f32.msk vm7, v13  }
0x422: {  	[tilespmem:v16+s6+$0x0] =	vst.idx.add.f32.msk vm15, v11  }
0x423: {  	[tilespmem:v9+s25+$0x0] =	vst.idx.add.f32.msk vm11, v13  }
0x424: {  	[tilespmem:v14+s25+$0x0] =	vst.idx.add.f32.msk vm6, v11  }
.LBB2_27:
.Ltmp30:
0x425: {  	(pc) =	sbr.rel @p1 .LBB2_30-.Ltmp30, $1  }
0x426: {  	_ =	sdelay $0x3  }
0x427: {  	s0 =	smov.u32 s29  }
0x428: {  	s2 =	smov.u32 s14;
	s3 =	smov.u32 s10;
	s7 =	smov.u32 s9  }
.LBB2_29:
0x429: {  	v9 =	vld [tilespmem:s3+$0x0];
	_ =	sdelay $0x1  }
0x42a: {  	v10 =	vmov s0;
	v11 =	vor.u32 s0, v2  }
0x42b: {  	vm0 =	vgt.s32 v10, $0xFFFFFFFF;
	vm1 =	vlt.s32 v11, v7  }
0x42c: {  	vm0 =	vmand vm0, vm1  }
0x42d: {  	v10 =	vsub.s32 v9, v8;
	v11 =	vshrl.u32 v9, $0x5;
	v12 =	vand.u32 $0x7F, v9  }
0x42e: {  	v9 =	vshll.u32 v9, $0x3;
	vm15 =	vlt.u32 v10, $0x8000;
	vm2 =	vlt.u32 v10, $0x10000  }
0x42f: {  	v10 =	vand.u32 $0xFFFF8000, v10;
	v11 =	vand.u32 $0x380, v11;
	v9 =	vand.u32 $0x7C00, v9  }
0x430: {  	vm2 =	vmxor vm2, vm15;
	v13 =	vor.u32 v12, v11;
	v11 =	vor.u32 v11, v10  }
0x431: {  	vm1 =	vmand vm0, vm15;
	v10 =	vor.u32 v10, v13;
	v11 =	vor.u32 v9, v11  }
0x432: {  	v63 =	vld [tilespmem:s2+$0x0];
	s7 =	sadd.s32 $0x1, s7;
	vm0 =	vmand vm0, vm2;
	v9 =	vor.u32 v9, v10;
	v10 =	vor.u32 v12, v11  }
0x433: {  	p2 =	slt.s32 s7, s4;
	v10 =	vadd.s32 $0xFFFF8000, v10  }
.Ltmp31:
0x434: {  	_ = 	snop;
	(pc) =	sbr.rel @p2 .LBB2_29-.Ltmp31, $3  }
0x435: {  	_ =	sdelay $0x1  }
0x436: {  	[tilespmem:v9+s6+$0x0] =	vst.idx.add.f32.msk vm1, v63  }
0x437: {  	s3 =	sadd.s32 $0x10, s3;
	s2 =	sadd.s32 $0x10, s2;
	s0 =	sadd.s32 $0x10, s0;
	[tilespmem:v10+s25+$0x0] =	vst.idx.add.f32.msk vm0, v63  }
.Ltmp32:
0x438: {  	_ = 	snop;
	(pc) =	sbr.rel .LBB2_30-.Ltmp32, $1  }
0x439: {  	_ =	sdelay $0x3  }
.LBB2_31:
0x43a: {  	s0 =	sand.u32 $0xF, s11  }
0x43b: {  	s2 =	sshra.s32 s11, $0x1F;
	p0 =	slt.s32 s11, $0x1;
	p1 =	sne.s32 s0, $0x0  }
0x43c: {  	s14 =	sshrl.u32 s2, $0x1C;
	p0 =	por !p0, !p1  }
0x43d: {  	s2 =	simm.s32 $0x1;
	s0 =	sadd.s32 s14, s11;
	p0 =	por !p0, !p0  }
0x43e: {  	s3 =	sshra.s32 s0, $0x4;
	s2 =	simm.s32 @!p0 $0x0  }
0x43f: {  	s7 =	ssub.s32 s3, s2  }
0x440: {  	s15 =	rddreg [dreg:$0xe];
	s8 =	sshll.u32 s7, $0x4  }
0x441: {  	s0 =	ssub.s32 s15, s8  }
0x442: {  	s4 =	sshra.s32 s0, $0x1F;
	s9 =	sxor.u32 $0xFFFFFFFF, s0  }
0x443: {  	s10 =	sshrl.u32 s4, $0x1C;
	s9 =	sshrl.u32 s9, $0x1F  }
0x444: {  	s0 =	sadd.s32 s0, s10;
	s4 =	sadd.s32 s9, s4  }
0x445: {  	s0 =	sadd.s32 $0xF, s0;
	p0 =	sne.s32 s4, $0x1;
	s4 =	simm.s32 $0x1  }
0x446: {  	s0 =	sshra.s32 s0, $0x4;
	s4 =	simm.s32 @!p0 $0x0  }
0x447: {  	s0 =	ssub.s32 s0, s4  }
0x448: {  	s4 =	sshrl.u32 s0, $0x1D  }
0x449: {  	s31 =	simm.s32 $0x0;
	s4 =	sadd.s32 s4, s0  }
0x44a: {  	s16 =	sshll.u32 s7, $0x6;
	s3 =	sadd.s32 s3, s0;
	s4 =	sand.u32 $0xFFFFFFF8, s4  }
.Ltmp33:
0x44b: {  	s2 =	ssub.s32 s3, s2;
	s15 =	ssub.s32 s0, s4;
	(pc) =	sbr.rel .LBB2_32-.Ltmp33, $4  }
0x44c: {  	s9 =	sadd.s32 $0x70, s8;
	s3 =	sshra.s32 s16, $0x2;
	s2 =	ssub.s32 s2, s15  }
0x44d: {  	s10 =	sadd.s32 $0x15A40, s3;
	s14 =	sadd.s32 $0x10040, s3;
	s17 =	sshll.u32 s2, $0x6  }
0x44e: {  	p0 =	slt.s32 s4, $0x1;
	p1 =	slt.s32 s15, $0x1;
	s18 =	sshra.s32 s17, $0x2  }
0x44f: {  	v6 =	vbroadcast v6, $0x0;
	s30 =	sshll.u32 s2, $0x4;
	s26 =	sadd.s32 $0x10000, s18;
	s29 =	sadd.s32 $0x15A00, s18  }
.LBB2_36:
0x450: {  	s2 =	sadd.s32 s5, s15  }
0x451: {  	[hbm4b:s2+s6] =	stream.linear.scatter [tilespmem:s6], [sflag:$0x2], $0x8000, $0x38;
	[tilespmem:$0x1F400] =	vst v63  }
0x452: {  	s18 =	sadd.s32 s5, s16;
	s31 =	sadd.s32 $0x1, s31  }
0x453: {  	[hbm4b:s18+s6] =	stream.linear.scatter [tilespmem:s25], [sflag:$0x4], $0x8000, $0x38;
	[tilespmem:$0x1F400] =	vst v63  }
0x454: {  	p2 =	sne.s32 s31, $0x4;
	_ =	swait.ge [sflag:s20], $0x8000  }
.Ltmp34:
0x455: {  	[sflag:s20] =	ssyncset.done $0x0;
	(pc) =	sbr.rel @!p2 .LBB2_37-.Ltmp34, $4  }
0x456: {  	[sflag:s20] =	ssyncadd.s32 $0xFFFF8000  }
0x457: {  	_ =	swait.ge [sflag:s24], $0x8000  }
0x458: {  	[sflag:s24] =	ssyncset.done $0x0  }
0x459: {  	[sflag:s24] =	ssyncadd.s32 $0xFFFF8000  }
.LBB2_32:
0x45a: {  	s2 =	sor.u32 $0x4, s31  }
0x45b: {  	s7 =	rddreg [dreg:$0x6];
	s3 =	sshll.u32 s2, $0xD  }
0x45c: {  	s15 =	sor.u32 s7, s3  }
0x45d: {  	s16 =	sor.u32 s28, s3;
	s7 =	sadd.s32 s1, s15  }
0x45e: {  	[tilespmem:s6], [sflag:$0x1] =	stream.linear.gather [hbm4b:s7+s6], $0x8000, $0x38;
	[tilespmem:$0x1F400] =	vst v63  }
0x45f: {  	s3 =	sadd.s32 s1, s16  }
0x460: {  	[tilespmem:s25], [sflag:$0x3] =	stream.linear.gather [hbm4b:s3+s6], $0x8000, $0x38;
	[tilespmem:$0x1F400] =	vst v63  }
0x461: {  	_ =	swait.ge [sflag:s19], $0x8000  }
.Ltmp35:
0x462: {  	[sflag:s19] =	ssyncset.done $0x0;
	(pc) =	sbr.rel @p0 .LBB2_33-.Ltmp35, $4  }
0x463: {  	[sflag:s19] =	ssyncadd.s32 $0xFFFF8000  }
0x464: {  	_ =	swait.ge [sflag:s23], $0x8000  }
0x465: {  	s2 =	sshll.u32 s2, $0x10;
	[sflag:s23] =	ssyncset.done $0x0  }
0x466: {  	v7 =	vmov s2;
	[sflag:s23] =	ssyncadd.s32 $0xFFFF8000  }
0x467: {  	s2 =	sadd.s32 $0xFFFFFFE0, s9  }
0x468: {  	s3 =	sadd.s32 $0xFFFFFFF0, s9;
	s17 =	sadd.s32 $0xFFFFFFA0, s9;
	s7 =	sadd.s32 $0xFFFFFF90, s9;
	v8 =	vor.u32 s2, v2  }
0x469: {  	v13 =	vld [tilespmem:s14+$0x10];
	s18 =	sadd.s32 $0xFFFFFFC0, s9;
	s28 =	sadd.s32 $0xFFFFFFD0, s9;
	v9 =	vor.u32 s3, v2;
	v10 =	vor.u32 s17, v2;
	v11 =	vor.u32 s7, v2  }
0x46a: {  	s11 =	sadd.s32 $0xFFFFFFB0, s9;
	v12 =	vld [tilespmem:s14+$0xFFFFFFE0];
	v15 =	vor.u32 s18, v2;
	v16 =	vor.u32 s28, v2;
	vm0 =	vge.s32 v8, v6  }
0x46b: {  	v14 =	vld [tilespmem:s14+$0x0];
	vm1 =	vlt.s32 v8, v3;
	v8 =	vor.u32 s11, v2;
	vm6 =	vlt.s32 v9, v3  }
0x46c: {  	v17 =	vld [tilespmem:s14+$0x30];
	vm2 =	vge.s32 v10, v6;
	vm5 =	vlt.s32 v11, v3;
	vm3 =	vlt.s32 v16, v3  }
0x46d: {  	v18 =	vld [tilespmem:s14+$0xFFFFFFC0];
	vm7 =	vge.s32 v11, v6;
	vm8 =	vlt.s32 v15, v3;
	vm4 =	vmand vm0, vm1  }
0x46e: {  	vm0 =	vge.s32 v15, v6;
	vm1 =	vge.s32 v16, v6;
	vm9 =	vlt.s32 v8, v3  }
0x46f: {  	vm15 =	vmand vm1, vm3;
	vm3 =	vmand vm0, vm8;
	vm0 =	vge.s32 v9, v6  }
0x470: {  	vm8 =	vge.s32 v8, v6;
	v8 =	vimm.s32 $0x0;
	v19 =	vsub.s32 v13, v7  }
0x471: {  	v9 =	vsub.s32 v12, v7;
	v16 =	vsub.s32 v14, v7;
	v20 =	vsub.s32 v17, v7  }
0x472: {  	vm8 =	vmand vm8, vm9;
	vm0 =	vmand vm0, vm6;
	v15 =	vsub.s32 v18, v7  }
0x473: {  	v25 =	vshrl.u32 v12, $0x5;
	v26 =	vshll.u32 v14, $0x3;
	v27 =	vshrl.u32 v13, $0x5  }
0x474: {  	v28 =	vshll.u32 v13, $0x3;
	v32 =	vand.u32 $0x7F, v14;
	v14 =	vshrl.u32 v14, $0x5  }
0x475: {  	v35 =	vshll.u32 v17, $0x3;
	v36 =	vand.u32 $0x7F, v12;
	v37 =	vand.u32 $0x7F, v17  }
0x476: {  	v38 =	vshll.u32 v18, $0x3;
	v41 =	vand.u32 $0x7F, v13;
	vm1 =	vlt.u32 v16, $0x8000  }
0x477: {  	vm10 =	vlt.u32 v9, $0x10000;
	v8 =	vsel vm0, $0xFFFFFFFF, v8;
	vm9 =	vlt.u32 v20, $0x8000  }
0x478: {  	vm11 =	vlt.u32 v9, $0x8000;
	vm12 =	vlt.u32 v20, $0x10000;
	v29 =	vand.u32 $0xFFFF8000, v9  }
0x479: {  	v20 =	vand.u32 $0xFFFF8000, v20;
	v26 =	vand.u32 $0x7C00, v26;
	v25 =	vand.u32 $0x380, v25  }
0x47a: {  	v35 =	vand.u32 $0x7C00, v35;
	v27 =	vand.u32 $0x380, v27;
	v28 =	vand.u32 $0x7C00, v28  }
0x47b: {  	[tilespmem:$0x1FD40] =	vst v8;
	vm6 =	vmand vm8, vm11;
	v8 =	vor.u32 s9, v2;
	vm10 =	vmxor vm10, vm11  }
0x47c: {  	v39 =	vor.u32 v25, v29;
	v25 =	vor.u32 v36, v25;
	v42 =	vor.u32 v41, v27  }
0x47d: {  	v21 =	vld [tilespmem:s14+$0xFFFFFFF0];
	vm13 =	vlt.s32 v8, v3;
	vm11 =	vge.s32 v8, v6;
	vm0 =	vmand vm8, vm10  }
0x47e: {  	v22 =	vld [tilespmem:s14+$0xFFFFFFD0];
	v8 =	vimm.s32 $0x0;
	vm10 =	vmxor vm12, vm9;
	vm8 =	vmand vm11, vm13  }
0x47f: {  	v25 =	vor.u32 v29, v25;
	v8 =	vsel vm0, $0xFFFFFFFF, v8;
	vm13 =	vmand vm8, vm9  }
0x480: {  	[tilespmem:$0x1FD70] =	vst v8;
	vm0 =	vmand vm8, vm10;
	v8 =	vimm.s32 $0x0;
	vm8 =	vlt.u32 v15, $0x8000  }
0x481: {  	vm9 =	vmand vm7, vm5;
	vm5 =	vlt.s32 v10, v3;
	v10 =	vimm.s32 $0x0  }
0x482: {  	v8 =	vsel vm0, $0xFFFFFFFF, v8;
	vm2 =	vmand vm2, vm5;
	v23 =	vsub.s32 v21, v7  }
0x483: {  	v24 =	vsub.s32 v22, v7;
	v40 =	vshll.u32 v21, $0x3;
	v57 =	vshll.u32 v22, $0x3  }
0x484: {  	vm7 =	vlt.u32 v24, $0x8000;
	vm10 =	vlt.u32 v24, $0x10000;
	vm14 =	vlt.u32 v23, $0x10000  }
0x485: {  	vm5 =	vmxor vm10, vm7;
	vm12 =	vmand vm2, vm7;
	vm7 =	vlt.u32 v23, $0x8000  }
0x486: {  	v61 =	vshrl.u32 v22, $0x5;
	v22 =	vand.u32 $0x7F, v22;
	vm10 =	vmxor vm14, vm7  }
0x487: {  	vm0 =	vmand vm3, vm7;
	vm7 =	vmand vm3, vm10;
	vm3 =	vmand vm9, vm8  }
0x488: {  	[tilespmem:$0x1FD50] =	vst v8;
	v58 =	vand.u32 $0x7C00, v57;
	v59 =	vand.u32 $0x7C00, v40;
	v10 =	vsel vm3, $0xFFFFFFFF, v10  }
0x489: {  	v8 =	vld [tilespmem:s14+$0x20];
	v24 =	vand.u32 $0xFFFF8000, v24;
	v23 =	vand.u32 $0xFFFF8000, v23;
	[tilespmem:$0x1FD60] =	vst v10;
	v10 =	vshll.u32 v12, $0x3  }
0x48a: {  	vm11 =	vmand vm2, vm5;
	v30 =	vand.u32 $0x7C00, v10;
	v10 =	vshrl.u32 v17, $0x5  }
0x48b: {  	vm2 =	vlt.u32 v15, $0x10000;
	vm14 =	vlt.u32 v19, $0x10000;
	v34 =	vand.u32 $0x380, v10  }
0x48c: {  	vm10 =	vlt.u32 v16, $0x10000;
	vm2 =	vmxor vm2, vm8;
	v17 =	vor.u32 v37, v34  }
0x48d: {  	vm8 =	vlt.u32 v19, $0x8000;
	v60 =	vld [tilespmem:s10+$0xFFFFFFE0];
	v25 =	vor.u32 v30, v25;
	v17 =	vor.u32 v20, v17  }
0x48e: {  	v19 =	vand.u32 $0xFFFF8000, v19;
	v16 =	vand.u32 $0xFFFF8000, v16;
	v13 =	vld [tilespmem:s10+$0x30];
	v17 =	vor.u32 v35, v17  }
0x48f: {  	vm3 =	vmand vm9, vm2;
	vm2 =	vmxor vm10, vm1;
	v31 =	vshrl.u32 v8, $0x5  }
0x490: {  	vm9 =	vmxor vm14, vm8;
	v12 =	vand.u32 $0x380, v31;
	v31 =	vshrl.u32 v21, $0x5  }
0x491: {  	v33 =	vsub.s32 v8, v7;
	v21 =	vand.u32 $0x7F, v21;
	v31 =	vand.u32 $0x380, v31  }
0x492: {  	vm14 =	vmand vm4, vm8;
	v44 =	vor.u32 v21, v31;
	v31 =	vor.u32 v31, v23;
	[tilespmem:v25+s6+$0x0] =	vst.idx.add.f32.msk vm6, v60  }
0x493: {  	v9 =	vand.u32 $0x7F, v8;
	v29 =	vor.u32 v19, v42;
	v25 =	vor.u32 v59, v31;
	[tilespmem:v17+s6+$0x0] =	vst.idx.add.f32.msk vm13, v13  }
0x494: {  	v42 =	vand.u32 $0x380, v61;
	v31 =	vand.u32 $0x380, v14;
	v14 =	vor.u32 v21, v25;
	v21 =	vld [tilespmem:$0x1FD70]  }
0x495: {  	v8 =	vshll.u32 v8, $0x3;
	vm9 =	vmand vm4, vm9;
	v43 =	vor.u32 v22, v42  }
0x496: {  	vm8 =	vmand vm15, vm2;
	v42 =	vor.u32 v42, v24;
	v24 =	vor.u32 v24, v43  }
0x497: {  	vm4 =	vmand vm15, vm1;
	v62 =	vld [tilespmem:s10+$0xFFFFFFD0];
	v24 =	vor.u32 v58, v24;
	v23 =	vor.u32 v23, v44  }
0x498: {  	v11 =	vand.u32 $0xFFFF8000, v33;
	v63 =	vld [tilespmem:s10+$0xFFFFFFF0];
	v30 =	vor.u32 v30, v39;
	v23 =	vor.u32 v59, v23  }
0x499: {  	v29 =	vor.u32 v28, v29;
	v30 =	vor.u32 v36, v30;
	v17 =	vld [tilespmem:s10+$0x10];
	vm1 =	vnez.u8 v21  }
0x49a: {  	v42 =	vor.u32 v58, v42;
	v10 =	vand.u32 $0x7C00, v8;
	v30 =	vadd.s32 $0xFFFF8000, v30  }
0x49b: {  	v8 =	vand.u32 $0x7F, v18;
	v22 =	vor.u32 v22, v42;
	v20 =	vor.u32 v34, v20  }
0x49c: {  	v18 =	vshrl.u32 v18, $0x5;
	v22 =	vadd.s32 $0xFFFF8000, v22;
	v20 =	vor.u32 v35, v20;
	[tilespmem:v24+s6+$0x0] =	vst.idx.add.f32.msk vm12, v62  }
0x49d: {  	v20 =	vor.u32 v37, v20;
	v25 =	vand.u32 $0x380, v18;
	v18 =	vor.u32 v27, v19;
	[tilespmem:v23+s6+$0x0] =	vst.idx.add.f32.msk vm0, v63  }
0x49e: {  	vm5 =	vlt.u32 v33, $0x8000;
	v18 =	vor.u32 v28, v18;
	[tilespmem:v29+s6+$0x0] =	vst.idx.add.f32.msk vm14, v17;
	v21 =	vor.u32 v32, v31  }
0x49f: {  	p2 =	sgt.s32 s4, $0x8;
	v19 =	vor.u32 v16, v21;
	v16 =	vor.u32 v31, v16;
	[tilespmem:v30+s25+$0x0] =	vst.idx.add.f32.msk vm1, v60;
	v30 =	vadd.s32 $0xFFFF8000, v14  }
.Ltmp36:
0x4a0: {  	v27 =	vld [tilespmem:s10+$0x0];
	v29 =	vor.u32 v8, v25;
	v21 =	vor.u32 v41, v18;
	v16 =	vor.u32 v26, v16;
	(pc) =	sbr.rel @!p2 .LBB2_68-.Ltmp36, $4  }
0x4a1: {  	[tilespmem:v22+s25+$0x0] =	vst.idx.add.f32.msk vm11, v62;
	v18 =	vand.u32 $0x7C00, v38;
	v23 =	vor.u32 v26, v19;
	v19 =	vor.u32 v32, v16  }
0x4a2: {  	v28 =	vadd.s32 $0xFFFF8000, v21;
	v21 =	vld [tilespmem:s10+$0xFFFFFFC0];
	v26 =	vadd.s32 $0xFFFF8000, v19;
	v19 =	vand.u32 $0xFFFF8000, v15  }
0x4a3: {  	s8 =	sadd.s32 $0x80, s14;
	v16 =	vld [tilespmem:s10+$0x20];
	v15 =	vadd.s32 $0xFFFF8000, v20;
	v22 =	vor.u32 v19, v29;
	vm1 =	vlt.u32 v33, $0x10000  }
0x4a4: {  	s17 =	simm.s32 $0x8;
	s18 =	sadd.s32 $0x80, s9;
	s7 =	sadd.s32 $0x80, s10;
	v20 =	vor.u32 v25, v19;
	v14 =	vor.u32 v9, v12;
	vm1 =	vmxor vm1, vm5;
	[tilespmem:v30+s25+$0x0] =	vst.idx.add.f32.msk vm7, v63  }
.LBB2_67:
0x4a5: {  	_ =	sdelay $0x2  }
0x4a6: {  	v19 =	vld [tilespmem:s8+$0x10];
	v12 =	vor.u32 v12, v11  }
0x4a7: {  	s3 =	sadd.s32 $0xFFFFFFE0, s18;
	s28 =	sadd.s32 $0xFFFFFFF0, s18;
	v24 =	vld [tilespmem:$0x1FD40];
	v11 =	vor.u32 v11, v14;
	v22 =	vor.u32 v18, v22;
	v42 =	vor.u32 s18, v2  }
0x4a8: {  	[tilespmem:v28+s25+$0x0] =	vst.idx.add.f32.msk vm9, v17;
	v25 =	vor.u32 s3, v2;
	v29 =	vor.u32 s28, v2;
	v11 =	vor.u32 v10, v11  }
0x4a9: {  	s2 =	sadd.s32 $0xFFFFFFB0, s18;
	v14 =	vld [tilespmem:s8+$0x0];
	s28 =	sadd.s32 $0xFFFFFF90, s18;
	v10 =	vor.u32 v10, v12;
	vm2 =	vge.s32 v25, v6;
	vm6 =	vlt.s32 v25, v3  }
0x4aa: {  	v32 =	vld [tilespmem:s8+$0xFFFFFFF0];
	v25 =	vor.u32 s2, v2;
	v12 =	vor.u32 s28, v2;
	s28 =	sadd.s32 $0xFFFFFFA0, s18;
	v9 =	vor.u32 v9, v10  }
0x4ab: {  	v52 =	vld [tilespmem:s8+$0xFFFFFFD0];
	v10 =	vimm.s32 $0x0;
	v17 =	vor.u32 s28, v2;
	vm14 =	vmand vm2, vm6  }
0x4ac: {  	v9 =	vadd.s32 $0xFFFF8000, v9;
	vm12 =	vlt.s32 v12, v3;
	vm13 =	vge.s32 v12, v6  }
0x4ad: {  	vm10 =	vlt.s32 v25, v3;
	[tilespmem:v23+s6+$0x0] =	vst.idx.add.f32.msk vm4, v27;
	v10 =	vsel vm14, $0xFFFFFFFF, v10;
	vm2 =	vge.s32 v17, v6  }
0x4ae: {  	vm13 =	vmand vm13, vm12;
	vm0 =	vnez.u8 v24;
	[tilespmem:$0x1FD30] =	vst v10;
	v10 =	vor.u32 v18, v20  }
0x4af: {  	[tilespmem:v26+s25+$0x0] =	vst.idx.add.f32.msk vm8, v27;
	v18 =	vimm.s32 $0x0;
	v26 =	vsub.s32 v14, v7;
	v27 =	vshrl.u32 v19, $0x5  }
0x4b0: {  	v38 =	vshrl.u32 v32, $0x5;
	v51 =	vshll.u32 v32, $0x3;
	v55 =	vsub.s32 v52, v7  }
0x4b1: {  	v12 =	vld [tilespmem:$0x1FD50];
	v56 =	vand.u32 $0x7F, v52;
	v57 =	vshrl.u32 v52, $0x5;
	vm5 =	vmand vm0, vm5  }
0x4b2: {  	s2 =	sadd.s32 $0xFFFFFFD0, s18;
	v24 =	vld [tilespmem:s8+$0xFFFFFFE0];
	vm1 =	vmand vm0, vm1;
	vm0 =	vlt.s32 v29, v3;
	v18 =	vsel vm2, $0xFFFFFFFF, v18  }
0x4b3: {  	v20 =	vld [tilespmem:s8+$0x30];
	v8 =	vor.u32 v8, v10;
	v10 =	vor.u32 s2, v2;
	vm11 =	vlt.u32 v26, $0x10000  }
0x4b4: {  	s11 =	sadd.s32 $0xFFFFFFC0, s18;
	v27 =	vand.u32 $0x380, v27;
	v54 =	vand.u32 $0x380, v38;
	v59 =	vand.u32 $0xFFFF8000, v55  }
0x4b5: {  	[tilespmem:$0x1FD20] =	vst v18;
	v18 =	vor.u32 s11, v2;
	vm6 =	vge.s32 v10, v6;
	vm7 =	vlt.s32 v10, v3;
	v10 =	vld [tilespmem:$0x1FD60]  }
0x4b6: {  	v8 =	vadd.s32 $0xFFFF8000, v8;
	vm2 =	vge.s32 v18, v6;
	vm8 =	vlt.s32 v18, v3  }
0x4b7: {  	vm4 =	vnez.u8 v12;
	v12 =	vshll.u32 v14, $0x3;
	vm8 =	vmand vm2, vm8  }
0x4b8: {  	v23 =	vand.u32 $0x7C00, v12;
	v18 =	vsub.s32 v24, v7;
	v34 =	vshll.u32 v20, $0x3  }
0x4b9: {  	v36 =	vand.u32 $0x7F, v24;
	v28 =	vand.u32 $0xFFFF8000, v18;
	vm2 =	vlt.u32 v18, $0x10000  }
0x4ba: {  	v34 =	vand.u32 $0x7C00, v34;
	vm15 =	vlt.u32 v18, $0x8000;
	[tilespmem:v11+s6+$0x0] =	vst.idx.add.f32.msk vm5, v16;
	vm5 =	vnez.u8 v10  }
0x4bb: {  	vm2 =	vmxor vm2, vm15;
	[tilespmem:v9+s25+$0x0] =	vst.idx.add.f32.msk vm1, v16;
	vm1 =	vge.s32 v25, v6;
	v25 =	vsub.s32 v20, v7  }
0x4bc: {  	v16 =	vand.u32 $0x7F, v14;
	v9 =	vimm.s32 $0x0;
	v14 =	vshrl.u32 v14, $0x5  }
0x4bd: {  	[tilespmem:v15+s25+$0x0] =	vst.idx.add.f32.msk vm4, v13;
	vm4 =	vmand vm6, vm7;
	vm6 =	vge.s32 v29, v6;
	v13 =	vshrl.u32 v24, $0x5  }
0x4be: {  	v15 =	vsub.s32 v19, v7;
	vm7 =	vlt.u32 v26, $0x8000;
	vm10 =	vmand vm1, vm10  }
0x4bf: {  	v35 =	vand.u32 $0xFFFF8000, v25;
	v39 =	vand.u32 $0x380, v14;
	v26 =	vand.u32 $0xFFFF8000, v26  }
0x4c0: {  	v10 =	vld [tilespmem:s8+$0x20];
	vm9 =	vlt.u32 v15, $0x8000;
	vm0 =	vmand vm6, vm0;
	v13 =	vand.u32 $0x380, v13  }
0x4c1: {  	v40 =	vand.u32 $0xFFFF8000, v15;
	v41 =	vor.u32 v16, v39;
	vm1 =	vmand vm10, vm15  }
0x4c2: {  	vm6 =	vlt.s32 v42, v3;
	vm15 =	vmand vm10, vm2;
	vm2 =	vge.s32 v42, v6  }
0x4c3: {  	v9 =	vsel vm0, $0xFFFFFFFF, v9;
	vm0 =	vlt.u32 v25, $0x10000;
	v43 =	vor.u32 v36, v13;
	[tilespmem:v22+s6+$0x0] =	vst.idx.add.f32.msk vm5, v21  }
0x4c4: {  	vm2 =	vmand vm2, vm6;
	[tilespmem:v8+s25+$0x0] =	vst.idx.add.f32.msk vm3, v21;
	v8 =	vshll.u32 v24, $0x3;
	v21 =	vshll.u32 v19, $0x3  }
0x4c5: {  	[tilespmem:$0x1FD40] =	vst v9;
	v30 =	vshrl.u32 v10, $0x5;
	v31 =	vsub.s32 v10, v7;
	v9 =	vand.u32 $0x7F, v10  }
0x4c6: {  	vm3 =	vmand vm14, vm9;
	v10 =	vshll.u32 v10, $0x3;
	vm14 =	vlt.u32 v25, $0x8000  }
0x4c7: {  	v19 =	vand.u32 $0x7F, v19;
	v29 =	vand.u32 $0x7C00, v8;
	v8 =	vshrl.u32 v20, $0x5  }
0x4c8: {  	v11 =	vand.u32 $0xFFFF8000, v31;
	v20 =	vand.u32 $0x7F, v20;
	v12 =	vand.u32 $0x380, v30  }
0x4c9: {  	v22 =	vld [tilespmem:s8+$0xFFFFFFC0];
	vm5 =	vlt.u32 v31, $0x8000;
	vm0 =	vmxor vm0, vm14;
	vm6 =	vmand vm2, vm14  }
0x4ca: {  	v44 =	vor.u32 v19, v27;
	vm12 =	vlt.u32 v31, $0x10000;
	v31 =	vimm.s32 $0x0  }
0x4cb: {  	v27 =	vor.u32 v27, v40;
	v21 =	vand.u32 $0x7C00, v21;
	v33 =	vand.u32 $0x380, v8  }
0x4cc: {  	v14 =	vor.u32 v9, v12;
	vm0 =	vmand vm2, vm0;
	v27 =	vor.u32 v21, v27  }
0x4cd: {  	v24 =	vor.u32 v20, v33;
	v33 =	vor.u32 v33, v35;
	v19 =	vor.u32 v19, v27  }
0x4ce: {  	v27 =	vsub.s32 v32, v7;
	v18 =	vor.u32 v35, v24;
	v8 =	vand.u32 $0x7F, v22  }
0x4cf: {  	v37 =	vshll.u32 v22, $0x3;
	v30 =	vshrl.u32 v22, $0x5;
	v22 =	vsub.s32 v22, v7  }
0x4d0: {  	v24 =	vand.u32 $0x380, v30;
	v30 =	vor.u32 v13, v28;
	v13 =	vimm.s32 $0x0  }
0x4d1: {  	v32 =	vand.u32 $0x7F, v32;
	v13 =	vsel vm0, $0xFFFFFFFF, v13;
	vm0 =	vlt.u32 v22, $0x8000  }
0x4d2: {  	v35 =	vand.u32 $0x7C00, v51;
	vm10 =	vlt.u32 v27, $0x10000;
	vm2 =	vmand vm13, vm0  }
0x4d3: {  	v53 =	vld [tilespmem:s7+$0xFFFFFFE0];
	v28 =	vor.u32 v28, v43;
	v31 =	vsel vm2, $0xFFFFFFFF, v31;
	vm2 =	vlt.u32 v22, $0x10000  }
0x4d4: {  	v28 =	vor.u32 v29, v28;
	vm14 =	vmxor vm2, vm0;
	vm0 =	vlt.s32 v17, v3;
	v17 =	vld [tilespmem:$0x1FD20]  }
0x4d5: {  	v18 =	vor.u32 v34, v18;
	v29 =	vor.u32 v29, v30;
	v30 =	vor.u32 v26, v41;
	[tilespmem:$0x1FD50] =	vst v13;
	v13 =	vld [tilespmem:s7+$0x30]  }
0x4d6: {  	v26 =	vor.u32 v39, v26;
	v39 =	vand.u32 $0x380, v57;
	v29 =	vor.u32 v36, v29  }
0x4d7: {  	v58 =	vor.u32 v32, v54;
	v61 =	vor.u32 v56, v39;
	v29 =	vadd.s32 $0xFFFF8000, v29  }
0x4d8: {  	v39 =	vor.u32 v39, v59;
	[tilespmem:$0x1FD60] =	vst v31;
	v31 =	vor.u32 v40, v44;
	v44 =	vor.u32 v59, v61  }
0x4d9: {  	v21 =	vor.u32 v21, v31;
	[tilespmem:v28+s6+$0x0] =	vst.idx.add.f32.msk vm1, v53;
	v28 =	vand.u32 $0xFFFF8000, v27;
	vm1 =	vnez.u8 v17  }
0x4da: {  	[tilespmem:v18+s6+$0x0] =	vst.idx.add.f32.msk vm6, v13;
	v18 =	vshll.u32 v52, $0x3;
	vm2 =	vmand vm1, vm0;
	vm0 =	vlt.u32 v55, $0x8000  }
0x4db: {  	v60 =	vld [tilespmem:s7+$0xFFFFFFD0];
	v41 =	vor.u32 v28, v58;
	v31 =	vand.u32 $0x7C00, v18;
	vm6 =	vmand vm2, vm0  }
0x4dc: {  	v28 =	vor.u32 v54, v28;
	[tilespmem:v29+s25+$0x0] =	vst.idx.add.f32.msk vm15, v53;
	vm15 =	vlt.u32 v27, $0x8000;
	v27 =	vor.u32 v31, v44  }
0x4dd: {  	v26 =	vor.u32 v23, v26;
	v28 =	vor.u32 v35, v28;
	v35 =	vor.u32 v35, v41  }
0x4de: {  	v17 =	vld [tilespmem:s7+$0x10];
	v29 =	vor.u32 v31, v39;
	v28 =	vor.u32 v32, v28;
	vm1 =	vmxor vm11, vm7  }
0x4df: {  	v31 =	vld [tilespmem:s7+$0xFFFFFFF0];
	vm11 =	vlt.u32 v55, $0x10000;
	v63 =	vadd.s32 $0xFFFF8000, v28;
	v28 =	vadd.s32 $0xFFFF8000, v19  }
0x4e0: {  	v19 =	vor.u32 v16, v26;
	v16 =	vld [tilespmem:s7+$0x20];
	vm0 =	vmxor vm11, vm0;
	vm11 =	vmand vm8, vm15  }
0x4e1: {  	v29 =	vor.u32 v56, v29;
	vm0 =	vmand vm2, vm0;
	vm2 =	vmxor vm10, vm15;
	[tilespmem:v27+s6+$0x0] =	vst.idx.add.f32.msk vm6, v60  }
0x4e2: {  	s17 =	sadd.s32 $0x8, s17;
	v29 =	vadd.s32 $0xFFFF8000, v29;
	vm2 =	vmand vm8, vm2;
	vm6 =	vlt.u32 v15, $0x10000;
	v15 =	vld [tilespmem:$0x1FD30]  }
0x4e3: {  	p2 =	slt.s32 s17, s4;
	v10 =	vand.u32 $0x7C00, v10;
	v62 =	vor.u32 v34, v33;
	v25 =	vor.u32 v8, v24;
	[tilespmem:v21+s6+$0x0] =	vst.idx.add.f32.msk vm3, v17  }
.Ltmp37:
0x4e4: {  	v23 =	vor.u32 v23, v30;
	v26 =	vadd.s32 $0xFFFF8000, v19;
	v19 =	vand.u32 $0xFFFF8000, v22;
	v21 =	vld [tilespmem:s7+$0xFFFFFFC0];
	(pc) =	sbr.rel @p2 .LBB2_67-.Ltmp37, $4  }
0x4e5: {  	v18 =	vand.u32 $0x7C00, v37;
	v22 =	vor.u32 v19, v25;
	vm8 =	vmand vm4, vm1;
	v27 =	vld [tilespmem:s7+$0x0]  }
0x4e6: {  	vm4 =	vmand vm4, vm7;
	vm1 =	vmxor vm12, vm5;
	vm3 =	vmand vm13, vm14;
	[tilespmem:v35+s6+$0x0] =	vst.idx.add.f32.msk vm11, v31  }
0x4e7: {  	vm6 =	vmxor vm6, vm9;
	[tilespmem:v29+s25+$0x0] =	vst.idx.add.f32.msk vm0, v60;
	vm0 =	vnez.u8 v15;
	v15 =	vor.u32 v20, v62  }
0x4e8: {  	s18 =	sadd.s32 $0x80, s18;
	s8 =	sadd.s32 $0x80, s8;
	s7 =	sadd.s32 $0x80, s7;
	[tilespmem:v63+s25+$0x0] =	vst.idx.add.f32.msk vm2, v31;
	v20 =	vor.u32 v24, v19;
	vm9 =	vmand vm0, vm6;
	v15 =	vadd.s32 $0xFFFF8000, v15  }
.LBB2_68:
0x4e9: {  	_ =	sdelay $0x3  }
0x4ea: {  	v19 =	vld [tilespmem:$0x1FD40]  }
0x4eb: {  	[tilespmem:v28+s25+$0x0] =	vst.idx.add.f32.msk vm9, v17  }
0x4ec: {  	[tilespmem:v23+s6+$0x0] =	vst.idx.add.f32.msk vm4, v27  }
0x4ed: {  	[tilespmem:v26+s25+$0x0] =	vst.idx.add.f32.msk vm8, v27  }
0x4ee: {  	v62 =	vld [tilespmem:$0x1FD50];
	_ =	sdelay $0x2  }
0x4ef: {  	vm2 =	vnez.u8 v19  }
0x4f0: {  	v58 =	vor.u32 v11, v14;
	vm0 =	vmand vm2, vm5  }
0x4f1: {  	v12 =	vor.u32 v12, v11;
	v11 =	vor.u32 v10, v58;
	vm14 =	vnez.u8 v62;
	_ =	sdelay $0x4  }
0x4f2: {  	[tilespmem:v11+s6+$0x0] =	vst.idx.add.f32.msk vm0, v16  }
0x4f3: {  	[tilespmem:v15+s25+$0x0] =	vst.idx.add.f32.msk vm14, v13  }
0x4f4: {  	v63 =	vld [tilespmem:$0x1FD60];
	_ =	sdelay $0x2  }
0x4f5: {  	v59 =	vor.u32 v10, v12  }
0x4f6: {  	v9 =	vor.u32 v9, v59;
	vm1 =	vmand vm2, vm1  }
0x4f7: {  	v61 =	vor.u32 v18, v20;
	v9 =	vadd.s32 $0xFFFF8000, v9;
	vm15 =	vnez.u8 v63  }
0x4f8: {  	v60 =	vor.u32 v18, v22;
	v8 =	vor.u32 v8, v61  }
0x4f9: {  	v8 =	vadd.s32 $0xFFFF8000, v8;
	_ =	sdelay $0x2  }
0x4fa: {  	[tilespmem:v9+s25+$0x0] =	vst.idx.add.f32.msk vm1, v16  }
0x4fb: {  	[tilespmem:v60+s6+$0x0] =	vst.idx.add.f32.msk vm15, v21  }
0x4fc: {  	[tilespmem:v8+s25+$0x0] =	vst.idx.add.f32.msk vm3, v21  }
0x4fd: {  	s28 =	rddreg [dreg:$0x9]  }
.LBB2_33:
.Ltmp38:
0x4fe: {  	(pc) =	sbr.rel @p1 .LBB2_36-.Ltmp38, $1  }
0x4ff: {  	_ =	sdelay $0x3  }
0x500: {  	s2 =	smov.u32 s30  }
0x501: {  	s3 =	smov.u32 s29;
	s7 =	smov.u32 s26;
	s8 =	smov.u32 s4  }
.LBB2_35:
0x502: {  	v8 =	vld [tilespmem:s7+$0x0];
	_ =	sdelay $0x1  }
0x503: {  	v9 =	vor.u32 s2, v2  }
0x504: {  	vm0 =	vge.s32 v9, v6;
	vm1 =	vlt.s32 v9, v3  }
0x505: {  	vm0 =	vmand vm0, vm1  }
0x506: {  	v61 =	vsub.s32 v8, v7;
	v10 =	vshrl.u32 v8, $0x5;
	v11 =	vand.u32 $0x7F, v8  }
0x507: {  	v8 =	vshll.u32 v8, $0x3;
	vm15 =	vlt.u32 v61, $0x8000;
	vm2 =	vlt.u32 v61, $0x10000  }
0x508: {  	v9 =	vand.u32 $0xFFFF8000, v61;
	v10 =	vand.u32 $0x380, v10;
	v8 =	vand.u32 $0x7C00, v8  }
0x509: {  	vm2 =	vmxor vm2, vm15;
	v12 =	vor.u32 v11, v10;
	v10 =	vor.u32 v10, v9  }
0x50a: {  	vm1 =	vmand vm0, vm15;
	v9 =	vor.u32 v9, v12;
	v10 =	vor.u32 v8, v10  }
0x50b: {  	v62 =	vld [tilespmem:s3+$0x0];
	s8 =	sadd.s32 $0x1, s8;
	vm0 =	vmand vm0, vm2;
	v8 =	vor.u32 v8, v9;
	v63 =	vor.u32 v11, v10  }
0x50c: {  	p2 =	slt.s32 s8, s0;
	v9 =	vadd.s32 $0xFFFF8000, v63  }
.Ltmp39:
0x50d: {  	_ = 	snop;
	(pc) =	sbr.rel @p2 .LBB2_35-.Ltmp39, $3  }
0x50e: {  	_ =	sdelay $0x1  }
0x50f: {  	[tilespmem:v8+s6+$0x0] =	vst.idx.add.f32.msk vm1, v62  }
0x510: {  	s7 =	sadd.s32 $0x10, s7;
	s3 =	sadd.s32 $0x10, s3;
	s2 =	sadd.s32 $0x10, s2;
	[tilespmem:v9+s25+$0x0] =	vst.idx.add.f32.msk vm0, v62  }
.Ltmp40:
0x511: {  	_ = 	snop;
	(pc) =	sbr.rel .LBB2_36-.Ltmp40, $1  }
0x512: {  	_ =	sdelay $0x3  }
.LBB2_37:
0x513: {  	(v2sf) =	vpush v5, $0x0;
	_ =	sdelay $0xe  }
0x514: {  	s0 =	spop (v2sf)  }
0x515: {  	s9 =	rddreg [dreg:$0xe];
	s2 =	sadd.s32 $0x1, s0  }
0x516: {  	s0 =	ssub.s32 s2, s9  }
0x517: {  	s0 =	sadd.s32 $0xF, s0  }
0x518: {  	s3 =	sand.u32 $0xF, s0  }
0x519: {  	s4 =	sshra.s32 s0, $0x1F;
	p0 =	slt.s32 s0, $0x1;
	p1 =	sne.s32 s3, $0x0  }
0x51a: {  	s17 =	sshrl.u32 s4, $0x1C;
	p0 =	por !p0, !p1  }
0x51b: {  	s3 =	simm.s32 $0x1;
	s0 =	sadd.s32 s17, s0;
	p0 =	por !p0, !p0  }
0x51c: {  	s0 =	sshra.s32 s0, $0x4;
	s3 =	simm.s32 @!p0 $0x0  }
0x51d: {  	s18 =	rddreg [dreg:$0xd];
	s0 =	ssub.s32 s0, s3  }
0x51e: {  	s8 =	rddreg [dreg:$0xf];
	s3 =	sshrl.u32 s0, $0x1D  }
0x51f: {  	s26 =	rddreg [dreg:$0xc];
	s30 =	simm.s32 $0x0;
	s3 =	sadd.s32 s3, s0  }
0x520: {  	s9 =	sadd.s32 $0x70, s9;
	s4 =	sand.u32 $0xFFFFFFF8, s3;
	s3 =	sadd.s32 s18, s0  }
.Ltmp41:
0x521: {  	s7 =	ssub.s32 s0, s4;
	s3 =	sadd.s32 s8, s3;
	(pc) =	sbr.rel .LBB2_38-.Ltmp41, $4  }
0x522: {  	s8 =	sshll.u32 s26, $0x6;
	p0 =	slt.s32 s4, $0x1;
	s3 =	ssub.s32 s3, s7  }
0x523: {  	s8 =	sshra.s32 s8, $0x2;
	p1 =	slt.s32 s7, $0x1;
	s11 =	sshll.u32 s3, $0x6  }
0x524: {  	s10 =	sadd.s32 $0x15A40, s8;
	s14 =	sadd.s32 $0x10040, s8;
	s31 =	sshra.s32 s11, $0x2  }
0x525: {  	v5 =	vmov s2;
	s29 =	sshll.u32 s3, $0x4;
	s26 =	sadd.s32 $0x10000, s31;
	s28 =	sadd.s32 $0x15A00, s31  }
.LBB2_42:
0x526: {  	s2 =	sadd.s32 s5, s31  }
0x527: {  	[hbm4b:s2+s6] =	stream.linear.scatter [tilespmem:s6], [sflag:$0x2], $0x8000, $0x38;
	[tilespmem:$0x1F400] =	vst v63  }
0x528: {  	s31 =	sadd.s32 s5, s15;
	s30 =	sadd.s32 $0x1, s30  }
0x529: {  	[hbm4b:s31+s6] =	stream.linear.scatter [tilespmem:s25], [sflag:$0x4], $0x8000, $0x38;
	[tilespmem:$0x1F400] =	vst v63  }
0x52a: {  	p2 =	sne.s32 s30, $0x4;
	_ =	swait.ge [sflag:s20], $0x8000  }
.Ltmp42:
0x52b: {  	[sflag:s20] =	ssyncset.done $0x0;
	(pc) =	sbr.rel @!p2 .LBB2_43-.Ltmp42, $4  }
0x52c: {  	[sflag:s20] =	ssyncadd.s32 $0xFFFF8000  }
0x52d: {  	_ =	swait.ge [sflag:s24], $0x8000  }
0x52e: {  	[sflag:s24] =	ssyncset.done $0x0  }
0x52f: {  	[sflag:s24] =	ssyncadd.s32 $0xFFFF8000  }
.LBB2_38:
0x530: {  	s2 =	sshll.u32 s30, $0xD  }
0x531: {  	s31 =	sadd.s32 s12, s2  }
0x532: {  	s15 =	sadd.s32 s13, s2;
	s3 =	sadd.s32 s1, s31  }
0x533: {  	[tilespmem:s6], [sflag:$0x1] =	stream.linear.gather [hbm4b:s3+s6], $0x8000, $0x38;
	[tilespmem:$0x1F400] =	vst v63  }
0x534: {  	s2 =	sadd.s32 s1, s15  }
0x535: {  	[tilespmem:s25], [sflag:$0x3] =	stream.linear.gather [hbm4b:s2+s6], $0x8000, $0x38;
	[tilespmem:$0x1F400] =	vst v63  }
0x536: {  	_ =	swait.ge [sflag:s19], $0x8000  }
.Ltmp43:
0x537: {  	[sflag:s19] =	ssyncset.done $0x0;
	(pc) =	sbr.rel @p0 .LBB2_39-.Ltmp43, $4  }
0x538: {  	[sflag:s19] =	ssyncadd.s32 $0xFFFF8000  }
0x539: {  	s18 =	sshll.u32 s30, $0x10;
	_ =	swait.ge [sflag:s23], $0x8000  }
0x53a: {  	s2 =	sadd.s32 $0x80000, s18;
	[sflag:s23] =	ssyncset.done $0x0  }
0x53b: {  	v6 =	vmov s2;
	[sflag:s23] =	ssyncadd.s32 $0xFFFF8000  }
0x53c: {  	s2 =	sadd.s32 $0xFFFFFFE0, s9  }
0x53d: {  	s3 =	sadd.s32 $0xFFFFFFF0, s9;
	s16 =	sadd.s32 $0xFFFFFFA0, s9;
	s7 =	sadd.s32 $0xFFFFFF90, s9;
	v7 =	vor.u32 s2, v2  }
0x53e: {  	v12 =	vld [tilespmem:s14+$0x10];
	s17 =	sadd.s32 $0xFFFFFFC0, s9;
	s18 =	sadd.s32 $0xFFFFFFD0, s9;
	v8 =	vor.u32 s3, v2;
	v9 =	vor.u32 s16, v2;
	v10 =	vor.u32 s7, v2  }
0x53f: {  	s11 =	sadd.s32 $0xFFFFFFB0, s9;
	v11 =	vld [tilespmem:s14+$0xFFFFFFE0];
	v14 =	vor.u32 s17, v2;
	v15 =	vor.u32 s18, v2;
	vm0 =	vge.s32 v7, v3  }
0x540: {  	v13 =	vld [tilespmem:s14+$0x0];
	vm1 =	vlt.s32 v7, v5;
	v7 =	vor.u32 s11, v2;
	vm6 =	vlt.s32 v8, v5  }
0x541: {  	v16 =	vld [tilespmem:s14+$0x30];
	vm2 =	vge.s32 v9, v3;
	vm5 =	vlt.s32 v10, v5;
	vm3 =	vlt.s32 v15, v5  }
0x542: {  	v17 =	vld [tilespmem:s14+$0xFFFFFFC0];
	vm7 =	vge.s32 v10, v3;
	vm8 =	vlt.s32 v14, v5;
	vm4 =	vmand vm0, vm1  }
0x543: {  	vm0 =	vge.s32 v14, v3;
	vm1 =	vge.s32 v15, v3;
	vm9 =	vlt.s32 v7, v5  }
0x544: {  	vm15 =	vmand vm1, vm3;
	vm3 =	vmand vm0, vm8;
	vm0 =	vge.s32 v8, v3  }
0x545: {  	vm8 =	vge.s32 v7, v3;
	v7 =	vimm.s32 $0x0;
	v18 =	vsub.s32 v12, v6  }
0x546: {  	v8 =	vsub.s32 v11, v6;
	v15 =	vsub.s32 v13, v6;
	v19 =	vsub.s32 v16, v6  }
0x547: {  	vm8 =	vmand vm8, vm9;
	vm0 =	vmand vm0, vm6;
	v14 =	vsub.s32 v17, v6  }
0x548: {  	v24 =	vshrl.u32 v11, $0x5;
	v25 =	vshll.u32 v13, $0x3;
	v26 =	vshrl.u32 v12, $0x5  }
0x549: {  	v27 =	vshll.u32 v12, $0x3;
	v31 =	vand.u32 $0x7F, v13;
	v13 =	vshrl.u32 v13, $0x5  }
0x54a: {  	v34 =	vshll.u32 v16, $0x3;
	v35 =	vand.u32 $0x7F, v11;
	v36 =	vand.u32 $0x7F, v16  }
0x54b: {  	v37 =	vshll.u32 v17, $0x3;
	v40 =	vand.u32 $0x7F, v12;
	vm1 =	vlt.u32 v15, $0x8000  }
0x54c: {  	vm10 =	vlt.u32 v8, $0x10000;
	v7 =	vsel vm0, $0xFFFFFFFF, v7;
	vm9 =	vlt.u32 v19, $0x8000  }
0x54d: {  	vm11 =	vlt.u32 v8, $0x8000;
	vm12 =	vlt.u32 v19, $0x10000;
	v28 =	vand.u32 $0xFFFF8000, v8  }
0x54e: {  	v19 =	vand.u32 $0xFFFF8000, v19;
	v25 =	vand.u32 $0x7C00, v25;
	v24 =	vand.u32 $0x380, v24  }
0x54f: {  	v34 =	vand.u32 $0x7C00, v34;
	v26 =	vand.u32 $0x380, v26;
	v27 =	vand.u32 $0x7C00, v27  }
0x550: {  	v62 =	vand.u32 $0x380, v13;
	[tilespmem:$0x1FCE0] =	vst v7;
	vm6 =	vmand vm8, vm11;
	v7 =	vor.u32 s9, v2  }
0x551: {  	vm10 =	vmxor vm10, vm11;
	v38 =	vor.u32 v24, v28;
	v24 =	vor.u32 v35, v24  }
0x552: {  	v41 =	vor.u32 v40, v26;
	v20 =	vld [tilespmem:s14+$0xFFFFFFF0];
	vm13 =	vlt.s32 v7, v5;
	vm11 =	vge.s32 v7, v3  }
0x553: {  	v21 =	vld [tilespmem:s14+$0xFFFFFFD0];
	vm0 =	vmand vm8, vm10;
	v7 =	vimm.s32 $0x0;
	vm10 =	vmxor vm12, vm9  }
0x554: {  	v24 =	vor.u32 v28, v24;
	v7 =	vsel vm0, $0xFFFFFFFF, v7;
	vm8 =	vmand vm11, vm13  }
0x555: {  	[tilespmem:$0x1FD10] =	vst v7;
	vm13 =	vmand vm8, vm9;
	vm0 =	vmand vm8, vm10;
	v7 =	vimm.s32 $0x0  }
0x556: {  	vm8 =	vlt.u32 v14, $0x8000;
	vm9 =	vmand vm7, vm5;
	vm5 =	vlt.s32 v9, v5  }
0x557: {  	v9 =	vimm.s32 $0x0;
	v7 =	vsel vm0, $0xFFFFFFFF, v7;
	vm2 =	vmand vm2, vm5  }
0x558: {  	v22 =	vsub.s32 v20, v6;
	v23 =	vsub.s32 v21, v6;
	v55 =	vshrl.u32 v20, $0x5  }
0x559: {  	vm7 =	vlt.u32 v23, $0x8000;
	vm10 =	vlt.u32 v23, $0x10000;
	vm14 =	vlt.u32 v22, $0x10000  }
0x55a: {  	vm5 =	vmxor vm10, vm7;
	vm12 =	vmand vm2, vm7;
	vm7 =	vlt.u32 v22, $0x8000  }
0x55b: {  	v39 =	vshll.u32 v20, $0x3;
	v56 =	vshll.u32 v21, $0x3;
	vm10 =	vmxor vm14, vm7  }
0x55c: {  	vm0 =	vmand vm3, vm7;
	vm7 =	vmand vm3, vm10;
	vm3 =	vmand vm9, vm8  }
0x55d: {  	[tilespmem:$0x1FCF0] =	vst v7;
	v60 =	vshrl.u32 v21, $0x5;
	v21 =	vand.u32 $0x7F, v21;
	v9 =	vsel vm3, $0xFFFFFFFF, v9  }
0x55e: {  	v7 =	vld [tilespmem:s14+$0x20];
	v20 =	vand.u32 $0x7F, v20;
	v57 =	vand.u32 $0x7C00, v56;
	[tilespmem:$0x1FD00] =	vst v9;
	v9 =	vshll.u32 v11, $0x3  }
0x55f: {  	v58 =	vand.u32 $0x7C00, v39;
	v29 =	vand.u32 $0x7C00, v9;
	v9 =	vshrl.u32 v16, $0x5  }
0x560: {  	v23 =	vand.u32 $0xFFFF8000, v23;
	v22 =	vand.u32 $0xFFFF8000, v22;
	v33 =	vand.u32 $0x380, v9  }
0x561: {  	vm11 =	vmand vm2, vm5;
	vm2 =	vlt.u32 v14, $0x10000;
	v16 =	vor.u32 v36, v33  }
0x562: {  	vm14 =	vlt.u32 v18, $0x10000;
	v59 =	vld [tilespmem:s10+$0xFFFFFFE0];
	v24 =	vor.u32 v29, v24;
	v16 =	vor.u32 v19, v16  }
0x563: {  	vm10 =	vlt.u32 v15, $0x10000;
	vm2 =	vmxor vm2, vm8;
	v12 =	vld [tilespmem:s10+$0x30];
	v16 =	vor.u32 v34, v16  }
0x564: {  	vm8 =	vlt.u32 v18, $0x8000;
	v18 =	vand.u32 $0xFFFF8000, v18;
	v15 =	vand.u32 $0xFFFF8000, v15  }
0x565: {  	vm3 =	vmand vm9, vm2;
	vm2 =	vmxor vm10, vm1;
	v30 =	vshrl.u32 v7, $0x5  }
0x566: {  	vm9 =	vmxor vm14, vm8;
	v11 =	vand.u32 $0x380, v30;
	v30 =	vand.u32 $0x380, v55  }
0x567: {  	vm14 =	vmand vm4, vm8;
	v43 =	vor.u32 v20, v30;
	v30 =	vor.u32 v30, v22;
	[tilespmem:v24+s6+$0x0] =	vst.idx.add.f32.msk vm6, v59  }
0x568: {  	v32 =	vsub.s32 v7, v6;
	v8 =	vand.u32 $0x7F, v7;
	v24 =	vor.u32 v58, v30;
	[tilespmem:v16+s6+$0x0] =	vst.idx.add.f32.msk vm13, v12  }
0x569: {  	v28 =	vor.u32 v18, v41;
	v41 =	vand.u32 $0x380, v60;
	v13 =	vor.u32 v20, v24;
	v20 =	vld [tilespmem:$0x1FD10]  }
0x56a: {  	v7 =	vshll.u32 v7, $0x3;
	vm9 =	vmand vm4, vm9;
	v42 =	vor.u32 v21, v41  }
0x56b: {  	vm8 =	vmand vm15, vm2;
	v41 =	vor.u32 v41, v23;
	v23 =	vor.u32 v23, v42  }
0x56c: {  	vm4 =	vmand vm15, vm1;
	v61 =	vld [tilespmem:s10+$0xFFFFFFD0];
	v23 =	vor.u32 v57, v23;
	v22 =	vor.u32 v22, v43  }
0x56d: {  	v10 =	vand.u32 $0xFFFF8000, v32;
	v63 =	vld [tilespmem:s10+$0xFFFFFFF0];
	v29 =	vor.u32 v29, v38;
	v22 =	vor.u32 v58, v22  }
0x56e: {  	v28 =	vor.u32 v27, v28;
	v29 =	vor.u32 v35, v29;
	v16 =	vld [tilespmem:s10+$0x10];
	vm1 =	vnez.u8 v20  }
0x56f: {  	v41 =	vor.u32 v57, v41;
	v9 =	vand.u32 $0x7C00, v7;
	v29 =	vadd.s32 $0xFFFF8000, v29  }
0x570: {  	v7 =	vand.u32 $0x7F, v17;
	v21 =	vor.u32 v21, v41;
	v19 =	vor.u32 v33, v19  }
0x571: {  	v17 =	vshrl.u32 v17, $0x5;
	v21 =	vadd.s32 $0xFFFF8000, v21;
	v19 =	vor.u32 v34, v19;
	[tilespmem:v23+s6+$0x0] =	vst.idx.add.f32.msk vm12, v61  }
0x572: {  	v19 =	vor.u32 v36, v19;
	v24 =	vand.u32 $0x380, v17;
	v17 =	vor.u32 v26, v18;
	[tilespmem:v22+s6+$0x0] =	vst.idx.add.f32.msk vm0, v63  }
0x573: {  	vm5 =	vlt.u32 v32, $0x8000;
	v17 =	vor.u32 v27, v17;
	[tilespmem:v28+s6+$0x0] =	vst.idx.add.f32.msk vm14, v16;
	v20 =	vor.u32 v31, v62  }
0x574: {  	p2 =	sgt.s32 s4, $0x8;
	v18 =	vor.u32 v15, v20;
	v15 =	vor.u32 v62, v15;
	[tilespmem:v29+s25+$0x0] =	vst.idx.add.f32.msk vm1, v59;
	v29 =	vadd.s32 $0xFFFF8000, v13  }
.Ltmp44:
0x575: {  	v26 =	vld [tilespmem:s10+$0x0];
	v28 =	vor.u32 v7, v24;
	v20 =	vor.u32 v40, v17;
	v15 =	vor.u32 v25, v15;
	(pc) =	sbr.rel @!p2 .LBB2_71-.Ltmp44, $4  }
0x576: {  	[tilespmem:v21+s25+$0x0] =	vst.idx.add.f32.msk vm11, v61;
	v17 =	vand.u32 $0x7C00, v37;
	v22 =	vor.u32 v25, v18;
	v18 =	vor.u32 v31, v15  }
0x577: {  	v27 =	vadd.s32 $0xFFFF8000, v20;
	v20 =	vld [tilespmem:s10+$0xFFFFFFC0];
	v25 =	vadd.s32 $0xFFFF8000, v18;
	v18 =	vand.u32 $0xFFFF8000, v14  }
0x578: {  	s8 =	sadd.s32 $0x80, s14;
	v15 =	vld [tilespmem:s10+$0x20];
	v14 =	vadd.s32 $0xFFFF8000, v19;
	v21 =	vor.u32 v18, v28;
	vm1 =	vlt.u32 v32, $0x10000  }
0x579: {  	s16 =	simm.s32 $0x8;
	s17 =	sadd.s32 $0x80, s9;
	s7 =	sadd.s32 $0x80, s10;
	v19 =	vor.u32 v24, v18;
	v13 =	vor.u32 v8, v11;
	vm1 =	vmxor vm1, vm5;
	[tilespmem:v29+s25+$0x0] =	vst.idx.add.f32.msk vm7, v63  }
.LBB2_70:
0x57a: {  	_ = 	snop  }
0x57b: {  	v11 =	vor.u32 v11, v10  }
0x57c: {  	s3 =	sadd.s32 $0xFFFFFFE0, s17;
	v18 =	vld [tilespmem:s8+$0x10];
	s11 =	sadd.s32 $0xFFFFFFF0, s17;
	v10 =	vor.u32 v10, v13;
	v21 =	vor.u32 v17, v21;
	v41 =	vor.u32 s17, v2  }
0x57d: {  	v23 =	vld [tilespmem:$0x1FCE0];
	v49 =	vimm.s32 $0x0;
	v24 =	vor.u32 s3, v2;
	v28 =	vor.u32 s11, v2  }
0x57e: {  	s2 =	sadd.s32 $0xFFFFFFB0, s17;
	v13 =	vld [tilespmem:s8+$0x0];
	v10 =	vor.u32 v9, v10;
	s11 =	sadd.s32 $0xFFFFFF90, s17;
	v9 =	vor.u32 v9, v11;
	vm2 =	vge.s32 v24, v3  }
0x57f: {  	[tilespmem:v27+s25+$0x0] =	vst.idx.add.f32.msk vm9, v16;
	vm6 =	vlt.s32 v24, v5;
	v24 =	vor.u32 s2, v2;
	v11 =	vor.u32 s11, v2;
	s11 =	sadd.s32 $0xFFFFFFA0, s17  }
0x580: {  	v31 =	vld [tilespmem:s8+$0xFFFFFFF0];
	v8 =	vor.u32 v8, v9;
	v9 =	vimm.s32 $0x0;
	v16 =	vor.u32 s11, v2  }
0x581: {  	v48 =	vld [tilespmem:s8+$0xFFFFFFD0];
	vm14 =	vmand vm2, vm6;
	v8 =	vadd.s32 $0xFFFF8000, v8;
	vm12 =	vlt.s32 v11, v5  }
0x582: {  	vm13 =	vge.s32 v11, v3;
	vm10 =	vlt.s32 v24, v5;
	[tilespmem:v22+s6+$0x0] =	vst.idx.add.f32.msk vm4, v26;
	v9 =	vsel vm14, $0xFFFFFFFF, v9  }
0x583: {  	vm2 =	vge.s32 v16, v3;
	vm13 =	vmand vm13, vm12;
	vm0 =	vnez.u8 v23;
	[tilespmem:$0x1FCD0] =	vst v9  }
0x584: {  	v9 =	vor.u32 v17, v19;
	[tilespmem:v25+s25+$0x0] =	vst.idx.add.f32.msk vm8, v26;
	v17 =	vimm.s32 $0x0;
	v25 =	vsub.s32 v13, v6  }
0x585: {  	v26 =	vshrl.u32 v18, $0x5;
	v37 =	vshrl.u32 v31, $0x5;
	v47 =	vshll.u32 v31, $0x3  }
0x586: {  	v54 =	vsub.s32 v48, v6;
	v55 =	vand.u32 $0x7F, v48;
	v56 =	vshrl.u32 v48, $0x5  }
0x587: {  	s2 =	sadd.s32 $0xFFFFFFD0, s17;
	v11 =	vld [tilespmem:$0x1FCF0];
	vm5 =	vmand vm0, vm5;
	vm1 =	vmand vm0, vm1;
	vm0 =	vlt.s32 v28, v5  }
0x588: {  	v23 =	vld [tilespmem:s8+$0xFFFFFFE0];
	v17 =	vsel vm2, $0xFFFFFFFF, v17;
	v7 =	vor.u32 v7, v9;
	v9 =	vor.u32 s2, v2  }
0x589: {  	s18 =	sadd.s32 $0xFFFFFFC0, s17;
	v19 =	vld [tilespmem:s8+$0x30];
	vm11 =	vlt.u32 v25, $0x10000;
	v26 =	vand.u32 $0x380, v26;
	v53 =	vand.u32 $0x380, v37  }
0x58a: {  	v58 =	vand.u32 $0xFFFF8000, v54;
	[tilespmem:$0x1FCC0] =	vst v17;
	v17 =	vor.u32 s18, v2;
	v7 =	vadd.s32 $0xFFFF8000, v7  }
0x58b: {  	vm6 =	vge.s32 v9, v3;
	vm7 =	vlt.s32 v9, v5;
	v9 =	vld [tilespmem:$0x1FD00];
	vm2 =	vge.s32 v17, v3  }
0x58c: {  	vm4 =	vnez.u8 v11;
	vm8 =	vlt.s32 v17, v5;
	v11 =	vshll.u32 v13, $0x3  }
0x58d: {  	vm8 =	vmand vm2, vm8;
	v22 =	vand.u32 $0x7C00, v11;
	v17 =	vsub.s32 v23, v6  }
0x58e: {  	v33 =	vshll.u32 v19, $0x3;
	v35 =	vand.u32 $0x7F, v23;
	v27 =	vand.u32 $0xFFFF8000, v17  }
0x58f: {  	vm2 =	vlt.u32 v17, $0x10000;
	v33 =	vand.u32 $0x7C00, v33;
	vm15 =	vlt.u32 v17, $0x8000;
	[tilespmem:v10+s6+$0x0] =	vst.idx.add.f32.msk vm5, v15  }
0x590: {  	vm5 =	vnez.u8 v9;
	vm2 =	vmxor vm2, vm15;
	[tilespmem:v8+s25+$0x0] =	vst.idx.add.f32.msk vm1, v15;
	vm1 =	vge.s32 v24, v3  }
0x591: {  	v24 =	vsub.s32 v19, v6;
	v15 =	vand.u32 $0x7F, v13;
	v8 =	vimm.s32 $0x0  }
0x592: {  	v13 =	vshrl.u32 v13, $0x5;
	[tilespmem:v14+s25+$0x0] =	vst.idx.add.f32.msk vm4, v12;
	vm4 =	vmand vm6, vm7;
	vm6 =	vge.s32 v28, v3  }
0x593: {  	v12 =	vshrl.u32 v23, $0x5;
	v14 =	vsub.s32 v18, v6;
	vm7 =	vlt.u32 v25, $0x8000  }
0x594: {  	vm10 =	vmand vm1, vm10;
	v34 =	vand.u32 $0xFFFF8000, v24;
	v38 =	vand.u32 $0x380, v13  }
0x595: {  	v9 =	vld [tilespmem:s8+$0x20];
	v25 =	vand.u32 $0xFFFF8000, v25;
	vm9 =	vlt.u32 v14, $0x8000;
	vm0 =	vmand vm6, vm0  }
0x596: {  	v12 =	vand.u32 $0x380, v12;
	v39 =	vand.u32 $0xFFFF8000, v14;
	v40 =	vor.u32 v15, v38  }
0x597: {  	vm1 =	vmand vm10, vm15;
	vm6 =	vlt.s32 v41, v5;
	vm15 =	vmand vm10, vm2  }
0x598: {  	vm2 =	vge.s32 v41, v3;
	v8 =	vsel vm0, $0xFFFFFFFF, v8;
	vm0 =	vlt.u32 v24, $0x10000;
	[tilespmem:v21+s6+$0x0] =	vst.idx.add.f32.msk vm5, v20  }
0x599: {  	v42 =	vor.u32 v35, v12;
	vm2 =	vmand vm2, vm6;
	[tilespmem:v7+s25+$0x0] =	vst.idx.add.f32.msk vm3, v20;
	v7 =	vshll.u32 v23, $0x3  }
0x59a: {  	v20 =	vshll.u32 v18, $0x3;
	v29 =	vshrl.u32 v9, $0x5;
	v30 =	vsub.s32 v9, v6  }
0x59b: {  	[tilespmem:$0x1FCE0] =	vst v8;
	v8 =	vand.u32 $0x7F, v9;
	vm3 =	vmand vm14, vm9;
	v9 =	vshll.u32 v9, $0x3  }
0x59c: {  	vm14 =	vlt.u32 v24, $0x8000;
	v18 =	vand.u32 $0x7F, v18;
	v28 =	vand.u32 $0x7C00, v7  }
0x59d: {  	v7 =	vshrl.u32 v19, $0x5;
	v10 =	vand.u32 $0xFFFF8000, v30;
	v19 =	vand.u32 $0x7F, v19  }
0x59e: {  	v21 =	vld [tilespmem:s8+$0xFFFFFFC0];
	v11 =	vand.u32 $0x380, v29;
	vm5 =	vlt.u32 v30, $0x8000;
	vm0 =	vmxor vm0, vm14  }
0x59f: {  	vm6 =	vmand vm2, vm14;
	v43 =	vor.u32 v18, v26;
	vm12 =	vlt.u32 v30, $0x10000  }
0x5a0: {  	v26 =	vor.u32 v26, v39;
	v20 =	vand.u32 $0x7C00, v20;
	v32 =	vand.u32 $0x380, v7  }
0x5a1: {  	v13 =	vor.u32 v8, v11;
	vm0 =	vmand vm2, vm0;
	v50 =	vor.u32 v39, v43  }
0x5a2: {  	v26 =	vor.u32 v20, v26;
	v23 =	vor.u32 v19, v32;
	v32 =	vor.u32 v32, v34  }
0x5a3: {  	v20 =	vor.u32 v20, v50;
	v17 =	vor.u32 v34, v23;
	v7 =	vand.u32 $0x7F, v21  }
0x5a4: {  	v36 =	vshll.u32 v21, $0x3;
	v29 =	vshrl.u32 v21, $0x5;
	v21 =	vsub.s32 v21, v6  }
0x5a5: {  	v23 =	vand.u32 $0x380, v29;
	v29 =	vor.u32 v12, v27;
	v12 =	vimm.s32 $0x0  }
0x5a6: {  	v18 =	vor.u32 v18, v26;
	v12 =	vsel vm0, $0xFFFFFFFF, v12;
	vm0 =	vlt.u32 v21, $0x8000  }
0x5a7: {  	v26 =	vsub.s32 v31, v6;
	v31 =	vand.u32 $0x7F, v31;
	vm2 =	vmand vm13, vm0  }
0x5a8: {  	v51 =	vld [tilespmem:s7+$0xFFFFFFE0];
	v27 =	vor.u32 v27, v42;
	v30 =	vsel vm2, $0xFFFFFFFF, v49;
	vm2 =	vlt.u32 v21, $0x10000  }
0x5a9: {  	v27 =	vor.u32 v28, v27;
	vm14 =	vmxor vm2, vm0;
	vm0 =	vlt.s32 v16, v5;
	v16 =	vld [tilespmem:$0x1FCC0]  }
0x5aa: {  	v34 =	vand.u32 $0x7C00, v47;
	v17 =	vor.u32 v33, v17;
	v28 =	vor.u32 v28, v29;
	[tilespmem:$0x1FCF0] =	vst v12;
	v12 =	vld [tilespmem:s7+$0x30]  }
0x5ab: {  	vm10 =	vlt.u32 v26, $0x10000;
	v29 =	vor.u32 v25, v40;
	v28 =	vor.u32 v35, v28  }
0x5ac: {  	v25 =	vor.u32 v38, v25;
	v38 =	vand.u32 $0x380, v56;
	v28 =	vadd.s32 $0xFFFF8000, v28  }
0x5ad: {  	v57 =	vor.u32 v31, v53;
	v60 =	vor.u32 v55, v38;
	v38 =	vor.u32 v38, v58  }
0x5ae: {  	v43 =	vor.u32 v58, v60;
	[tilespmem:v27+s6+$0x0] =	vst.idx.add.f32.msk vm1, v51;
	v27 =	vand.u32 $0xFFFF8000, v26;
	vm1 =	vnez.u8 v16  }
0x5af: {  	[tilespmem:v17+s6+$0x0] =	vst.idx.add.f32.msk vm6, v12;
	v17 =	vshll.u32 v48, $0x3;
	vm2 =	vmand vm1, vm0;
	vm0 =	vlt.u32 v54, $0x8000  }
0x5b0: {  	v59 =	vld [tilespmem:s7+$0xFFFFFFD0];
	v40 =	vor.u32 v27, v57;
	v52 =	vand.u32 $0x7C00, v17;
	vm6 =	vmand vm2, vm0  }
0x5b1: {  	v27 =	vor.u32 v53, v27;
	[tilespmem:v28+s25+$0x0] =	vst.idx.add.f32.msk vm15, v51;
	vm15 =	vlt.u32 v26, $0x8000;
	v26 =	vor.u32 v52, v43  }
0x5b2: {  	v25 =	vor.u32 v22, v25;
	v27 =	vor.u32 v34, v27;
	v34 =	vor.u32 v34, v40  }
0x5b3: {  	v16 =	vld [tilespmem:s7+$0x10];
	v28 =	vor.u32 v52, v38;
	v27 =	vor.u32 v31, v27;
	vm1 =	vmxor vm11, vm7  }
0x5b4: {  	v61 =	vld [tilespmem:s7+$0xFFFFFFF0];
	vm11 =	vlt.u32 v54, $0x10000;
	v63 =	vadd.s32 $0xFFFF8000, v27;
	v27 =	vadd.s32 $0xFFFF8000, v18  }
0x5b5: {  	v18 =	vor.u32 v15, v25;
	v15 =	vld [tilespmem:s7+$0x20];
	vm0 =	vmxor vm11, vm0;
	vm11 =	vmand vm8, vm15  }
0x5b6: {  	v28 =	vor.u32 v55, v28;
	vm0 =	vmand vm2, vm0;
	vm2 =	vmxor vm10, vm15;
	[tilespmem:v26+s6+$0x0] =	vst.idx.add.f32.msk vm6, v59  }
0x5b7: {  	s16 =	sadd.s32 $0x8, s16;
	v28 =	vadd.s32 $0xFFFF8000, v28;
	vm2 =	vmand vm8, vm2;
	vm6 =	vlt.u32 v14, $0x10000;
	v14 =	vld [tilespmem:$0x1FCD0]  }
0x5b8: {  	p2 =	slt.s32 s16, s4;
	v9 =	vand.u32 $0x7C00, v9;
	v62 =	vor.u32 v33, v32;
	v24 =	vor.u32 v7, v23;
	[tilespmem:v20+s6+$0x0] =	vst.idx.add.f32.msk vm3, v16  }
.Ltmp45:
0x5b9: {  	v22 =	vor.u32 v22, v29;
	v25 =	vadd.s32 $0xFFFF8000, v18;
	v18 =	vand.u32 $0xFFFF8000, v21;
	v20 =	vld [tilespmem:s7+$0xFFFFFFC0];
	(pc) =	sbr.rel @p2 .LBB2_70-.Ltmp45, $4  }
0x5ba: {  	[tilespmem:$0x1FD00] =	vst v30;
	v17 =	vand.u32 $0x7C00, v36;
	v21 =	vor.u32 v18, v24;
	vm8 =	vmand vm4, vm1;
	v26 =	vld [tilespmem:s7+$0x0]  }
0x5bb: {  	vm4 =	vmand vm4, vm7;
	vm1 =	vmxor vm12, vm5;
	vm3 =	vmand vm13, vm14;
	[tilespmem:v34+s6+$0x0] =	vst.idx.add.f32.msk vm11, v61  }
0x5bc: {  	vm6 =	vmxor vm6, vm9;
	[tilespmem:v28+s25+$0x0] =	vst.idx.add.f32.msk vm0, v59;
	vm0 =	vnez.u8 v14;
	v14 =	vor.u32 v19, v62  }
0x5bd: {  	s17 =	sadd.s32 $0x80, s17;
	s8 =	sadd.s32 $0x80, s8;
	s7 =	sadd.s32 $0x80, s7;
	[tilespmem:v63+s25+$0x0] =	vst.idx.add.f32.msk vm2, v61;
	v19 =	vor.u32 v23, v18;
	vm9 =	vmand vm0, vm6;
	v14 =	vadd.s32 $0xFFFF8000, v14  }
.LBB2_71:
0x5be: {  	_ =	sdelay $0x3  }
0x5bf: {  	v18 =	vld [tilespmem:$0x1FCE0]  }
0x5c0: {  	[tilespmem:v27+s25+$0x0] =	vst.idx.add.f32.msk vm9, v16  }
0x5c1: {  	[tilespmem:v22+s6+$0x0] =	vst.idx.add.f32.msk vm4, v26  }
0x5c2: {  	[tilespmem:v25+s25+$0x0] =	vst.idx.add.f32.msk vm8, v26  }
0x5c3: {  	v62 =	vld [tilespmem:$0x1FCF0];
	_ =	sdelay $0x2  }
0x5c4: {  	vm2 =	vnez.u8 v18  }
0x5c5: {  	v58 =	vor.u32 v10, v13;
	vm0 =	vmand vm2, vm5  }
0x5c6: {  	v11 =	vor.u32 v11, v10;
	v10 =	vor.u32 v9, v58;
	vm14 =	vnez.u8 v62;
	_ =	sdelay $0x4  }
0x5c7: {  	[tilespmem:v10+s6+$0x0] =	vst.idx.add.f32.msk vm0, v15  }
0x5c8: {  	[tilespmem:v14+s25+$0x0] =	vst.idx.add.f32.msk vm14, v12  }
0x5c9: {  	v63 =	vld [tilespmem:$0x1FD00];
	_ =	sdelay $0x2  }
0x5ca: {  	v59 =	vor.u32 v9, v11  }
0x5cb: {  	v8 =	vor.u32 v8, v59;
	vm1 =	vmand vm2, vm1  }
0x5cc: {  	v61 =	vor.u32 v17, v19;
	v8 =	vadd.s32 $0xFFFF8000, v8;
	vm15 =	vnez.u8 v63  }
0x5cd: {  	v60 =	vor.u32 v17, v21;
	v7 =	vor.u32 v7, v61  }
0x5ce: {  	v7 =	vadd.s32 $0xFFFF8000, v7;
	_ =	sdelay $0x2  }
0x5cf: {  	[tilespmem:v8+s25+$0x0] =	vst.idx.add.f32.msk vm1, v15  }
0x5d0: {  	[tilespmem:v60+s6+$0x0] =	vst.idx.add.f32.msk vm15, v20  }
0x5d1: {  	[tilespmem:v7+s25+$0x0] =	vst.idx.add.f32.msk vm3, v20  }
.LBB2_39:
.Ltmp46:
0x5d2: {  	(pc) =	sbr.rel @p1 .LBB2_42-.Ltmp46, $1  }
0x5d3: {  	_ =	sdelay $0x3  }
0x5d4: {  	s2 =	smov.u32 s29  }
0x5d5: {  	s3 =	smov.u32 s28;
	s7 =	smov.u32 s26;
	s8 =	smov.u32 s4  }
.LBB2_41:
0x5d6: {  	v7 =	vld [tilespmem:s7+$0x0];
	_ =	sdelay $0x1  }
0x5d7: {  	v8 =	vor.u32 s2, v2  }
0x5d8: {  	vm0 =	vge.s32 v8, v3;
	vm1 =	vlt.s32 v8, v5  }
0x5d9: {  	vm0 =	vmand vm0, vm1  }
0x5da: {  	v8 =	vsub.s32 v7, v6;
	v9 =	vshrl.u32 v7, $0x5;
	v10 =	vand.u32 $0x7F, v7  }
0x5db: {  	v7 =	vshll.u32 v7, $0x3;
	vm15 =	vlt.u32 v8, $0x8000;
	vm2 =	vlt.u32 v8, $0x10000  }
0x5dc: {  	v8 =	vand.u32 $0xFFFF8000, v8;
	v9 =	vand.u32 $0x380, v9;
	v7 =	vand.u32 $0x7C00, v7  }
0x5dd: {  	vm2 =	vmxor vm2, vm15;
	v11 =	vor.u32 v10, v9;
	v9 =	vor.u32 v9, v8  }
0x5de: {  	vm1 =	vmand vm0, vm15;
	v8 =	vor.u32 v8, v11;
	v9 =	vor.u32 v7, v9  }
0x5df: {  	v63 =	vld [tilespmem:s3+$0x0];
	s8 =	sadd.s32 $0x1, s8;
	vm0 =	vmand vm0, vm2;
	v7 =	vor.u32 v7, v8;
	v8 =	vor.u32 v10, v9  }
0x5e0: {  	p2 =	slt.s32 s8, s0;
	v8 =	vadd.s32 $0xFFFF8000, v8  }
.Ltmp47:
0x5e1: {  	_ = 	snop;
	(pc) =	sbr.rel @p2 .LBB2_41-.Ltmp47, $3  }
0x5e2: {  	_ =	sdelay $0x1  }
0x5e3: {  	[tilespmem:v7+s6+$0x0] =	vst.idx.add.f32.msk vm1, v63  }
0x5e4: {  	s7 =	sadd.s32 $0x10, s7;
	s3 =	sadd.s32 $0x10, s3;
	s2 =	sadd.s32 $0x10, s2;
	[tilespmem:v8+s25+$0x0] =	vst.idx.add.f32.msk vm0, v63  }
.Ltmp48:
0x5e5: {  	_ = 	snop;
	(pc) =	sbr.rel .LBB2_42-.Ltmp48, $1  }
0x5e6: {  	_ =	sdelay $0x3  }
.LBB2_43:
0x5e7: {  	(v2sf) =	vpush v4, $0x0;
	_ =	sdelay $0xe  }
0x5e8: {  	s0 =	spop (v2sf)  }
0x5e9: {  	s2 =	sand.u32 $0xF, s0  }
0x5ea: {  	s3 =	sshra.s32 s0, $0x1F;
	p0 =	slt.s32 s0, $0x1;
	p1 =	sne.s32 s2, $0x0  }
0x5eb: {  	s11 =	sshrl.u32 s3, $0x1C;
	p0 =	por !p0, !p1  }
0x5ec: {  	s2 =	simm.s32 $0x1;
	s0 =	sadd.s32 s11, s0;
	p0 =	por !p0, !p0  }
0x5ed: {  	s14 =	sshra.s32 s0, $0x4;
	s2 =	simm.s32 @!p0 $0x0  }
0x5ee: {  	s7 =	ssub.s32 s14, s2  }
0x5ef: {  	s8 =	sshll.u32 s7, $0x4  }
0x5f0: {  	s15 =	ssub.s32 $0x59BF, s8  }
0x5f1: {  	s4 =	sshra.s32 s15, $0x1F  }
0x5f2: {  	s9 =	sshrl.u32 s4, $0x1C  }
0x5f3: {  	s0 =	sadd.s32 s9, s15  }
0x5f4: {  	s9 =	sshra.s32 s0, $0x4  }
0x5f5: {  	s0 =	sadd.s32 s4, s9  }
0x5f6: {  	s30 =	simm.s32 $0x0;
	s10 =	sshrl.u32 s0, $0x1D  }
0x5f7: {  	s31 =	simm.s32 $0x1C400;
	s3 =	sadd.s32 s14, s4;
	s10 =	sadd.s32 s10, s0  }
0x5f8: {  	s16 =	sshll.u32 s7, $0x6;
	s3 =	sadd.s32 s9, s3;
	s4 =	sand.u32 $0xFFFFFFF8, s10  }
.Ltmp49:
0x5f9: {  	s2 =	ssub.s32 s3, s2;
	s11 =	ssub.s32 s0, s4;
	(pc) =	sbr.rel .LBB2_44-.Ltmp49, $4  }
0x5fa: {  	s9 =	sadd.s32 $0x70, s8;
	s3 =	sshra.s32 s16, $0x2;
	s2 =	ssub.s32 s2, s11  }
0x5fb: {  	s14 =	sadd.s32 $0x10040, s3;
	s10 =	sadd.s32 $0x15A40, s3;
	s17 =	sshll.u32 s2, $0x6  }
0x5fc: {  	p0 =	slt.s32 s4, $0x1;
	p1 =	slt.s32 s11, $0x1;
	s18 =	sshra.s32 s17, $0x2  }
0x5fd: {  	v3 =	vbroadcast v4, $0x0;
	s29 =	sshll.u32 s2, $0x4;
	s26 =	sadd.s32 $0x10000, s18;
	s28 =	sadd.s32 $0x15A00, s18  }
.LBB2_48:
0x5fe: {  	s2 =	sadd.s32 s5, s15  }
0x5ff: {  	[hbm4b:s2+s6] =	stream.linear.scatter [tilespmem:s6], [sflag:$0x2], $0x8000, $0x38;
	[tilespmem:$0x1F400] =	vst v63  }
0x600: {  	s18 =	sadd.s32 s5, s16;
	s30 =	sadd.s32 $0x1, s30  }
0x601: {  	[hbm4b:s18+s6] =	stream.linear.scatter [tilespmem:s25], [sflag:$0x4], $0x8000, $0x38;
	[tilespmem:$0x1F400] =	vst v63  }
0x602: {  	p2 =	sne.s32 s30, $0x4;
	_ =	swait.ge [sflag:s20], $0x8000  }
.Ltmp50:
0x603: {  	[sflag:s20] =	ssyncset.done $0x0;
	(pc) =	sbr.rel @!p2 .LBB2_49-.Ltmp50, $4  }
0x604: {  	[sflag:s20] =	ssyncadd.s32 $0xFFFF8000  }
0x605: {  	_ =	swait.ge [sflag:s24], $0x8000  }
0x606: {  	[sflag:s24] =	ssyncset.done $0x0  }
0x607: {  	[sflag:s24] =	ssyncadd.s32 $0xFFFF8000  }
.LBB2_44:
0x608: {  	s2 =	sor.u32 $0xC, s30  }
0x609: {  	s3 =	sshll.u32 s2, $0xD  }
0x60a: {  	s3 =	sand.u32 $0xE000, s3  }
0x60b: {  	s15 =	sor.u32 s12, s3  }
0x60c: {  	s16 =	sor.u32 s13, s3;
	s7 =	sadd.s32 s1, s15  }
0x60d: {  	[tilespmem:s6], [sflag:$0x1] =	stream.linear.gather [hbm4b:s7+s6], $0x8000, $0x38;
	[tilespmem:$0x1F400] =	vst v63  }
0x60e: {  	s3 =	sadd.s32 s1, s16  }
0x60f: {  	[tilespmem:s25], [sflag:$0x3] =	stream.linear.gather [hbm4b:s3+s6], $0x8000, $0x38;
	[tilespmem:$0x1F400] =	vst v63  }
0x610: {  	_ =	swait.ge [sflag:s19], $0x8000  }
.Ltmp51:
0x611: {  	[sflag:s19] =	ssyncset.done $0x0;
	(pc) =	sbr.rel @p0 .LBB2_45-.Ltmp51, $4  }
0x612: {  	[sflag:s19] =	ssyncadd.s32 $0xFFFF8000  }
0x613: {  	_ =	swait.ge [sflag:s23], $0x8000  }
0x614: {  	s2 =	sshll.u32 s2, $0x10;
	[sflag:s23] =	ssyncset.done $0x0  }
0x615: {  	v4 =	vmov s2;
	[sflag:s23] =	ssyncadd.s32 $0xFFFF8000  }
0x616: {  	s2 =	sadd.s32 $0xFFFFFFE0, s9;
	s3 =	sadd.s32 $0xFFFFFFF0, s9;
	s11 =	sadd.s32 $0xFFFFFF90, s9;
	v12 =	vimm.s32 $0x0;
	v30 =	vimm.s32 $0x0;
	v53 =	vor.u32 s9, v2  }
0x617: {  	s17 =	sadd.s32 $0xFFFFFFD0, s9;
	s7 =	sadd.s32 $0xFFFFFFA0, s9;
	s18 =	sadd.s32 $0xFFFFFFC0, s9;
	v6 =	vor.u32 s2, v2;
	v8 =	vor.u32 s3, v2;
	v9 =	vor.u32 s11, v2  }
0x618: {  	s8 =	sadd.s32 $0xFFFFFFB0, s9;
	v10 =	vor.u32 s17, v2;
	v11 =	vor.u32 s7, v2;
	v18 =	vor.u32 s18, v2  }
0x619: {  	vm0 =	vge.s32 v6, v3;
	vm2 =	vlt.s32 v6, $0x59B0;
	v6 =	vor.u32 s8, v2  }
0x61a: {  	v5 =	vld [tilespmem:s14+$0xFFFFFFC0];
	vm1 =	vlt.s32 v8, $0x59B0;
	vm3 =	vge.s32 v11, v3;
	vm7 =	vlt.s32 v11, $0x59B0  }
0x61b: {  	v7 =	vld [tilespmem:s14+$0x0];
	vm8 =	vlt.s32 v10, $0x59B0;
	vm5 =	vlt.s32 v9, $0x59B0;
	vm6 =	vge.s32 v9, v3  }
0x61c: {  	vm4 =	vge.s32 v18, v3;
	vm10 =	vlt.s32 v18, $0x59B0;
	vm12 =	vge.s32 v10, v3  }
0x61d: {  	vm15 =	vge.s32 v8, v3;
	vm0 =	vmand vm0, vm2;
	vm11 =	vge.s32 v6, v3  }
0x61e: {  	vm1 =	vmand vm15, vm1;
	vm7 =	vmand vm3, vm7;
	vm10 =	vmand vm4, vm10  }
0x61f: {  	vm4 =	vge.s32 v53, v3;
	vm5 =	vmand vm6, vm5;
	v12 =	vsel vm0, $0xFFFFFFFF, v12  }
0x620: {  	vm0 =	vlt.s32 v6, $0x59B0;
	[tilespmem:$0x1FCA0] =	vst v12;
	v11 =	vsub.s32 v5, v4;
	v12 =	vsub.s32 v7, v4  }
0x621: {  	v9 =	vshrl.u32 v5, $0x5;
	v15 =	vand.u32 $0x7F, v5;
	v17 =	vshll.u32 v5, $0x3  }
0x622: {  	vm13 =	vmand vm11, vm0;
	v22 =	vand.u32 $0x7F, v7;
	vm11 =	vmand vm12, vm8  }
0x623: {  	v24 =	vshrl.u32 v7, $0x5;
	v7 =	vshll.u32 v7, $0x3;
	v13 =	vld [tilespmem:s14+$0xFFFFFFE0];
	v14 =	vand.u32 $0xFFFF8000, v11  }
0x624: {  	v9 =	vand.u32 $0x380, v9;
	v16 =	vld [tilespmem:s14+$0x30];
	vm9 =	vlt.u32 v12, $0x8000;
	vm14 =	vlt.u32 v12, $0x10000  }
0x625: {  	v18 =	vld [tilespmem:s14+$0x10];
	v12 =	vand.u32 $0xFFFF8000, v12;
	v7 =	vand.u32 $0x7C00, v7;
	v17 =	vand.u32 $0x7C00, v17  }
0x626: {  	v6 =	vld [tilespmem:s14+$0x20];
	v24 =	vand.u32 $0x380, v24;
	v5 =	vor.u32 v15, v9;
	v9 =	vor.u32 v9, v14  }
0x627: {  	vm14 =	vmxor vm14, vm9;
	v31 =	vor.u32 v22, v24;
	v9 =	vor.u32 v17, v9  }
0x628: {  	v14 =	vor.u32 v14, v5;
	vm8 =	vmand vm11, vm14;
	v9 =	vor.u32 v15, v9  }
0x629: {  	v30 =	vsel vm8, $0xFFFFFFFF, v30;
	v14 =	vor.u32 v17, v14;
	v15 =	vadd.s32 $0xFFFF8000, v9  }
0x62a: {  	v19 =	vsub.s32 v13, v4;
	v20 =	vshrl.u32 v13, $0x5;
	v21 =	vsub.s32 v16, v4  }
0x62b: {  	v5 =	vshrl.u32 v16, $0x5;
	v23 =	vsub.s32 v18, v4;
	v25 =	vshrl.u32 v6, $0x5  }
0x62c: {  	v10 =	vshll.u32 v6, $0x3;
	v8 =	vsub.s32 v6, v4;
	v27 =	vshll.u32 v16, $0x3  }
0x62d: {  	v16 =	vand.u32 $0x7F, v16;
	v6 =	vand.u32 $0x7F, v6;
	v51 =	vand.u32 $0x7F, v13  }
0x62e: {  	v13 =	vshll.u32 v13, $0x3;
	v61 =	vshrl.u32 v18, $0x5;
	vm2 =	vlt.u32 v19, $0x8000  }
0x62f: {  	vm0 =	vlt.u32 v19, $0x10000;
	v26 =	vand.u32 $0x380, v5;
	v5 =	vand.u32 $0x7C00, v10  }
0x630: {  	vm12 =	vlt.u32 v21, $0x8000;
	v28 =	vand.u32 $0xFFFF8000, v21;
	v10 =	vand.u32 $0xFFFF8000, v8  }
0x631: {  	v25 =	vand.u32 $0x380, v25;
	v27 =	vand.u32 $0x7C00, v27;
	vm3 =	vlt.u32 v21, $0x10000  }
0x632: {  	v54 =	vand.u32 $0xFFFF8000, v19;
	v19 =	vand.u32 $0x380, v20;
	v20 =	vor.u32 v24, v12  }
0x633: {  	[tilespmem:$0x1FCB0] =	vst v30;
	v12 =	vor.u32 v12, v31;
	vm0 =	vmxor vm0, vm2;
	v29 =	vor.u32 v26, v28  }
0x634: {  	v56 =	vld [tilespmem:s14+$0xFFFFFFD0];
	v26 =	vor.u32 v16, v26;
	vm14 =	vmand vm13, vm2;
	v55 =	vor.u32 v51, v19  }
0x635: {  	v17 =	vld [tilespmem:s14+$0xFFFFFFF0];
	vm3 =	vmxor vm3, vm12;
	vm0 =	vmand vm13, vm0;
	vm13 =	vlt.s32 v53, $0x59B0  }
0x636: {  	v20 =	vor.u32 v7, v20;
	v7 =	vor.u32 v7, v12;
	vm4 =	vmand vm4, vm13  }
0x637: {  	vm12 =	vmand vm4, vm12;
	vm3 =	vmand vm4, vm3;
	vm4 =	vlt.u32 v11, $0x8000  }
0x638: {  	v26 =	vor.u32 v28, v26;
	vm13 =	vlt.u32 v11, $0x10000;
	vm2 =	vmand vm5, vm4  }
0x639: {  	v34 =	vld [tilespmem:s10+$0xFFFFFFC0];
	v9 =	vshll.u32 v56, $0x3;
	vm6 =	vmxor vm13, vm4;
	vm13 =	vmand vm11, vm9  }
0x63a: {  	v60 =	vld [tilespmem:s10+$0x0];
	v57 =	vand.u32 $0x7C00, v9;
	v9 =	vshrl.u32 v17, $0x5;
	vm6 =	vmand vm5, vm6  }
0x63b: {  	v21 =	vor.u32 v27, v26;
	v33 =	vand.u32 $0x380, v9;
	v9 =	vsub.s32 v56, v4  }
0x63c: {  	vm4 =	vlt.u32 v9, $0x8000;
	v36 =	vand.u32 $0xFFFF8000, v9;
	vm15 =	vlt.u32 v9, $0x10000;
	v9 =	vld [tilespmem:s10+$0x30]  }
0x63d: {  	v38 =	vld [tilespmem:$0x1FCA0];
	v19 =	vor.u32 v19, v54;
	v52 =	vor.u32 v27, v29;
	v12 =	vor.u32 v22, v20  }
0x63e: {  	v13 =	vand.u32 $0x7C00, v13;
	v16 =	vor.u32 v16, v52;
	v20 =	vsub.s32 v17, v4;
	[tilespmem:v14+s6+$0x0] =	vst.idx.add.f32.msk vm2, v34  }
0x63f: {  	v11 =	vshll.u32 v17, $0x3;
	v59 =	vand.u32 $0xFFFF8000, v20;
	v17 =	vand.u32 $0x7F, v17;
	[tilespmem:v7+s6+$0x0] =	vst.idx.add.f32.msk vm13, v60  }
0x640: {  	v11 =	vand.u32 $0x7C00, v11;
	v37 =	vor.u32 v17, v33;
	v31 =	vor.u32 v33, v59;
	[tilespmem:v15+s25+$0x0] =	vst.idx.add.f32.msk vm6, v34  }
0x641: {  	vm8 =	vlt.u32 v23, $0x8000;
	v37 =	vor.u32 v59, v37;
	[tilespmem:v21+s6+$0x0] =	vst.idx.add.f32.msk vm12, v9;
	v21 =	vor.u32 v11, v31  }
0x642: {  	v63 =	vor.u32 v11, v37;
	v11 =	vor.u32 v17, v21;
	v21 =	vadd.s32 $0xFFFF8000, v16;
	v16 =	vld [tilespmem:$0x1FCB0]  }
0x643: {  	v32 =	vor.u32 v6, v25;
	v22 =	vor.u32 v13, v19;
	v19 =	vshll.u32 v18, $0x3  }
0x644: {  	v12 =	vadd.s32 $0xFFFF8000, v12;
	v19 =	vand.u32 $0x7C00, v19;
	v58 =	vand.u32 $0x7F, v56  }
0x645: {  	v24 =	vshrl.u32 v56, $0x5;
	vm11 =	vlt.u32 v23, $0x10000;
	vm15 =	vmxor vm15, vm4  }
0x646: {  	vm2 =	vlt.u32 v20, $0x10000;
	vm6 =	vmand vm7, vm4;
	vm4 =	vlt.u32 v20, $0x8000  }
0x647: {  	vm12 =	vmand vm10, vm4;
	vm4 =	vmxor vm2, vm4;
	vm2 =	vnez.u8 v16  }
0x648: {  	v24 =	vand.u32 $0x380, v24;
	v23 =	vand.u32 $0xFFFF8000, v23;
	vm9 =	vnez.u8 v38  }
0x649: {  	v62 =	vld [tilespmem:s10+$0xFFFFFFF0];
	v35 =	vor.u32 v58, v24;
	vm5 =	vmand vm9, vm8;
	vm8 =	vmxor vm11, vm8  }
0x64a: {  	vm8 =	vmand vm9, vm8;
	v14 =	vand.u32 $0x7F, v18;
	v18 =	vand.u32 $0x380, v61  }
0x64b: {  	v35 =	vor.u32 v36, v35;
	v24 =	vor.u32 v24, v36;
	v15 =	vor.u32 v14, v18  }
0x64c: {  	v7 =	vld [tilespmem:s10+$0x10];
	v18 =	vor.u32 v18, v23;
	v20 =	vor.u32 v57, v24;
	vm4 =	vmand vm10, vm4  }
0x64d: {  	p2 =	sgt.s32 s4, $0x8;
	vm7 =	vmand vm7, vm15;
	v20 =	vor.u32 v58, v20;
	[tilespmem:v12+s25+$0x0] =	vst.idx.add.f32.msk vm2, v60;
	v12 =	vadd.s32 $0xFFFF8000, v11  }
.Ltmp52:
0x64e: {  	v17 =	vadd.s32 $0xFFFF8000, v20;
	v16 =	vor.u32 v19, v18;
	[tilespmem:v63+s6+$0x0] =	vst.idx.add.f32.msk vm12, v62;
	v11 =	vor.u32 v23, v15;
	(pc) =	sbr.rel @!p2 .LBB2_74-.Ltmp52, $4  }
0x64f: {  	v20 =	vld [tilespmem:s10+$0x20];
	v23 =	vor.u32 v51, v22;
	v18 =	vor.u32 v19, v11;
	v11 =	vor.u32 v14, v16  }
0x650: {  	v15 =	vld [tilespmem:s10+$0xFFFFFFD0];
	v19 =	vor.u32 v57, v35;
	v14 =	vor.u32 v54, v55;
	v16 =	vadd.s32 $0xFFFF8000, v11  }
0x651: {  	s17 =	simm.s32 $0x8;
	v11 =	vld [tilespmem:s10+$0xFFFFFFE0];
	v22 =	vor.u32 v13, v14;
	v14 =	vadd.s32 $0xFFFF8000, v23;
	v13 =	vor.u32 v10, v32  }
0x652: {  	s18 =	sadd.s32 $0x80, s9;
	s7 =	sadd.s32 $0x80, s10;
	s8 =	sadd.s32 $0x80, s14;
	v10 =	vor.u32 v25, v10;
	v13 =	vor.u32 v5, v13;
	[tilespmem:v12+s25+$0x0] =	vst.idx.add.f32.msk vm4, v62;
	vm4 =	vlt.u32 v8, $0x8000  }
.LBB2_73:
0x653: {  	v12 =	vld [tilespmem:s8+$0x0]  }
0x654: {  	vm10 =	vlt.u32 v8, $0x10000;
	v8 =	vld [tilespmem:s8+$0xFFFFFFC0]  }
0x655: {  	s3 =	sadd.s32 $0xFFFFFFE0, s18;
	s11 =	sadd.s32 $0xFFFFFFF0, s18;
	vm9 =	vmand vm1, vm4;
	[tilespmem:v21+s25+$0x0] =	vst.idx.add.f32.msk vm3, v9;
	v5 =	vor.u32 v5, v10;
	v48 =	vor.u32 s18, v2  }
0x656: {  	s2 =	sadd.s32 $0xFFFFFFB0, s18;
	v21 =	vld [tilespmem:s8+$0xFFFFFFE0];
	v23 =	vor.u32 s3, v2;
	v24 =	vor.u32 s11, v2;
	vm4 =	vmxor vm10, vm4  }
0x657: {  	v49 =	vld [tilespmem:s8+$0xFFFFFFF0];
	v9 =	vor.u32 s2, v2;
	v5 =	vor.u32 v6, v5;
	vm11 =	vge.s32 v23, v3  }
0x658: {  	s11 =	sadd.s32 $0xFFFFFF90, s18;
	s2 =	sadd.s32 $0xFFFFFFD0, s18;
	vm12 =	vlt.s32 v23, $0x59B0;
	vm10 =	vmand vm1, vm4;
	vm2 =	vlt.s32 v24, $0x59B0;
	[tilespmem:v22+s6+$0x0] =	vst.idx.add.f32.msk vm14, v11  }
0x659: {  	v10 =	vor.u32 s11, v2;
	s11 =	sadd.s32 $0xFFFFFFA0, s18;
	v23 =	vor.u32 s2, v2;
	v5 =	vadd.s32 $0xFFFF8000, v5;
	[tilespmem:v18+s6+$0x0] =	vst.idx.add.f32.msk vm5, v7  }
0x65a: {  	v6 =	vor.u32 s11, v2;
	vm1 =	vmand vm11, vm12;
	vm11 =	vlt.s32 v23, $0x59B0;
	[tilespmem:v19+s6+$0x0] =	vst.idx.add.f32.msk vm6, v15  }
0x65b: {  	vm13 =	vge.s32 v23, v3;
	v22 =	vimm.s32 $0x0;
	vm4 =	vge.s32 v6, v3;
	[tilespmem:v14+s25+$0x0] =	vst.idx.add.f32.msk vm0, v11  }
0x65c: {  	vm3 =	vlt.s32 v6, $0x59B0;
	vm5 =	vlt.s32 v10, $0x59B0;
	vm11 =	vmand vm13, vm11;
	v11 =	vld [tilespmem:s8+$0x10]  }
0x65d: {  	v22 =	vsel vm1, $0xFFFFFFFF, v22;
	v25 =	vsub.s32 v12, v4;
	v18 =	vand.u32 $0x7F, v8;
	[tilespmem:v17+s25+$0x0] =	vst.idx.add.f32.msk vm7, v15  }
0x65e: {  	vm0 =	vlt.s32 v9, $0x59B0;
	vm7 =	vge.s32 v9, v3;
	[tilespmem:v16+s25+$0x0] =	vst.idx.add.f32.msk vm8, v7;
	v16 =	vsub.s32 v21, v4  }
0x65f: {  	v17 =	vshrl.u32 v21, $0x5;
	v23 =	vand.u32 $0x7F, v12;
	v56 =	vsub.s32 v49, v4;
	[tilespmem:$0x1FC90] =	vst v22  }
0x660: {  	v46 =	vshrl.u32 v12, $0x5;
	v22 =	vsub.s32 v8, v4;
	[tilespmem:v13+s6+$0x0] =	vst.idx.add.f32.msk vm9, v20;
	vm9 =	vge.s32 v10, v3  }
0x661: {  	v13 =	vshll.u32 v8, $0x3;
	v10 =	vshrl.u32 v8, $0x5;
	vm6 =	vlt.u32 v25, $0x8000  }
0x662: {  	vm1 =	vlt.u32 v25, $0x10000;
	vm14 =	vmand vm7, vm0;
	v15 =	vand.u32 $0xFFFF8000, v25  }
0x663: {  	vm7 =	vge.s32 v24, v3;
	vm15 =	vlt.u32 v16, $0x8000;
	vm0 =	vlt.u32 v16, $0x10000  }
0x664: {  	v25 =	vand.u32 $0x380, v46;
	v50 =	vand.u32 $0xFFFF8000, v16;
	v16 =	vand.u32 $0x380, v17  }
0x665: {  	v57 =	vand.u32 $0xFFFF8000, v56;
	v14 =	vand.u32 $0xFFFF8000, v22;
	v8 =	vand.u32 $0x380, v10  }
0x666: {  	vm8 =	vmxor vm1, vm6;
	vm0 =	vmxor vm0, vm15;
	vm1 =	vmand vm7, vm2  }
0x667: {  	v6 =	vld [tilespmem:s8+$0x30];
	vm7 =	vmand vm4, vm3;
	v32 =	vand.u32 $0x7C00, v13;
	v33 =	vor.u32 v23, v25  }
0x668: {  	vm3 =	vlt.s32 v48, $0x59B0;
	vm4 =	vge.s32 v48, v3;
	vm5 =	vmand vm9, vm5  }
0x669: {  	s11 =	sadd.s32 $0xFFFFFFC0, s18;
	vm6 =	vmand vm11, vm6;
	v10 =	vor.u32 v18, v8;
	v26 =	vor.u32 v8, v14  }
0x66a: {  	v8 =	vor.u32 s11, v2;
	vm0 =	vmand vm14, vm0;
	vm8 =	vmand vm11, vm8  }
0x66b: {  	[tilespmem:v5+s25+$0x0] =	vst.idx.add.f32.msk vm10, v20;
	vm14 =	vmand vm14, vm15;
	vm3 =	vmand vm4, vm3;
	v20 =	vor.u32 v14, v10  }
0x66c: {  	vm10 =	vge.s32 v8, v3;
	vm12 =	vlt.s32 v8, $0x59B0;
	v19 =	vsub.s32 v6, v4  }
0x66d: {  	v5 =	vshrl.u32 v6, $0x5;
	v8 =	vshll.u32 v12, $0x3;
	v28 =	vshll.u32 v6, $0x3  }
0x66e: {  	v30 =	vand.u32 $0x7F, v6;
	v45 =	vsub.s32 v11, v4;
	v12 =	vand.u32 $0x380, v5  }
0x66f: {  	v51 =	vld [tilespmem:s8+$0xFFFFFFD0];
	v27 =	vand.u32 $0x7C00, v8;
	vm13 =	vlt.u32 v19, $0x8000;
	v29 =	vand.u32 $0xFFFF8000, v19  }
0x670: {  	v28 =	vand.u32 $0x7C00, v28;
	v20 =	vor.u32 v32, v20;
	vm2 =	vlt.u32 v19, $0x10000  }
0x671: {  	v55 =	vld [tilespmem:$0x1FC90];
	v19 =	vor.u32 v32, v26;
	vm10 =	vmand vm10, vm12;
	vm12 =	vlt.u32 v22, $0x10000  }
0x672: {  	v26 =	vand.u32 $0x7F, v49;
	v31 =	vor.u32 v12, v29;
	vm2 =	vmxor vm2, vm13  }
0x673: {  	vm4 =	vmand vm3, vm13;
	v18 =	vor.u32 v18, v19;
	v19 =	vshll.u32 v11, $0x3  }
0x674: {  	v9 =	vld [tilespmem:s8+$0x20];
	vm11 =	vlt.u32 v45, $0x10000;
	v24 =	vand.u32 $0xFFFF8000, v45;
	v58 =	vsub.s32 v51, v4  }
0x675: {  	v47 =	vor.u32 v28, v31;
	vm3 =	vmand vm3, vm2;
	vm2 =	vlt.u32 v22, $0x8000  }
0x676: {  	v22 =	vshll.u32 v49, $0x3;
	v18 =	vadd.s32 $0xFFFF8000, v18;
	vm15 =	vnez.u8 v55  }
0x677: {  	v19 =	vand.u32 $0x7C00, v19;
	v60 =	vand.u32 $0xFFFF8000, v58;
	v17 =	vor.u32 v30, v47  }
0x678: {  	vm9 =	vmxor vm12, vm2;
	vm2 =	vmand vm5, vm2;
	v22 =	vand.u32 $0x7C00, v22  }
0x679: {  	vm12 =	vlt.u32 v56, $0x10000;
	v14 =	vshrl.u32 v9, $0x5;
	v10 =	vshll.u32 v9, $0x3  }
0x67a: {  	v8 =	vsub.s32 v9, v4;
	v6 =	vand.u32 $0x7F, v9;
	v9 =	vor.u32 v30, v12  }
0x67b: {  	vm13 =	vmand vm5, vm9;
	vm9 =	vlt.u32 v45, $0x8000;
	v5 =	vand.u32 $0x7C00, v10  }
0x67c: {  	v10 =	vand.u32 $0xFFFF8000, v8;
	v12 =	vand.u32 $0x380, v14;
	v14 =	vand.u32 $0x7F, v21  }
0x67d: {  	v21 =	vshll.u32 v21, $0x3;
	v9 =	vor.u32 v29, v9;
	vm5 =	vmand vm15, vm9  }
0x67e: {  	v52 =	vld [tilespmem:s7+$0xFFFFFFC0];
	v13 =	vor.u32 v6, v12;
	v28 =	vor.u32 v28, v9;
	v34 =	vand.u32 $0x7C00, v21  }
0x67f: {  	v35 =	vor.u32 v14, v16;
	v21 =	vor.u32 v25, v15;
	v15 =	vor.u32 v15, v33  }
0x680: {  	v16 =	vor.u32 v16, v50;
	v25 =	vshrl.u32 v51, $0x5;
	v21 =	vor.u32 v27, v21  }
0x681: {  	v9 =	vld [tilespmem:s7+$0x30];
	v15 =	vor.u32 v27, v15;
	v13 =	vor.u32 v10, v13;
	v10 =	vor.u32 v12, v10  }
0x682: {  	v54 =	vld [tilespmem:s7+$0x0];
	v21 =	vor.u32 v23, v21;
	v23 =	vor.u32 v34, v16;
	v13 =	vor.u32 v5, v13  }
0x683: {  	v16 =	vadd.s32 $0xFFFF8000, v21;
	v21 =	vshll.u32 v51, $0x3;
	[tilespmem:v20+s6+$0x0] =	vst.idx.add.f32.msk vm2, v52;
	v20 =	vand.u32 $0x7F, v51  }
0x684: {  	v14 =	vor.u32 v14, v23;
	v53 =	vand.u32 $0x7C00, v21;
	v21 =	vshrl.u32 v49, $0x5  }
0x685: {  	vm2 =	vlt.u32 v58, $0x8000;
	[tilespmem:v18+s25+$0x0] =	vst.idx.add.f32.msk vm13, v52;
	v14 =	vadd.s32 $0xFFFF8000, v14;
	v18 =	vand.u32 $0x380, v21  }
0x686: {  	[tilespmem:v28+s6+$0x0] =	vst.idx.add.f32.msk vm4, v9;
	v21 =	vshrl.u32 v11, $0x5;
	v11 =	vand.u32 $0x7F, v11;
	vm4 =	vlt.u32 v56, $0x8000  }
0x687: {  	v59 =	vor.u32 v26, v18;
	[tilespmem:v15+s6+$0x0] =	vst.idx.add.f32.msk vm6, v54;
	v15 =	vand.u32 $0x380, v21;
	v21 =	vand.u32 $0x380, v25  }
0x688: {  	vm6 =	vmand vm7, vm2;
	v18 =	vor.u32 v18, v57;
	vm13 =	vmand vm10, vm4  }
0x689: {  	v25 =	vor.u32 v20, v21;
	v61 =	vor.u32 v57, v59;
	[tilespmem:v16+s25+$0x0] =	vst.idx.add.f32.msk vm8, v54;
	vm8 =	vlt.u32 v58, $0x10000  }
0x68a: {  	v21 =	vor.u32 v21, v60;
	v18 =	vor.u32 v22, v18;
	vm2 =	vmxor vm8, vm2  }
0x68b: {  	v16 =	vor.u32 v11, v15;
	vm7 =	vmand vm7, vm2;
	vm2 =	vmxor vm12, vm4  }
0x68c: {  	s17 =	sadd.s32 $0x8, s17;
	v62 =	vld [tilespmem:s7+$0xFFFFFFF0];
	v63 =	vor.u32 v22, v61;
	v18 =	vor.u32 v26, v18;
	vm2 =	vmand vm10, vm2  }
0x68d: {  	p2 =	slt.s32 s17, s4;
	v7 =	vld [tilespmem:s7+$0x10];
	v15 =	vor.u32 v15, v24;
	v21 =	vor.u32 v53, v21;
	v26 =	vadd.s32 $0xFFFF8000, v18  }
.Ltmp53:
0x68e: {  	v20 =	vor.u32 v20, v21;
	v21 =	vadd.s32 $0xFFFF8000, v17;
	v17 =	vor.u32 v19, v15;
	v15 =	vld [tilespmem:s7+$0xFFFFFFD0];
	(pc) =	sbr.rel @p2 .LBB2_73-.Ltmp53, $4  }
0x68f: {  	v16 =	vor.u32 v24, v16;
	v11 =	vor.u32 v11, v17;
	v17 =	vadd.s32 $0xFFFF8000, v20;
	v20 =	vld [tilespmem:s7+$0x20]  }
0x690: {  	v22 =	vor.u32 v50, v35;
	v18 =	vor.u32 v19, v16;
	v16 =	vadd.s32 $0xFFFF8000, v11;
	v11 =	vld [tilespmem:s7+$0xFFFFFFE0]  }
0x691: {  	v25 =	vor.u32 v60, v25;
	v22 =	vor.u32 v34, v22;
	vm4 =	vmxor vm11, vm9;
	[tilespmem:v63+s6+$0x0] =	vst.idx.add.f32.msk vm13, v62  }
0x692: {  	s18 =	sadd.s32 $0x80, s18;
	s8 =	sadd.s32 $0x80, s8;
	v19 =	vor.u32 v53, v25;
	vm8 =	vmand vm15, vm4;
	vm4 =	vlt.u32 v8, $0x8000;
	s7 =	sadd.s32 $0x80, s7;
	[tilespmem:v26+s25+$0x0] =	vst.idx.add.f32.msk vm2, v62  }
.LBB2_74:
0x693: {  	_ =	sdelay $0x4  }
0x694: {  	vm9 =	vlt.u32 v8, $0x10000;
	[tilespmem:v21+s25+$0x0] =	vst.idx.add.f32.msk vm3, v9  }
0x695: {  	vm2 =	vmand vm1, vm4;
	v5 =	vor.u32 v5, v10;
	[tilespmem:v18+s6+$0x0] =	vst.idx.add.f32.msk vm5, v7;
	vm13 =	vmxor vm9, vm4  }
0x696: {  	v5 =	vor.u32 v6, v5;
	[tilespmem:v16+s25+$0x0] =	vst.idx.add.f32.msk vm8, v7;
	vm15 =	vmand vm1, vm13  }
0x697: {  	v5 =	vadd.s32 $0xFFFF8000, v5;
	[tilespmem:v19+s6+$0x0] =	vst.idx.add.f32.msk vm6, v15  }
0x698: {  	[tilespmem:v22+s6+$0x0] =	vst.idx.add.f32.msk vm14, v11  }
0x699: {  	[tilespmem:v17+s25+$0x0] =	vst.idx.add.f32.msk vm7, v15  }
0x69a: {  	[tilespmem:v14+s25+$0x0] =	vst.idx.add.f32.msk vm0, v11  }
0x69b: {  	[tilespmem:v13+s6+$0x0] =	vst.idx.add.f32.msk vm2, v20  }
0x69c: {  	[tilespmem:v5+s25+$0x0] =	vst.idx.add.f32.msk vm15, v20  }
.LBB2_45:
.Ltmp54:
0x69d: {  	(pc) =	sbr.rel @p1 .LBB2_48-.Ltmp54, $1  }
0x69e: {  	_ =	sdelay $0x3  }
0x69f: {  	s2 =	smov.u32 s29  }
0x6a0: {  	s3 =	smov.u32 s28;
	s7 =	smov.u32 s26;
	s8 =	smov.u32 s4  }
.LBB2_47:
0x6a1: {  	v5 =	vld [tilespmem:s7+$0x0];
	_ =	sdelay $0x1  }
0x6a2: {  	v6 =	vor.u32 s2, v2  }
0x6a3: {  	vm0 =	vge.s32 v6, v3;
	vm1 =	vlt.s32 v6, $0x59B0  }
0x6a4: {  	vm0 =	vmand vm0, vm1  }
0x6a5: {  	v6 =	vsub.s32 v5, v4;
	v7 =	vshrl.u32 v5, $0x5;
	v8 =	vand.u32 $0x7F, v5  }
0x6a6: {  	v5 =	vshll.u32 v5, $0x3;
	vm15 =	vlt.u32 v6, $0x8000;
	vm2 =	vlt.u32 v6, $0x10000  }
0x6a7: {  	v6 =	vand.u32 $0xFFFF8000, v6;
	v7 =	vand.u32 $0x380, v7;
	v5 =	vand.u32 $0x7C00, v5  }
0x6a8: {  	vm2 =	vmxor vm2, vm15;
	v9 =	vor.u32 v8, v7;
	v7 =	vor.u32 v7, v6  }
0x6a9: {  	vm1 =	vmand vm0, vm15;
	v6 =	vor.u32 v6, v9;
	v7 =	vor.u32 v5, v7  }
0x6aa: {  	v63 =	vld [tilespmem:s3+$0x0];
	s8 =	sadd.s32 $0x1, s8;
	vm0 =	vmand vm0, vm2;
	v5 =	vor.u32 v5, v6;
	v6 =	vor.u32 v8, v7  }
0x6ab: {  	p2 =	slt.s32 s8, s0;
	v6 =	vadd.s32 $0xFFFF8000, v6  }
.Ltmp55:
0x6ac: {  	_ = 	snop;
	(pc) =	sbr.rel @p2 .LBB2_47-.Ltmp55, $3  }
0x6ad: {  	_ =	sdelay $0x1  }
0x6ae: {  	[tilespmem:v5+s6+$0x0] =	vst.idx.add.f32.msk vm1, v63  }
0x6af: {  	s7 =	sadd.s32 $0x10, s7;
	s3 =	sadd.s32 $0x10, s3;
	s2 =	sadd.s32 $0x10, s2;
	[tilespmem:v6+s25+$0x0] =	vst.idx.add.f32.msk vm0, v63  }
.Ltmp56:
0x6b0: {  	_ = 	snop;
	(pc) =	sbr.rel .LBB2_48-.Ltmp56, $1  }
0x6b1: {  	_ =	sdelay $0x3  }
.LBB2_55:
.Ltmp57:
0x6b2: {  	(pc) =	sbr.rel .LBB2_58-.Ltmp57, $2  }
0x6b3: {  	_ =	sdelay $0x2  }
0x6b4: {  	_ = 	snop  }
.LBB2_60:
.Ltmp58:
0x6b5: {  	(pc) =	sbr.rel .LBB2_65-.Ltmp58, $2  }
0x6b6: {  	_ =	sdelay $0x2  }
0x6b7: {  	_ = 	snop  }
.LBB2_62:
.Ltmp59:
0x6b8: {  	(pc) =	sbr.rel .LBB2_65-.Ltmp59, $2  }
0x6b9: {  	_ =	sdelay $0x2  }
0x6ba: {  	v28 =	vmov v5;
	v5 =	vmov v19;
	v14 =	vimm.s32 $0x59B0  }
.LBB2_50:
0x6bb: {  	_ =	sfence.sel $0x180000  }
0x6bc: {  	[bflag:$0x0] =	sbarrier.arrive $0xFFFF  }
0x6bd: {  	_ =	strace $0x90000047  }
0x6be: {  	s0 =	stileid.u32;
	[bflag:$0x2] =	sbarrier.arrive $0xFFFF  }
0x6bf: {  	p0 =	sne.s32 s0, $0x0;
	s0 =	rddreg [dreg:$0x4]  }
0x6c0: {  	s0 =	sadd.s32 @!p0 $0x100000, s0  }
0x6c1: {  	[sflag:s0] =	ssyncadd.tile.s32 @!p0 $0x1;
	_ =	shalt  }
.Lfunc_end2:
_tile_overlayer_lowered:
.L_overlay_start_2:
0x6c2: {  	(tag) =	ssettag $0x2  }
0x6c3: {  	s0 =	rddreg [dreg:$0x0];
	s2 =	stileid.u32  }
0x6c4: {  	s1 =	rddreg [dreg:$0x1];
	p0 =	sne.s32 s2, $0x0  }
0x6c5: {  	s3 =	rddreg [dreg:$0x2];
	[bflag:$0x3] =	sbarrier.arrive $0xFFFF;
	s2 =	simm.s32 @!p0 $0x1C05  }
0x6c6: {  	[timem:s3], [sflag:s2] =	dma.local @!p0 [hbm:s0], s1  }
0x6c7: {  	s0 =	simm.s32 @!p0 $0x5  }
0x6c8: {  	_ =	swait.ge @!p0 [sflag:s0], s1  }
0x6c9: {  	s1 =	ssub.s32 @!p0 $0x0, s1;
	[sflag:s0] =	ssyncset.done @!p0 $0x0  }
0x6ca: {  	[sflag:s0] =	ssyncadd.s32 @!p0 s1  }
0x6cb: {  	[bflag:$0x3] =	sbarrier.arrive $0xFFFF  }
0x6cc: {  	_ =	shalt  }

</sc_bundles>
